<compile_context>
chip_gen: v7x
topology: tpu7x:2x2x1
jax: 0.10.2.dev20260603
libtpu: 0.0.44.dev20260713+nightly
codegen_flags: <defaults>
</compile_context>

<pallas_src>
import functools

import jax
import jax.numpy as jnp
from jax import lax
from jax.experimental import pallas as pl
from jax.experimental.pallas import tpu as pltpu
from jax.experimental.pallas import tpu_sc as plsc

_LANES = 16
_NT = 16
_NC = 2
_BLK = 1024


def _sc_deg(dstr, *, NP, R, CH):
    mesh = plsc.VectorSubcoreMesh(core_axis_name="c", subcore_axis_name="s")
    scratch = [
        pltpu.VMEM_SHARED((NP,), jnp.float32),
        pltpu.VMEM((CH, 128), jnp.int32),
        pltpu.VMEM((128,), jnp.float32),
        pltpu.VMEM((128,), jnp.float32),
        pltpu.VMEM((R,), jnp.float32),
        pltpu.VMEM((R, 128), jnp.float32),
    ]
    scratch += [pltpu.SemaphoreType.DMA for _ in range(_NBUF + 1)]

    @functools.partial(
        pl.kernel,
        out_type=jax.ShapeDtypeStruct((_NC, NP, 128), jnp.float32),
        mesh=mesh,
        scratch_types=scratch,
    )
    def k(dst_hbm, degb_hbm, sdeg, idxb, ones128, z128, degv, bcast, *sems):
        ssem = sems[:_NBUF]
        isem = sems[_NBUF]
        c = lax.axis_index("c")
        s = lax.axis_index("s")
        w = c * _NT + s
        nbase = s * R
        ic = pltpu.async_copy(dst_hbm.at[w], idxb, isem)
        for j in range(128 // _LANES):
            z128[pl.ds(_LANES * j, _LANES)] = jnp.zeros((_LANES,), jnp.float32)
            ones128[pl.ds(_LANES * j, _LANES)] = jnp.ones((_LANES,), jnp.float32)
        for j in range(R // 128):
            pltpu.sync_copy(z128, sdeg.at[pl.ds(nbase + 128 * j, 128)])
        ic.wait()
        plsc.subcore_barrier()

        def body(i, carry):
            sds = []
            for j in range(_NBUF):
                sds.append(
                    pltpu.async_copy(
                        ones128, sdeg.at[idxb.at[_NBUF * i + j]], ssem[j],
                        add=True,
                    )
                )
            for j in range(_NBUF):
                sds[j].wait()
            return carry

        lax.fori_loop(0, CH // _NBUF, body, 0)
        plsc.subcore_barrier()
        pltpu.sync_copy(sdeg.at[pl.ds(nbase, R)], degv)

        def bgrp(g, carry):
            v = degv[pl.ds(_LANES * g, _LANES)]
            for l in range(_LANES):
                row = jnp.zeros((_LANES,), jnp.float32) + v[l]
                brow = bcast.at[_LANES * g + l]
                for j in range(128 // _LANES):
                    brow[pl.ds(_LANES * j, _LANES)] = row
            return carry

        lax.fori_loop(0, R // _LANES, bgrp, 0)
        pltpu.sync_copy(bcast, degb_hbm.at[c, pl.ds(nbase, R)])

    return k(dstr)


_NBUF = 4
_GRP = 8


def _sc_agg(gt, srcr, dstr, *, NP, R, CH):
    mesh = plsc.VectorSubcoreMesh(core_axis_name="c", subcore_axis_name="s")
    G = CH // _GRP
    assert CH % _GRP == 0 and G % 2 == 0
    scratch = [
        pltpu.VMEM_SHARED((NP, 128), jnp.float32),
        pltpu.VMEM((_GRP, 128), jnp.int32),
        pltpu.VMEM((_GRP, 128), jnp.int32),
        pltpu.VMEM((_GRP, 128), jnp.int32),
        pltpu.VMEM((_GRP, 128), jnp.int32),
        pltpu.VMEM((128, 128), jnp.float32),
        pltpu.VMEM((128, 128), jnp.float32),
    ]
    scratch += [pltpu.SemaphoreType.DMA for _ in range(8)]

    @functools.partial(
        pl.kernel,
        out_type=jax.ShapeDtypeStruct((_NC, NP, 128), jnp.float32),
        mesh=mesh,
        scratch_types=scratch,
    )
    def k(gt_hbm, src_hbm, dst_hbm, accp_hbm, acc, sA, sB, dA, dB, buf0,
          buf1, gsem0, gsem1, ssem0, ssem1, iA0, iA1, iB0, iB1):
        bufs = (buf0, buf1)
        gsems = (gsem0, gsem1)
        ssems = (ssem0, ssem1)
        c = lax.axis_index("c")
        s = lax.axis_index("s")
        w = c * _NT + s
        nbase = s * R

        p0 = pltpu.async_copy(src_hbm.at[w, pl.ds(0, _GRP)], sA, iA0)
        p1 = pltpu.async_copy(dst_hbm.at[w, pl.ds(0, _GRP)], dA, iA1)

        def zrow(r, carry):
            zr = buf0.at[r]
            for j in range(128 // _LANES):
                zr[pl.ds(_LANES * j, _LANES)] = jnp.zeros((_LANES,), jnp.float32)
            return carry

        lax.fori_loop(0, 128, zrow, 0)
        for j in range(R // 128):
            pltpu.sync_copy(buf0, acc.at[pl.ds(nbase + 128 * j, 128)])
        p0.wait()
        p1.wait()
        plsc.subcore_barrier()

        def process(si, di):
            gds = [None] * _GRP
            sds = [None] * _GRP
            gds[0] = pltpu.async_copy(gt_hbm.at[si.at[0]], bufs[0], gsems[0])
            gds[1] = pltpu.async_copy(gt_hbm.at[si.at[1]], bufs[1], gsems[1])
            for j in range(_GRP):
                b = j % 2
                gds[j].wait()
                sds[j] = pltpu.async_copy(
                    bufs[b], acc.at[di.at[j]], ssems[b], add=True
                )
                if j + 2 < _GRP:
                    sds[j].wait()
                    gds[j + 2] = pltpu.async_copy(
                        gt_hbm.at[si.at[j + 2]], bufs[b], gsems[b]
                    )
            sds[_GRP - 2].wait()
            sds[_GRP - 1].wait()

        def pair(p, carry):
            qB = pltpu.async_copy(
                src_hbm.at[w, pl.ds(_GRP * (2 * p + 1), _GRP)], sB, iB0
            )
            qB1 = pltpu.async_copy(
                dst_hbm.at[w, pl.ds(_GRP * (2 * p + 1), _GRP)], dB, iB1
            )
            process(sA, dA)
            qB.wait()
            qB1.wait()
            nxt = jnp.minimum(_GRP * (2 * p + 2), _GRP * (G - 1))
            qA = pltpu.async_copy(src_hbm.at[w, pl.ds(nxt, _GRP)], sA, iA0)
            qA1 = pltpu.async_copy(dst_hbm.at[w, pl.ds(nxt, _GRP)], dA, iA1)
            process(sB, dB)
            qA.wait()
            qA1.wait()
            return carry

        lax.fori_loop(0, G // 2, pair, 0)
        plsc.subcore_barrier()
        pltpu.sync_copy(acc.at[pl.ds(nbase, R)], accp_hbm.at[c, pl.ds(nbase, R)])

    return k(gt, srcr, dstr)


def _row_specs(np_, d, n):
    return [pl.BlockSpec((_BLK, d), lambda r: (r, 0)) for _ in range(n)]


def _tc_matmul0(xp, W, br):
    NP, D = xp.shape
    H = W.shape[1]

    def body(x_ref, w_ref, b_ref, o_ref):
        o_ref[...] = (
            jnp.dot(x_ref[...], w_ref[...], preferred_element_type=jnp.float32)
            + b_ref[...]
        )

    return pl.pallas_call(
        body,
        grid=(NP // _BLK,),
        in_specs=[
            pl.BlockSpec((_BLK, D), lambda r: (r, 0)),
            pl.BlockSpec((D, H), lambda r: (0, 0)),
            pl.BlockSpec((1, H), lambda r: (0, 0)),
        ],
        out_specs=pl.BlockSpec((_BLK, H), lambda r: (r, 0)),
        out_shape=jax.ShapeDtypeStruct((NP, H), jnp.float32),
    )(xp, W, br)


def _tc_scale(degb, g0):
    _, NP, D = degb.shape

    def body(d_ref, g_ref, dinv_ref, gt_ref):
        d = d_ref[...]
        dinv = lax.rsqrt(d[0] + d[1] + 1.0)
        dinv_ref[...] = dinv
        gt_ref[...] = g_ref[...] * dinv

    return pl.pallas_call(
        body,
        grid=(NP // _BLK,),
        in_specs=[
            pl.BlockSpec((_NC, _BLK, D), lambda r: (0, r, 0)),
            pl.BlockSpec((_BLK, D), lambda r: (r, 0)),
        ],
        out_specs=[
            pl.BlockSpec((_BLK, D), lambda r: (r, 0)),
            pl.BlockSpec((_BLK, D), lambda r: (r, 0)),
        ],
        out_shape=[
            jax.ShapeDtypeStruct((NP, D), jnp.float32),
            jax.ShapeDtypeStruct((NP, D), jnp.float32),
        ],
    )(degb, g0)


def _tc_layer(accp, gt0, dinvb, W, br):
    _, NP, D = accp.shape
    H = W.shape[1]

    def body(a_ref, gt_ref, dv_ref, w_ref, b_ref, h1_ref, gt1_ref):
        a = a_ref[...]
        dv = dv_ref[...]
        h1 = jnp.maximum(dv * (a[0] + a[1] + gt_ref[...]), 0.0)
        h1_ref[...] = h1
        gt1_ref[...] = (
            jnp.dot(h1, w_ref[...], preferred_element_type=jnp.float32)
            + b_ref[...]
        ) * dv

    return pl.pallas_call(
        body,
        grid=(NP // _BLK,),
        in_specs=[
            pl.BlockSpec((_NC, _BLK, D), lambda r: (0, r, 0)),
            pl.BlockSpec((_BLK, D), lambda r: (r, 0)),
            pl.BlockSpec((_BLK, D), lambda r: (r, 0)),
            pl.BlockSpec((D, H), lambda r: (0, 0)),
            pl.BlockSpec((1, H), lambda r: (0, 0)),
        ],
        out_specs=[
            pl.BlockSpec((_BLK, D), lambda r: (r, 0)),
            pl.BlockSpec((_BLK, H), lambda r: (r, 0)),
        ],
        out_shape=[
            jax.ShapeDtypeStruct((NP, D), jnp.float32),
            jax.ShapeDtypeStruct((NP, H), jnp.float32),
        ],
    )(accp, gt0, dinvb, W, br)


def _tc_final(accp, gt1, dinvb, h1, WoutP, boutP):
    _, NP, D = accp.shape

    def body(a_ref, gt_ref, dv_ref, h1_ref, w_ref, b_ref, o_ref):
        a = a_ref[...]
        h2 = jnp.maximum(dv_ref[...] * (a[0] + a[1] + gt_ref[...]), 0.0)
        h1 = h1_ref[...]
        s1 = jnp.sum(h1 * h1, axis=1, keepdims=True)
        s2 = jnp.sum(h2 * h2, axis=1, keepdims=True)
        m = jnp.maximum(s1, s2)
        e1 = jnp.exp(s1 - m)
        e2 = jnp.exp(s2 - m)
        h = (e1 * h1 + e2 * h2) / (e1 + e2)
        o_ref[...] = (
            jnp.dot(h, w_ref[...], preferred_element_type=jnp.float32)
            + b_ref[...]
        )

    return pl.pallas_call(
        body,
        grid=(NP // _BLK,),
        in_specs=[
            pl.BlockSpec((_NC, _BLK, D), lambda r: (0, r, 0)),
            pl.BlockSpec((_BLK, D), lambda r: (r, 0)),
            pl.BlockSpec((_BLK, D), lambda r: (r, 0)),
            pl.BlockSpec((_BLK, D), lambda r: (r, 0)),
            pl.BlockSpec((D, D), lambda r: (0, 0)),
            pl.BlockSpec((1, D), lambda r: (0, 0)),
        ],
        out_specs=pl.BlockSpec((_BLK, D), lambda r: (r, 0)),
        out_shape=jax.ShapeDtypeStruct((NP, D), jnp.float32),
    )(accp, gt1, dinvb, h1, WoutP, boutP)


def kernel(x, edge_index, W0, b0, W1, b1, Wout, bout):
    N, D = x.shape
    E = edge_index.shape[1]
    H = W0.shape[1]
    C = Wout.shape[1]

    R = -(-N // _NT)
    R = -(-R // 128) * 128
    NP = _NT * R
    NW = _NC * _NT
    CH = -(-E // (NW * 128 * 2 * _GRP)) * (2 * _GRP)
    EP = NW * CH * 128

    xp = jnp.pad(x, ((0, NP - N), (0, 0)))
    src = edge_index[0].astype(jnp.int32)
    dst = edge_index[1].astype(jnp.int32)
    srcr = jnp.pad(src, (0, EP - E), constant_values=N).reshape(NW, CH, 128)
    dstr = jnp.pad(dst, (0, EP - E), constant_values=N).reshape(NW, CH, 128)
    b0r = b0.reshape(1, H)
    b1r = b1.reshape(1, H)
    WoutP = jnp.pad(Wout, ((0, 0), (0, D - C)))
    boutP = jnp.pad(bout, (0, D - C)).reshape(1, D)

    degb = _sc_deg(dstr, NP=NP, R=R, CH=CH)
    g0 = _tc_matmul0(xp, W0, b0r)
    dinvb, gt0 = _tc_scale(degb, g0)
    accp1 = _sc_agg(gt0, srcr, dstr, NP=NP, R=R, CH=CH)
    h1, gt1 = _tc_layer(accp1, gt0, dinvb, W1, b1r)
    accp2 = _sc_agg(gt1, srcr, dstr, NP=NP, R=R, CH=CH)
    outp = _tc_final(accp2, gt1, dinvb, h1, WoutP, boutP)
    return outp[:N, :C]

# --- scband reference (transcript-rebuilt; emitter-appended) ---
"""Pipeline reference for scband-twin-gcn-90366111908400 (READ-ONLY COPY).

The authoritative reference and input builder live on the scoring server;
editing this copy changes nothing except your own understanding.
"""

import jax, jax.numpy as jnp
import numpy as np

N = 10000
E = 320000
D = 128
H = 128
C = 40
TEMP = 1.0


def setup_inputs(seed: int = 0) -> dict:
    key = jax.random.key(seed)
    ks = jax.random.split(key, 10)
    x = jax.random.normal(ks[0], (N, D), dtype=jnp.float32)
    edge_index = jax.random.randint(ks[1], (2, E), 0, N)
    s0 = 1.0 / np.sqrt(D)
    s1 = 1.0 / np.sqrt(H)
    W0 = jax.random.normal(ks[2], (D, H), dtype=jnp.float32) * s0
    b0 = jnp.zeros((H,), dtype=jnp.float32)
    W1 = jax.random.normal(ks[3], (H, H), dtype=jnp.float32) * s1
    b1 = jnp.zeros((H,), dtype=jnp.float32)
    Wout = jax.random.normal(ks[4], (H, C), dtype=jnp.float32) * s1
    bout = jnp.zeros((C,), dtype=jnp.float32)
    return {"x": x, "edge_index": edge_index, "W0": W0, "b0": b0, "W1": W1, "b1": b1, "Wout": Wout, "bout": bout}


def _forward(x, W0, b0, W1, b1, Wout, bout, edge_index):
    # GCN with self-loops and symmetric normalization, twin (detached) branch,
    # vanilla skip connection, local dot-kernel Summarize over layer outputs.
    loops = jnp.arange(N, dtype=edge_index.dtype)
    src = jnp.concatenate([edge_index[0], loops])
    dst = jnp.concatenate([edge_index[1], loops])
    deg = jax.ops.segment_sum(jnp.ones_like(dst, dtype=jnp.float32), dst, num_segments=N)
    dinv = jax.lax.rsqrt(jnp.maximum(deg, 1.0))
    norm = dinv[src] * dinv[dst]

    def conv(h, W, b):
        h = h @ W + b
        msg = h[src] * norm[:, None]
        return jax.ops.segment_sum(msg, dst, num_segments=N)

    x_ = jax.lax.stop_gradient(x)
    hs, hs_ = [], []
    for (W, b) in ((W0, b0), (W1, b1)):
        h = conv(x, W, b)
        h_ = conv(x_, W, b)
        x = jax.nn.relu(h)
        x_ = jax.nn.relu(h_)
        # dropout is identity in eval mode
        hs.append(x)
        hs_.append(x_)

    # Summarize: per-node attention over layers via dot kernel with temperature
    scores = jnp.stack([jnp.sum(a * b, axis=-1) for a, b in zip(hs, hs_)], axis=0) / TEMP
    alpha = jax.nn.softmax(scores, axis=0)
    h = alpha[0][:, None] * hs[0]
    for l in range(1, len(hs)):
        h = h + alpha[l][:, None] * hs[l]
    return h @ Wout + bout


def reference(x, edge_index, W0, b0, W1, b1, Wout, bout):
    return _forward(x, W0, b0, W1, b1, Wout, bout, edge_index)

if __name__ == "__main__":
    import jax
    _d = setup_inputs()
    print(jax.jit(kernel)(*tuple(_d.values())))

</pallas_src>

<mosaic_0001>
#map = affine_map<(d0, d1) -> (0, 0)>
#map1 = affine_map<(d0, d1) -> (0, 0, 0)>
module attributes {stable_mosaic.version = 14 : i64} {
  func.func @k(%arg0: i32, %arg1: i32, %arg2: memref<10240x128xf32, #tpu.memory_space<hbm>>, %arg3: memref<32x80x128xi32, #tpu.memory_space<hbm>>, %arg4: memref<32x80x128xi32, #tpu.memory_space<hbm>>, %arg5: memref<2x10240x128xf32, #tpu.memory_space<hbm>>, %arg6: memref<10240x128xf32, #tpu.memory_space<vmem_shared>>, %arg7: memref<8x128xi32, #tpu.memory_space<vmem>>, %arg8: memref<8x128xi32, #tpu.memory_space<vmem>>, %arg9: memref<8x128xi32, #tpu.memory_space<vmem>>, %arg10: memref<8x128xi32, #tpu.memory_space<vmem>>, %arg11: memref<128x128xf32, #tpu.memory_space<vmem>>, %arg12: memref<128x128xf32, #tpu.memory_space<vmem>>, %arg13: memref<!tpu.dma_semaphore, #tpu.memory_space<semaphore_mem>>, %arg14: memref<!tpu.dma_semaphore, #tpu.memory_space<semaphore_mem>>, %arg15: memref<!tpu.dma_semaphore, #tpu.memory_space<semaphore_mem>>, %arg16: memref<!tpu.dma_semaphore, #tpu.memory_space<semaphore_mem>>, %arg17: memref<!tpu.dma_semaphore, #tpu.memory_space<semaphore_mem>>, %arg18: memref<!tpu.dma_semaphore, #tpu.memory_space<semaphore_mem>>, %arg19: memref<!tpu.dma_semaphore, #tpu.memory_space<semaphore_mem>>, %arg20: memref<!tpu.dma_semaphore, #tpu.memory_space<semaphore_mem>>) attributes {dimension_semantics = [#tpu.dimension_semantics<core_parallel>, #tpu.dimension_semantics<subcore_parallel>], iteration_bounds = array<i64: 2, 16>, scalar_prefetch = 0 : i64, scratch_operands = 15 : i64, tpu.core_type = #tpu.core_type<sc_vector_subcore>, window_params = [{transform_indices = #map}, {transform_indices = #map1}, {transform_indices = #map1}, {transform_indices = #map1}]} {
    %mul3A = arith.constant 16 : i32
    %mul3A_0 = arith.muli %arg0, %mul3A : i32
    %add3A = arith.addi %mul3A_0, %arg1 : i32
    %mul3A_1 = arith.constant 640 : i32
    %mul3A_2 = arith.muli %arg1, %mul3A_1 : i32
    %dma_start3A = arith.constant 0 : i32
    %dma_start3A_3 = arith.constant 0 : i32
    %dma_start3A_4 = tpu.memref_slice %arg3[%add3A, %dma_start3A, %dma_start3A_3] : memref<32x80x128xi32, #tpu.memory_space<hbm>> -> memref<1x8x128xi32, #tpu.memory_space<hbm>>
    %dma_start3A_5 = tpu.memref_squeeze %dma_start3A_4 : memref<1x8x128xi32, #tpu.memory_space<hbm>> -> memref<8x128xi32, #tpu.memory_space<hbm>>
    %dma_start3A_6 = arith.constant 0 : i32
    %dma_start3A_7 = arith.constant 0 : i32
    %dma_start3A_8 = tpu.memref_slice %arg3[%add3A, %dma_start3A_6, %dma_start3A_7] : memref<32x80x128xi32, #tpu.memory_space<hbm>> -> memref<1x8x128xi32, #tpu.memory_space<hbm>>
    %dma_start3A_9 = tpu.memref_squeeze %dma_start3A_8 : memref<1x8x128xi32, #tpu.memory_space<hbm>> -> memref<8x128xi32, #tpu.memory_space<hbm>>
    tpu.enqueue_dma source(%dma_start3A_9 : memref<8x128xi32, #tpu.memory_space<hbm>>) target(%arg7 : memref<8x128xi32, #tpu.memory_space<vmem>>) target_semaphore(%arg17 : memref<!tpu.dma_semaphore, #tpu.memory_space<semaphore_mem>>)
    %dma_start3A_10 = arith.constant 0 : i32
    %dma_start3A_11 = arith.constant 0 : i32
    %dma_start3A_12 = tpu.memref_slice %arg4[%add3A, %dma_start3A_10, %dma_start3A_11] : memref<32x80x128xi32, #tpu.memory_space<hbm>> -> memref<1x8x128xi32, #tpu.memory_space<hbm>>
    %dma_start3A_13 = tpu.memref_squeeze %dma_start3A_12 : memref<1x8x128xi32, #tpu.memory_space<hbm>> -> memref<8x128xi32, #tpu.memory_space<hbm>>
    %dma_start3A_14 = arith.constant 0 : i32
    %dma_start3A_15 = arith.constant 0 : i32
    %dma_start3A_16 = tpu.memref_slice %arg4[%add3A, %dma_start3A_14, %dma_start3A_15] : memref<32x80x128xi32, #tpu.memory_space<hbm>> -> memref<1x8x128xi32, #tpu.memory_space<hbm>>
    %dma_start3A_17 = tpu.memref_squeeze %dma_start3A_16 : memref<1x8x128xi32, #tpu.memory_space<hbm>> -> memref<8x128xi32, #tpu.memory_space<hbm>>
    tpu.enqueue_dma source(%dma_start3A_17 : memref<8x128xi32, #tpu.memory_space<hbm>>) target(%arg9 : memref<8x128xi32, #tpu.memory_space<vmem>>) target_semaphore(%arg18 : memref<!tpu.dma_semaphore, #tpu.memory_space<semaphore_mem>>)
    %scan3A = arith.constant 0 : i32
    %scan3A_18 = arith.constant 0 : i32
    %scan3A_19 = arith.constant 128 : i32
    %scan3A_20 = arith.addi %scan3A_18, %scan3A_19 : i32
    %scan3A_21 = arith.constant 1 : i32
    scf.for %scan3A_55 = %scan3A_18 to %scan3A_20 step %scan3A_21  : i32 {
      %broadcast_in_dim3A = arith.constant 0.000000e+00 : f32
      %broadcast_in_dim3A_56 = vector.broadcast %broadcast_in_dim3A : f32 to vector<16xf32>
      %swap3A = arith.constant 0 : i32
      %swap3A_57 = tpu.memref_slice %arg11[%scan3A_55, %swap3A] : memref<128x128xf32, #tpu.memory_space<vmem>> -> memref<1x128xf32, #tpu.memory_space<vmem>>
      %swap3A_58 = tpu.memref_squeeze %swap3A_57 : memref<1x128xf32, #tpu.memory_space<vmem>> -> memref<128xf32, #tpu.memory_space<vmem>>
      %swap3A_59 = arith.constant 0 : index
      %swap3A_60 = tpu.vector_load %swap3A_58[%swap3A_59] {strides = array<i32>} : memref<128xf32, #tpu.memory_space<vmem>>, vector<16xf32>,
      %swap3A_61 = vector.shape_cast %swap3A_60 : vector<16xf32> to vector<16xf32>
      %swap3A_62 = vector.shape_cast %broadcast_in_dim3A_56 : vector<16xf32> to vector<16xf32>
      tpu.vector_store %swap3A_58[%swap3A_59], %swap3A_62 {strides = array<i32>} : memref<128xf32, #tpu.memory_space<vmem>>, vector<16xf32>,
      %broadcast_in_dim3A_63 = arith.constant 0.000000e+00 : f32
      %broadcast_in_dim3A_64 = vector.broadcast %broadcast_in_dim3A_63 : f32 to vector<16xf32>
      %swap3A_65 = arith.constant 0 : i32
      %swap3A_66 = tpu.memref_slice %arg11[%scan3A_55, %swap3A_65] : memref<128x128xf32, #tpu.memory_space<vmem>> -> memref<1x128xf32, #tpu.memory_space<vmem>>
      %swap3A_67 = tpu.memref_squeeze %swap3A_66 : memref<1x128xf32, #tpu.memory_space<vmem>> -> memref<128xf32, #tpu.memory_space<vmem>>
      %swap3A_68 = arith.constant 16 : index
      %swap3A_69 = tpu.vector_load %swap3A_67[%swap3A_68] {strides = array<i32>} : memref<128xf32, #tpu.memory_space<vmem>>, vector<16xf32>,
      %swap3A_70 = vector.shape_cast %swap3A_69 : vector<16xf32> to vector<16xf32>
      %swap3A_71 = vector.shape_cast %broadcast_in_dim3A_64 : vector<16xf32> to vector<16xf32>
      tpu.vector_store %swap3A_67[%swap3A_68], %swap3A_71 {strides = array<i32>} : memref<128xf32, #tpu.memory_space<vmem>>, vector<16xf32>,
      %broadcast_in_dim3A_72 = arith.constant 0.000000e+00 : f32
      %broadcast_in_dim3A_73 = vector.broadcast %broadcast_in_dim3A_72 : f32 to vector<16xf32>
      %swap3A_74 = arith.constant 0 : i32
      %swap3A_75 = tpu.memref_slice %arg11[%scan3A_55, %swap3A_74] : memref<128x128xf32, #tpu.memory_space<vmem>> -> memref<1x128xf32, #tpu.memory_space<vmem>>
      %swap3A_76 = tpu.memref_squeeze %swap3A_75 : memref<1x128xf32, #tpu.memory_space<vmem>> -> memref<128xf32, #tpu.memory_space<vmem>>
      %swap3A_77 = arith.constant 32 : index
      %swap3A_78 = tpu.vector_load %swap3A_76[%swap3A_77] {strides = array<i32>} : memref<128xf32, #tpu.memory_space<vmem>>, vector<16xf32>,
      %swap3A_79 = vector.shape_cast %swap3A_78 : vector<16xf32> to vector<16xf32>
      %swap3A_80 = vector.shape_cast %broadcast_in_dim3A_73 : vector<16xf32> to vector<16xf32>
      tpu.vector_store %swap3A_76[%swap3A_77], %swap3A_80 {strides = array<i32>} : memref<128xf32, #tpu.memory_space<vmem>>, vector<16xf32>,
      %broadcast_in_dim3A_81 = arith.constant 0.000000e+00 : f32
      %broadcast_in_dim3A_82 = vector.broadcast %broadcast_in_dim3A_81 : f32 to vector<16xf32>
      %swap3A_83 = arith.constant 0 : i32
      %swap3A_84 = tpu.memref_slice %arg11[%scan3A_55, %swap3A_83] : memref<128x128xf32, #tpu.memory_space<vmem>> -> memref<1x128xf32, #tpu.memory_space<vmem>>
      %swap3A_85 = tpu.memref_squeeze %swap3A_84 : memref<1x128xf32, #tpu.memory_space<vmem>> -> memref<128xf32, #tpu.memory_space<vmem>>
      %swap3A_86 = arith.constant 48 : index
      %swap3A_87 = tpu.vector_load %swap3A_85[%swap3A_86] {strides = array<i32>} : memref<128xf32, #tpu.memory_space<vmem>>, vector<16xf32>,
      %swap3A_88 = vector.shape_cast %swap3A_87 : vector<16xf32> to vector<16xf32>
      %swap3A_89 = vector.shape_cast %broadcast_in_dim3A_82 : vector<16xf32> to vector<16xf32>
      tpu.vector_store %swap3A_85[%swap3A_86], %swap3A_89 {strides = array<i32>} : memref<128xf32, #tpu.memory_space<vmem>>, vector<16xf32>,
      %broadcast_in_dim3A_90 = arith.constant 0.000000e+00 : f32
      %broadcast_in_dim3A_91 = vector.broadcast %broadcast_in_dim3A_90 : f32 to vector<16xf32>
      %swap3A_92 = arith.constant 0 : i32
      %swap3A_93 = tpu.memref_slice %arg11[%scan3A_55, %swap3A_92] : memref<128x128xf32, #tpu.memory_space<vmem>> -> memref<1x128xf32, #tpu.memory_space<vmem>>
      %swap3A_94 = tpu.memref_squeeze %swap3A_93 : memref<1x128xf32, #tpu.memory_space<vmem>> -> memref<128xf32, #tpu.memory_space<vmem>>
      %swap3A_95 = arith.constant 64 : index
      %swap3A_96 = tpu.vector_load %swap3A_94[%swap3A_95] {strides = array<i32>} : memref<128xf32, #tpu.memory_space<vmem>>, vector<16xf32>,
      %swap3A_97 = vector.shape_cast %swap3A_96 : vector<16xf32> to vector<16xf32>
      %swap3A_98 = vector.shape_cast %broadcast_in_dim3A_91 : vector<16xf32> to vector<16xf32>
      tpu.vector_store %swap3A_94[%swap3A_95], %swap3A_98 {strides = array<i32>} : memref<128xf32, #tpu.memory_space<vmem>>, vector<16xf32>,
      %broadcast_in_dim3A_99 = arith.constant 0.000000e+00 : f32
      %broadcast_in_dim3A_100 = vector.broadcast %broadcast_in_dim3A_99 : f32 to vector<16xf32>
      %swap3A_101 = arith.constant 0 : i32
      %swap3A_102 = tpu.memref_slice %arg11[%scan3A_55, %swap3A_101] : memref<128x128xf32, #tpu.memory_space<vmem>> -> memref<1x128xf32, #tpu.memory_space<vmem>>
      %swap3A_103 = tpu.memref_squeeze %swap3A_102 : memref<1x128xf32, #tpu.memory_space<vmem>> -> memref<128xf32, #tpu.memory_space<vmem>>
      %swap3A_104 = arith.constant 80 : index
      %swap3A_105 = tpu.vector_load %swap3A_103[%swap3A_104] {strides = array<i32>} : memref<128xf32, #tpu.memory_space<vmem>>, vector<16xf32>,
      %swap3A_106 = vector.shape_cast %swap3A_105 : vector<16xf32> to vector<16xf32>
      %swap3A_107 = vector.shape_cast %broadcast_in_dim3A_100 : vector<16xf32> to vector<16xf32>
      tpu.vector_store %swap3A_103[%swap3A_104], %swap3A_107 {strides = array<i32>} : memref<128xf32, #tpu.memory_space<vmem>>, vector<16xf32>,
      %broadcast_in_dim3A_108 = arith.constant 0.000000e+00 : f32
      %broadcast_in_dim3A_109 = vector.broadcast %broadcast_in_dim3A_108 : f32 to vector<16xf32>
      %swap3A_110 = arith.constant 0 : i32
      %swap3A_111 = tpu.memref_slice %arg11[%scan3A_55, %swap3A_110] : memref<128x128xf32, #tpu.memory_space<vmem>> -> memref<1x128xf32, #tpu.memory_space<vmem>>
      %swap3A_112 = tpu.memref_squeeze %swap3A_111 : memref<1x128xf32, #tpu.memory_space<vmem>> -> memref<128xf32, #tpu.memory_space<vmem>>
      %swap3A_113 = arith.constant 96 : index
      %swap3A_114 = tpu.vector_load %swap3A_112[%swap3A_113] {strides = array<i32>} : memref<128xf32, #tpu.memory_space<vmem>>, vector<16xf32>,
      %swap3A_115 = vector.shape_cast %swap3A_114 : vector<16xf32> to vector<16xf32>
      %swap3A_116 = vector.shape_cast %broadcast_in_dim3A_109 : vector<16xf32> to vector<16xf32>
      tpu.vector_store %swap3A_112[%swap3A_113], %swap3A_116 {strides = array<i32>} : memref<128xf32, #tpu.memory_space<vmem>>, vector<16xf32>,
      %broadcast_in_dim3A_117 = arith.constant 0.000000e+00 : f32
      %broadcast_in_dim3A_118 = vector.broadcast %broadcast_in_dim3A_117 : f32 to vector<16xf32>
      %swap3A_119 = arith.constant 0 : i32
      %swap3A_120 = tpu.memref_slice %arg11[%scan3A_55, %swap3A_119] : memref<128x128xf32, #tpu.memory_space<vmem>> -> memref<1x128xf32, #tpu.memory_space<vmem>>
      %swap3A_121 = tpu.memref_squeeze %swap3A_120 : memref<1x128xf32, #tpu.memory_space<vmem>> -> memref<128xf32, #tpu.memory_space<vmem>>
      %swap3A_122 = arith.constant 112 : index
      %swap3A_123 = tpu.vector_load %swap3A_121[%swap3A_122] {strides = array<i32>} : memref<128xf32, #tpu.memory_space<vmem>>, vector<16xf32>,
      %swap3A_124 = vector.shape_cast %swap3A_123 : vector<16xf32> to vector<16xf32>
      %swap3A_125 = vector.shape_cast %broadcast_in_dim3A_118 : vector<16xf32> to vector<16xf32>
      tpu.vector_store %swap3A_121[%swap3A_122], %swap3A_125 {strides = array<i32>} : memref<128xf32, #tpu.memory_space<vmem>>, vector<16xf32>,
    }
    %scan3A_22 = arith.constant 128 : i32
    %add3A_23 = arith.constant 0 : i32
    %add3A_24 = arith.addi %mul3A_2, %add3A_23 : i32
    "tpu.region"() ({
      %run_scoped3A = tpu.sem_alloc : memref<!tpu.dma_semaphore, #tpu.memory_space<semaphore_mem>>
      %dma_start3A_55 = arith.constant 0 : i32
      %dma_start3A_56 = tpu.memref_slice %arg6[%add3A_24, %dma_start3A_55] : memref<10240x128xf32, #tpu.memory_space<vmem_shared>> -> memref<128x128xf32, #tpu.memory_space<vmem_shared>>
      %dma_start3A_57 = arith.constant 0 : i32
      %dma_start3A_58 = tpu.memref_slice %arg6[%add3A_24, %dma_start3A_57] : memref<10240x128xf32, #tpu.memory_space<vmem_shared>> -> memref<128x128xf32, #tpu.memory_space<vmem_shared>>
      tpu.enqueue_dma source(%arg11 : memref<128x128xf32, #tpu.memory_space<vmem>>) target(%dma_start3A_58 : memref<128x128xf32, #tpu.memory_space<vmem_shared>>) target_semaphore(%run_scoped3A : memref<!tpu.dma_semaphore, #tpu.memory_space<semaphore_mem>>)
      %dma_wait3A_59 = arith.constant 0 : i32
      %dma_wait3A_60 = tpu.memref_slice %arg6[%add3A_24, %dma_wait3A_59] : memref<10240x128xf32, #tpu.memory_space<vmem_shared>> -> memref<128x128xf32, #tpu.memory_space<vmem_shared>>
      %dma_wait3A_61 = arith.constant 0 : i32
      %dma_wait3A_62 = tpu.memref_slice %arg6[%add3A_24, %dma_wait3A_61] : memref<10240x128xf32, #tpu.memory_space<vmem_shared>> -> memref<128x128xf32, #tpu.memory_space<vmem_shared>>
      tpu.wait_dma2 semaphore(%run_scoped3A : memref<!tpu.dma_semaphore, #tpu.memory_space<semaphore_mem>>) src(%arg11 : memref<128x128xf32, #tpu.memory_space<vmem>>) dst(%dma_wait3A_62 : memref<128x128xf32, #tpu.memory_space<vmem_shared>>)
      tpu.yield
    }) : () -> ()
    %add3A_25 = arith.constant 128 : i32
    %add3A_26 = arith.addi %mul3A_2, %add3A_25 : i32
    "tpu.region"() ({
      %run_scoped3A = tpu.sem_alloc : memref<!tpu.dma_semaphore, #tpu.memory_space<semaphore_mem>>
      %dma_start3A_55 = arith.constant 0 : i32
      %dma_start3A_56 = tpu.memref_slice %arg6[%add3A_26, %dma_start3A_55] : memref<10240x128xf32, #tpu.memory_space<vmem_shared>> -> memref<128x128xf32, #tpu.memory_space<vmem_shared>>
      %dma_start3A_57 = arith.constant 0 : i32
      %dma_start3A_58 = tpu.memref_slice %arg6[%add3A_26, %dma_start3A_57] : memref<10240x128xf32, #tpu.memory_space<vmem_shared>> -> memref<128x128xf32, #tpu.memory_space<vmem_shared>>
      tpu.enqueue_dma source(%arg11 : memref<128x128xf32, #tpu.memory_space<vmem>>) target(%dma_start3A_58 : memref<128x128xf32, #tpu.memory_space<vmem_shared>>) target_semaphore(%run_scoped3A : memref<!tpu.dma_semaphore, #tpu.memory_space<semaphore_mem>>)
      %dma_wait3A_59 = arith.constant 0 : i32
      %dma_wait3A_60 = tpu.memref_slice %arg6[%add3A_26, %dma_wait3A_59] : memref<10240x128xf32, #tpu.memory_space<vmem_shared>> -> memref<128x128xf32, #tpu.memory_space<vmem_shared>>
      %dma_wait3A_61 = arith.constant 0 : i32
      %dma_wait3A_62 = tpu.memref_slice %arg6[%add3A_26, %dma_wait3A_61] : memref<10240x128xf32, #tpu.memory_space<vmem_shared>> -> memref<128x128xf32, #tpu.memory_space<vmem_shared>>
      tpu.wait_dma2 semaphore(%run_scoped3A : memref<!tpu.dma_semaphore, #tpu.memory_space<semaphore_mem>>) src(%arg11 : memref<128x128xf32, #tpu.memory_space<vmem>>) dst(%dma_wait3A_62 : memref<128x128xf32, #tpu.memory_space<vmem_shared>>)
      tpu.yield
    }) : () -> ()
    %add3A_27 = arith.constant 256 : i32
    %add3A_28 = arith.addi %mul3A_2, %add3A_27 : i32
    "tpu.region"() ({
      %run_scoped3A = tpu.sem_alloc : memref<!tpu.dma_semaphore, #tpu.memory_space<semaphore_mem>>
      %dma_start3A_55 = arith.constant 0 : i32
      %dma_start3A_56 = tpu.memref_slice %arg6[%add3A_28, %dma_start3A_55] : memref<10240x128xf32, #tpu.memory_space<vmem_shared>> -> memref<128x128xf32, #tpu.memory_space<vmem_shared>>
      %dma_start3A_57 = arith.constant 0 : i32
      %dma_start3A_58 = tpu.memref_slice %arg6[%add3A_28, %dma_start3A_57] : memref<10240x128xf32, #tpu.memory_space<vmem_shared>> -> memref<128x128xf32, #tpu.memory_space<vmem_shared>>
      tpu.enqueue_dma source(%arg11 : memref<128x128xf32, #tpu.memory_space<vmem>>) target(%dma_start3A_58 : memref<128x128xf32, #tpu.memory_space<vmem_shared>>) target_semaphore(%run_scoped3A : memref<!tpu.dma_semaphore, #tpu.memory_space<semaphore_mem>>)
      %dma_wait3A_59 = arith.constant 0 : i32
      %dma_wait3A_60 = tpu.memref_slice %arg6[%add3A_28, %dma_wait3A_59] : memref<10240x128xf32, #tpu.memory_space<vmem_shared>> -> memref<128x128xf32, #tpu.memory_space<vmem_shared>>
      %dma_wait3A_61 = arith.constant 0 : i32
      %dma_wait3A_62 = tpu.memref_slice %arg6[%add3A_28, %dma_wait3A_61] : memref<10240x128xf32, #tpu.memory_space<vmem_shared>> -> memref<128x128xf32, #tpu.memory_space<vmem_shared>>
      tpu.wait_dma2 semaphore(%run_scoped3A : memref<!tpu.dma_semaphore, #tpu.memory_space<semaphore_mem>>) src(%arg11 : memref<128x128xf32, #tpu.memory_space<vmem>>) dst(%dma_wait3A_62 : memref<128x128xf32, #tpu.memory_space<vmem_shared>>)
      tpu.yield
    }) : () -> ()
    %add3A_29 = arith.constant 384 : i32
    %add3A_30 = arith.addi %mul3A_2, %add3A_29 : i32
    "tpu.region"() ({
      %run_scoped3A = tpu.sem_alloc : memref<!tpu.dma_semaphore, #tpu.memory_space<semaphore_mem>>
      %dma_start3A_55 = arith.constant 0 : i32
      %dma_start3A_56 = tpu.memref_slice %arg6[%add3A_30, %dma_start3A_55] : memref<10240x128xf32, #tpu.memory_space<vmem_shared>> -> memref<128x128xf32, #tpu.memory_space<vmem_shared>>
      %dma_start3A_57 = arith.constant 0 : i32
      %dma_start3A_58 = tpu.memref_slice %arg6[%add3A_30, %dma_start3A_57] : memref<10240x128xf32, #tpu.memory_space<vmem_shared>> -> memref<128x128xf32, #tpu.memory_space<vmem_shared>>
      tpu.enqueue_dma source(%arg11 : memref<128x128xf32, #tpu.memory_space<vmem>>) target(%dma_start3A_58 : memref<128x128xf32, #tpu.memory_space<vmem_shared>>) target_semaphore(%run_scoped3A : memref<!tpu.dma_semaphore, #tpu.memory_space<semaphore_mem>>)
      %dma_wait3A_59 = arith.constant 0 : i32
      %dma_wait3A_60 = tpu.memref_slice %arg6[%add3A_30, %dma_wait3A_59] : memref<10240x128xf32, #tpu.memory_space<vmem_shared>> -> memref<128x128xf32, #tpu.memory_space<vmem_shared>>
      %dma_wait3A_61 = arith.constant 0 : i32
      %dma_wait3A_62 = tpu.memref_slice %arg6[%add3A_30, %dma_wait3A_61] : memref<10240x128xf32, #tpu.memory_space<vmem_shared>> -> memref<128x128xf32, #tpu.memory_space<vmem_shared>>
      tpu.wait_dma2 semaphore(%run_scoped3A : memref<!tpu.dma_semaphore, #tpu.memory_space<semaphore_mem>>) src(%arg11 : memref<128x128xf32, #tpu.memory_space<vmem>>) dst(%dma_wait3A_62 : memref<128x128xf32, #tpu.memory_space<vmem_shared>>)
      tpu.yield
    }) : () -> ()
    %add3A_31 = arith.constant 512 : i32
    %add3A_32 = arith.addi %mul3A_2, %add3A_31 : i32
    "tpu.region"() ({
      %run_scoped3A = tpu.sem_alloc : memref<!tpu.dma_semaphore, #tpu.memory_space<semaphore_mem>>
      %dma_start3A_55 = arith.constant 0 : i32
      %dma_start3A_56 = tpu.memref_slice %arg6[%add3A_32, %dma_start3A_55] : memref<10240x128xf32, #tpu.memory_space<vmem_shared>> -> memref<128x128xf32, #tpu.memory_space<vmem_shared>>
      %dma_start3A_57 = arith.constant 0 : i32
      %dma_start3A_58 = tpu.memref_slice %arg6[%add3A_32, %dma_start3A_57] : memref<10240x128xf32, #tpu.memory_space<vmem_shared>> -> memref<128x128xf32, #tpu.memory_space<vmem_shared>>
      tpu.enqueue_dma source(%arg11 : memref<128x128xf32, #tpu.memory_space<vmem>>) target(%dma_start3A_58 : memref<128x128xf32, #tpu.memory_space<vmem_shared>>) target_semaphore(%run_scoped3A : memref<!tpu.dma_semaphore, #tpu.memory_space<semaphore_mem>>)
      %dma_wait3A_59 = arith.constant 0 : i32
      %dma_wait3A_60 = tpu.memref_slice %arg6[%add3A_32, %dma_wait3A_59] : memref<10240x128xf32, #tpu.memory_space<vmem_shared>> -> memref<128x128xf32, #tpu.memory_space<vmem_shared>>
      %dma_wait3A_61 = arith.constant 0 : i32
      %dma_wait3A_62 = tpu.memref_slice %arg6[%add3A_32, %dma_wait3A_61] : memref<10240x128xf32, #tpu.memory_space<vmem_shared>> -> memref<128x128xf32, #tpu.memory_space<vmem_shared>>
      tpu.wait_dma2 semaphore(%run_scoped3A : memref<!tpu.dma_semaphore, #tpu.memory_space<semaphore_mem>>) src(%arg11 : memref<128x128xf32, #tpu.memory_space<vmem>>) dst(%dma_wait3A_62 : memref<128x128xf32, #tpu.memory_space<vmem_shared>>)
      tpu.yield
    }) : () -> ()
    %dma_wait3A = arith.constant 0 : i32
    %dma_wait3A_33 = arith.constant 0 : i32
    %dma_wait3A_34 = tpu.memref_slice %arg3[%add3A, %dma_wait3A, %dma_wait3A_33] : memref<32x80x128xi32, #tpu.memory_space<hbm>> -> memref<1x8x128xi32, #tpu.memory_space<hbm>>
    %dma_wait3A_35 = tpu.memref_squeeze %dma_wait3A_34 : memref<1x8x128xi32, #tpu.memory_space<hbm>> -> memref<8x128xi32, #tpu.memory_space<hbm>>
    %dma_wait3A_36 = arith.constant 0 : i32
    %dma_wait3A_37 = arith.constant 0 : i32
    %dma_wait3A_38 = tpu.memref_slice %arg3[%add3A, %dma_wait3A_36, %dma_wait3A_37] : memref<32x80x128xi32, #tpu.memory_space<hbm>> -> memref<1x8x128xi32, #tpu.memory_space<hbm>>
    %dma_wait3A_39 = tpu.memref_squeeze %dma_wait3A_38 : memref<1x8x128xi32, #tpu.memory_space<hbm>> -> memref<8x128xi32, #tpu.memory_space<hbm>>
    tpu.wait_dma2 semaphore(%arg17 : memref<!tpu.dma_semaphore, #tpu.memory_space<semaphore_mem>>) src(%dma_wait3A_39 : memref<8x128xi32, #tpu.memory_space<hbm>>) dst(%arg7 : memref<8x128xi32, #tpu.memory_space<vmem>>)
    %dma_wait3A_40 = arith.constant 0 : i32
    %dma_wait3A_41 = arith.constant 0 : i32
    %dma_wait3A_42 = tpu.memref_slice %arg4[%add3A, %dma_wait3A_40, %dma_wait3A_41] : memref<32x80x128xi32, #tpu.memory_space<hbm>> -> memref<1x8x128xi32, #tpu.memory_space<hbm>>
    %dma_wait3A_43 = tpu.memref_squeeze %dma_wait3A_42 : memref<1x8x128xi32, #tpu.memory_space<hbm>> -> memref<8x128xi32, #tpu.memory_space<hbm>>
    %dma_wait3A_44 = arith.constant 0 : i32
    %dma_wait3A_45 = arith.constant 0 : i32
    %dma_wait3A_46 = tpu.memref_slice %arg4[%add3A, %dma_wait3A_44, %dma_wait3A_45] : memref<32x80x128xi32, #tpu.memory_space<hbm>> -> memref<1x8x128xi32, #tpu.memory_space<hbm>>
    %dma_wait3A_47 = tpu.memref_squeeze %dma_wait3A_46 : memref<1x8x128xi32, #tpu.memory_space<hbm>> -> memref<8x128xi32, #tpu.memory_space<hbm>>
    tpu.wait_dma2 semaphore(%arg18 : memref<!tpu.dma_semaphore, #tpu.memory_space<semaphore_mem>>) src(%dma_wait3A_47 : memref<8x128xi32, #tpu.memory_space<hbm>>) dst(%arg9 : memref<8x128xi32, #tpu.memory_space<vmem>>)
    %barrier3A = arith.constant 0 : index
    tpu.barrier barrier_id(%barrier3A)
    %scan3A_48 = arith.constant 0 : i32
    %scan3A_49 = arith.constant 0 : i32
    %scan3A_50 = arith.constant 5 : i32
    %scan3A_51 = arith.addi %scan3A_49, %scan3A_50 : i32
    %scan3A_52 = arith.constant 1 : i32
    scf.for %scan3A_55 = %scan3A_49 to %scan3A_51 step %scan3A_52  : i32 {
      %mul3A_56 = arith.constant 2 : i32
      %mul3A_57 = arith.muli %mul3A_56, %scan3A_55 : i32
      %add3A_58 = arith.constant 1 : i32
      %add3A_59 = arith.addi %mul3A_57, %add3A_58 : i32
      %mul3A_60 = arith.constant 8 : i32
      %mul3A_61 = arith.muli %mul3A_60, %add3A_59 : i32
      %dma_start3A_62 = arith.constant 0 : i32
      %dma_start3A_63 = tpu.memref_slice %arg3[%add3A, %mul3A_61, %dma_start3A_62] : memref<32x80x128xi32, #tpu.memory_space<hbm>> -> memref<1x8x128xi32, #tpu.memory_space<hbm>>
      %dma_start3A_64 = tpu.memref_squeeze %dma_start3A_63 : memref<1x8x128xi32, #tpu.memory_space<hbm>> -> memref<8x128xi32, #tpu.memory_space<hbm>>
      %dma_start3A_65 = arith.constant 0 : i32
      %dma_start3A_66 = tpu.memref_slice %arg3[%add3A, %mul3A_61, %dma_start3A_65] : memref<32x80x128xi32, #tpu.memory_space<hbm>> -> memref<1x8x128xi32, #tpu.memory_space<hbm>>
      %dma_start3A_67 = tpu.memref_squeeze %dma_start3A_66 : memref<1x8x128xi32, #tpu.memory_space<hbm>> -> memref<8x128xi32, #tpu.memory_space<hbm>>
      tpu.enqueue_dma source(%dma_start3A_67 : memref<8x128xi32, #tpu.memory_space<hbm>>) target(%arg8 : memref<8x128xi32, #tpu.memory_space<vmem>>) target_semaphore(%arg19 : memref<!tpu.dma_semaphore, #tpu.memory_space<semaphore_mem>>)
      %mul3A_68 = arith.constant 2 : i32
      %mul3A_69 = arith.muli %mul3A_68, %scan3A_55 : i32
      %add3A_70 = arith.constant 1 : i32
      %add3A_71 = arith.addi %mul3A_69, %add3A_70 : i32
      %mul3A_72 = arith.constant 8 : i32
      %mul3A_73 = arith.muli %mul3A_72, %add3A_71 : i32
      %dma_start3A_74 = arith.constant 0 : i32
      %dma_start3A_75 = tpu.memref_slice %arg4[%add3A, %mul3A_73, %dma_start3A_74] : memref<32x80x128xi32, #tpu.memory_space<hbm>> -> memref<1x8x128xi32, #tpu.memory_space<hbm>>
      %dma_start3A_76 = tpu.memref_squeeze %dma_start3A_75 : memref<1x8x128xi32, #tpu.memory_space<hbm>> -> memref<8x128xi32, #tpu.memory_space<hbm>>
      %dma_start3A_77 = arith.constant 0 : i32
      %dma_start3A_78 = tpu.memref_slice %arg4[%add3A, %mul3A_73, %dma_start3A_77] : memref<32x80x128xi32, #tpu.memory_space<hbm>> -> memref<1x8x128xi32, #tpu.memory_space<hbm>>
      %dma_start3A_79 = tpu.memref_squeeze %dma_start3A_78 : memref<1x8x128xi32, #tpu.memory_space<hbm>> -> memref<8x128xi32, #tpu.memory_space<hbm>>
      tpu.enqueue_dma source(%dma_start3A_79 : memref<8x128xi32, #tpu.memory_space<hbm>>) target(%arg10 : memref<8x128xi32, #tpu.memory_space<vmem>>) target_semaphore(%arg20 : memref<!tpu.dma_semaphore, #tpu.memory_space<semaphore_mem>>)
      %dma_start3A_80 = arith.constant 0 : i32
      %dma_start3A_81 = arith.constant 0 : i32
      %dma_start3A_82 = tpu.memref_slice %arg7[%dma_start3A_80, %dma_start3A_81] : memref<8x128xi32, #tpu.memory_space<vmem>> -> memref<1x128xi32, #tpu.memory_space<vmem>>
      %dma_start3A_83 = tpu.memref_squeeze %dma_start3A_82 : memref<1x128xi32, #tpu.memory_space<vmem>> -> memref<128xi32, #tpu.memory_space<vmem>>
      %dma_start3A_84 = arith.constant 0 : i32
      %dma_start3A_85 = arith.constant 0 : i32
      %dma_start3A_86 = tpu.memref_slice %arg2[%dma_start3A_84, %dma_start3A_85] : memref<10240x128xf32, #tpu.memory_space<hbm>> -> memref<10240x128xf32, #tpu.memory_space<hbm>>
      tpu.enqueue_indirect_dma source(%dma_start3A_86 : memref<10240x128xf32, #tpu.memory_space<hbm>>) target(%arg11 : memref<128x128xf32, #tpu.memory_space<vmem>>) offsets(%dma_start3A_83 : memref<128xi32, #tpu.memory_space<vmem>>) semaphore(%arg13 : memref<!tpu.dma_semaphore, #tpu.memory_space<semaphore_mem>>)
      %dma_start3A_87 = arith.constant 1 : i32
      %dma_start3A_88 = arith.constant 0 : i32
      %dma_start3A_89 = tpu.memref_slice %arg7[%dma_start3A_87, %dma_start3A_88] : memref<8x128xi32, #tpu.memory_space<vmem>> -> memref<1x128xi32, #tpu.memory_space<vmem>>
      %dma_start3A_90 = tpu.memref_squeeze %dma_start3A_89 : memref<1x128xi32, #tpu.memory_space<vmem>> -> memref<128xi32, #tpu.memory_space<vmem>>
      %dma_start3A_91 = arith.constant 0 : i32
      %dma_start3A_92 = arith.constant 0 : i32
      %dma_start3A_93 = tpu.memref_slice %arg2[%dma_start3A_91, %dma_start3A_92] : memref<10240x128xf32, #tpu.memory_space<hbm>> -> memref<10240x128xf32, #tpu.memory_space<hbm>>
      tpu.enqueue_indirect_dma source(%dma_start3A_93 : memref<10240x128xf32, #tpu.memory_space<hbm>>) target(%arg12 : memref<128x128xf32, #tpu.memory_space<vmem>>) offsets(%dma_start3A_90 : memref<128xi32, #tpu.memory_space<vmem>>) semaphore(%arg14 : memref<!tpu.dma_semaphore, #tpu.memory_space<semaphore_mem>>)
      %dma_wait3A_94 = arith.constant 0 : i32
      %dma_wait3A_95 = arith.constant 0 : i32
      %dma_wait3A_96 = tpu.memref_slice %arg7[%dma_wait3A_94, %dma_wait3A_95] : memref<8x128xi32, #tpu.memory_space<vmem>> -> memref<1x128xi32, #tpu.memory_space<vmem>>
      %dma_wait3A_97 = tpu.memref_squeeze %dma_wait3A_96 : memref<1x128xi32, #tpu.memory_space<vmem>> -> memref<128xi32, #tpu.memory_space<vmem>>
      %dma_wait3A_98 = arith.constant 0 : i32
      %dma_wait3A_99 = arith.constant 0 : i32
      %dma_wait3A_100 = tpu.memref_slice %arg2[%dma_wait3A_98, %dma_wait3A_99] : memref<10240x128xf32, #tpu.memory_space<hbm>> -> memref<10240x128xf32, #tpu.memory_space<hbm>>
      tpu.wait_indirect_dma semaphore(%arg13 : memref<!tpu.dma_semaphore, #tpu.memory_space<semaphore_mem>>) src(%dma_wait3A_100 : memref<10240x128xf32, #tpu.memory_space<hbm>>) dst(%arg11 : memref<128x128xf32, #tpu.memory_space<vmem>>)
      %dma_start3A_101 = arith.constant 0 : i32
      %dma_start3A_102 = arith.constant 0 : i32
      %dma_start3A_103 = tpu.memref_slice %arg9[%dma_start3A_101, %dma_start3A_102] : memref<8x128xi32, #tpu.memory_space<vmem>> -> memref<1x128xi32, #tpu.memory_space<vmem>>
      %dma_start3A_104 = tpu.memref_squeeze %dma_start3A_103 : memref<1x128xi32, #tpu.memory_space<vmem>> -> memref<128xi32, #tpu.memory_space<vmem>>
      %dma_start3A_105 = arith.constant 0 : i32
      %dma_start3A_106 = arith.constant 0 : i32
      %dma_start3A_107 = tpu.memref_slice %arg6[%dma_start3A_105, %dma_start3A_106] : memref<10240x128xf32, #tpu.memory_space<vmem_shared>> -> memref<10240x128xf32, #tpu.memory_space<vmem_shared>>
      tpu.enqueue_indirect_dma source(%arg11 : memref<128x128xf32, #tpu.memory_space<vmem>>) target(%dma_start3A_107 : memref<10240x128xf32, #tpu.memory_space<vmem_shared>>) offsets(%dma_start3A_104 : memref<128xi32, #tpu.memory_space<vmem>>) semaphore(%arg15 : memref<!tpu.dma_semaphore, #tpu.memory_space<semaphore_mem>>) {add = true}
      %dma_wait3A_108 = arith.constant 0 : i32
      %dma_wait3A_109 = arith.constant 0 : i32
      %dma_wait3A_110 = tpu.memref_slice %arg9[%dma_wait3A_108, %dma_wait3A_109] : memref<8x128xi32, #tpu.memory_space<vmem>> -> memref<1x128xi32, #tpu.memory_space<vmem>>
      %dma_wait3A_111 = tpu.memref_squeeze %dma_wait3A_110 : memref<1x128xi32, #tpu.memory_space<vmem>> -> memref<128xi32, #tpu.memory_space<vmem>>
      %dma_wait3A_112 = arith.constant 0 : i32
      %dma_wait3A_113 = arith.constant 0 : i32
      %dma_wait3A_114 = tpu.memref_slice %arg6[%dma_wait3A_112, %dma_wait3A_113] : memref<10240x128xf32, #tpu.memory_space<vmem_shared>> -> memref<10240x128xf32, #tpu.memory_space<vmem_shared>>
      tpu.wait_indirect_dma semaphore(%arg15 : memref<!tpu.dma_semaphore, #tpu.memory_space<semaphore_mem>>) src(%arg11 : memref<128x128xf32, #tpu.memory_space<vmem>>) dst(%dma_wait3A_114 : memref<10240x128xf32, #tpu.memory_space<vmem_shared>>)
      %dma_start3A_115 = arith.constant 2 : i32
      %dma_start3A_116 = arith.constant 0 : i32
      %dma_start3A_117 = tpu.memref_slice %arg7[%dma_start3A_115, %dma_start3A_116] : memref<8x128xi32, #tpu.memory_space<vmem>> -> memref<1x128xi32, #tpu.memory_space<vmem>>
      %dma_start3A_118 = tpu.memref_squeeze %dma_start3A_117 : memref<1x128xi32, #tpu.memory_space<vmem>> -> memref<128xi32, #tpu.memory_space<vmem>>
      %dma_start3A_119 = arith.constant 0 : i32
      %dma_start3A_120 = arith.constant 0 : i32
      %dma_start3A_121 = tpu.memref_slice %arg2[%dma_start3A_119, %dma_start3A_120] : memref<10240x128xf32, #tpu.memory_space<hbm>> -> memref<10240x128xf32, #tpu.memory_space<hbm>>
      tpu.enqueue_indirect_dma source(%dma_start3A_121 : memref<10240x128xf32, #tpu.memory_space<hbm>>) target(%arg11 : memref<128x128xf32, #tpu.memory_space<vmem>>) offsets(%dma_start3A_118 : memref<128xi32, #tpu.memory_space<vmem>>) semaphore(%arg13 : memref<!tpu.dma_semaphore, #tpu.memory_space<semaphore_mem>>)
      %dma_wait3A_122 = arith.constant 1 : i32
      %dma_wait3A_123 = arith.constant 0 : i32
      %dma_wait3A_124 = tpu.memref_slice %arg7[%dma_wait3A_122, %dma_wait3A_123] : memref<8x128xi32, #tpu.memory_space<vmem>> -> memref<1x128xi32, #tpu.memory_space<vmem>>
      %dma_wait3A_125 = tpu.memref_squeeze %dma_wait3A_124 : memref<1x128xi32, #tpu.memory_space<vmem>> -> memref<128xi32, #tpu.memory_space<vmem>>
      %dma_wait3A_126 = arith.constant 0 : i32
      %dma_wait3A_127 = arith.constant 0 : i32
      %dma_wait3A_128 = tpu.memref_slice %arg2[%dma_wait3A_126, %dma_wait3A_127] : memref<10240x128xf32, #tpu.memory_space<hbm>> -> memref<10240x128xf32, #tpu.memory_space<hbm>>
      tpu.wait_indirect_dma semaphore(%arg14 : memref<!tpu.dma_semaphore, #tpu.memory_space<semaphore_mem>>) src(%dma_wait3A_128 : memref<10240x128xf32, #tpu.memory_space<hbm>>) dst(%arg12 : memref<128x128xf32, #tpu.memory_space<vmem>>)
      %dma_start3A_129 = arith.constant 1 : i32
      %dma_start3A_130 = arith.constant 0 : i32
      %dma_start3A_131 = tpu.memref_slice %arg9[%dma_start3A_129, %dma_start3A_130] : memref<8x128xi32, #tpu.memory_space<vmem>> -> memref<1x128xi32, #tpu.memory_space<vmem>>
      %dma_start3A_132 = tpu.memref_squeeze %dma_start3A_131 : memref<1x128xi32, #tpu.memory_space<vmem>> -> memref<128xi32, #tpu.memory_space<vmem>>
      %dma_start3A_133 = arith.constant 0 : i32
      %dma_start3A_134 = arith.constant 0 : i32
      %dma_start3A_135 = tpu.memref_slice %arg6[%dma_start3A_133, %dma_start3A_134] : memref<10240x128xf32, #tpu.memory_space<vmem_shared>> -> memref<10240x128xf32, #tpu.memory_space<vmem_shared>>
      tpu.enqueue_indirect_dma source(%arg12 : memref<128x128xf32, #tpu.memory_space<vmem>>) target(%dma_start3A_135 : memref<10240x128xf32, #tpu.memory_space<vmem_shared>>) offsets(%dma_start3A_132 : memref<128xi32, #tpu.memory_space<vmem>>) semaphore(%arg16 : memref<!tpu.dma_semaphore, #tpu.memory_space<semaphore_mem>>) {add = true}
      %dma_wait3A_136 = arith.constant 1 : i32
      %dma_wait3A_137 = arith.constant 0 : i32
      %dma_wait3A_138 = tpu.memref_slice %arg9[%dma_wait3A_136, %dma_wait3A_137] : memref<8x128xi32, #tpu.memory_space<vmem>> -> memref<1x128xi32, #tpu.memory_space<vmem>>
      %dma_wait3A_139 = tpu.memref_squeeze %dma_wait3A_138 : memref<1x128xi32, #tpu.memory_space<vmem>> -> memref<128xi32, #tpu.memory_space<vmem>>
      %dma_wait3A_140 = arith.constant 0 : i32
      %dma_wait3A_141 = arith.constant 0 : i32
      %dma_wait3A_142 = tpu.memref_slice %arg6[%dma_wait3A_140, %dma_wait3A_141] : memref<10240x128xf32, #tpu.memory_space<vmem_shared>> -> memref<10240x128xf32, #tpu.memory_space<vmem_shared>>
      tpu.wait_indirect_dma semaphore(%arg16 : memref<!tpu.dma_semaphore, #tpu.memory_space<semaphore_mem>>) src(%arg12 : memref<128x128xf32, #tpu.memory_space<vmem>>) dst(%dma_wait3A_142 : memref<10240x128xf32, #tpu.memory_space<vmem_shared>>)
      %dma_start3A_143 = arith.constant 3 : i32
      %dma_start3A_144 = arith.constant 0 : i32
      %dma_start3A_145 = tpu.memref_slice %arg7[%dma_start3A_143, %dma_start3A_144] : memref<8x128xi32, #tpu.memory_space<vmem>> -> memref<1x128xi32, #tpu.memory_space<vmem>>
      %dma_start3A_146 = tpu.memref_squeeze %dma_start3A_145 : memref<1x128xi32, #tpu.memory_space<vmem>> -> memref<128xi32, #tpu.memory_space<vmem>>
      %dma_start3A_147 = arith.constant 0 : i32
      %dma_start3A_148 = arith.constant 0 : i32
      %dma_start3A_149 = tpu.memref_slice %arg2[%dma_start3A_147, %dma_start3A_148] : memref<10240x128xf32, #tpu.memory_space<hbm>> -> memref<10240x128xf32, #tpu.memory_space<hbm>>
      tpu.enqueue_indirect_dma source(%dma_start3A_149 : memref<10240x128xf32, #tpu.memory_space<hbm>>) target(%arg12 : memref<128x128xf32, #tpu.memory_space<vmem>>) offsets(%dma_start3A_146 : memref<128xi32, #tpu.memory_space<vmem>>) semaphore(%arg14 : memref<!tpu.dma_semaphore, #tpu.memory_space<semaphore_mem>>)
      %dma_wait3A_150 = arith.constant 2 : i32
      %dma_wait3A_151 = arith.constant 0 : i32
      %dma_wait3A_152 = tpu.memref_slice %arg7[%dma_wait3A_150, %dma_wait3A_151] : memref<8x128xi32, #tpu.memory_space<vmem>> -> memref<1x128xi32, #tpu.memory_space<vmem>>
      %dma_wait3A_153 = tpu.memref_squeeze %dma_wait3A_152 : memref<1x128xi32, #tpu.memory_space<vmem>> -> memref<128xi32, #tpu.memory_space<vmem>>
      %dma_wait3A_154 = arith.constant 0 : i32
      %dma_wait3A_155 = arith.constant 0 : i32
      %dma_wait3A_156 = tpu.memref_slice %arg2[%dma_wait3A_154, %dma_wait3A_155] : memref<10240x128xf32, #tpu.memory_space<hbm>> -> memref<10240x128xf32, #tpu.memory_space<hbm>>
      tpu.wait_indirect_dma semaphore(%arg13 : memref<!tpu.dma_semaphore, #tpu.memory_space<semaphore_mem>>) src(%dma_wait3A_156 : memref<10240x128xf32, #tpu.memory_space<hbm>>) dst(%arg11 : memref<128x128xf32, #tpu.memory_space<vmem>>)
      %dma_start3A_157 = arith.constant 2 : i32
      %dma_start3A_158 = arith.constant 0 : i32
      %dma_start3A_159 = tpu.memref_slice %arg9[%dma_start3A_157, %dma_start3A_158] : memref<8x128xi32, #tpu.memory_space<vmem>> -> memref<1x128xi32, #tpu.memory_space<vmem>>
      %dma_start3A_160 = tpu.memref_squeeze %dma_start3A_159 : memref<1x128xi32, #tpu.memory_space<vmem>> -> memref<128xi32, #tpu.memory_space<vmem>>
      %dma_start3A_161 = arith.constant 0 : i32
      %dma_start3A_162 = arith.constant 0 : i32
      %dma_start3A_163 = tpu.memref_slice %arg6[%dma_start3A_161, %dma_start3A_162] : memref<10240x128xf32, #tpu.memory_space<vmem_shared>> -> memref<10240x128xf32, #tpu.memory_space<vmem_shared>>
      tpu.enqueue_indirect_dma source(%arg11 : memref<128x128xf32, #tpu.memory_space<vmem>>) target(%dma_start3A_163 : memref<10240x128xf32, #tpu.memory_space<vmem_shared>>) offsets(%dma_start3A_160 : memref<128xi32, #tpu.memory_space<vmem>>) semaphore(%arg15 : memref<!tpu.dma_semaphore, #tpu.memory_space<semaphore_mem>>) {add = true}
      %dma_wait3A_164 = arith.constant 2 : i32
      %dma_wait3A_165 = arith.constant 0 : i32
      %dma_wait3A_166 = tpu.memref_slice %arg9[%dma_wait3A_164, %dma_wait3A_165] : memref<8x128xi32, #tpu.memory_space<vmem>> -> memref<1x128xi32, #tpu.memory_space<vmem>>
      %dma_wait3A_167 = tpu.memref_squeeze %dma_wait3A_166 : memref<1x128xi32, #tpu.memory_space<vmem>> -> memref<128xi32, #tpu.memory_space<vmem>>
      %dma_wait3A_168 = arith.constant 0 : i32
      %dma_wait3A_169 = arith.constant 0 : i32
      %dma_wait3A_170 = tpu.memref_slice %arg6[%dma_wait3A_168, %dma_wait3A_169] : memref<10240x128xf32, #tpu.memory_space<vmem_shared>> -> memref<10240x128xf32, #tpu.memory_space<vmem_shared>>
      tpu.wait_indirect_dma semaphore(%arg15 : memref<!tpu.dma_semaphore, #tpu.memory_space<semaphore_mem>>) src(%arg11 : memref<128x128xf32, #tpu.memory_space<vmem>>) dst(%dma_wait3A_170 : memref<10240x128xf32, #tpu.memory_space<vmem_shared>>)
      %dma_start3A_171 = arith.constant 4 : i32
      %dma_start3A_172 = arith.constant 0 : i32
      %dma_start3A_173 = tpu.memref_slice %arg7[%dma_start3A_171, %dma_start3A_172] : memref<8x128xi32, #tpu.memory_space<vmem>> -> memref<1x128xi32, #tpu.memory_space<vmem>>
      %dma_start3A_174 = tpu.memref_squeeze %dma_start3A_173 : memref<1x128xi32, #tpu.memory_space<vmem>> -> memref<128xi32, #tpu.memory_space<vmem>>
      %dma_start3A_175 = arith.constant 0 : i32
      %dma_start3A_176 = arith.constant 0 : i32
      %dma_start3A_177 = tpu.memref_slice %arg2[%dma_start3A_175, %dma_start3A_176] : memref<10240x128xf32, #tpu.memory_space<hbm>> -> memref<10240x128xf32, #tpu.memory_space<hbm>>
      tpu.enqueue_indirect_dma source(%dma_start3A_177 : memref<10240x128xf32, #tpu.memory_space<hbm>>) target(%arg11 : memref<128x128xf32, #tpu.memory_space<vmem>>) offsets(%dma_start3A_174 : memref<128xi32, #tpu.memory_space<vmem>>) semaphore(%arg13 : memref<!tpu.dma_semaphore, #tpu.memory_space<semaphore_mem>>)
      %dma_wait3A_178 = arith.constant 3 : i32
      %dma_wait3A_179 = arith.constant 0 : i32
      %dma_wait3A_180 = tpu.memref_slice %arg7[%dma_wait3A_178, %dma_wait3A_179] : memref<8x128xi32, #tpu.memory_space<vmem>> -> memref<1x128xi32, #tpu.memory_space<vmem>>
      %dma_wait3A_181 = tpu.memref_squeeze %dma_wait3A_180 : memref<1x128xi32, #tpu.memory_space<vmem>> -> memref<128xi32, #tpu.memory_space<vmem>>
      %dma_wait3A_182 = arith.constant 0 : i32
      %dma_wait3A_183 = arith.constant 0 : i32
      %dma_wait3A_184 = tpu.memref_slice %arg2[%dma_wait3A_182, %dma_wait3A_183] : memref<10240x128xf32, #tpu.memory_space<hbm>> -> memref<10240x128xf32, #tpu.memory_space<hbm>>
      tpu.wait_indirect_dma semaphore(%arg14 : memref<!tpu.dma_semaphore, #tpu.memory_space<semaphore_mem>>) src(%dma_wait3A_184 : memref<10240x128xf32, #tpu.memory_space<hbm>>) dst(%arg12 : memref<128x128xf32, #tpu.memory_space<vmem>>)
      %dma_start3A_185 = arith.constant 3 : i32
      %dma_start3A_186 = arith.constant 0 : i32
      %dma_start3A_187 = tpu.memref_slice %arg9[%dma_start3A_185, %dma_start3A_186] : memref<8x128xi32, #tpu.memory_space<vmem>> -> memref<1x128xi32, #tpu.memory_space<vmem>>
      %dma_start3A_188 = tpu.memref_squeeze %dma_start3A_187 : memref<1x128xi32, #tpu.memory_space<vmem>> -> memref<128xi32, #tpu.memory_space<vmem>>
      %dma_start3A_189 = arith.constant 0 : i32
      %dma_start3A_190 = arith.constant 0 : i32
      %dma_start3A_191 = tpu.memref_slice %arg6[%dma_start3A_189, %dma_start3A_190] : memref<10240x128xf32, #tpu.memory_space<vmem_shared>> -> memref<10240x128xf32, #tpu.memory_space<vmem_shared>>
      tpu.enqueue_indirect_dma source(%arg12 : memref<128x128xf32, #tpu.memory_space<vmem>>) target(%dma_start3A_191 : memref<10240x128xf32, #tpu.memory_space<vmem_shared>>) offsets(%dma_start3A_188 : memref<128xi32, #tpu.memory_space<vmem>>) semaphore(%arg16 : memref<!tpu.dma_semaphore, #tpu.memory_space<semaphore_mem>>) {add = true}
      %dma_wait3A_192 = arith.constant 3 : i32
      %dma_wait3A_193 = arith.constant 0 : i32
      %dma_wait3A_194 = tpu.memref_slice %arg9[%dma_wait3A_192, %dma_wait3A_193] : memref<8x128xi32, #tpu.memory_space<vmem>> -> memref<1x128xi32, #tpu.memory_space<vmem>>
      %dma_wait3A_195 = tpu.memref_squeeze %dma_wait3A_194 : memref<1x128xi32, #tpu.memory_space<vmem>> -> memref<128xi32, #tpu.memory_space<vmem>>
      %dma_wait3A_196 = arith.constant 0 : i32
      %dma_wait3A_197 = arith.constant 0 : i32
      %dma_wait3A_198 = tpu.memref_slice %arg6[%dma_wait3A_196, %dma_wait3A_197] : memref<10240x128xf32, #tpu.memory_space<vmem_shared>> -> memref<10240x128xf32, #tpu.memory_space<vmem_shared>>
      tpu.wait_indirect_dma semaphore(%arg16 : memref<!tpu.dma_semaphore, #tpu.memory_space<semaphore_mem>>) src(%arg12 : memref<128x128xf32, #tpu.memory_space<vmem>>) dst(%dma_wait3A_198 : memref<10240x128xf32, #tpu.memory_space<vmem_shared>>)
      %dma_start3A_199 = arith.constant 5 : i32
      %dma_start3A_200 = arith.constant 0 : i32
      %dma_start3A_201 = tpu.memref_slice %arg7[%dma_start3A_199, %dma_start3A_200] : memref<8x128xi32, #tpu.memory_space<vmem>> -> memref<1x128xi32, #tpu.memory_space<vmem>>
      %dma_start3A_202 = tpu.memref_squeeze %dma_start3A_201 : memref<1x128xi32, #tpu.memory_space<vmem>> -> memref<128xi32, #tpu.memory_space<vmem>>
      %dma_start3A_203 = arith.constant 0 : i32
      %dma_start3A_204 = arith.constant 0 : i32
      %dma_start3A_205 = tpu.memref_slice %arg2[%dma_start3A_203, %dma_start3A_204] : memref<10240x128xf32, #tpu.memory_space<hbm>> -> memref<10240x128xf32, #tpu.memory_space<hbm>>
      tpu.enqueue_indirect_dma source(%dma_start3A_205 : memref<10240x128xf32, #tpu.memory_space<hbm>>) target(%arg12 : memref<128x128xf32, #tpu.memory_space<vmem>>) offsets(%dma_start3A_202 : memref<128xi32, #tpu.memory_space<vmem>>) semaphore(%arg14 : memref<!tpu.dma_semaphore, #tpu.memory_space<semaphore_mem>>)
      %dma_wait3A_206 = arith.constant 4 : i32
      %dma_wait3A_207 = arith.constant 0 : i32
      %dma_wait3A_208 = tpu.memref_slice %arg7[%dma_wait3A_206, %dma_wait3A_207] : memref<8x128xi32, #tpu.memory_space<vmem>> -> memref<1x128xi32, #tpu.memory_space<vmem>>
      %dma_wait3A_209 = tpu.memref_squeeze %dma_wait3A_208 : memref<1x128xi32, #tpu.memory_space<vmem>> -> memref<128xi32, #tpu.memory_space<vmem>>
      %dma_wait3A_210 = arith.constant 0 : i32
      %dma_wait3A_211 = arith.constant 0 : i32
      %dma_wait3A_212 = tpu.memref_slice %arg2[%dma_wait3A_210, %dma_wait3A_211] : memref<10240x128xf32, #tpu.memory_space<hbm>> -> memref<10240x128xf32, #tpu.memory_space<hbm>>
      tpu.wait_indirect_dma semaphore(%arg13 : memref<!tpu.dma_semaphore, #tpu.memory_space<semaphore_mem>>) src(%dma_wait3A_212 : memref<10240x128xf32, #tpu.memory_space<hbm>>) dst(%arg11 : memref<128x128xf32, #tpu.memory_space<vmem>>)
      %dma_start3A_213 = arith.constant 4 : i32
      %dma_start3A_214 = arith.constant 0 : i32
      %dma_start3A_215 = tpu.memref_slice %arg9[%dma_start3A_213, %dma_start3A_214] : memref<8x128xi32, #tpu.memory_space<vmem>> -> memref<1x128xi32, #tpu.memory_space<vmem>>
      %dma_start3A_216 = tpu.memref_squeeze %dma_start3A_215 : memref<1x128xi32, #tpu.memory_space<vmem>> -> memref<128xi32, #tpu.memory_space<vmem>>
      %dma_start3A_217 = arith.constant 0 : i32
      %dma_start3A_218 = arith.constant 0 : i32
      %dma_start3A_219 = tpu.memref_slice %arg6[%dma_start3A_217, %dma_start3A_218] : memref<10240x128xf32, #tpu.memory_space<vmem_shared>> -> memref<10240x128xf32, #tpu.memory_space<vmem_shared>>
      tpu.enqueue_indirect_dma source(%arg11 : memref<128x128xf32, #tpu.memory_space<vmem>>) target(%dma_start3A_219 : memref<10240x128xf32, #tpu.memory_space<vmem_shared>>) offsets(%dma_start3A_216 : memref<128xi32, #tpu.memory_space<vmem>>) semaphore(%arg15 : memref<!tpu.dma_semaphore, #tpu.memory_space<semaphore_mem>>) {add = true}
      %dma_wait3A_220 = arith.constant 4 : i32
      %dma_wait3A_221 = arith.constant 0 : i32
      %dma_wait3A_222 = tpu.memref_slice %arg9[%dma_wait3A_220, %dma_wait3A_221] : memref<8x128xi32, #tpu.memory_space<vmem>> -> memref<1x128xi32, #tpu.memory_space<vmem>>
      %dma_wait3A_223 = tpu.memref_squeeze %dma_wait3A_222 : memref<1x128xi32, #tpu.memory_space<vmem>> -> memref<128xi32, #tpu.memory_space<vmem>>
      %dma_wait3A_224 = arith.constant 0 : i32
      %dma_wait3A_225 = arith.constant 0 : i32
      %dma_wait3A_226 = tpu.memref_slice %arg6[%dma_wait3A_224, %dma_wait3A_225] : memref<10240x128xf32, #tpu.memory_space<vmem_shared>> -> memref<10240x128xf32, #tpu.memory_space<vmem_shared>>
      tpu.wait_indirect_dma semaphore(%arg15 : memref<!tpu.dma_semaphore, #tpu.memory_space<semaphore_mem>>) src(%arg11 : memref<128x128xf32, #tpu.memory_space<vmem>>) dst(%dma_wait3A_226 : memref<10240x128xf32, #tpu.memory_space<vmem_shared>>)
      %dma_start3A_227 = arith.constant 6 : i32
      %dma_start3A_228 = arith.constant 0 : i32
      %dma_start3A_229 = tpu.memref_slice %arg7[%dma_start3A_227, %dma_start3A_228] : memref<8x128xi32, #tpu.memory_space<vmem>> -> memref<1x128xi32, #tpu.memory_space<vmem>>
      %dma_start3A_230 = tpu.memref_squeeze %dma_start3A_229 : memref<1x128xi32, #tpu.memory_space<vmem>> -> memref<128xi32, #tpu.memory_space<vmem>>
      %dma_start3A_231 = arith.constant 0 : i32
      %dma_start3A_232 = arith.constant 0 : i32
      %dma_start3A_233 = tpu.memref_slice %arg2[%dma_start3A_231, %dma_start3A_232] : memref<10240x128xf32, #tpu.memory_space<hbm>> -> memref<10240x128xf32, #tpu.memory_space<hbm>>
      tpu.enqueue_indirect_dma source(%dma_start3A_233 : memref<10240x128xf32, #tpu.memory_space<hbm>>) target(%arg11 : memref<128x128xf32, #tpu.memory_space<vmem>>) offsets(%dma_start3A_230 : memref<128xi32, #tpu.memory_space<vmem>>) semaphore(%arg13 : memref<!tpu.dma_semaphore, #tpu.memory_space<semaphore_mem>>)
      %dma_wait3A_234 = arith.constant 5 : i32
      %dma_wait3A_235 = arith.constant 0 : i32
      %dma_wait3A_236 = tpu.memref_slice %arg7[%dma_wait3A_234, %dma_wait3A_235] : memref<8x128xi32, #tpu.memory_space<vmem>> -> memref<1x128xi32, #tpu.memory_space<vmem>>
      %dma_wait3A_237 = tpu.memref_squeeze %dma_wait3A_236 : memref<1x128xi32, #tpu.memory_space<vmem>> -> memref<128xi32, #tpu.memory_space<vmem>>
      %dma_wait3A_238 = arith.constant 0 : i32
      %dma_wait3A_239 = arith.constant 0 : i32
      %dma_wait3A_240 = tpu.memref_slice %arg2[%dma_wait3A_238, %dma_wait3A_239] : memref<10240x128xf32, #tpu.memory_space<hbm>> -> memref<10240x128xf32, #tpu.memory_space<hbm>>
      tpu.wait_indirect_dma semaphore(%arg14 : memref<!tpu.dma_semaphore, #tpu.memory_space<semaphore_mem>>) src(%dma_wait3A_240 : memref<10240x128xf32, #tpu.memory_space<hbm>>) dst(%arg12 : memref<128x128xf32, #tpu.memory_space<vmem>>)
      %dma_start3A_241 = arith.constant 5 : i32
      %dma_start3A_242 = arith.constant 0 : i32
      %dma_start3A_243 = tpu.memref_slice %arg9[%dma_start3A_241, %dma_start3A_242] : memref<8x128xi32, #tpu.memory_space<vmem>> -> memref<1x128xi32, #tpu.memory_space<vmem>>
      %dma_start3A_244 = tpu.memref_squeeze %dma_start3A_243 : memref<1x128xi32, #tpu.memory_space<vmem>> -> memref<128xi32, #tpu.memory_space<vmem>>
      %dma_start3A_245 = arith.constant 0 : i32
      %dma_start3A_246 = arith.constant 0 : i32
      %dma_start3A_247 = tpu.memref_slice %arg6[%dma_start3A_245, %dma_start3A_246] : memref<10240x128xf32, #tpu.memory_space<vmem_shared>> -> memref<10240x128xf32, #tpu.memory_space<vmem_shared>>
      tpu.enqueue_indirect_dma source(%arg12 : memref<128x128xf32, #tpu.memory_space<vmem>>) target(%dma_start3A_247 : memref<10240x128xf32, #tpu.memory_space<vmem_shared>>) offsets(%dma_start3A_244 : memref<128xi32, #tpu.memory_space<vmem>>) semaphore(%arg16 : memref<!tpu.dma_semaphore, #tpu.memory_space<semaphore_mem>>) {add = true}
      %dma_wait3A_248 = arith.constant 5 : i32
      %dma_wait3A_249 = arith.constant 0 : i32
      %dma_wait3A_250 = tpu.memref_slice %arg9[%dma_wait3A_248, %dma_wait3A_249] : memref<8x128xi32, #tpu.memory_space<vmem>> -> memref<1x128xi32, #tpu.memory_space<vmem>>
      %dma_wait3A_251 = tpu.memref_squeeze %dma_wait3A_250 : memref<1x128xi32, #tpu.memory_space<vmem>> -> memref<128xi32, #tpu.memory_space<vmem>>
      %dma_wait3A_252 = arith.constant 0 : i32
      %dma_wait3A_253 = arith.constant 0 : i32
      %dma_wait3A_254 = tpu.memref_slice %arg6[%dma_wait3A_252, %dma_wait3A_253] : memref<10240x128xf32, #tpu.memory_space<vmem_shared>> -> memref<10240x128xf32, #tpu.memory_space<vmem_shared>>
      tpu.wait_indirect_dma semaphore(%arg16 : memref<!tpu.dma_semaphore, #tpu.memory_space<semaphore_mem>>) src(%arg12 : memref<128x128xf32, #tpu.memory_space<vmem>>) dst(%dma_wait3A_254 : memref<10240x128xf32, #tpu.memory_space<vmem_shared>>)
      %dma_start3A_255 = arith.constant 7 : i32
      %dma_start3A_256 = arith.constant 0 : i32
      %dma_start3A_257 = tpu.memref_slice %arg7[%dma_start3A_255, %dma_start3A_256] : memref<8x128xi32, #tpu.memory_space<vmem>> -> memref<1x128xi32, #tpu.memory_space<vmem>>
      %dma_start3A_258 = tpu.memref_squeeze %dma_start3A_257 : memref<1x128xi32, #tpu.memory_space<vmem>> -> memref<128xi32, #tpu.memory_space<vmem>>
      %dma_start3A_259 = arith.constant 0 : i32
      %dma_start3A_260 = arith.constant 0 : i32
      %dma_start3A_261 = tpu.memref_slice %arg2[%dma_start3A_259, %dma_start3A_260] : memref<10240x128xf32, #tpu.memory_space<hbm>> -> memref<10240x128xf32, #tpu.memory_space<hbm>>
      tpu.enqueue_indirect_dma source(%dma_start3A_261 : memref<10240x128xf32, #tpu.memory_space<hbm>>) target(%arg12 : memref<128x128xf32, #tpu.memory_space<vmem>>) offsets(%dma_start3A_258 : memref<128xi32, #tpu.memory_space<vmem>>) semaphore(%arg14 : memref<!tpu.dma_semaphore, #tpu.memory_space<semaphore_mem>>)
      %dma_wait3A_262 = arith.constant 6 : i32
      %dma_wait3A_263 = arith.constant 0 : i32
      %dma_wait3A_264 = tpu.memref_slice %arg7[%dma_wait3A_262, %dma_wait3A_263] : memref<8x128xi32, #tpu.memory_space<vmem>> -> memref<1x128xi32, #tpu.memory_space<vmem>>
      %dma_wait3A_265 = tpu.memref_squeeze %dma_wait3A_264 : memref<1x128xi32, #tpu.memory_space<vmem>> -> memref<128xi32, #tpu.memory_space<vmem>>
      %dma_wait3A_266 = arith.constant 0 : i32
      %dma_wait3A_267 = arith.constant 0 : i32
      %dma_wait3A_268 = tpu.memref_slice %arg2[%dma_wait3A_266, %dma_wait3A_267] : memref<10240x128xf32, #tpu.memory_space<hbm>> -> memref<10240x128xf32, #tpu.memory_space<hbm>>
      tpu.wait_indirect_dma semaphore(%arg13 : memref<!tpu.dma_semaphore, #tpu.memory_space<semaphore_mem>>) src(%dma_wait3A_268 : memref<10240x128xf32, #tpu.memory_space<hbm>>) dst(%arg11 : memref<128x128xf32, #tpu.memory_space<vmem>>)
      %dma_start3A_269 = arith.constant 6 : i32
      %dma_start3A_270 = arith.constant 0 : i32
      %dma_start3A_271 = tpu.memref_slice %arg9[%dma_start3A_269, %dma_start3A_270] : memref<8x128xi32, #tpu.memory_space<vmem>> -> memref<1x128xi32, #tpu.memory_space<vmem>>
      %dma_start3A_272 = tpu.memref_squeeze %dma_start3A_271 : memref<1x128xi32, #tpu.memory_space<vmem>> -> memref<128xi32, #tpu.memory_space<vmem>>
      %dma_start3A_273 = arith.constant 0 : i32
      %dma_start3A_274 = arith.constant 0 : i32
      %dma_start3A_275 = tpu.memref_slice %arg6[%dma_start3A_273, %dma_start3A_274] : memref<10240x128xf32, #tpu.memory_space<vmem_shared>> -> memref<10240x128xf32, #tpu.memory_space<vmem_shared>>
      tpu.enqueue_indirect_dma source(%arg11 : memref<128x128xf32, #tpu.memory_space<vmem>>) target(%dma_start3A_275 : memref<10240x128xf32, #tpu.memory_space<vmem_shared>>) offsets(%dma_start3A_272 : memref<128xi32, #tpu.memory_space<vmem>>) semaphore(%arg15 : memref<!tpu.dma_semaphore, #tpu.memory_space<semaphore_mem>>) {add = true}
      %dma_wait3A_276 = arith.constant 7 : i32
      %dma_wait3A_277 = arith.constant 0 : i32
      %dma_wait3A_278 = tpu.memref_slice %arg7[%dma_wait3A_276, %dma_wait3A_277] : memref<8x128xi32, #tpu.memory_space<vmem>> -> memref<1x128xi32, #tpu.memory_space<vmem>>
      %dma_wait3A_279 = tpu.memref_squeeze %dma_wait3A_278 : memref<1x128xi32, #tpu.memory_space<vmem>> -> memref<128xi32, #tpu.memory_space<vmem>>
      %dma_wait3A_280 = arith.constant 0 : i32
      %dma_wait3A_281 = arith.constant 0 : i32
      %dma_wait3A_282 = tpu.memref_slice %arg2[%dma_wait3A_280, %dma_wait3A_281] : memref<10240x128xf32, #tpu.memory_space<hbm>> -> memref<10240x128xf32, #tpu.memory_space<hbm>>
      tpu.wait_indirect_dma semaphore(%arg14 : memref<!tpu.dma_semaphore, #tpu.memory_space<semaphore_mem>>) src(%dma_wait3A_282 : memref<10240x128xf32, #tpu.memory_space<hbm>>) dst(%arg12 : memref<128x128xf32, #tpu.memory_space<vmem>>)
      %dma_start3A_283 = arith.constant 7 : i32
      %dma_start3A_284 = arith.constant 0 : i32
      %dma_start3A_285 = tpu.memref_slice %arg9[%dma_start3A_283, %dma_start3A_284] : memref<8x128xi32, #tpu.memory_space<vmem>> -> memref<1x128xi32, #tpu.memory_space<vmem>>
      %dma_start3A_286 = tpu.memref_squeeze %dma_start3A_285 : memref<1x128xi32, #tpu.memory_space<vmem>> -> memref<128xi32, #tpu.memory_space<vmem>>
      %dma_start3A_287 = arith.constant 0 : i32
      %dma_start3A_288 = arith.constant 0 : i32
      %dma_start3A_289 = tpu.memref_slice %arg6[%dma_start3A_287, %dma_start3A_288] : memref<10240x128xf32, #tpu.memory_space<vmem_shared>> -> memref<10240x128xf32, #tpu.memory_space<vmem_shared>>
      tpu.enqueue_indirect_dma source(%arg12 : memref<128x128xf32, #tpu.memory_space<vmem>>) target(%dma_start3A_289 : memref<10240x128xf32, #tpu.memory_space<vmem_shared>>) offsets(%dma_start3A_286 : memref<128xi32, #tpu.memory_space<vmem>>) semaphore(%arg16 : memref<!tpu.dma_semaphore, #tpu.memory_space<semaphore_mem>>) {add = true}
      %dma_wait3A_290 = arith.constant 6 : i32
      %dma_wait3A_291 = arith.constant 0 : i32
      %dma_wait3A_292 = tpu.memref_slice %arg9[%dma_wait3A_290, %dma_wait3A_291] : memref<8x128xi32, #tpu.memory_space<vmem>> -> memref<1x128xi32, #tpu.memory_space<vmem>>
      %dma_wait3A_293 = tpu.memref_squeeze %dma_wait3A_292 : memref<1x128xi32, #tpu.memory_space<vmem>> -> memref<128xi32, #tpu.memory_space<vmem>>
      %dma_wait3A_294 = arith.constant 0 : i32
      %dma_wait3A_295 = arith.constant 0 : i32
      %dma_wait3A_296 = tpu.memref_slice %arg6[%dma_wait3A_294, %dma_wait3A_295] : memref<10240x128xf32, #tpu.memory_space<vmem_shared>> -> memref<10240x128xf32, #tpu.memory_space<vmem_shared>>
      tpu.wait_indirect_dma semaphore(%arg15 : memref<!tpu.dma_semaphore, #tpu.memory_space<semaphore_mem>>) src(%arg11 : memref<128x128xf32, #tpu.memory_space<vmem>>) dst(%dma_wait3A_296 : memref<10240x128xf32, #tpu.memory_space<vmem_shared>>)
      %dma_wait3A_297 = arith.constant 7 : i32
      %dma_wait3A_298 = arith.constant 0 : i32
      %dma_wait3A_299 = tpu.memref_slice %arg9[%dma_wait3A_297, %dma_wait3A_298] : memref<8x128xi32, #tpu.memory_space<vmem>> -> memref<1x128xi32, #tpu.memory_space<vmem>>
      %dma_wait3A_300 = tpu.memref_squeeze %dma_wait3A_299 : memref<1x128xi32, #tpu.memory_space<vmem>> -> memref<128xi32, #tpu.memory_space<vmem>>
      %dma_wait3A_301 = arith.constant 0 : i32
      %dma_wait3A_302 = arith.constant 0 : i32
      %dma_wait3A_303 = tpu.memref_slice %arg6[%dma_wait3A_301, %dma_wait3A_302] : memref<10240x128xf32, #tpu.memory_space<vmem_shared>> -> memref<10240x128xf32, #tpu.memory_space<vmem_shared>>
      tpu.wait_indirect_dma semaphore(%arg16 : memref<!tpu.dma_semaphore, #tpu.memory_space<semaphore_mem>>) src(%arg12 : memref<128x128xf32, #tpu.memory_space<vmem>>) dst(%dma_wait3A_303 : memref<10240x128xf32, #tpu.memory_space<vmem_shared>>)
      %dma_wait3A_304 = arith.constant 0 : i32
      %dma_wait3A_305 = tpu.memref_slice %arg3[%add3A, %mul3A_61, %dma_wait3A_304] : memref<32x80x128xi32, #tpu.memory_space<hbm>> -> memref<1x8x128xi32, #tpu.memory_space<hbm>>
      %dma_wait3A_306 = tpu.memref_squeeze %dma_wait3A_305 : memref<1x8x128xi32, #tpu.memory_space<hbm>> -> memref<8x128xi32, #tpu.memory_space<hbm>>
      %dma_wait3A_307 = arith.constant 0 : i32
      %dma_wait3A_308 = tpu.memref_slice %arg3[%add3A, %mul3A_61, %dma_wait3A_307] : memref<32x80x128xi32, #tpu.memory_space<hbm>> -> memref<1x8x128xi32, #tpu.memory_space<hbm>>
      %dma_wait3A_309 = tpu.memref_squeeze %dma_wait3A_308 : memref<1x8x128xi32, #tpu.memory_space<hbm>> -> memref<8x128xi32, #tpu.memory_space<hbm>>
      tpu.wait_dma2 semaphore(%arg19 : memref<!tpu.dma_semaphore, #tpu.memory_space<semaphore_mem>>) src(%dma_wait3A_309 : memref<8x128xi32, #tpu.memory_space<hbm>>) dst(%arg8 : memref<8x128xi32, #tpu.memory_space<vmem>>)
      %dma_wait3A_310 = arith.constant 0 : i32
      %dma_wait3A_311 = tpu.memref_slice %arg4[%add3A, %mul3A_73, %dma_wait3A_310] : memref<32x80x128xi32, #tpu.memory_space<hbm>> -> memref<1x8x128xi32, #tpu.memory_space<hbm>>
      %dma_wait3A_312 = tpu.memref_squeeze %dma_wait3A_311 : memref<1x8x128xi32, #tpu.memory_space<hbm>> -> memref<8x128xi32, #tpu.memory_space<hbm>>
      %dma_wait3A_313 = arith.constant 0 : i32
      %dma_wait3A_314 = tpu.memref_slice %arg4[%add3A, %mul3A_73, %dma_wait3A_313] : memref<32x80x128xi32, #tpu.memory_space<hbm>> -> memref<1x8x128xi32, #tpu.memory_space<hbm>>
      %dma_wait3A_315 = tpu.memref_squeeze %dma_wait3A_314 : memref<1x8x128xi32, #tpu.memory_space<hbm>> -> memref<8x128xi32, #tpu.memory_space<hbm>>
      tpu.wait_dma2 semaphore(%arg20 : memref<!tpu.dma_semaphore, #tpu.memory_space<semaphore_mem>>) src(%dma_wait3A_315 : memref<8x128xi32, #tpu.memory_space<hbm>>) dst(%arg10 : memref<8x128xi32, #tpu.memory_space<vmem>>)
      %mul3A_316 = arith.constant 2 : i32
      %mul3A_317 = arith.muli %mul3A_316, %scan3A_55 : i32
      %add3A_318 = arith.constant 2 : i32
      %add3A_319 = arith.addi %mul3A_317, %add3A_318 : i32
      %mul3A_320 = arith.constant 8 : i32
      %mul3A_321 = arith.muli %mul3A_320, %add3A_319 : i32
      %min3A = arith.constant 72 : i32
      %min3A_322 = arith.minsi %mul3A_321, %min3A : i32
      %dma_start3A_323 = arith.constant 0 : i32
      %dma_start3A_324 = tpu.memref_slice %arg3[%add3A, %min3A_322, %dma_start3A_323] : memref<32x80x128xi32, #tpu.memory_space<hbm>> -> memref<1x8x128xi32, #tpu.memory_space<hbm>>
      %dma_start3A_325 = tpu.memref_squeeze %dma_start3A_324 : memref<1x8x128xi32, #tpu.memory_space<hbm>> -> memref<8x128xi32, #tpu.memory_space<hbm>>
      %dma_start3A_326 = arith.constant 0 : i32
      %dma_start3A_327 = tpu.memref_slice %arg3[%add3A, %min3A_322, %dma_start3A_326] : memref<32x80x128xi32, #tpu.memory_space<hbm>> -> memref<1x8x128xi32, #tpu.memory_space<hbm>>
      %dma_start3A_328 = tpu.memref_squeeze %dma_start3A_327 : memref<1x8x128xi32, #tpu.memory_space<hbm>> -> memref<8x128xi32, #tpu.memory_space<hbm>>
      tpu.enqueue_dma source(%dma_start3A_328 : memref<8x128xi32, #tpu.memory_space<hbm>>) target(%arg7 : memref<8x128xi32, #tpu.memory_space<vmem>>) target_semaphore(%arg17 : memref<!tpu.dma_semaphore, #tpu.memory_space<semaphore_mem>>)
      %dma_start3A_329 = arith.constant 0 : i32
      %dma_start3A_330 = tpu.memref_slice %arg4[%add3A, %min3A_322, %dma_start3A_329] : memref<32x80x128xi32, #tpu.memory_space<hbm>> -> memref<1x8x128xi32, #tpu.memory_space<hbm>>
      %dma_start3A_331 = tpu.memref_squeeze %dma_start3A_330 : memref<1x8x128xi32, #tpu.memory_space<hbm>> -> memref<8x128xi32, #tpu.memory_space<hbm>>
      %dma_start3A_332 = arith.constant 0 : i32
      %dma_start3A_333 = tpu.memref_slice %arg4[%add3A, %min3A_322, %dma_start3A_332] : memref<32x80x128xi32, #tpu.memory_space<hbm>> -> memref<1x8x128xi32, #tpu.memory_space<hbm>>
      %dma_start3A_334 = tpu.memref_squeeze %dma_start3A_333 : memref<1x8x128xi32, #tpu.memory_space<hbm>> -> memref<8x128xi32, #tpu.memory_space<hbm>>
      tpu.enqueue_dma source(%dma_start3A_334 : memref<8x128xi32, #tpu.memory_space<hbm>>) target(%arg9 : memref<8x128xi32, #tpu.memory_space<vmem>>) target_semaphore(%arg18 : memref<!tpu.dma_semaphore, #tpu.memory_space<semaphore_mem>>)
      %dma_start3A_335 = arith.constant 0 : i32
      %dma_start3A_336 = arith.constant 0 : i32
      %dma_start3A_337 = tpu.memref_slice %arg8[%dma_start3A_335, %dma_start3A_336] : memref<8x128xi32, #tpu.memory_space<vmem>> -> memref<1x128xi32, #tpu.memory_space<vmem>>
      %dma_start3A_338 = tpu.memref_squeeze %dma_start3A_337 : memref<1x128xi32, #tpu.memory_space<vmem>> -> memref<128xi32, #tpu.memory_space<vmem>>
      %dma_start3A_339 = arith.constant 0 : i32
      %dma_start3A_340 = arith.constant 0 : i32
      %dma_start3A_341 = tpu.memref_slice %arg2[%dma_start3A_339, %dma_start3A_340] : memref<10240x128xf32, #tpu.memory_space<hbm>> -> memref<10240x128xf32, #tpu.memory_space<hbm>>
      tpu.enqueue_indirect_dma source(%dma_start3A_341 : memref<10240x128xf32, #tpu.memory_space<hbm>>) target(%arg11 : memref<128x128xf32, #tpu.memory_space<vmem>>) offsets(%dma_start3A_338 : memref<128xi32, #tpu.memory_space<vmem>>) semaphore(%arg13 : memref<!tpu.dma_semaphore, #tpu.memory_space<semaphore_mem>>)
      %dma_start3A_342 = arith.constant 1 : i32
      %dma_start3A_343 = arith.constant 0 : i32
      %dma_start3A_344 = tpu.memref_slice %arg8[%dma_start3A_342, %dma_start3A_343] : memref<8x128xi32, #tpu.memory_space<vmem>> -> memref<1x128xi32, #tpu.memory_space<vmem>>
      %dma_start3A_345 = tpu.memref_squeeze %dma_start3A_344 : memref<1x128xi32, #tpu.memory_space<vmem>> -> memref<128xi32, #tpu.memory_space<vmem>>
      %dma_start3A_346 = arith.constant 0 : i32
      %dma_start3A_347 = arith.constant 0 : i32
      %dma_start3A_348 = tpu.memref_slice %arg2[%dma_start3A_346, %dma_start3A_347] : memref<10240x128xf32, #tpu.memory_space<hbm>> -> memref<10240x128xf32, #tpu.memory_space<hbm>>
      tpu.enqueue_indirect_dma source(%dma_start3A_348 : memref<10240x128xf32, #tpu.memory_space<hbm>>) target(%arg12 : memref<128x128xf32, #tpu.memory_space<vmem>>) offsets(%dma_start3A_345 : memref<128xi32, #tpu.memory_space<vmem>>) semaphore(%arg14 : memref<!tpu.dma_semaphore, #tpu.memory_space<semaphore_mem>>)
      %dma_wait3A_349 = arith.constant 0 : i32
      %dma_wait3A_350 = arith.constant 0 : i32
      %dma_wait3A_351 = tpu.memref_slice %arg8[%dma_wait3A_349, %dma_wait3A_350] : memref<8x128xi32, #tpu.memory_space<vmem>> -> memref<1x128xi32, #tpu.memory_space<vmem>>
      %dma_wait3A_352 = tpu.memref_squeeze %dma_wait3A_351 : memref<1x128xi32, #tpu.memory_space<vmem>> -> memref<128xi32, #tpu.memory_space<vmem>>
      %dma_wait3A_353 = arith.constant 0 : i32
      %dma_wait3A_354 = arith.constant 0 : i32
      %dma_wait3A_355 = tpu.memref_slice %arg2[%dma_wait3A_353, %dma_wait3A_354] : memref<10240x128xf32, #tpu.memory_space<hbm>> -> memref<10240x128xf32, #tpu.memory_space<hbm>>
      tpu.wait_indirect_dma semaphore(%arg13 : memref<!tpu.dma_semaphore, #tpu.memory_space<semaphore_mem>>) src(%dma_wait3A_355 : memref<10240x128xf32, #tpu.memory_space<hbm>>) dst(%arg11 : memref<128x128xf32, #tpu.memory_space<vmem>>)
      %dma_start3A_356 = arith.constant 0 : i32
      %dma_start3A_357 = arith.constant 0 : i32
      %dma_start3A_358 = tpu.memref_slice %arg10[%dma_start3A_356, %dma_start3A_357] : memref<8x128xi32, #tpu.memory_space<vmem>> -> memref<1x128xi32, #tpu.memory_space<vmem>>
      %dma_start3A_359 = tpu.memref_squeeze %dma_start3A_358 : memref<1x128xi32, #tpu.memory_space<vmem>> -> memref<128xi32, #tpu.memory_space<vmem>>
      %dma_start3A_360 = arith.constant 0 : i32
      %dma_start3A_361 = arith.constant 0 : i32
      %dma_start3A_362 = tpu.memref_slice %arg6[%dma_start3A_360, %dma_start3A_361] : memref<10240x128xf32, #tpu.memory_space<vmem_shared>> -> memref<10240x128xf32, #tpu.memory_space<vmem_shared>>
      tpu.enqueue_indirect_dma source(%arg11 : memref<128x128xf32, #tpu.memory_space<vmem>>) target(%dma_start3A_362 : memref<10240x128xf32, #tpu.memory_space<vmem_shared>>) offsets(%dma_start3A_359 : memref<128xi32, #tpu.memory_space<vmem>>) semaphore(%arg15 : memref<!tpu.dma_semaphore, #tpu.memory_space<semaphore_mem>>) {add = true}
      %dma_wait3A_363 = arith.constant 0 : i32
      %dma_wait3A_364 = arith.constant 0 : i32
      %dma_wait3A_365 = tpu.memref_slice %arg10[%dma_wait3A_363, %dma_wait3A_364] : memref<8x128xi32, #tpu.memory_space<vmem>> -> memref<1x128xi32, #tpu.memory_space<vmem>>
      %dma_wait3A_366 = tpu.memref_squeeze %dma_wait3A_365 : memref<1x128xi32, #tpu.memory_space<vmem>> -> memref<128xi32, #tpu.memory_space<vmem>>
      %dma_wait3A_367 = arith.constant 0 : i32
      %dma_wait3A_368 = arith.constant 0 : i32
      %dma_wait3A_369 = tpu.memref_slice %arg6[%dma_wait3A_367, %dma_wait3A_368] : memref<10240x128xf32, #tpu.memory_space<vmem_shared>> -> memref<10240x128xf32, #tpu.memory_space<vmem_shared>>
      tpu.wait_indirect_dma semaphore(%arg15 : memref<!tpu.dma_semaphore, #tpu.memory_space<semaphore_mem>>) src(%arg11 : memref<128x128xf32, #tpu.memory_space<vmem>>) dst(%dma_wait3A_369 : memref<10240x128xf32, #tpu.memory_space<vmem_shared>>)
      %dma_start3A_370 = arith.constant 2 : i32
      %dma_start3A_371 = arith.constant 0 : i32
      %dma_start3A_372 = tpu.memref_slice %arg8[%dma_start3A_370, %dma_start3A_371] : memref<8x128xi32, #tpu.memory_space<vmem>> -> memref<1x128xi32, #tpu.memory_space<vmem>>
      %dma_start3A_373 = tpu.memref_squeeze %dma_start3A_372 : memref<1x128xi32, #tpu.memory_space<vmem>> -> memref<128xi32, #tpu.memory_space<vmem>>
      %dma_start3A_374 = arith.constant 0 : i32
      %dma_start3A_375 = arith.constant 0 : i32
      %dma_start3A_376 = tpu.memref_slice %arg2[%dma_start3A_374, %dma_start3A_375] : memref<10240x128xf32, #tpu.memory_space<hbm>> -> memref<10240x128xf32, #tpu.memory_space<hbm>>
      tpu.enqueue_indirect_dma source(%dma_start3A_376 : memref<10240x128xf32, #tpu.memory_space<hbm>>) target(%arg11 : memref<128x128xf32, #tpu.memory_space<vmem>>) offsets(%dma_start3A_373 : memref<128xi32, #tpu.memory_space<vmem>>) semaphore(%arg13 : memref<!tpu.dma_semaphore, #tpu.memory_space<semaphore_mem>>)
      %dma_wait3A_377 = arith.constant 1 : i32
      %dma_wait3A_378 = arith.constant 0 : i32
      %dma_wait3A_379 = tpu.memref_slice %arg8[%dma_wait3A_377, %dma_wait3A_378] : memref<8x128xi32, #tpu.memory_space<vmem>> -> memref<1x128xi32, #tpu.memory_space<vmem>>
      %dma_wait3A_380 = tpu.memref_squeeze %dma_wait3A_379 : memref<1x128xi32, #tpu.memory_space<vmem>> -> memref<128xi32, #tpu.memory_space<vmem>>
      %dma_wait3A_381 = arith.constant 0 : i32
      %dma_wait3A_382 = arith.constant 0 : i32
      %dma_wait3A_383 = tpu.memref_slice %arg2[%dma_wait3A_381, %dma_wait3A_382] : memref<10240x128xf32, #tpu.memory_space<hbm>> -> memref<10240x128xf32, #tpu.memory_space<hbm>>
      tpu.wait_indirect_dma semaphore(%arg14 : memref<!tpu.dma_semaphore, #tpu.memory_space<semaphore_mem>>) src(%dma_wait3A_383 : memref<10240x128xf32, #tpu.memory_space<hbm>>) dst(%arg12 : memref<128x128xf32, #tpu.memory_space<vmem>>)
      %dma_start3A_384 = arith.constant 1 : i32
      %dma_start3A_385 = arith.constant 0 : i32
      %dma_start3A_386 = tpu.memref_slice %arg10[%dma_start3A_384, %dma_start3A_385] : memref<8x128xi32, #tpu.memory_space<vmem>> -> memref<1x128xi32, #tpu.memory_space<vmem>>
      %dma_start3A_387 = tpu.memref_squeeze %dma_start3A_386 : memref<1x128xi32, #tpu.memory_space<vmem>> -> memref<128xi32, #tpu.memory_space<vmem>>
      %dma_start3A_388 = arith.constant 0 : i32
      %dma_start3A_389 = arith.constant 0 : i32
      %dma_start3A_390 = tpu.memref_slice %arg6[%dma_start3A_388, %dma_start3A_389] : memref<10240x128xf32, #tpu.memory_space<vmem_shared>> -> memref<10240x128xf32, #tpu.memory_space<vmem_shared>>
      tpu.enqueue_indirect_dma source(%arg12 : memref<128x128xf32, #tpu.memory_space<vmem>>) target(%dma_start3A_390 : memref<10240x128xf32, #tpu.memory_space<vmem_shared>>) offsets(%dma_start3A_387 : memref<128xi32, #tpu.memory_space<vmem>>) semaphore(%arg16 : memref<!tpu.dma_semaphore, #tpu.memory_space<semaphore_mem>>) {add = true}
      %dma_wait3A_391 = arith.constant 1 : i32
      %dma_wait3A_392 = arith.constant 0 : i32
      %dma_wait3A_393 = tpu.memref_slice %arg10[%dma_wait3A_391, %dma_wait3A_392] : memref<8x128xi32, #tpu.memory_space<vmem>> -> memref<1x128xi32, #tpu.memory_space<vmem>>
      %dma_wait3A_394 = tpu.memref_squeeze %dma_wait3A_393 : memref<1x128xi32, #tpu.memory_space<vmem>> -> memref<128xi32, #tpu.memory_space<vmem>>
      %dma_wait3A_395 = arith.constant 0 : i32
      %dma_wait3A_396 = arith.constant 0 : i32
      %dma_wait3A_397 = tpu.memref_slice %arg6[%dma_wait3A_395, %dma_wait3A_396] : memref<10240x128xf32, #tpu.memory_space<vmem_shared>> -> memref<10240x128xf32, #tpu.memory_space<vmem_shared>>
      tpu.wait_indirect_dma semaphore(%arg16 : memref<!tpu.dma_semaphore, #tpu.memory_space<semaphore_mem>>) src(%arg12 : memref<128x128xf32, #tpu.memory_space<vmem>>) dst(%dma_wait3A_397 : memref<10240x128xf32, #tpu.memory_space<vmem_shared>>)
      %dma_start3A_398 = arith.constant 3 : i32
      %dma_start3A_399 = arith.constant 0 : i32
      %dma_start3A_400 = tpu.memref_slice %arg8[%dma_start3A_398, %dma_start3A_399] : memref<8x128xi32, #tpu.memory_space<vmem>> -> memref<1x128xi32, #tpu.memory_space<vmem>>
      %dma_start3A_401 = tpu.memref_squeeze %dma_start3A_400 : memref<1x128xi32, #tpu.memory_space<vmem>> -> memref<128xi32, #tpu.memory_space<vmem>>
      %dma_start3A_402 = arith.constant 0 : i32
      %dma_start3A_403 = arith.constant 0 : i32
      %dma_start3A_404 = tpu.memref_slice %arg2[%dma_start3A_402, %dma_start3A_403] : memref<10240x128xf32, #tpu.memory_space<hbm>> -> memref<10240x128xf32, #tpu.memory_space<hbm>>
      tpu.enqueue_indirect_dma source(%dma_start3A_404 : memref<10240x128xf32, #tpu.memory_space<hbm>>) target(%arg12 : memref<128x128xf32, #tpu.memory_space<vmem>>) offsets(%dma_start3A_401 : memref<128xi32, #tpu.memory_space<vmem>>) semaphore(%arg14 : memref<!tpu.dma_semaphore, #tpu.memory_space<semaphore_mem>>)
      %dma_wait3A_405 = arith.constant 2 : i32
      %dma_wait3A_406 = arith.constant 0 : i32
      %dma_wait3A_407 = tpu.memref_slice %arg8[%dma_wait3A_405, %dma_wait3A_406] : memref<8x128xi32, #tpu.memory_space<vmem>> -> memref<1x128xi32, #tpu.memory_space<vmem>>
      %dma_wait3A_408 = tpu.memref_squeeze %dma_wait3A_407 : memref<1x128xi32, #tpu.memory_space<vmem>> -> memref<128xi32, #tpu.memory_space<vmem>>
      %dma_wait3A_409 = arith.constant 0 : i32
      %dma_wait3A_410 = arith.constant 0 : i32
      %dma_wait3A_411 = tpu.memref_slice %arg2[%dma_wait3A_409, %dma_wait3A_410] : memref<10240x128xf32, #tpu.memory_space<hbm>> -> memref<10240x128xf32, #tpu.memory_space<hbm>>
      tpu.wait_indirect_dma semaphore(%arg13 : memref<!tpu.dma_semaphore, #tpu.memory_space<semaphore_mem>>) src(%dma_wait3A_411 : memref<10240x128xf32, #tpu.memory_space<hbm>>) dst(%arg11 : memref<128x128xf32, #tpu.memory_space<vmem>>)
      %dma_start3A_412 = arith.constant 2 : i32
      %dma_start3A_413 = arith.constant 0 : i32
      %dma_start3A_414 = tpu.memref_slice %arg10[%dma_start3A_412, %dma_start3A_413] : memref<8x128xi32, #tpu.memory_space<vmem>> -> memref<1x128xi32, #tpu.memory_space<vmem>>
      %dma_start3A_415 = tpu.memref_squeeze %dma_start3A_414 : memref<1x128xi32, #tpu.memory_space<vmem>> -> memref<128xi32, #tpu.memory_space<vmem>>
      %dma_start3A_416 = arith.constant 0 : i32
      %dma_start3A_417 = arith.constant 0 : i32
      %dma_start3A_418 = tpu.memref_slice %arg6[%dma_start3A_416, %dma_start3A_417] : memref<10240x128xf32, #tpu.memory_space<vmem_shared>> -> memref<10240x128xf32, #tpu.memory_space<vmem_shared>>
      tpu.enqueue_indirect_dma source(%arg11 : memref<128x128xf32, #tpu.memory_space<vmem>>) target(%dma_start3A_418 : memref<10240x128xf32, #tpu.memory_space<vmem_shared>>) offsets(%dma_start3A_415 : memref<128xi32, #tpu.memory_space<vmem>>) semaphore(%arg15 : memref<!tpu.dma_semaphore, #tpu.memory_space<semaphore_mem>>) {add = true}
      %dma_wait3A_419 = arith.constant 2 : i32
      %dma_wait3A_420 = arith.constant 0 : i32
      %dma_wait3A_421 = tpu.memref_slice %arg10[%dma_wait3A_419, %dma_wait3A_420] : memref<8x128xi32, #tpu.memory_space<vmem>> -> memref<1x128xi32, #tpu.memory_space<vmem>>
      %dma_wait3A_422 = tpu.memref_squeeze %dma_wait3A_421 : memref<1x128xi32, #tpu.memory_space<vmem>> -> memref<128xi32, #tpu.memory_space<vmem>>
      %dma_wait3A_423 = arith.constant 0 : i32
      %dma_wait3A_424 = arith.constant 0 : i32
      %dma_wait3A_425 = tpu.memref_slice %arg6[%dma_wait3A_423, %dma_wait3A_424] : memref<10240x128xf32, #tpu.memory_space<vmem_shared>> -> memref<10240x128xf32, #tpu.memory_space<vmem_shared>>
      tpu.wait_indirect_dma semaphore(%arg15 : memref<!tpu.dma_semaphore, #tpu.memory_space<semaphore_mem>>) src(%arg11 : memref<128x128xf32, #tpu.memory_space<vmem>>) dst(%dma_wait3A_425 : memref<10240x128xf32, #tpu.memory_space<vmem_shared>>)
      %dma_start3A_426 = arith.constant 4 : i32
      %dma_start3A_427 = arith.constant 0 : i32
      %dma_start3A_428 = tpu.memref_slice %arg8[%dma_start3A_426, %dma_start3A_427] : memref<8x128xi32, #tpu.memory_space<vmem>> -> memref<1x128xi32, #tpu.memory_space<vmem>>
      %dma_start3A_429 = tpu.memref_squeeze %dma_start3A_428 : memref<1x128xi32, #tpu.memory_space<vmem>> -> memref<128xi32, #tpu.memory_space<vmem>>
      %dma_start3A_430 = arith.constant 0 : i32
      %dma_start3A_431 = arith.constant 0 : i32
      %dma_start3A_432 = tpu.memref_slice %arg2[%dma_start3A_430, %dma_start3A_431] : memref<10240x128xf32, #tpu.memory_space<hbm>> -> memref<10240x128xf32, #tpu.memory_space<hbm>>
      tpu.enqueue_indirect_dma source(%dma_start3A_432 : memref<10240x128xf32, #tpu.memory_space<hbm>>) target(%arg11 : memref<128x128xf32, #tpu.memory_space<vmem>>) offsets(%dma_start3A_429 : memref<128xi32, #tpu.memory_space<vmem>>) semaphore(%arg13 : memref<!tpu.dma_semaphore, #tpu.memory_space<semaphore_mem>>)
      %dma_wait3A_433 = arith.constant 3 : i32
      %dma_wait3A_434 = arith.constant 0 : i32
      %dma_wait3A_435 = tpu.memref_slice %arg8[%dma_wait3A_433, %dma_wait3A_434] : memref<8x128xi32, #tpu.memory_space<vmem>> -> memref<1x128xi32, #tpu.memory_space<vmem>>
      %dma_wait3A_436 = tpu.memref_squeeze %dma_wait3A_435 : memref<1x128xi32, #tpu.memory_space<vmem>> -> memref<128xi32, #tpu.memory_space<vmem>>
      %dma_wait3A_437 = arith.constant 0 : i32
      %dma_wait3A_438 = arith.constant 0 : i32
      %dma_wait3A_439 = tpu.memref_slice %arg2[%dma_wait3A_437, %dma_wait3A_438] : memref<10240x128xf32, #tpu.memory_space<hbm>> -> memref<10240x128xf32, #tpu.memory_space<hbm>>
      tpu.wait_indirect_dma semaphore(%arg14 : memref<!tpu.dma_semaphore, #tpu.memory_space<semaphore_mem>>) src(%dma_wait3A_439 : memref<10240x128xf32, #tpu.memory_space<hbm>>) dst(%arg12 : memref<128x128xf32, #tpu.memory_space<vmem>>)
      %dma_start3A_440 = arith.constant 3 : i32
      %dma_start3A_441 = arith.constant 0 : i32
      %dma_start3A_442 = tpu.memref_slice %arg10[%dma_start3A_440, %dma_start3A_441] : memref<8x128xi32, #tpu.memory_space<vmem>> -> memref<1x128xi32, #tpu.memory_space<vmem>>
      %dma_start3A_443 = tpu.memref_squeeze %dma_start3A_442 : memref<1x128xi32, #tpu.memory_space<vmem>> -> memref<128xi32, #tpu.memory_space<vmem>>
      %dma_start3A_444 = arith.constant 0 : i32
      %dma_start3A_445 = arith.constant 0 : i32
      %dma_start3A_446 = tpu.memref_slice %arg6[%dma_start3A_444, %dma_start3A_445] : memref<10240x128xf32, #tpu.memory_space<vmem_shared>> -> memref<10240x128xf32, #tpu.memory_space<vmem_shared>>
      tpu.enqueue_indirect_dma source(%arg12 : memref<128x128xf32, #tpu.memory_space<vmem>>) target(%dma_start3A_446 : memref<10240x128xf32, #tpu.memory_space<vmem_shared>>) offsets(%dma_start3A_443 : memref<128xi32, #tpu.memory_space<vmem>>) semaphore(%arg16 : memref<!tpu.dma_semaphore, #tpu.memory_space<semaphore_mem>>) {add = true}
      %dma_wait3A_447 = arith.constant 3 : i32
      %dma_wait3A_448 = arith.constant 0 : i32
      %dma_wait3A_449 = tpu.memref_slice %arg10[%dma_wait3A_447, %dma_wait3A_448] : memref<8x128xi32, #tpu.memory_space<vmem>> -> memref<1x128xi32, #tpu.memory_space<vmem>>
      %dma_wait3A_450 = tpu.memref_squeeze %dma_wait3A_449 : memref<1x128xi32, #tpu.memory_space<vmem>> -> memref<128xi32, #tpu.memory_space<vmem>>
      %dma_wait3A_451 = arith.constant 0 : i32
      %dma_wait3A_452 = arith.constant 0 : i32
      %dma_wait3A_453 = tpu.memref_slice %arg6[%dma_wait3A_451, %dma_wait3A_452] : memref<10240x128xf32, #tpu.memory_space<vmem_shared>> -> memref<10240x128xf32, #tpu.memory_space<vmem_shared>>
      tpu.wait_indirect_dma semaphore(%arg16 : memref<!tpu.dma_semaphore, #tpu.memory_space<semaphore_mem>>) src(%arg12 : memref<128x128xf32, #tpu.memory_space<vmem>>) dst(%dma_wait3A_453 : memref<10240x128xf32, #tpu.memory_space<vmem_shared>>)
      %dma_start3A_454 = arith.constant 5 : i32
      %dma_start3A_455 = arith.constant 0 : i32
      %dma_start3A_456 = tpu.memref_slice %arg8[%dma_start3A_454, %dma_start3A_455] : memref<8x128xi32, #tpu.memory_space<vmem>> -> memref<1x128xi32, #tpu.memory_space<vmem>>
      %dma_start3A_457 = tpu.memref_squeeze %dma_start3A_456 : memref<1x128xi32, #tpu.memory_space<vmem>> -> memref<128xi32, #tpu.memory_space<vmem>>
      %dma_start3A_458 = arith.constant 0 : i32
      %dma_start3A_459 = arith.constant 0 : i32
      %dma_start3A_460 = tpu.memref_slice %arg2[%dma_start3A_458, %dma_start3A_459] : memref<10240x128xf32, #tpu.memory_space<hbm>> -> memref<10240x128xf32, #tpu.memory_space<hbm>>
      tpu.enqueue_indirect_dma source(%dma_start3A_460 : memref<10240x128xf32, #tpu.memory_space<hbm>>) target(%arg12 : memref<128x128xf32, #tpu.memory_space<vmem>>) offsets(%dma_start3A_457 : memref<128xi32, #tpu.memory_space<vmem>>) semaphore(%arg14 : memref<!tpu.dma_semaphore, #tpu.memory_space<semaphore_mem>>)
      %dma_wait3A_461 = arith.constant 4 : i32
      %dma_wait3A_462 = arith.constant 0 : i32
      %dma_wait3A_463 = tpu.memref_slice %arg8[%dma_wait3A_461, %dma_wait3A_462] : memref<8x128xi32, #tpu.memory_space<vmem>> -> memref<1x128xi32, #tpu.memory_space<vmem>>
      %dma_wait3A_464 = tpu.memref_squeeze %dma_wait3A_463 : memref<1x128xi32, #tpu.memory_space<vmem>> -> memref<128xi32, #tpu.memory_space<vmem>>
      %dma_wait3A_465 = arith.constant 0 : i32
      %dma_wait3A_466 = arith.constant 0 : i32
      %dma_wait3A_467 = tpu.memref_slice %arg2[%dma_wait3A_465, %dma_wait3A_466] : memref<10240x128xf32, #tpu.memory_space<hbm>> -> memref<10240x128xf32, #tpu.memory_space<hbm>>
      tpu.wait_indirect_dma semaphore(%arg13 : memref<!tpu.dma_semaphore, #tpu.memory_space<semaphore_mem>>) src(%dma_wait3A_467 : memref<10240x128xf32, #tpu.memory_space<hbm>>) dst(%arg11 : memref<128x128xf32, #tpu.memory_space<vmem>>)
      %dma_start3A_468 = arith.constant 4 : i32
      %dma_start3A_469 = arith.constant 0 : i32
      %dma_start3A_470 = tpu.memref_slice %arg10[%dma_start3A_468, %dma_start3A_469] : memref<8x128xi32, #tpu.memory_space<vmem>> -> memref<1x128xi32, #tpu.memory_space<vmem>>
      %dma_start3A_471 = tpu.memref_squeeze %dma_start3A_470 : memref<1x128xi32, #tpu.memory_space<vmem>> -> memref<128xi32, #tpu.memory_space<vmem>>
      %dma_start3A_472 = arith.constant 0 : i32
      %dma_start3A_473 = arith.constant 0 : i32
      %dma_start3A_474 = tpu.memref_slice %arg6[%dma_start3A_472, %dma_start3A_473] : memref<10240x128xf32, #tpu.memory_space<vmem_shared>> -> memref<10240x128xf32, #tpu.memory_space<vmem_shared>>
      tpu.enqueue_indirect_dma source(%arg11 : memref<128x128xf32, #tpu.memory_space<vmem>>) target(%dma_start3A_474 : memref<10240x128xf32, #tpu.memory_space<vmem_shared>>) offsets(%dma_start3A_471 : memref<128xi32, #tpu.memory_space<vmem>>) semaphore(%arg15 : memref<!tpu.dma_semaphore, #tpu.memory_space<semaphore_mem>>) {add = true}
      %dma_wait3A_475 = arith.constant 4 : i32
      %dma_wait3A_476 = arith.constant 0 : i32
      %dma_wait3A_477 = tpu.memref_slice %arg10[%dma_wait3A_475, %dma_wait3A_476] : memref<8x128xi32, #tpu.memory_space<vmem>> -> memref<1x128xi32, #tpu.memory_space<vmem>>
      %dma_wait3A_478 = tpu.memref_squeeze %dma_wait3A_477 : memref<1x128xi32, #tpu.memory_space<vmem>> -> memref<128xi32, #tpu.memory_space<vmem>>
      %dma_wait3A_479 = arith.constant 0 : i32
      %dma_wait3A_480 = arith.constant 0 : i32
      %dma_wait3A_481 = tpu.memref_slice %arg6[%dma_wait3A_479, %dma_wait3A_480] : memref<10240x128xf32, #tpu.memory_space<vmem_shared>> -> memref<10240x128xf32, #tpu.memory_space<vmem_shared>>
      tpu.wait_indirect_dma semaphore(%arg15 : memref<!tpu.dma_semaphore, #tpu.memory_space<semaphore_mem>>) src(%arg11 : memref<128x128xf32, #tpu.memory_space<vmem>>) dst(%dma_wait3A_481 : memref<10240x128xf32, #tpu.memory_space<vmem_shared>>)
      %dma_start3A_482 = arith.constant 6 : i32
      %dma_start3A_483 = arith.constant 0 : i32
      %dma_start3A_484 = tpu.memref_slice %arg8[%dma_start3A_482, %dma_start3A_483] : memref<8x128xi32, #tpu.memory_space<vmem>> -> memref<1x128xi32, #tpu.memory_space<vmem>>
      %dma_start3A_485 = tpu.memref_squeeze %dma_start3A_484 : memref<1x128xi32, #tpu.memory_space<vmem>> -> memref<128xi32, #tpu.memory_space<vmem>>
      %dma_start3A_486 = arith.constant 0 : i32
      %dma_start3A_487 = arith.constant 0 : i32
      %dma_start3A_488 = tpu.memref_slice %arg2[%dma_start3A_486, %dma_start3A_487] : memref<10240x128xf32, #tpu.memory_space<hbm>> -> memref<10240x128xf32, #tpu.memory_space<hbm>>
      tpu.enqueue_indirect_dma source(%dma_start3A_488 : memref<10240x128xf32, #tpu.memory_space<hbm>>) target(%arg11 : memref<128x128xf32, #tpu.memory_space<vmem>>) offsets(%dma_start3A_485 : memref<128xi32, #tpu.memory_space<vmem>>) semaphore(%arg13 : memref<!tpu.dma_semaphore, #tpu.memory_space<semaphore_mem>>)
      %dma_wait3A_489 = arith.constant 5 : i32
      %dma_wait3A_490 = arith.constant 0 : i32
      %dma_wait3A_491 = tpu.memref_slice %arg8[%dma_wait3A_489, %dma_wait3A_490] : memref<8x128xi32, #tpu.memory_space<vmem>> -> memref<1x128xi32, #tpu.memory_space<vmem>>
      %dma_wait3A_492 = tpu.memref_squeeze %dma_wait3A_491 : memref<1x128xi32, #tpu.memory_space<vmem>> -> memref<128xi32, #tpu.memory_space<vmem>>
      %dma_wait3A_493 = arith.constant 0 : i32
      %dma_wait3A_494 = arith.constant 0 : i32
      %dma_wait3A_495 = tpu.memref_slice %arg2[%dma_wait3A_493, %dma_wait3A_494] : memref<10240x128xf32, #tpu.memory_space<hbm>> -> memref<10240x128xf32, #tpu.memory_space<hbm>>
      tpu.wait_indirect_dma semaphore(%arg14 : memref<!tpu.dma_semaphore, #tpu.memory_space<semaphore_mem>>) src(%dma_wait3A_495 : memref<10240x128xf32, #tpu.memory_space<hbm>>) dst(%arg12 : memref<128x128xf32, #tpu.memory_space<vmem>>)
      %dma_start3A_496 = arith.constant 5 : i32
      %dma_start3A_497 = arith.constant 0 : i32
      %dma_start3A_498 = tpu.memref_slice %arg10[%dma_start3A_496, %dma_start3A_497] : memref<8x128xi32, #tpu.memory_space<vmem>> -> memref<1x128xi32, #tpu.memory_space<vmem>>
      %dma_start3A_499 = tpu.memref_squeeze %dma_start3A_498 : memref<1x128xi32, #tpu.memory_space<vmem>> -> memref<128xi32, #tpu.memory_space<vmem>>
      %dma_start3A_500 = arith.constant 0 : i32
      %dma_start3A_501 = arith.constant 0 : i32
      %dma_start3A_502 = tpu.memref_slice %arg6[%dma_start3A_500, %dma_start3A_501] : memref<10240x128xf32, #tpu.memory_space<vmem_shared>> -> memref<10240x128xf32, #tpu.memory_space<vmem_shared>>
      tpu.enqueue_indirect_dma source(%arg12 : memref<128x128xf32, #tpu.memory_space<vmem>>) target(%dma_start3A_502 : memref<10240x128xf32, #tpu.memory_space<vmem_shared>>) offsets(%dma_start3A_499 : memref<128xi32, #tpu.memory_space<vmem>>) semaphore(%arg16 : memref<!tpu.dma_semaphore, #tpu.memory_space<semaphore_mem>>) {add = true}
      %dma_wait3A_503 = arith.constant 5 : i32
      %dma_wait3A_504 = arith.constant 0 : i32
      %dma_wait3A_505 = tpu.memref_slice %arg10[%dma_wait3A_503, %dma_wait3A_504] : memref<8x128xi32, #tpu.memory_space<vmem>> -> memref<1x128xi32, #tpu.memory_space<vmem>>
      %dma_wait3A_506 = tpu.memref_squeeze %dma_wait3A_505 : memref<1x128xi32, #tpu.memory_space<vmem>> -> memref<128xi32, #tpu.memory_space<vmem>>
      %dma_wait3A_507 = arith.constant 0 : i32
      %dma_wait3A_508 = arith.constant 0 : i32
      %dma_wait3A_509 = tpu.memref_slice %arg6[%dma_wait3A_507, %dma_wait3A_508] : memref<10240x128xf32, #tpu.memory_space<vmem_shared>> -> memref<10240x128xf32, #tpu.memory_space<vmem_shared>>
      tpu.wait_indirect_dma semaphore(%arg16 : memref<!tpu.dma_semaphore, #tpu.memory_space<semaphore_mem>>) src(%arg12 : memref<128x128xf32, #tpu.memory_space<vmem>>) dst(%dma_wait3A_509 : memref<10240x128xf32, #tpu.memory_space<vmem_shared>>)
      %dma_start3A_510 = arith.constant 7 : i32
      %dma_start3A_511 = arith.constant 0 : i32
      %dma_start3A_512 = tpu.memref_slice %arg8[%dma_start3A_510, %dma_start3A_511] : memref<8x128xi32, #tpu.memory_space<vmem>> -> memref<1x128xi32, #tpu.memory_space<vmem>>
      %dma_start3A_513 = tpu.memref_squeeze %dma_start3A_512 : memref<1x128xi32, #tpu.memory_space<vmem>> -> memref<128xi32, #tpu.memory_space<vmem>>
      %dma_start3A_514 = arith.constant 0 : i32
      %dma_start3A_515 = arith.constant 0 : i32
      %dma_start3A_516 = tpu.memref_slice %arg2[%dma_start3A_514, %dma_start3A_515] : memref<10240x128xf32, #tpu.memory_space<hbm>> -> memref<10240x128xf32, #tpu.memory_space<hbm>>
      tpu.enqueue_indirect_dma source(%dma_start3A_516 : memref<10240x128xf32, #tpu.memory_space<hbm>>) target(%arg12 : memref<128x128xf32, #tpu.memory_space<vmem>>) offsets(%dma_start3A_513 : memref<128xi32, #tpu.memory_space<vmem>>) semaphore(%arg14 : memref<!tpu.dma_semaphore, #tpu.memory_space<semaphore_mem>>)
      %dma_wait3A_517 = arith.constant 6 : i32
      %dma_wait3A_518 = arith.constant 0 : i32
      %dma_wait3A_519 = tpu.memref_slice %arg8[%dma_wait3A_517, %dma_wait3A_518] : memref<8x128xi32, #tpu.memory_space<vmem>> -> memref<1x128xi32, #tpu.memory_space<vmem>>
      %dma_wait3A_520 = tpu.memref_squeeze %dma_wait3A_519 : memref<1x128xi32, #tpu.memory_space<vmem>> -> memref<128xi32, #tpu.memory_space<vmem>>
      %dma_wait3A_521 = arith.constant 0 : i32
      %dma_wait3A_522 = arith.constant 0 : i32
      %dma_wait3A_523 = tpu.memref_slice %arg2[%dma_wait3A_521, %dma_wait3A_522] : memref<10240x128xf32, #tpu.memory_space<hbm>> -> memref<10240x128xf32, #tpu.memory_space<hbm>>
      tpu.wait_indirect_dma semaphore(%arg13 : memref<!tpu.dma_semaphore, #tpu.memory_space<semaphore_mem>>) src(%dma_wait3A_523 : memref<10240x128xf32, #tpu.memory_space<hbm>>) dst(%arg11 : memref<128x128xf32, #tpu.memory_space<vmem>>)
      %dma_start3A_524 = arith.constant 6 : i32
      %dma_start3A_525 = arith.constant 0 : i32
      %dma_start3A_526 = tpu.memref_slice %arg10[%dma_start3A_524, %dma_start3A_525] : memref<8x128xi32, #tpu.memory_space<vmem>> -> memref<1x128xi32, #tpu.memory_space<vmem>>
      %dma_start3A_527 = tpu.memref_squeeze %dma_start3A_526 : memref<1x128xi32, #tpu.memory_space<vmem>> -> memref<128xi32, #tpu.memory_space<vmem>>
      %dma_start3A_528 = arith.constant 0 : i32
      %dma_start3A_529 = arith.constant 0 : i32
      %dma_start3A_530 = tpu.memref_slice %arg6[%dma_start3A_528, %dma_start3A_529] : memref<10240x128xf32, #tpu.memory_space<vmem_shared>> -> memref<10240x128xf32, #tpu.memory_space<vmem_shared>>
      tpu.enqueue_indirect_dma source(%arg11 : memref<128x128xf32, #tpu.memory_space<vmem>>) target(%dma_start3A_530 : memref<10240x128xf32, #tpu.memory_space<vmem_shared>>) offsets(%dma_start3A_527 : memref<128xi32, #tpu.memory_space<vmem>>) semaphore(%arg15 : memref<!tpu.dma_semaphore, #tpu.memory_space<semaphore_mem>>) {add = true}
      %dma_wait3A_531 = arith.constant 7 : i32
      %dma_wait3A_532 = arith.constant 0 : i32
      %dma_wait3A_533 = tpu.memref_slice %arg8[%dma_wait3A_531, %dma_wait3A_532] : memref<8x128xi32, #tpu.memory_space<vmem>> -> memref<1x128xi32, #tpu.memory_space<vmem>>
      %dma_wait3A_534 = tpu.memref_squeeze %dma_wait3A_533 : memref<1x128xi32, #tpu.memory_space<vmem>> -> memref<128xi32, #tpu.memory_space<vmem>>
      %dma_wait3A_535 = arith.constant 0 : i32
      %dma_wait3A_536 = arith.constant 0 : i32
      %dma_wait3A_537 = tpu.memref_slice %arg2[%dma_wait3A_535, %dma_wait3A_536] : memref<10240x128xf32, #tpu.memory_space<hbm>> -> memref<10240x128xf32, #tpu.memory_space<hbm>>
      tpu.wait_indirect_dma semaphore(%arg14 : memref<!tpu.dma_semaphore, #tpu.memory_space<semaphore_mem>>) src(%dma_wait3A_537 : memref<10240x128xf32, #tpu.memory_space<hbm>>) dst(%arg12 : memref<128x128xf32, #tpu.memory_space<vmem>>)
      %dma_start3A_538 = arith.constant 7 : i32
      %dma_start3A_539 = arith.constant 0 : i32
      %dma_start3A_540 = tpu.memref_slice %arg10[%dma_start3A_538, %dma_start3A_539] : memref<8x128xi32, #tpu.memory_space<vmem>> -> memref<1x128xi32, #tpu.memory_space<vmem>>
      %dma_start3A_541 = tpu.memref_squeeze %dma_start3A_540 : memref<1x128xi32, #tpu.memory_space<vmem>> -> memref<128xi32, #tpu.memory_space<vmem>>
      %dma_start3A_542 = arith.constant 0 : i32
      %dma_start3A_543 = arith.constant 0 : i32
      %dma_start3A_544 = tpu.memref_slice %arg6[%dma_start3A_542, %dma_start3A_543] : memref<10240x128xf32, #tpu.memory_space<vmem_shared>> -> memref<10240x128xf32, #tpu.memory_space<vmem_shared>>
      tpu.enqueue_indirect_dma source(%arg12 : memref<128x128xf32, #tpu.memory_space<vmem>>) target(%dma_start3A_544 : memref<10240x128xf32, #tpu.memory_space<vmem_shared>>) offsets(%dma_start3A_541 : memref<128xi32, #tpu.memory_space<vmem>>) semaphore(%arg16 : memref<!tpu.dma_semaphore, #tpu.memory_space<semaphore_mem>>) {add = true}
      %dma_wait3A_545 = arith.constant 6 : i32
      %dma_wait3A_546 = arith.constant 0 : i32
      %dma_wait3A_547 = tpu.memref_slice %arg10[%dma_wait3A_545, %dma_wait3A_546] : memref<8x128xi32, #tpu.memory_space<vmem>> -> memref<1x128xi32, #tpu.memory_space<vmem>>
      %dma_wait3A_548 = tpu.memref_squeeze %dma_wait3A_547 : memref<1x128xi32, #tpu.memory_space<vmem>> -> memref<128xi32, #tpu.memory_space<vmem>>
      %dma_wait3A_549 = arith.constant 0 : i32
      %dma_wait3A_550 = arith.constant 0 : i32
      %dma_wait3A_551 = tpu.memref_slice %arg6[%dma_wait3A_549, %dma_wait3A_550] : memref<10240x128xf32, #tpu.memory_space<vmem_shared>> -> memref<10240x128xf32, #tpu.memory_space<vmem_shared>>
      tpu.wait_indirect_dma semaphore(%arg15 : memref<!tpu.dma_semaphore, #tpu.memory_space<semaphore_mem>>) src(%arg11 : memref<128x128xf32, #tpu.memory_space<vmem>>) dst(%dma_wait3A_551 : memref<10240x128xf32, #tpu.memory_space<vmem_shared>>)
      %dma_wait3A_552 = arith.constant 7 : i32
      %dma_wait3A_553 = arith.constant 0 : i32
      %dma_wait3A_554 = tpu.memref_slice %arg10[%dma_wait3A_552, %dma_wait3A_553] : memref<8x128xi32, #tpu.memory_space<vmem>> -> memref<1x128xi32, #tpu.memory_space<vmem>>
      %dma_wait3A_555 = tpu.memref_squeeze %dma_wait3A_554 : memref<1x128xi32, #tpu.memory_space<vmem>> -> memref<128xi32, #tpu.memory_space<vmem>>
      %dma_wait3A_556 = arith.constant 0 : i32
      %dma_wait3A_557 = arith.constant 0 : i32
      %dma_wait3A_558 = tpu.memref_slice %arg6[%dma_wait3A_556, %dma_wait3A_557] : memref<10240x128xf32, #tpu.memory_space<vmem_shared>> -> memref<10240x128xf32, #tpu.memory_space<vmem_shared>>
      tpu.wait_indirect_dma semaphore(%arg16 : memref<!tpu.dma_semaphore, #tpu.memory_space<semaphore_mem>>) src(%arg12 : memref<128x128xf32, #tpu.memory_space<vmem>>) dst(%dma_wait3A_558 : memref<10240x128xf32, #tpu.memory_space<vmem_shared>>)
      %dma_wait3A_559 = arith.constant 0 : i32
      %dma_wait3A_560 = tpu.memref_slice %arg3[%add3A, %min3A_322, %dma_wait3A_559] : memref<32x80x128xi32, #tpu.memory_space<hbm>> -> memref<1x8x128xi32, #tpu.memory_space<hbm>>
      %dma_wait3A_561 = tpu.memref_squeeze %dma_wait3A_560 : memref<1x8x128xi32, #tpu.memory_space<hbm>> -> memref<8x128xi32, #tpu.memory_space<hbm>>
      %dma_wait3A_562 = arith.constant 0 : i32
      %dma_wait3A_563 = tpu.memref_slice %arg3[%add3A, %min3A_322, %dma_wait3A_562] : memref<32x80x128xi32, #tpu.memory_space<hbm>> -> memref<1x8x128xi32, #tpu.memory_space<hbm>>
      %dma_wait3A_564 = tpu.memref_squeeze %dma_wait3A_563 : memref<1x8x128xi32, #tpu.memory_space<hbm>> -> memref<8x128xi32, #tpu.memory_space<hbm>>
      tpu.wait_dma2 semaphore(%arg17 : memref<!tpu.dma_semaphore, #tpu.memory_space<semaphore_mem>>) src(%dma_wait3A_564 : memref<8x128xi32, #tpu.memory_space<hbm>>) dst(%arg7 : memref<8x128xi32, #tpu.memory_space<vmem>>)
      %dma_wait3A_565 = arith.constant 0 : i32
      %dma_wait3A_566 = tpu.memref_slice %arg4[%add3A, %min3A_322, %dma_wait3A_565] : memref<32x80x128xi32, #tpu.memory_space<hbm>> -> memref<1x8x128xi32, #tpu.memory_space<hbm>>
      %dma_wait3A_567 = tpu.memref_squeeze %dma_wait3A_566 : memref<1x8x128xi32, #tpu.memory_space<hbm>> -> memref<8x128xi32, #tpu.memory_space<hbm>>
      %dma_wait3A_568 = arith.constant 0 : i32
      %dma_wait3A_569 = tpu.memref_slice %arg4[%add3A, %min3A_322, %dma_wait3A_568] : memref<32x80x128xi32, #tpu.memory_space<hbm>> -> memref<1x8x128xi32, #tpu.memory_space<hbm>>
      %dma_wait3A_570 = tpu.memref_squeeze %dma_wait3A_569 : memref<1x8x128xi32, #tpu.memory_space<hbm>> -> memref<8x128xi32, #tpu.memory_space<hbm>>
      tpu.wait_dma2 semaphore(%arg18 : memref<!tpu.dma_semaphore, #tpu.memory_space<semaphore_mem>>) src(%dma_wait3A_570 : memref<8x128xi32, #tpu.memory_space<hbm>>) dst(%arg9 : memref<8x128xi32, #tpu.memory_space<vmem>>)
    }
    %scan3A_53 = arith.constant 5 : i32
    %barrier3A_54 = arith.constant 0 : index
    tpu.barrier barrier_id(%barrier3A_54)
    "tpu.region"() ({
      %run_scoped3A = tpu.sem_alloc : memref<!tpu.dma_semaphore, #tpu.memory_space<semaphore_mem>>
      %dma_start3A_55 = arith.constant 0 : i32
      %dma_start3A_56 = tpu.memref_slice %arg5[%arg0, %mul3A_2, %dma_start3A_55] : memref<2x10240x128xf32, #tpu.memory_space<hbm>> -> memref<1x640x128xf32, #tpu.memory_space<hbm>>
      %dma_start3A_57 = tpu.memref_squeeze %dma_start3A_56 : memref<1x640x128xf32, #tpu.memory_space<hbm>> -> memref<640x128xf32, #tpu.memory_space<hbm>>
      %dma_start3A_58 = arith.constant 0 : i32
      %dma_start3A_59 = tpu.memref_slice %arg6[%mul3A_2, %dma_start3A_58] : memref<10240x128xf32, #tpu.memory_space<vmem_shared>> -> memref<640x128xf32, #tpu.memory_space<vmem_shared>>
      tpu.enqueue_dma source(%dma_start3A_59 : memref<640x128xf32, #tpu.memory_space<vmem_shared>>) target(%dma_start3A_57 : memref<640x128xf32, #tpu.memory_space<hbm>>) target_semaphore(%run_scoped3A : memref<!tpu.dma_semaphore, #tpu.memory_space<semaphore_mem>>)
      %dma_wait3A_60 = arith.constant 0 : i32
      %dma_wait3A_61 = tpu.memref_slice %arg5[%arg0, %mul3A_2, %dma_wait3A_60] : memref<2x10240x128xf32, #tpu.memory_space<hbm>> -> memref<1x640x128xf32, #tpu.memory_space<hbm>>
      %dma_wait3A_62 = tpu.memref_squeeze %dma_wait3A_61 : memref<1x640x128xf32, #tpu.memory_space<hbm>> -> memref<640x128xf32, #tpu.memory_space<hbm>>
      %dma_wait3A_63 = arith.constant 0 : i32
      %dma_wait3A_64 = tpu.memref_slice %arg6[%mul3A_2, %dma_wait3A_63] : memref<10240x128xf32, #tpu.memory_space<vmem_shared>> -> memref<640x128xf32, #tpu.memory_space<vmem_shared>>
      tpu.wait_dma2 semaphore(%run_scoped3A : memref<!tpu.dma_semaphore, #tpu.memory_space<semaphore_mem>>) src(%dma_wait3A_64 : memref<640x128xf32, #tpu.memory_space<vmem_shared>>) dst(%dma_wait3A_62 : memref<640x128xf32, #tpu.memory_space<hbm>>)
      tpu.yield
    }) : () -> ()
    return
  }
}

#map = affine_map<(d0, d1) -> (0, 0, 0)>
module attributes {stable_mosaic.version = 14 : i64} {
  func.func @k(%arg0: i32, %arg1: i32, %arg2: memref<32x80x128xi32, #tpu.memory_space<hbm>>, %arg3: memref<2x10240x128xf32, #tpu.memory_space<hbm>>, %arg4: memref<10240xf32, #tpu.memory_space<vmem_shared>>, %arg5: memref<80x128xi32, #tpu.memory_space<vmem>>, %arg6: memref<128xf32, #tpu.memory_space<vmem>>, %arg7: memref<128xf32, #tpu.memory_space<vmem>>, %arg8: memref<640xf32, #tpu.memory_space<vmem>>, %arg9: memref<640x128xf32, #tpu.memory_space<vmem>>, %arg10: memref<!tpu.dma_semaphore, #tpu.memory_space<semaphore_mem>>, %arg11: memref<!tpu.dma_semaphore, #tpu.memory_space<semaphore_mem>>, %arg12: memref<!tpu.dma_semaphore, #tpu.memory_space<semaphore_mem>>, %arg13: memref<!tpu.dma_semaphore, #tpu.memory_space<semaphore_mem>>, %arg14: memref<!tpu.dma_semaphore, #tpu.memory_space<semaphore_mem>>) attributes {dimension_semantics = [#tpu.dimension_semantics<core_parallel>, #tpu.dimension_semantics<subcore_parallel>], iteration_bounds = array<i64: 2, 16>, scalar_prefetch = 0 : i64, scratch_operands = 11 : i64, tpu.core_type = #tpu.core_type<sc_vector_subcore>, window_params = [{transform_indices = #map}, {transform_indices = #map}]} {
    %mul3A = arith.constant 16 : i32
    %mul3A_0 = arith.muli %arg0, %mul3A : i32
    %add3A = arith.addi %mul3A_0, %arg1 : i32
    %mul3A_1 = arith.constant 640 : i32
    %mul3A_2 = arith.muli %arg1, %mul3A_1 : i32
    %dma_start3A = arith.constant 0 : i32
    %dma_start3A_3 = arith.constant 0 : i32
    %dma_start3A_4 = tpu.memref_slice %arg2[%add3A, %dma_start3A, %dma_start3A_3] : memref<32x80x128xi32, #tpu.memory_space<hbm>> -> memref<1x80x128xi32, #tpu.memory_space<hbm>>
    %dma_start3A_5 = tpu.memref_squeeze %dma_start3A_4 : memref<1x80x128xi32, #tpu.memory_space<hbm>> -> memref<80x128xi32, #tpu.memory_space<hbm>>
    %dma_start3A_6 = arith.constant 0 : i32
    %dma_start3A_7 = arith.constant 0 : i32
    %dma_start3A_8 = tpu.memref_slice %arg2[%add3A, %dma_start3A_6, %dma_start3A_7] : memref<32x80x128xi32, #tpu.memory_space<hbm>> -> memref<1x80x128xi32, #tpu.memory_space<hbm>>
    %dma_start3A_9 = tpu.memref_squeeze %dma_start3A_8 : memref<1x80x128xi32, #tpu.memory_space<hbm>> -> memref<80x128xi32, #tpu.memory_space<hbm>>
    tpu.enqueue_dma source(%dma_start3A_9 : memref<80x128xi32, #tpu.memory_space<hbm>>) target(%arg5 : memref<80x128xi32, #tpu.memory_space<vmem>>) target_semaphore(%arg14 : memref<!tpu.dma_semaphore, #tpu.memory_space<semaphore_mem>>)
    %broadcast_in_dim3A = arith.constant 0.000000e+00 : f32
    %broadcast_in_dim3A_10 = vector.broadcast %broadcast_in_dim3A : f32 to vector<16xf32>
    %swap3A = arith.constant 0 : index
    %swap3A_11 = tpu.vector_load %arg7[%swap3A] {strides = array<i32>} : memref<128xf32, #tpu.memory_space<vmem>>, vector<16xf32>,
    %swap3A_12 = vector.shape_cast %swap3A_11 : vector<16xf32> to vector<16xf32>
    %swap3A_13 = vector.shape_cast %broadcast_in_dim3A_10 : vector<16xf32> to vector<16xf32>
    tpu.vector_store %arg7[%swap3A], %swap3A_13 {strides = array<i32>} : memref<128xf32, #tpu.memory_space<vmem>>, vector<16xf32>,
    %broadcast_in_dim3A_14 = arith.constant 1.000000e+00 : f32
    %broadcast_in_dim3A_15 = vector.broadcast %broadcast_in_dim3A_14 : f32 to vector<16xf32>
    %swap3A_16 = arith.constant 0 : index
    %swap3A_17 = tpu.vector_load %arg6[%swap3A_16] {strides = array<i32>} : memref<128xf32, #tpu.memory_space<vmem>>, vector<16xf32>,
    %swap3A_18 = vector.shape_cast %swap3A_17 : vector<16xf32> to vector<16xf32>
    %swap3A_19 = vector.shape_cast %broadcast_in_dim3A_15 : vector<16xf32> to vector<16xf32>
    tpu.vector_store %arg6[%swap3A_16], %swap3A_19 {strides = array<i32>} : memref<128xf32, #tpu.memory_space<vmem>>, vector<16xf32>,
    %broadcast_in_dim3A_20 = arith.constant 0.000000e+00 : f32
    %broadcast_in_dim3A_21 = vector.broadcast %broadcast_in_dim3A_20 : f32 to vector<16xf32>
    %swap3A_22 = arith.constant 16 : index
    %swap3A_23 = tpu.vector_load %arg7[%swap3A_22] {strides = array<i32>} : memref<128xf32, #tpu.memory_space<vmem>>, vector<16xf32>,
    %swap3A_24 = vector.shape_cast %swap3A_23 : vector<16xf32> to vector<16xf32>
    %swap3A_25 = vector.shape_cast %broadcast_in_dim3A_21 : vector<16xf32> to vector<16xf32>
    tpu.vector_store %arg7[%swap3A_22], %swap3A_25 {strides = array<i32>} : memref<128xf32, #tpu.memory_space<vmem>>, vector<16xf32>,
    %broadcast_in_dim3A_26 = arith.constant 1.000000e+00 : f32
    %broadcast_in_dim3A_27 = vector.broadcast %broadcast_in_dim3A_26 : f32 to vector<16xf32>
    %swap3A_28 = arith.constant 16 : index
    %swap3A_29 = tpu.vector_load %arg6[%swap3A_28] {strides = array<i32>} : memref<128xf32, #tpu.memory_space<vmem>>, vector<16xf32>,
    %swap3A_30 = vector.shape_cast %swap3A_29 : vector<16xf32> to vector<16xf32>
    %swap3A_31 = vector.shape_cast %broadcast_in_dim3A_27 : vector<16xf32> to vector<16xf32>
    tpu.vector_store %arg6[%swap3A_28], %swap3A_31 {strides = array<i32>} : memref<128xf32, #tpu.memory_space<vmem>>, vector<16xf32>,
    %broadcast_in_dim3A_32 = arith.constant 0.000000e+00 : f32
    %broadcast_in_dim3A_33 = vector.broadcast %broadcast_in_dim3A_32 : f32 to vector<16xf32>
    %swap3A_34 = arith.constant 32 : index
    %swap3A_35 = tpu.vector_load %arg7[%swap3A_34] {strides = array<i32>} : memref<128xf32, #tpu.memory_space<vmem>>, vector<16xf32>,
    %swap3A_36 = vector.shape_cast %swap3A_35 : vector<16xf32> to vector<16xf32>
    %swap3A_37 = vector.shape_cast %broadcast_in_dim3A_33 : vector<16xf32> to vector<16xf32>
    tpu.vector_store %arg7[%swap3A_34], %swap3A_37 {strides = array<i32>} : memref<128xf32, #tpu.memory_space<vmem>>, vector<16xf32>,
    %broadcast_in_dim3A_38 = arith.constant 1.000000e+00 : f32
    %broadcast_in_dim3A_39 = vector.broadcast %broadcast_in_dim3A_38 : f32 to vector<16xf32>
    %swap3A_40 = arith.constant 32 : index
    %swap3A_41 = tpu.vector_load %arg6[%swap3A_40] {strides = array<i32>} : memref<128xf32, #tpu.memory_space<vmem>>, vector<16xf32>,
    %swap3A_42 = vector.shape_cast %swap3A_41 : vector<16xf32> to vector<16xf32>
    %swap3A_43 = vector.shape_cast %broadcast_in_dim3A_39 : vector<16xf32> to vector<16xf32>
    tpu.vector_store %arg6[%swap3A_40], %swap3A_43 {strides = array<i32>} : memref<128xf32, #tpu.memory_space<vmem>>, vector<16xf32>,
    %broadcast_in_dim3A_44 = arith.constant 0.000000e+00 : f32
    %broadcast_in_dim3A_45 = vector.broadcast %broadcast_in_dim3A_44 : f32 to vector<16xf32>
    %swap3A_46 = arith.constant 48 : index
    %swap3A_47 = tpu.vector_load %arg7[%swap3A_46] {strides = array<i32>} : memref<128xf32, #tpu.memory_space<vmem>>, vector<16xf32>,
    %swap3A_48 = vector.shape_cast %swap3A_47 : vector<16xf32> to vector<16xf32>
    %swap3A_49 = vector.shape_cast %broadcast_in_dim3A_45 : vector<16xf32> to vector<16xf32>
    tpu.vector_store %arg7[%swap3A_46], %swap3A_49 {strides = array<i32>} : memref<128xf32, #tpu.memory_space<vmem>>, vector<16xf32>,
    %broadcast_in_dim3A_50 = arith.constant 1.000000e+00 : f32
    %broadcast_in_dim3A_51 = vector.broadcast %broadcast_in_dim3A_50 : f32 to vector<16xf32>
    %swap3A_52 = arith.constant 48 : index
    %swap3A_53 = tpu.vector_load %arg6[%swap3A_52] {strides = array<i32>} : memref<128xf32, #tpu.memory_space<vmem>>, vector<16xf32>,
    %swap3A_54 = vector.shape_cast %swap3A_53 : vector<16xf32> to vector<16xf32>
    %swap3A_55 = vector.shape_cast %broadcast_in_dim3A_51 : vector<16xf32> to vector<16xf32>
    tpu.vector_store %arg6[%swap3A_52], %swap3A_55 {strides = array<i32>} : memref<128xf32, #tpu.memory_space<vmem>>, vector<16xf32>,
    %broadcast_in_dim3A_56 = arith.constant 0.000000e+00 : f32
    %broadcast_in_dim3A_57 = vector.broadcast %broadcast_in_dim3A_56 : f32 to vector<16xf32>
    %swap3A_58 = arith.constant 64 : index
    %swap3A_59 = tpu.vector_load %arg7[%swap3A_58] {strides = array<i32>} : memref<128xf32, #tpu.memory_space<vmem>>, vector<16xf32>,
    %swap3A_60 = vector.shape_cast %swap3A_59 : vector<16xf32> to vector<16xf32>
    %swap3A_61 = vector.shape_cast %broadcast_in_dim3A_57 : vector<16xf32> to vector<16xf32>
    tpu.vector_store %arg7[%swap3A_58], %swap3A_61 {strides = array<i32>} : memref<128xf32, #tpu.memory_space<vmem>>, vector<16xf32>,
    %broadcast_in_dim3A_62 = arith.constant 1.000000e+00 : f32
    %broadcast_in_dim3A_63 = vector.broadcast %broadcast_in_dim3A_62 : f32 to vector<16xf32>
    %swap3A_64 = arith.constant 64 : index
    %swap3A_65 = tpu.vector_load %arg6[%swap3A_64] {strides = array<i32>} : memref<128xf32, #tpu.memory_space<vmem>>, vector<16xf32>,
    %swap3A_66 = vector.shape_cast %swap3A_65 : vector<16xf32> to vector<16xf32>
    %swap3A_67 = vector.shape_cast %broadcast_in_dim3A_63 : vector<16xf32> to vector<16xf32>
    tpu.vector_store %arg6[%swap3A_64], %swap3A_67 {strides = array<i32>} : memref<128xf32, #tpu.memory_space<vmem>>, vector<16xf32>,
    %broadcast_in_dim3A_68 = arith.constant 0.000000e+00 : f32
    %broadcast_in_dim3A_69 = vector.broadcast %broadcast_in_dim3A_68 : f32 to vector<16xf32>
    %swap3A_70 = arith.constant 80 : index
    %swap3A_71 = tpu.vector_load %arg7[%swap3A_70] {strides = array<i32>} : memref<128xf32, #tpu.memory_space<vmem>>, vector<16xf32>,
    %swap3A_72 = vector.shape_cast %swap3A_71 : vector<16xf32> to vector<16xf32>
    %swap3A_73 = vector.shape_cast %broadcast_in_dim3A_69 : vector<16xf32> to vector<16xf32>
    tpu.vector_store %arg7[%swap3A_70], %swap3A_73 {strides = array<i32>} : memref<128xf32, #tpu.memory_space<vmem>>, vector<16xf32>,
    %broadcast_in_dim3A_74 = arith.constant 1.000000e+00 : f32
    %broadcast_in_dim3A_75 = vector.broadcast %broadcast_in_dim3A_74 : f32 to vector<16xf32>
    %swap3A_76 = arith.constant 80 : index
    %swap3A_77 = tpu.vector_load %arg6[%swap3A_76] {strides = array<i32>} : memref<128xf32, #tpu.memory_space<vmem>>, vector<16xf32>,
    %swap3A_78 = vector.shape_cast %swap3A_77 : vector<16xf32> to vector<16xf32>
    %swap3A_79 = vector.shape_cast %broadcast_in_dim3A_75 : vector<16xf32> to vector<16xf32>
    tpu.vector_store %arg6[%swap3A_76], %swap3A_79 {strides = array<i32>} : memref<128xf32, #tpu.memory_space<vmem>>, vector<16xf32>,
    %broadcast_in_dim3A_80 = arith.constant 0.000000e+00 : f32
    %broadcast_in_dim3A_81 = vector.broadcast %broadcast_in_dim3A_80 : f32 to vector<16xf32>
    %swap3A_82 = arith.constant 96 : index
    %swap3A_83 = tpu.vector_load %arg7[%swap3A_82] {strides = array<i32>} : memref<128xf32, #tpu.memory_space<vmem>>, vector<16xf32>,
    %swap3A_84 = vector.shape_cast %swap3A_83 : vector<16xf32> to vector<16xf32>
    %swap3A_85 = vector.shape_cast %broadcast_in_dim3A_81 : vector<16xf32> to vector<16xf32>
    tpu.vector_store %arg7[%swap3A_82], %swap3A_85 {strides = array<i32>} : memref<128xf32, #tpu.memory_space<vmem>>, vector<16xf32>,
    %broadcast_in_dim3A_86 = arith.constant 1.000000e+00 : f32
    %broadcast_in_dim3A_87 = vector.broadcast %broadcast_in_dim3A_86 : f32 to vector<16xf32>
    %swap3A_88 = arith.constant 96 : index
    %swap3A_89 = tpu.vector_load %arg6[%swap3A_88] {strides = array<i32>} : memref<128xf32, #tpu.memory_space<vmem>>, vector<16xf32>,
    %swap3A_90 = vector.shape_cast %swap3A_89 : vector<16xf32> to vector<16xf32>
    %swap3A_91 = vector.shape_cast %broadcast_in_dim3A_87 : vector<16xf32> to vector<16xf32>
    tpu.vector_store %arg6[%swap3A_88], %swap3A_91 {strides = array<i32>} : memref<128xf32, #tpu.memory_space<vmem>>, vector<16xf32>,
    %broadcast_in_dim3A_92 = arith.constant 0.000000e+00 : f32
    %broadcast_in_dim3A_93 = vector.broadcast %broadcast_in_dim3A_92 : f32 to vector<16xf32>
    %swap3A_94 = arith.constant 112 : index
    %swap3A_95 = tpu.vector_load %arg7[%swap3A_94] {strides = array<i32>} : memref<128xf32, #tpu.memory_space<vmem>>, vector<16xf32>,
    %swap3A_96 = vector.shape_cast %swap3A_95 : vector<16xf32> to vector<16xf32>
    %swap3A_97 = vector.shape_cast %broadcast_in_dim3A_93 : vector<16xf32> to vector<16xf32>
    tpu.vector_store %arg7[%swap3A_94], %swap3A_97 {strides = array<i32>} : memref<128xf32, #tpu.memory_space<vmem>>, vector<16xf32>,
    %broadcast_in_dim3A_98 = arith.constant 1.000000e+00 : f32
    %broadcast_in_dim3A_99 = vector.broadcast %broadcast_in_dim3A_98 : f32 to vector<16xf32>
    %swap3A_100 = arith.constant 112 : index
    %swap3A_101 = tpu.vector_load %arg6[%swap3A_100] {strides = array<i32>} : memref<128xf32, #tpu.memory_space<vmem>>, vector<16xf32>,
    %swap3A_102 = vector.shape_cast %swap3A_101 : vector<16xf32> to vector<16xf32>
    %swap3A_103 = vector.shape_cast %broadcast_in_dim3A_99 : vector<16xf32> to vector<16xf32>
    tpu.vector_store %arg6[%swap3A_100], %swap3A_103 {strides = array<i32>} : memref<128xf32, #tpu.memory_space<vmem>>, vector<16xf32>,
    %add3A_104 = arith.constant 0 : i32
    %add3A_105 = arith.addi %mul3A_2, %add3A_104 : i32
    "tpu.region"() ({
      %run_scoped3A = tpu.sem_alloc : memref<!tpu.dma_semaphore, #tpu.memory_space<semaphore_mem>>
      %dma_start3A_133 = tpu.memref_slice %arg4[%add3A_105] : memref<10240xf32, #tpu.memory_space<vmem_shared>> -> memref<128xf32, #tpu.memory_space<vmem_shared>>
      %dma_start3A_134 = tpu.memref_slice %arg4[%add3A_105] : memref<10240xf32, #tpu.memory_space<vmem_shared>> -> memref<128xf32, #tpu.memory_space<vmem_shared>>
      tpu.enqueue_dma source(%arg7 : memref<128xf32, #tpu.memory_space<vmem>>) target(%dma_start3A_134 : memref<128xf32, #tpu.memory_space<vmem_shared>>) target_semaphore(%run_scoped3A : memref<!tpu.dma_semaphore, #tpu.memory_space<semaphore_mem>>)
      %dma_wait3A_135 = tpu.memref_slice %arg4[%add3A_105] : memref<10240xf32, #tpu.memory_space<vmem_shared>> -> memref<128xf32, #tpu.memory_space<vmem_shared>>
      %dma_wait3A_136 = tpu.memref_slice %arg4[%add3A_105] : memref<10240xf32, #tpu.memory_space<vmem_shared>> -> memref<128xf32, #tpu.memory_space<vmem_shared>>
      tpu.wait_dma2 semaphore(%run_scoped3A : memref<!tpu.dma_semaphore, #tpu.memory_space<semaphore_mem>>) src(%arg7 : memref<128xf32, #tpu.memory_space<vmem>>) dst(%dma_wait3A_136 : memref<128xf32, #tpu.memory_space<vmem_shared>>)
      tpu.yield
    }) : () -> ()
    %add3A_106 = arith.constant 128 : i32
    %add3A_107 = arith.addi %mul3A_2, %add3A_106 : i32
    "tpu.region"() ({
      %run_scoped3A = tpu.sem_alloc : memref<!tpu.dma_semaphore, #tpu.memory_space<semaphore_mem>>
      %dma_start3A_133 = tpu.memref_slice %arg4[%add3A_107] : memref<10240xf32, #tpu.memory_space<vmem_shared>> -> memref<128xf32, #tpu.memory_space<vmem_shared>>
      %dma_start3A_134 = tpu.memref_slice %arg4[%add3A_107] : memref<10240xf32, #tpu.memory_space<vmem_shared>> -> memref<128xf32, #tpu.memory_space<vmem_shared>>
      tpu.enqueue_dma source(%arg7 : memref<128xf32, #tpu.memory_space<vmem>>) target(%dma_start3A_134 : memref<128xf32, #tpu.memory_space<vmem_shared>>) target_semaphore(%run_scoped3A : memref<!tpu.dma_semaphore, #tpu.memory_space<semaphore_mem>>)
      %dma_wait3A_135 = tpu.memref_slice %arg4[%add3A_107] : memref<10240xf32, #tpu.memory_space<vmem_shared>> -> memref<128xf32, #tpu.memory_space<vmem_shared>>
      %dma_wait3A_136 = tpu.memref_slice %arg4[%add3A_107] : memref<10240xf32, #tpu.memory_space<vmem_shared>> -> memref<128xf32, #tpu.memory_space<vmem_shared>>
      tpu.wait_dma2 semaphore(%run_scoped3A : memref<!tpu.dma_semaphore, #tpu.memory_space<semaphore_mem>>) src(%arg7 : memref<128xf32, #tpu.memory_space<vmem>>) dst(%dma_wait3A_136 : memref<128xf32, #tpu.memory_space<vmem_shared>>)
      tpu.yield
    }) : () -> ()
    %add3A_108 = arith.constant 256 : i32
    %add3A_109 = arith.addi %mul3A_2, %add3A_108 : i32
    "tpu.region"() ({
      %run_scoped3A = tpu.sem_alloc : memref<!tpu.dma_semaphore, #tpu.memory_space<semaphore_mem>>
      %dma_start3A_133 = tpu.memref_slice %arg4[%add3A_109] : memref<10240xf32, #tpu.memory_space<vmem_shared>> -> memref<128xf32, #tpu.memory_space<vmem_shared>>
      %dma_start3A_134 = tpu.memref_slice %arg4[%add3A_109] : memref<10240xf32, #tpu.memory_space<vmem_shared>> -> memref<128xf32, #tpu.memory_space<vmem_shared>>
      tpu.enqueue_dma source(%arg7 : memref<128xf32, #tpu.memory_space<vmem>>) target(%dma_start3A_134 : memref<128xf32, #tpu.memory_space<vmem_shared>>) target_semaphore(%run_scoped3A : memref<!tpu.dma_semaphore, #tpu.memory_space<semaphore_mem>>)
      %dma_wait3A_135 = tpu.memref_slice %arg4[%add3A_109] : memref<10240xf32, #tpu.memory_space<vmem_shared>> -> memref<128xf32, #tpu.memory_space<vmem_shared>>
      %dma_wait3A_136 = tpu.memref_slice %arg4[%add3A_109] : memref<10240xf32, #tpu.memory_space<vmem_shared>> -> memref<128xf32, #tpu.memory_space<vmem_shared>>
      tpu.wait_dma2 semaphore(%run_scoped3A : memref<!tpu.dma_semaphore, #tpu.memory_space<semaphore_mem>>) src(%arg7 : memref<128xf32, #tpu.memory_space<vmem>>) dst(%dma_wait3A_136 : memref<128xf32, #tpu.memory_space<vmem_shared>>)
      tpu.yield
    }) : () -> ()
    %add3A_110 = arith.constant 384 : i32
    %add3A_111 = arith.addi %mul3A_2, %add3A_110 : i32
    "tpu.region"() ({
      %run_scoped3A = tpu.sem_alloc : memref<!tpu.dma_semaphore, #tpu.memory_space<semaphore_mem>>
      %dma_start3A_133 = tpu.memref_slice %arg4[%add3A_111] : memref<10240xf32, #tpu.memory_space<vmem_shared>> -> memref<128xf32, #tpu.memory_space<vmem_shared>>
      %dma_start3A_134 = tpu.memref_slice %arg4[%add3A_111] : memref<10240xf32, #tpu.memory_space<vmem_shared>> -> memref<128xf32, #tpu.memory_space<vmem_shared>>
      tpu.enqueue_dma source(%arg7 : memref<128xf32, #tpu.memory_space<vmem>>) target(%dma_start3A_134 : memref<128xf32, #tpu.memory_space<vmem_shared>>) target_semaphore(%run_scoped3A : memref<!tpu.dma_semaphore, #tpu.memory_space<semaphore_mem>>)
      %dma_wait3A_135 = tpu.memref_slice %arg4[%add3A_111] : memref<10240xf32, #tpu.memory_space<vmem_shared>> -> memref<128xf32, #tpu.memory_space<vmem_shared>>
      %dma_wait3A_136 = tpu.memref_slice %arg4[%add3A_111] : memref<10240xf32, #tpu.memory_space<vmem_shared>> -> memref<128xf32, #tpu.memory_space<vmem_shared>>
      tpu.wait_dma2 semaphore(%run_scoped3A : memref<!tpu.dma_semaphore, #tpu.memory_space<semaphore_mem>>) src(%arg7 : memref<128xf32, #tpu.memory_space<vmem>>) dst(%dma_wait3A_136 : memref<128xf32, #tpu.memory_space<vmem_shared>>)
      tpu.yield
    }) : () -> ()
    %add3A_112 = arith.constant 512 : i32
    %add3A_113 = arith.addi %mul3A_2, %add3A_112 : i32
    "tpu.region"() ({
      %run_scoped3A = tpu.sem_alloc : memref<!tpu.dma_semaphore, #tpu.memory_space<semaphore_mem>>
      %dma_start3A_133 = tpu.memref_slice %arg4[%add3A_113] : memref<10240xf32, #tpu.memory_space<vmem_shared>> -> memref<128xf32, #tpu.memory_space<vmem_shared>>
      %dma_start3A_134 = tpu.memref_slice %arg4[%add3A_113] : memref<10240xf32, #tpu.memory_space<vmem_shared>> -> memref<128xf32, #tpu.memory_space<vmem_shared>>
      tpu.enqueue_dma source(%arg7 : memref<128xf32, #tpu.memory_space<vmem>>) target(%dma_start3A_134 : memref<128xf32, #tpu.memory_space<vmem_shared>>) target_semaphore(%run_scoped3A : memref<!tpu.dma_semaphore, #tpu.memory_space<semaphore_mem>>)
      %dma_wait3A_135 = tpu.memref_slice %arg4[%add3A_113] : memref<10240xf32, #tpu.memory_space<vmem_shared>> -> memref<128xf32, #tpu.memory_space<vmem_shared>>
      %dma_wait3A_136 = tpu.memref_slice %arg4[%add3A_113] : memref<10240xf32, #tpu.memory_space<vmem_shared>> -> memref<128xf32, #tpu.memory_space<vmem_shared>>
      tpu.wait_dma2 semaphore(%run_scoped3A : memref<!tpu.dma_semaphore, #tpu.memory_space<semaphore_mem>>) src(%arg7 : memref<128xf32, #tpu.memory_space<vmem>>) dst(%dma_wait3A_136 : memref<128xf32, #tpu.memory_space<vmem_shared>>)
      tpu.yield
    }) : () -> ()
    %dma_wait3A = arith.constant 0 : i32
    %dma_wait3A_114 = arith.constant 0 : i32
    %dma_wait3A_115 = tpu.memref_slice %arg2[%add3A, %dma_wait3A, %dma_wait3A_114] : memref<32x80x128xi32, #tpu.memory_space<hbm>> -> memref<1x80x128xi32, #tpu.memory_space<hbm>>
    %dma_wait3A_116 = tpu.memref_squeeze %dma_wait3A_115 : memref<1x80x128xi32, #tpu.memory_space<hbm>> -> memref<80x128xi32, #tpu.memory_space<hbm>>
    %dma_wait3A_117 = arith.constant 0 : i32
    %dma_wait3A_118 = arith.constant 0 : i32
    %dma_wait3A_119 = tpu.memref_slice %arg2[%add3A, %dma_wait3A_117, %dma_wait3A_118] : memref<32x80x128xi32, #tpu.memory_space<hbm>> -> memref<1x80x128xi32, #tpu.memory_space<hbm>>
    %dma_wait3A_120 = tpu.memref_squeeze %dma_wait3A_119 : memref<1x80x128xi32, #tpu.memory_space<hbm>> -> memref<80x128xi32, #tpu.memory_space<hbm>>
    tpu.wait_dma2 semaphore(%arg14 : memref<!tpu.dma_semaphore, #tpu.memory_space<semaphore_mem>>) src(%dma_wait3A_120 : memref<80x128xi32, #tpu.memory_space<hbm>>) dst(%arg5 : memref<80x128xi32, #tpu.memory_space<vmem>>)
    %barrier3A = arith.constant 0 : index
    tpu.barrier barrier_id(%barrier3A)
    %scan3A = arith.constant 0 : i32
    %scan3A_121 = arith.constant 0 : i32
    %scan3A_122 = arith.constant 20 : i32
    %scan3A_123 = arith.addi %scan3A_121, %scan3A_122 : i32
    %scan3A_124 = arith.constant 1 : i32
    scf.for %scan3A_133 = %scan3A_121 to %scan3A_123 step %scan3A_124  : i32 {
      %mul3A_134 = arith.constant 4 : i32
      %mul3A_135 = arith.muli %mul3A_134, %scan3A_133 : i32
      %add3A_136 = arith.constant 0 : i32
      %add3A_137 = arith.addi %mul3A_135, %add3A_136 : i32
      %dma_start3A_138 = arith.constant 0 : i32
      %dma_start3A_139 = tpu.memref_slice %arg5[%add3A_137, %dma_start3A_138] : memref<80x128xi32, #tpu.memory_space<vmem>> -> memref<1x128xi32, #tpu.memory_space<vmem>>
      %dma_start3A_140 = tpu.memref_squeeze %dma_start3A_139 : memref<1x128xi32, #tpu.memory_space<vmem>> -> memref<128xi32, #tpu.memory_space<vmem>>
      %dma_start3A_141 = arith.constant 0 : i32
      %dma_start3A_142 = tpu.memref_slice %arg4[%dma_start3A_141] : memref<10240xf32, #tpu.memory_space<vmem_shared>> -> memref<10240xf32, #tpu.memory_space<vmem_shared>>
      tpu.enqueue_indirect_dma source(%arg6 : memref<128xf32, #tpu.memory_space<vmem>>) target(%dma_start3A_142 : memref<10240xf32, #tpu.memory_space<vmem_shared>>) offsets(%dma_start3A_140 : memref<128xi32, #tpu.memory_space<vmem>>) semaphore(%arg10 : memref<!tpu.dma_semaphore, #tpu.memory_space<semaphore_mem>>) {add = true}
      %mul3A_143 = arith.constant 4 : i32
      %mul3A_144 = arith.muli %mul3A_143, %scan3A_133 : i32
      %add3A_145 = arith.constant 1 : i32
      %add3A_146 = arith.addi %mul3A_144, %add3A_145 : i32
      %dma_start3A_147 = arith.constant 0 : i32
      %dma_start3A_148 = tpu.memref_slice %arg5[%add3A_146, %dma_start3A_147] : memref<80x128xi32, #tpu.memory_space<vmem>> -> memref<1x128xi32, #tpu.memory_space<vmem>>
      %dma_start3A_149 = tpu.memref_squeeze %dma_start3A_148 : memref<1x128xi32, #tpu.memory_space<vmem>> -> memref<128xi32, #tpu.memory_space<vmem>>
      %dma_start3A_150 = arith.constant 0 : i32
      %dma_start3A_151 = tpu.memref_slice %arg4[%dma_start3A_150] : memref<10240xf32, #tpu.memory_space<vmem_shared>> -> memref<10240xf32, #tpu.memory_space<vmem_shared>>
      tpu.enqueue_indirect_dma source(%arg6 : memref<128xf32, #tpu.memory_space<vmem>>) target(%dma_start3A_151 : memref<10240xf32, #tpu.memory_space<vmem_shared>>) offsets(%dma_start3A_149 : memref<128xi32, #tpu.memory_space<vmem>>) semaphore(%arg11 : memref<!tpu.dma_semaphore, #tpu.memory_space<semaphore_mem>>) {add = true}
      %mul3A_152 = arith.constant 4 : i32
      %mul3A_153 = arith.muli %mul3A_152, %scan3A_133 : i32
      %add3A_154 = arith.constant 2 : i32
      %add3A_155 = arith.addi %mul3A_153, %add3A_154 : i32
      %dma_start3A_156 = arith.constant 0 : i32
      %dma_start3A_157 = tpu.memref_slice %arg5[%add3A_155, %dma_start3A_156] : memref<80x128xi32, #tpu.memory_space<vmem>> -> memref<1x128xi32, #tpu.memory_space<vmem>>
      %dma_start3A_158 = tpu.memref_squeeze %dma_start3A_157 : memref<1x128xi32, #tpu.memory_space<vmem>> -> memref<128xi32, #tpu.memory_space<vmem>>
      %dma_start3A_159 = arith.constant 0 : i32
      %dma_start3A_160 = tpu.memref_slice %arg4[%dma_start3A_159] : memref<10240xf32, #tpu.memory_space<vmem_shared>> -> memref<10240xf32, #tpu.memory_space<vmem_shared>>
      tpu.enqueue_indirect_dma source(%arg6 : memref<128xf32, #tpu.memory_space<vmem>>) target(%dma_start3A_160 : memref<10240xf32, #tpu.memory_space<vmem_shared>>) offsets(%dma_start3A_158 : memref<128xi32, #tpu.memory_space<vmem>>) semaphore(%arg12 : memref<!tpu.dma_semaphore, #tpu.memory_space<semaphore_mem>>) {add = true}
      %mul3A_161 = arith.constant 4 : i32
      %mul3A_162 = arith.muli %mul3A_161, %scan3A_133 : i32
      %add3A_163 = arith.constant 3 : i32
      %add3A_164 = arith.addi %mul3A_162, %add3A_163 : i32
      %dma_start3A_165 = arith.constant 0 : i32
      %dma_start3A_166 = tpu.memref_slice %arg5[%add3A_164, %dma_start3A_165] : memref<80x128xi32, #tpu.memory_space<vmem>> -> memref<1x128xi32, #tpu.memory_space<vmem>>
      %dma_start3A_167 = tpu.memref_squeeze %dma_start3A_166 : memref<1x128xi32, #tpu.memory_space<vmem>> -> memref<128xi32, #tpu.memory_space<vmem>>
      %dma_start3A_168 = arith.constant 0 : i32
      %dma_start3A_169 = tpu.memref_slice %arg4[%dma_start3A_168] : memref<10240xf32, #tpu.memory_space<vmem_shared>> -> memref<10240xf32, #tpu.memory_space<vmem_shared>>
      tpu.enqueue_indirect_dma source(%arg6 : memref<128xf32, #tpu.memory_space<vmem>>) target(%dma_start3A_169 : memref<10240xf32, #tpu.memory_space<vmem_shared>>) offsets(%dma_start3A_167 : memref<128xi32, #tpu.memory_space<vmem>>) semaphore(%arg13 : memref<!tpu.dma_semaphore, #tpu.memory_space<semaphore_mem>>) {add = true}
      %dma_wait3A_170 = arith.constant 0 : i32
      %dma_wait3A_171 = tpu.memref_slice %arg5[%add3A_137, %dma_wait3A_170] : memref<80x128xi32, #tpu.memory_space<vmem>> -> memref<1x128xi32, #tpu.memory_space<vmem>>
      %dma_wait3A_172 = tpu.memref_squeeze %dma_wait3A_171 : memref<1x128xi32, #tpu.memory_space<vmem>> -> memref<128xi32, #tpu.memory_space<vmem>>
      %dma_wait3A_173 = arith.constant 0 : i32
      %dma_wait3A_174 = tpu.memref_slice %arg4[%dma_wait3A_173] : memref<10240xf32, #tpu.memory_space<vmem_shared>> -> memref<10240xf32, #tpu.memory_space<vmem_shared>>
      tpu.wait_indirect_dma semaphore(%arg10 : memref<!tpu.dma_semaphore, #tpu.memory_space<semaphore_mem>>) src(%arg6 : memref<128xf32, #tpu.memory_space<vmem>>) dst(%dma_wait3A_174 : memref<10240xf32, #tpu.memory_space<vmem_shared>>)
      %dma_wait3A_175 = arith.constant 0 : i32
      %dma_wait3A_176 = tpu.memref_slice %arg5[%add3A_146, %dma_wait3A_175] : memref<80x128xi32, #tpu.memory_space<vmem>> -> memref<1x128xi32, #tpu.memory_space<vmem>>
      %dma_wait3A_177 = tpu.memref_squeeze %dma_wait3A_176 : memref<1x128xi32, #tpu.memory_space<vmem>> -> memref<128xi32, #tpu.memory_space<vmem>>
      %dma_wait3A_178 = arith.constant 0 : i32
      %dma_wait3A_179 = tpu.memref_slice %arg4[%dma_wait3A_178] : memref<10240xf32, #tpu.memory_space<vmem_shared>> -> memref<10240xf32, #tpu.memory_space<vmem_shared>>
      tpu.wait_indirect_dma semaphore(%arg11 : memref<!tpu.dma_semaphore, #tpu.memory_space<semaphore_mem>>) src(%arg6 : memref<128xf32, #tpu.memory_space<vmem>>) dst(%dma_wait3A_179 : memref<10240xf32, #tpu.memory_space<vmem_shared>>)
      %dma_wait3A_180 = arith.constant 0 : i32
      %dma_wait3A_181 = tpu.memref_slice %arg5[%add3A_155, %dma_wait3A_180] : memref<80x128xi32, #tpu.memory_space<vmem>> -> memref<1x128xi32, #tpu.memory_space<vmem>>
      %dma_wait3A_182 = tpu.memref_squeeze %dma_wait3A_181 : memref<1x128xi32, #tpu.memory_space<vmem>> -> memref<128xi32, #tpu.memory_space<vmem>>
      %dma_wait3A_183 = arith.constant 0 : i32
      %dma_wait3A_184 = tpu.memref_slice %arg4[%dma_wait3A_183] : memref<10240xf32, #tpu.memory_space<vmem_shared>> -> memref<10240xf32, #tpu.memory_space<vmem_shared>>
      tpu.wait_indirect_dma semaphore(%arg12 : memref<!tpu.dma_semaphore, #tpu.memory_space<semaphore_mem>>) src(%arg6 : memref<128xf32, #tpu.memory_space<vmem>>) dst(%dma_wait3A_184 : memref<10240xf32, #tpu.memory_space<vmem_shared>>)
      %dma_wait3A_185 = arith.constant 0 : i32
      %dma_wait3A_186 = tpu.memref_slice %arg5[%add3A_164, %dma_wait3A_185] : memref<80x128xi32, #tpu.memory_space<vmem>> -> memref<1x128xi32, #tpu.memory_space<vmem>>
      %dma_wait3A_187 = tpu.memref_squeeze %dma_wait3A_186 : memref<1x128xi32, #tpu.memory_space<vmem>> -> memref<128xi32, #tpu.memory_space<vmem>>
      %dma_wait3A_188 = arith.constant 0 : i32
      %dma_wait3A_189 = tpu.memref_slice %arg4[%dma_wait3A_188] : memref<10240xf32, #tpu.memory_space<vmem_shared>> -> memref<10240xf32, #tpu.memory_space<vmem_shared>>
      tpu.wait_indirect_dma semaphore(%arg13 : memref<!tpu.dma_semaphore, #tpu.memory_space<semaphore_mem>>) src(%arg6 : memref<128xf32, #tpu.memory_space<vmem>>) dst(%dma_wait3A_189 : memref<10240xf32, #tpu.memory_space<vmem_shared>>)
    }
    %scan3A_125 = arith.constant 20 : i32
    %barrier3A_126 = arith.constant 0 : index
    tpu.barrier barrier_id(%barrier3A_126)
    "tpu.region"() ({
      %run_scoped3A = tpu.sem_alloc : memref<!tpu.dma_semaphore, #tpu.memory_space<semaphore_mem>>
      %dma_start3A_133 = tpu.memref_slice %arg4[%mul3A_2] : memref<10240xf32, #tpu.memory_space<vmem_shared>> -> memref<640xf32, #tpu.memory_space<vmem_shared>>
      %dma_start3A_134 = tpu.memref_slice %arg4[%mul3A_2] : memref<10240xf32, #tpu.memory_space<vmem_shared>> -> memref<640xf32, #tpu.memory_space<vmem_shared>>
      tpu.enqueue_dma source(%dma_start3A_134 : memref<640xf32, #tpu.memory_space<vmem_shared>>) target(%arg8 : memref<640xf32, #tpu.memory_space<vmem>>) target_semaphore(%run_scoped3A : memref<!tpu.dma_semaphore, #tpu.memory_space<semaphore_mem>>)
      %dma_wait3A_135 = tpu.memref_slice %arg4[%mul3A_2] : memref<10240xf32, #tpu.memory_space<vmem_shared>> -> memref<640xf32, #tpu.memory_space<vmem_shared>>
      %dma_wait3A_136 = tpu.memref_slice %arg4[%mul3A_2] : memref<10240xf32, #tpu.memory_space<vmem_shared>> -> memref<640xf32, #tpu.memory_space<vmem_shared>>
      tpu.wait_dma2 semaphore(%run_scoped3A : memref<!tpu.dma_semaphore, #tpu.memory_space<semaphore_mem>>) src(%dma_wait3A_136 : memref<640xf32, #tpu.memory_space<vmem_shared>>) dst(%arg8 : memref<640xf32, #tpu.memory_space<vmem>>)
      tpu.yield
    }) : () -> ()
    %scan3A_127 = arith.constant 0 : i32
    %scan3A_128 = arith.constant 0 : i32
    %scan3A_129 = arith.constant 40 : i32
    %scan3A_130 = arith.addi %scan3A_128, %scan3A_129 : i32
    %scan3A_131 = arith.constant 1 : i32
    scf.for %scan3A_133 = %scan3A_128 to %scan3A_130 step %scan3A_131  : i32 {
      %mul3A_134 = arith.constant 16 : i32
      %mul3A_135 = arith.muli %mul3A_134, %scan3A_133 : i32
      %get3A = arith.index_cast %mul3A_135 : i32 to index
      %get3A_136 = tpu.vector_load %arg8[%get3A] {strides = array<i32>} : memref<640xf32, #tpu.memory_space<vmem>>, vector<16xf32>,
      %get3A_137 = vector.shape_cast %get3A_136 : vector<16xf32> to vector<16xf32>
      %broadcast_in_dim3A_138 = arith.constant 0.000000e+00 : f32
      %broadcast_in_dim3A_139 = vector.broadcast %broadcast_in_dim3A_138 : f32 to vector<16xf32>
      %slice3A = vector.extract_strided_slice %get3A_137 {offsets = [0], sizes = [1], strides = [1]} : vector<16xf32> to vector<1xf32>
      %squeeze3A = vector.extract %slice3A[0] : f32 from vector<1xf32>
      %add3A_140 = vector.broadcast %squeeze3A : f32 to vector<16xf32>
      %add3A_141 = arith.addf %broadcast_in_dim3A_139, %add3A_140 : vector<16xf32>
      %mul3A_142 = arith.constant 16 : i32
      %mul3A_143 = arith.muli %mul3A_142, %scan3A_133 : i32
      %add3A_144 = arith.constant 0 : i32
      %add3A_145 = arith.addi %mul3A_143, %add3A_144 : i32
      %swap3A_146 = arith.constant 0 : i32
      %swap3A_147 = tpu.memref_slice %arg9[%add3A_145, %swap3A_146] : memref<640x128xf32, #tpu.memory_space<vmem>> -> memref<1x128xf32, #tpu.memory_space<vmem>>
      %swap3A_148 = tpu.memref_squeeze %swap3A_147 : memref<1x128xf32, #tpu.memory_space<vmem>> -> memref<128xf32, #tpu.memory_space<vmem>>
      %swap3A_149 = arith.constant 0 : index
      %swap3A_150 = tpu.vector_load %swap3A_148[%swap3A_149] {strides = array<i32>} : memref<128xf32, #tpu.memory_space<vmem>>, vector<16xf32>,
      %swap3A_151 = vector.shape_cast %swap3A_150 : vector<16xf32> to vector<16xf32>
      %swap3A_152 = vector.shape_cast %add3A_141 : vector<16xf32> to vector<16xf32>
      tpu.vector_store %swap3A_148[%swap3A_149], %swap3A_152 {strides = array<i32>} : memref<128xf32, #tpu.memory_space<vmem>>, vector<16xf32>,
      %swap3A_153 = arith.constant 0 : i32
      %swap3A_154 = tpu.memref_slice %arg9[%add3A_145, %swap3A_153] : memref<640x128xf32, #tpu.memory_space<vmem>> -> memref<1x128xf32, #tpu.memory_space<vmem>>
      %swap3A_155 = tpu.memref_squeeze %swap3A_154 : memref<1x128xf32, #tpu.memory_space<vmem>> -> memref<128xf32, #tpu.memory_space<vmem>>
      %swap3A_156 = arith.constant 16 : index
      %swap3A_157 = tpu.vector_load %swap3A_155[%swap3A_156] {strides = array<i32>} : memref<128xf32, #tpu.memory_space<vmem>>, vector<16xf32>,
      %swap3A_158 = vector.shape_cast %swap3A_157 : vector<16xf32> to vector<16xf32>
      %swap3A_159 = vector.shape_cast %add3A_141 : vector<16xf32> to vector<16xf32>
      tpu.vector_store %swap3A_155[%swap3A_156], %swap3A_159 {strides = array<i32>} : memref<128xf32, #tpu.memory_space<vmem>>, vector<16xf32>,
      %swap3A_160 = arith.constant 0 : i32
      %swap3A_161 = tpu.memref_slice %arg9[%add3A_145, %swap3A_160] : memref<640x128xf32, #tpu.memory_space<vmem>> -> memref<1x128xf32, #tpu.memory_space<vmem>>
      %swap3A_162 = tpu.memref_squeeze %swap3A_161 : memref<1x128xf32, #tpu.memory_space<vmem>> -> memref<128xf32, #tpu.memory_space<vmem>>
      %swap3A_163 = arith.constant 32 : index
      %swap3A_164 = tpu.vector_load %swap3A_162[%swap3A_163] {strides = array<i32>} : memref<128xf32, #tpu.memory_space<vmem>>, vector<16xf32>,
      %swap3A_165 = vector.shape_cast %swap3A_164 : vector<16xf32> to vector<16xf32>
      %swap3A_166 = vector.shape_cast %add3A_141 : vector<16xf32> to vector<16xf32>
      tpu.vector_store %swap3A_162[%swap3A_163], %swap3A_166 {strides = array<i32>} : memref<128xf32, #tpu.memory_space<vmem>>, vector<16xf32>,
      %swap3A_167 = arith.constant 0 : i32
      %swap3A_168 = tpu.memref_slice %arg9[%add3A_145, %swap3A_167] : memref<640x128xf32, #tpu.memory_space<vmem>> -> memref<1x128xf32, #tpu.memory_space<vmem>>
      %swap3A_169 = tpu.memref_squeeze %swap3A_168 : memref<1x128xf32, #tpu.memory_space<vmem>> -> memref<128xf32, #tpu.memory_space<vmem>>
      %swap3A_170 = arith.constant 48 : index
      %swap3A_171 = tpu.vector_load %swap3A_169[%swap3A_170] {strides = array<i32>} : memref<128xf32, #tpu.memory_space<vmem>>, vector<16xf32>,
      %swap3A_172 = vector.shape_cast %swap3A_171 : vector<16xf32> to vector<16xf32>
      %swap3A_173 = vector.shape_cast %add3A_141 : vector<16xf32> to vector<16xf32>
      tpu.vector_store %swap3A_169[%swap3A_170], %swap3A_173 {strides = array<i32>} : memref<128xf32, #tpu.memory_space<vmem>>, vector<16xf32>,
      %swap3A_174 = arith.constant 0 : i32
      %swap3A_175 = tpu.memref_slice %arg9[%add3A_145, %swap3A_174] : memref<640x128xf32, #tpu.memory_space<vmem>> -> memref<1x128xf32, #tpu.memory_space<vmem>>
      %swap3A_176 = tpu.memref_squeeze %swap3A_175 : memref<1x128xf32, #tpu.memory_space<vmem>> -> memref<128xf32, #tpu.memory_space<vmem>>
      %swap3A_177 = arith.constant 64 : index
      %swap3A_178 = tpu.vector_load %swap3A_176[%swap3A_177] {strides = array<i32>} : memref<128xf32, #tpu.memory_space<vmem>>, vector<16xf32>,
      %swap3A_179 = vector.shape_cast %swap3A_178 : vector<16xf32> to vector<16xf32>
      %swap3A_180 = vector.shape_cast %add3A_141 : vector<16xf32> to vector<16xf32>
      tpu.vector_store %swap3A_176[%swap3A_177], %swap3A_180 {strides = array<i32>} : memref<128xf32, #tpu.memory_space<vmem>>, vector<16xf32>,
      %swap3A_181 = arith.constant 0 : i32
      %swap3A_182 = tpu.memref_slice %arg9[%add3A_145, %swap3A_181] : memref<640x128xf32, #tpu.memory_space<vmem>> -> memref<1x128xf32, #tpu.memory_space<vmem>>
      %swap3A_183 = tpu.memref_squeeze %swap3A_182 : memref<1x128xf32, #tpu.memory_space<vmem>> -> memref<128xf32, #tpu.memory_space<vmem>>
      %swap3A_184 = arith.constant 80 : index
      %swap3A_185 = tpu.vector_load %swap3A_183[%swap3A_184] {strides = array<i32>} : memref<128xf32, #tpu.memory_space<vmem>>, vector<16xf32>,
      %swap3A_186 = vector.shape_cast %swap3A_185 : vector<16xf32> to vector<16xf32>
      %swap3A_187 = vector.shape_cast %add3A_141 : vector<16xf32> to vector<16xf32>
      tpu.vector_store %swap3A_183[%swap3A_184], %swap3A_187 {strides = array<i32>} : memref<128xf32, #tpu.memory_space<vmem>>, vector<16xf32>,
      %swap3A_188 = arith.constant 0 : i32
      %swap3A_189 = tpu.memref_slice %arg9[%add3A_145, %swap3A_188] : memref<640x128xf32, #tpu.memory_space<vmem>> -> memref<1x128xf32, #tpu.memory_space<vmem>>
      %swap3A_190 = tpu.memref_squeeze %swap3A_189 : memref<1x128xf32, #tpu.memory_space<vmem>> -> memref<128xf32, #tpu.memory_space<vmem>>
      %swap3A_191 = arith.constant 96 : index
      %swap3A_192 = tpu.vector_load %swap3A_190[%swap3A_191] {strides = array<i32>} : memref<128xf32, #tpu.memory_space<vmem>>, vector<16xf32>,
      %swap3A_193 = vector.shape_cast %swap3A_192 : vector<16xf32> to vector<16xf32>
      %swap3A_194 = vector.shape_cast %add3A_141 : vector<16xf32> to vector<16xf32>
      tpu.vector_store %swap3A_190[%swap3A_191], %swap3A_194 {strides = array<i32>} : memref<128xf32, #tpu.memory_space<vmem>>, vector<16xf32>,
      %swap3A_195 = arith.constant 0 : i32
      %swap3A_196 = tpu.memref_slice %arg9[%add3A_145, %swap3A_195] : memref<640x128xf32, #tpu.memory_space<vmem>> -> memref<1x128xf32, #tpu.memory_space<vmem>>
      %swap3A_197 = tpu.memref_squeeze %swap3A_196 : memref<1x128xf32, #tpu.memory_space<vmem>> -> memref<128xf32, #tpu.memory_space<vmem>>
      %swap3A_198 = arith.constant 112 : index
      %swap3A_199 = tpu.vector_load %swap3A_197[%swap3A_198] {strides = array<i32>} : memref<128xf32, #tpu.memory_space<vmem>>, vector<16xf32>,
      %swap3A_200 = vector.shape_cast %swap3A_199 : vector<16xf32> to vector<16xf32>
      %swap3A_201 = vector.shape_cast %add3A_141 : vector<16xf32> to vector<16xf32>
      tpu.vector_store %swap3A_197[%swap3A_198], %swap3A_201 {strides = array<i32>} : memref<128xf32, #tpu.memory_space<vmem>>, vector<16xf32>,
      %broadcast_in_dim3A_202 = arith.constant 0.000000e+00 : f32
      %broadcast_in_dim3A_203 = vector.broadcast %broadcast_in_dim3A_202 : f32 to vector<16xf32>
      %slice3A_204 = vector.extract_strided_slice %get3A_137 {offsets = [1], sizes = [1], strides = [1]} : vector<16xf32> to vector<1xf32>
      %squeeze3A_205 = vector.extract %slice3A_204[0] : f32 from vector<1xf32>
      %add3A_206 = vector.broadcast %squeeze3A_205 : f32 to vector<16xf32>
      %add3A_207 = arith.addf %broadcast_in_dim3A_203, %add3A_206 : vector<16xf32>
      %mul3A_208 = arith.constant 16 : i32
      %mul3A_209 = arith.muli %mul3A_208, %scan3A_133 : i32
      %add3A_210 = arith.constant 1 : i32
      %add3A_211 = arith.addi %mul3A_209, %add3A_210 : i32
      %swap3A_212 = arith.constant 0 : i32
      %swap3A_213 = tpu.memref_slice %arg9[%add3A_211, %swap3A_212] : memref<640x128xf32, #tpu.memory_space<vmem>> -> memref<1x128xf32, #tpu.memory_space<vmem>>
      %swap3A_214 = tpu.memref_squeeze %swap3A_213 : memref<1x128xf32, #tpu.memory_space<vmem>> -> memref<128xf32, #tpu.memory_space<vmem>>
      %swap3A_215 = arith.constant 0 : index
      %swap3A_216 = tpu.vector_load %swap3A_214[%swap3A_215] {strides = array<i32>} : memref<128xf32, #tpu.memory_space<vmem>>, vector<16xf32>,
      %swap3A_217 = vector.shape_cast %swap3A_216 : vector<16xf32> to vector<16xf32>
      %swap3A_218 = vector.shape_cast %add3A_207 : vector<16xf32> to vector<16xf32>
      tpu.vector_store %swap3A_214[%swap3A_215], %swap3A_218 {strides = array<i32>} : memref<128xf32, #tpu.memory_space<vmem>>, vector<16xf32>,
      %swap3A_219 = arith.constant 0 : i32
      %swap3A_220 = tpu.memref_slice %arg9[%add3A_211, %swap3A_219] : memref<640x128xf32, #tpu.memory_space<vmem>> -> memref<1x128xf32, #tpu.memory_space<vmem>>
      %swap3A_221 = tpu.memref_squeeze %swap3A_220 : memref<1x128xf32, #tpu.memory_space<vmem>> -> memref<128xf32, #tpu.memory_space<vmem>>
      %swap3A_222 = arith.constant 16 : index
      %swap3A_223 = tpu.vector_load %swap3A_221[%swap3A_222] {strides = array<i32>} : memref<128xf32, #tpu.memory_space<vmem>>, vector<16xf32>,
      %swap3A_224 = vector.shape_cast %swap3A_223 : vector<16xf32> to vector<16xf32>
      %swap3A_225 = vector.shape_cast %add3A_207 : vector<16xf32> to vector<16xf32>
      tpu.vector_store %swap3A_221[%swap3A_222], %swap3A_225 {strides = array<i32>} : memref<128xf32, #tpu.memory_space<vmem>>, vector<16xf32>,
      %swap3A_226 = arith.constant 0 : i32
      %swap3A_227 = tpu.memref_slice %arg9[%add3A_211, %swap3A_226] : memref<640x128xf32, #tpu.memory_space<vmem>> -> memref<1x128xf32, #tpu.memory_space<vmem>>
      %swap3A_228 = tpu.memref_squeeze %swap3A_227 : memref<1x128xf32, #tpu.memory_space<vmem>> -> memref<128xf32, #tpu.memory_space<vmem>>
      %swap3A_229 = arith.constant 32 : index
      %swap3A_230 = tpu.vector_load %swap3A_228[%swap3A_229] {strides = array<i32>} : memref<128xf32, #tpu.memory_space<vmem>>, vector<16xf32>,
      %swap3A_231 = vector.shape_cast %swap3A_230 : vector<16xf32> to vector<16xf32>
      %swap3A_232 = vector.shape_cast %add3A_207 : vector<16xf32> to vector<16xf32>
      tpu.vector_store %swap3A_228[%swap3A_229], %swap3A_232 {strides = array<i32>} : memref<128xf32, #tpu.memory_space<vmem>>, vector<16xf32>,
      %swap3A_233 = arith.constant 0 : i32
      %swap3A_234 = tpu.memref_slice %arg9[%add3A_211, %swap3A_233] : memref<640x128xf32, #tpu.memory_space<vmem>> -> memref<1x128xf32, #tpu.memory_space<vmem>>
      %swap3A_235 = tpu.memref_squeeze %swap3A_234 : memref<1x128xf32, #tpu.memory_space<vmem>> -> memref<128xf32, #tpu.memory_space<vmem>>
      %swap3A_236 = arith.constant 48 : index
      %swap3A_237 = tpu.vector_load %swap3A_235[%swap3A_236] {strides = array<i32>} : memref<128xf32, #tpu.memory_space<vmem>>, vector<16xf32>,
      %swap3A_238 = vector.shape_cast %swap3A_237 : vector<16xf32> to vector<16xf32>
      %swap3A_239 = vector.shape_cast %add3A_207 : vector<16xf32> to vector<16xf32>
      tpu.vector_store %swap3A_235[%swap3A_236], %swap3A_239 {strides = array<i32>} : memref<128xf32, #tpu.memory_space<vmem>>, vector<16xf32>,
      %swap3A_240 = arith.constant 0 : i32
      %swap3A_241 = tpu.memref_slice %arg9[%add3A_211, %swap3A_240] : memref<640x128xf32, #tpu.memory_space<vmem>> -> memref<1x128xf32, #tpu.memory_space<vmem>>
      %swap3A_242 = tpu.memref_squeeze %swap3A_241 : memref<1x128xf32, #tpu.memory_space<vmem>> -> memref<128xf32, #tpu.memory_space<vmem>>
      %swap3A_243 = arith.constant 64 : index
      %swap3A_244 = tpu.vector_load %swap3A_242[%swap3A_243] {strides = array<i32>} : memref<128xf32, #tpu.memory_space<vmem>>, vector<16xf32>,
      %swap3A_245 = vector.shape_cast %swap3A_244 : vector<16xf32> to vector<16xf32>
      %swap3A_246 = vector.shape_cast %add3A_207 : vector<16xf32> to vector<16xf32>
      tpu.vector_store %swap3A_242[%swap3A_243], %swap3A_246 {strides = array<i32>} : memref<128xf32, #tpu.memory_space<vmem>>, vector<16xf32>,
      %swap3A_247 = arith.constant 0 : i32
      %swap3A_248 = tpu.memref_slice %arg9[%add3A_211, %swap3A_247] : memref<640x128xf32, #tpu.memory_space<vmem>> -> memref<1x128xf32, #tpu.memory_space<vmem>>
      %swap3A_249 = tpu.memref_squeeze %swap3A_248 : memref<1x128xf32, #tpu.memory_space<vmem>> -> memref<128xf32, #tpu.memory_space<vmem>>
      %swap3A_250 = arith.constant 80 : index
      %swap3A_251 = tpu.vector_load %swap3A_249[%swap3A_250] {strides = array<i32>} : memref<128xf32, #tpu.memory_space<vmem>>, vector<16xf32>,
      %swap3A_252 = vector.shape_cast %swap3A_251 : vector<16xf32> to vector<16xf32>
      %swap3A_253 = vector.shape_cast %add3A_207 : vector<16xf32> to vector<16xf32>
      tpu.vector_store %swap3A_249[%swap3A_250], %swap3A_253 {strides = array<i32>} : memref<128xf32, #tpu.memory_space<vmem>>, vector<16xf32>,
      %swap3A_254 = arith.constant 0 : i32
      %swap3A_255 = tpu.memref_slice %arg9[%add3A_211, %swap3A_254] : memref<640x128xf32, #tpu.memory_space<vmem>> -> memref<1x128xf32, #tpu.memory_space<vmem>>
      %swap3A_256 = tpu.memref_squeeze %swap3A_255 : memref<1x128xf32, #tpu.memory_space<vmem>> -> memref<128xf32, #tpu.memory_space<vmem>>
      %swap3A_257 = arith.constant 96 : index
      %swap3A_258 = tpu.vector_load %swap3A_256[%swap3A_257] {strides = array<i32>} : memref<128xf32, #tpu.memory_space<vmem>>, vector<16xf32>,
      %swap3A_259 = vector.shape_cast %swap3A_258 : vector<16xf32> to vector<16xf32>
      %swap3A_260 = vector.shape_cast %add3A_207 : vector<16xf32> to vector<16xf32>
      tpu.vector_store %swap3A_256[%swap3A_257], %swap3A_260 {strides = array<i32>} : memref<128xf32, #tpu.memory_space<vmem>>, vector<16xf32>,
      %swap3A_261 = arith.constant 0 : i32
      %swap3A_262 = tpu.memref_slice %arg9[%add3A_211, %swap3A_261] : memref<640x128xf32, #tpu.memory_space<vmem>> -> memref<1x128xf32, #tpu.memory_space<vmem>>
      %swap3A_263 = tpu.memref_squeeze %swap3A_262 : memref<1x128xf32, #tpu.memory_space<vmem>> -> memref<128xf32, #tpu.memory_space<vmem>>
      %swap3A_264 = arith.constant 112 : index
      %swap3A_265 = tpu.vector_load %swap3A_263[%swap3A_264] {strides = array<i32>} : memref<128xf32, #tpu.memory_space<vmem>>, vector<16xf32>,
      %swap3A_266 = vector.shape_cast %swap3A_265 : vector<16xf32> to vector<16xf32>
      %swap3A_267 = vector.shape_cast %add3A_207 : vector<16xf32> to vector<16xf32>
      tpu.vector_store %swap3A_263[%swap3A_264], %swap3A_267 {strides = array<i32>} : memref<128xf32, #tpu.memory_space<vmem>>, vector<16xf32>,
      %broadcast_in_dim3A_268 = arith.constant 0.000000e+00 : f32
      %broadcast_in_dim3A_269 = vector.broadcast %broadcast_in_dim3A_268 : f32 to vector<16xf32>
      %slice3A_270 = vector.extract_strided_slice %get3A_137 {offsets = [2], sizes = [1], strides = [1]} : vector<16xf32> to vector<1xf32>
      %squeeze3A_271 = vector.extract %slice3A_270[0] : f32 from vector<1xf32>
      %add3A_272 = vector.broadcast %squeeze3A_271 : f32 to vector<16xf32>
      %add3A_273 = arith.addf %broadcast_in_dim3A_269, %add3A_272 : vector<16xf32>
      %mul3A_274 = arith.constant 16 : i32
      %mul3A_275 = arith.muli %mul3A_274, %scan3A_133 : i32
      %add3A_276 = arith.constant 2 : i32
      %add3A_277 = arith.addi %mul3A_275, %add3A_276 : i32
      %swap3A_278 = arith.constant 0 : i32
      %swap3A_279 = tpu.memref_slice %arg9[%add3A_277, %swap3A_278] : memref<640x128xf32, #tpu.memory_space<vmem>> -> memref<1x128xf32, #tpu.memory_space<vmem>>
      %swap3A_280 = tpu.memref_squeeze %swap3A_279 : memref<1x128xf32, #tpu.memory_space<vmem>> -> memref<128xf32, #tpu.memory_space<vmem>>
      %swap3A_281 = arith.constant 0 : index
      %swap3A_282 = tpu.vector_load %swap3A_280[%swap3A_281] {strides = array<i32>} : memref<128xf32, #tpu.memory_space<vmem>>, vector<16xf32>,
      %swap3A_283 = vector.shape_cast %swap3A_282 : vector<16xf32> to vector<16xf32>
      %swap3A_284 = vector.shape_cast %add3A_273 : vector<16xf32> to vector<16xf32>
      tpu.vector_store %swap3A_280[%swap3A_281], %swap3A_284 {strides = array<i32>} : memref<128xf32, #tpu.memory_space<vmem>>, vector<16xf32>,
      %swap3A_285 = arith.constant 0 : i32
      %swap3A_286 = tpu.memref_slice %arg9[%add3A_277, %swap3A_285] : memref<640x128xf32, #tpu.memory_space<vmem>> -> memref<1x128xf32, #tpu.memory_space<vmem>>
      %swap3A_287 = tpu.memref_squeeze %swap3A_286 : memref<1x128xf32, #tpu.memory_space<vmem>> -> memref<128xf32, #tpu.memory_space<vmem>>
      %swap3A_288 = arith.constant 16 : index
      %swap3A_289 = tpu.vector_load %swap3A_287[%swap3A_288] {strides = array<i32>} : memref<128xf32, #tpu.memory_space<vmem>>, vector<16xf32>,
      %swap3A_290 = vector.shape_cast %swap3A_289 : vector<16xf32> to vector<16xf32>
      %swap3A_291 = vector.shape_cast %add3A_273 : vector<16xf32> to vector<16xf32>
      tpu.vector_store %swap3A_287[%swap3A_288], %swap3A_291 {strides = array<i32>} : memref<128xf32, #tpu.memory_space<vmem>>, vector<16xf32>,
      %swap3A_292 = arith.constant 0 : i32
      %swap3A_293 = tpu.memref_slice %arg9[%add3A_277, %swap3A_292] : memref<640x128xf32, #tpu.memory_space<vmem>> -> memref<1x128xf32, #tpu.memory_space<vmem>>
      %swap3A_294 = tpu.memref_squeeze %swap3A_293 : memref<1x128xf32, #tpu.memory_space<vmem>> -> memref<128xf32, #tpu.memory_space<vmem>>
      %swap3A_295 = arith.constant 32 : index
      %swap3A_296 = tpu.vector_load %swap3A_294[%swap3A_295] {strides = array<i32>} : memref<128xf32, #tpu.memory_space<vmem>>, vector<16xf32>,
      %swap3A_297 = vector.shape_cast %swap3A_296 : vector<16xf32> to vector<16xf32>
      %swap3A_298 = vector.shape_cast %add3A_273 : vector<16xf32> to vector<16xf32>
      tpu.vector_store %swap3A_294[%swap3A_295], %swap3A_298 {strides = array<i32>} : memref<128xf32, #tpu.memory_space<vmem>>, vector<16xf32>,
      %swap3A_299 = arith.constant 0 : i32
      %swap3A_300 = tpu.memref_slice %arg9[%add3A_277, %swap3A_299] : memref<640x128xf32, #tpu.memory_space<vmem>> -> memref<1x128xf32, #tpu.memory_space<vmem>>
      %swap3A_301 = tpu.memref_squeeze %swap3A_300 : memref<1x128xf32, #tpu.memory_space<vmem>> -> memref<128xf32, #tpu.memory_space<vmem>>
      %swap3A_302 = arith.constant 48 : index
      %swap3A_303 = tpu.vector_load %swap3A_301[%swap3A_302] {strides = array<i32>} : memref<128xf32, #tpu.memory_space<vmem>>, vector<16xf32>,
      %swap3A_304 = vector.shape_cast %swap3A_303 : vector<16xf32> to vector<16xf32>
      %swap3A_305 = vector.shape_cast %add3A_273 : vector<16xf32> to vector<16xf32>
      tpu.vector_store %swap3A_301[%swap3A_302], %swap3A_305 {strides = array<i32>} : memref<128xf32, #tpu.memory_space<vmem>>, vector<16xf32>,
      %swap3A_306 = arith.constant 0 : i32
      %swap3A_307 = tpu.memref_slice %arg9[%add3A_277, %swap3A_306] : memref<640x128xf32, #tpu.memory_space<vmem>> -> memref<1x128xf32, #tpu.memory_space<vmem>>
      %swap3A_308 = tpu.memref_squeeze %swap3A_307 : memref<1x128xf32, #tpu.memory_space<vmem>> -> memref<128xf32, #tpu.memory_space<vmem>>
      %swap3A_309 = arith.constant 64 : index
      %swap3A_310 = tpu.vector_load %swap3A_308[%swap3A_309] {strides = array<i32>} : memref<128xf32, #tpu.memory_space<vmem>>, vector<16xf32>,
      %swap3A_311 = vector.shape_cast %swap3A_310 : vector<16xf32> to vector<16xf32>
      %swap3A_312 = vector.shape_cast %add3A_273 : vector<16xf32> to vector<16xf32>
      tpu.vector_store %swap3A_308[%swap3A_309], %swap3A_312 {strides = array<i32>} : memref<128xf32, #tpu.memory_space<vmem>>, vector<16xf32>,
      %swap3A_313 = arith.constant 0 : i32
      %swap3A_314 = tpu.memref_slice %arg9[%add3A_277, %swap3A_313] : memref<640x128xf32, #tpu.memory_space<vmem>> -> memref<1x128xf32, #tpu.memory_space<vmem>>
      %swap3A_315 = tpu.memref_squeeze %swap3A_314 : memref<1x128xf32, #tpu.memory_space<vmem>> -> memref<128xf32, #tpu.memory_space<vmem>>
      %swap3A_316 = arith.constant 80 : index
      %swap3A_317 = tpu.vector_load %swap3A_315[%swap3A_316] {strides = array<i32>} : memref<128xf32, #tpu.memory_space<vmem>>, vector<16xf32>,
      %swap3A_318 = vector.shape_cast %swap3A_317 : vector<16xf32> to vector<16xf32>
      %swap3A_319 = vector.shape_cast %add3A_273 : vector<16xf32> to vector<16xf32>
      tpu.vector_store %swap3A_315[%swap3A_316], %swap3A_319 {strides = array<i32>} : memref<128xf32, #tpu.memory_space<vmem>>, vector<16xf32>,
      %swap3A_320 = arith.constant 0 : i32
      %swap3A_321 = tpu.memref_slice %arg9[%add3A_277, %swap3A_320] : memref<640x128xf32, #tpu.memory_space<vmem>> -> memref<1x128xf32, #tpu.memory_space<vmem>>
      %swap3A_322 = tpu.memref_squeeze %swap3A_321 : memref<1x128xf32, #tpu.memory_space<vmem>> -> memref<128xf32, #tpu.memory_space<vmem>>
      %swap3A_323 = arith.constant 96 : index
      %swap3A_324 = tpu.vector_load %swap3A_322[%swap3A_323] {strides = array<i32>} : memref<128xf32, #tpu.memory_space<vmem>>, vector<16xf32>,
      %swap3A_325 = vector.shape_cast %swap3A_324 : vector<16xf32> to vector<16xf32>
      %swap3A_326 = vector.shape_cast %add3A_273 : vector<16xf32> to vector<16xf32>
      tpu.vector_store %swap3A_322[%swap3A_323], %swap3A_326 {strides = array<i32>} : memref<128xf32, #tpu.memory_space<vmem>>, vector<16xf32>,
      %swap3A_327 = arith.constant 0 : i32
      %swap3A_328 = tpu.memref_slice %arg9[%add3A_277, %swap3A_327] : memref<640x128xf32, #tpu.memory_space<vmem>> -> memref<1x128xf32, #tpu.memory_space<vmem>>
      %swap3A_329 = tpu.memref_squeeze %swap3A_328 : memref<1x128xf32, #tpu.memory_space<vmem>> -> memref<128xf32, #tpu.memory_space<vmem>>
      %swap3A_330 = arith.constant 112 : index
      %swap3A_331 = tpu.vector_load %swap3A_329[%swap3A_330] {strides = array<i32>} : memref<128xf32, #tpu.memory_space<vmem>>, vector<16xf32>,
      %swap3A_332 = vector.shape_cast %swap3A_331 : vector<16xf32> to vector<16xf32>
      %swap3A_333 = vector.shape_cast %add3A_273 : vector<16xf32> to vector<16xf32>
      tpu.vector_store %swap3A_329[%swap3A_330], %swap3A_333 {strides = array<i32>} : memref<128xf32, #tpu.memory_space<vmem>>, vector<16xf32>,
      %broadcast_in_dim3A_334 = arith.constant 0.000000e+00 : f32
      %broadcast_in_dim3A_335 = vector.broadcast %broadcast_in_dim3A_334 : f32 to vector<16xf32>
      %slice3A_336 = vector.extract_strided_slice %get3A_137 {offsets = [3], sizes = [1], strides = [1]} : vector<16xf32> to vector<1xf32>
      %squeeze3A_337 = vector.extract %slice3A_336[0] : f32 from vector<1xf32>
      %add3A_338 = vector.broadcast %squeeze3A_337 : f32 to vector<16xf32>
      %add3A_339 = arith.addf %broadcast_in_dim3A_335, %add3A_338 : vector<16xf32>
      %mul3A_340 = arith.constant 16 : i32
      %mul3A_341 = arith.muli %mul3A_340, %scan3A_133 : i32
      %add3A_342 = arith.constant 3 : i32
      %add3A_343 = arith.addi %mul3A_341, %add3A_342 : i32
      %swap3A_344 = arith.constant 0 : i32
      %swap3A_345 = tpu.memref_slice %arg9[%add3A_343, %swap3A_344] : memref<640x128xf32, #tpu.memory_space<vmem>> -> memref<1x128xf32, #tpu.memory_space<vmem>>
      %swap3A_346 = tpu.memref_squeeze %swap3A_345 : memref<1x128xf32, #tpu.memory_space<vmem>> -> memref<128xf32, #tpu.memory_space<vmem>>
      %swap3A_347 = arith.constant 0 : index
      %swap3A_348 = tpu.vector_load %swap3A_346[%swap3A_347] {strides = array<i32>} : memref<128xf32, #tpu.memory_space<vmem>>, vector<16xf32>,
      %swap3A_349 = vector.shape_cast %swap3A_348 : vector<16xf32> to vector<16xf32>
      %swap3A_350 = vector.shape_cast %add3A_339 : vector<16xf32> to vector<16xf32>
      tpu.vector_store %swap3A_346[%swap3A_347], %swap3A_350 {strides = array<i32>} : memref<128xf32, #tpu.memory_space<vmem>>, vector<16xf32>,
      %swap3A_351 = arith.constant 0 : i32
      %swap3A_352 = tpu.memref_slice %arg9[%add3A_343, %swap3A_351] : memref<640x128xf32, #tpu.memory_space<vmem>> -> memref<1x128xf32, #tpu.memory_space<vmem>>
      %swap3A_353 = tpu.memref_squeeze %swap3A_352 : memref<1x128xf32, #tpu.memory_space<vmem>> -> memref<128xf32, #tpu.memory_space<vmem>>
      %swap3A_354 = arith.constant 16 : index
      %swap3A_355 = tpu.vector_load %swap3A_353[%swap3A_354] {strides = array<i32>} : memref<128xf32, #tpu.memory_space<vmem>>, vector<16xf32>,
      %swap3A_356 = vector.shape_cast %swap3A_355 : vector<16xf32> to vector<16xf32>
      %swap3A_357 = vector.shape_cast %add3A_339 : vector<16xf32> to vector<16xf32>
      tpu.vector_store %swap3A_353[%swap3A_354], %swap3A_357 {strides = array<i32>} : memref<128xf32, #tpu.memory_space<vmem>>, vector<16xf32>,
      %swap3A_358 = arith.constant 0 : i32
      %swap3A_359 = tpu.memref_slice %arg9[%add3A_343, %swap3A_358] : memref<640x128xf32, #tpu.memory_space<vmem>> -> memref<1x128xf32, #tpu.memory_space<vmem>>
      %swap3A_360 = tpu.memref_squeeze %swap3A_359 : memref<1x128xf32, #tpu.memory_space<vmem>> -> memref<128xf32, #tpu.memory_space<vmem>>
      %swap3A_361 = arith.constant 32 : index
      %swap3A_362 = tpu.vector_load %swap3A_360[%swap3A_361] {strides = array<i32>} : memref<128xf32, #tpu.memory_space<vmem>>, vector<16xf32>,
      %swap3A_363 = vector.shape_cast %swap3A_362 : vector<16xf32> to vector<16xf32>
      %swap3A_364 = vector.shape_cast %add3A_339 : vector<16xf32> to vector<16xf32>
      tpu.vector_store %swap3A_360[%swap3A_361], %swap3A_364 {strides = array<i32>} : memref<128xf32, #tpu.memory_space<vmem>>, vector<16xf32>,
      %swap3A_365 = arith.constant 0 : i32
      %swap3A_366 = tpu.memref_slice %arg9[%add3A_343, %swap3A_365] : memref<640x128xf32, #tpu.memory_space<vmem>> -> memref<1x128xf32, #tpu.memory_space<vmem>>
      %swap3A_367 = tpu.memref_squeeze %swap3A_366 : memref<1x128xf32, #tpu.memory_space<vmem>> -> memref<128xf32, #tpu.memory_space<vmem>>
      %swap3A_368 = arith.constant 48 : index
      %swap3A_369 = tpu.vector_load %swap3A_367[%swap3A_368] {strides = array<i32>} : memref<128xf32, #tpu.memory_space<vmem>>, vector<16xf32>,
      %swap3A_370 = vector.shape_cast %swap3A_369 : vector<16xf32> to vector<16xf32>
      %swap3A_371 = vector.shape_cast %add3A_339 : vector<16xf32> to vector<16xf32>
      tpu.vector_store %swap3A_367[%swap3A_368], %swap3A_371 {strides = array<i32>} : memref<128xf32, #tpu.memory_space<vmem>>, vector<16xf32>,
      %swap3A_372 = arith.constant 0 : i32
      %swap3A_373 = tpu.memref_slice %arg9[%add3A_343, %swap3A_372] : memref<640x128xf32, #tpu.memory_space<vmem>> -> memref<1x128xf32, #tpu.memory_space<vmem>>
      %swap3A_374 = tpu.memref_squeeze %swap3A_373 : memref<1x128xf32, #tpu.memory_space<vmem>> -> memref<128xf32, #tpu.memory_space<vmem>>
      %swap3A_375 = arith.constant 64 : index
      %swap3A_376 = tpu.vector_load %swap3A_374[%swap3A_375] {strides = array<i32>} : memref<128xf32, #tpu.memory_space<vmem>>, vector<16xf32>,
      %swap3A_377 = vector.shape_cast %swap3A_376 : vector<16xf32> to vector<16xf32>
      %swap3A_378 = vector.shape_cast %add3A_339 : vector<16xf32> to vector<16xf32>
      tpu.vector_store %swap3A_374[%swap3A_375], %swap3A_378 {strides = array<i32>} : memref<128xf32, #tpu.memory_space<vmem>>, vector<16xf32>,
      %swap3A_379 = arith.constant 0 : i32
      %swap3A_380 = tpu.memref_slice %arg9[%add3A_343, %swap3A_379] : memref<640x128xf32, #tpu.memory_space<vmem>> -> memref<1x128xf32, #tpu.memory_space<vmem>>
      %swap3A_381 = tpu.memref_squeeze %swap3A_380 : memref<1x128xf32, #tpu.memory_space<vmem>> -> memref<128xf32, #tpu.memory_space<vmem>>
      %swap3A_382 = arith.constant 80 : index
      %swap3A_383 = tpu.vector_load %swap3A_381[%swap3A_382] {strides = array<i32>} : memref<128xf32, #tpu.memory_space<vmem>>, vector<16xf32>,
      %swap3A_384 = vector.shape_cast %swap3A_383 : vector<16xf32> to vector<16xf32>
      %swap3A_385 = vector.shape_cast %add3A_339 : vector<16xf32> to vector<16xf32>
      tpu.vector_store %swap3A_381[%swap3A_382], %swap3A_385 {strides = array<i32>} : memref<128xf32, #tpu.memory_space<vmem>>, vector<16xf32>,
      %swap3A_386 = arith.constant 0 : i32
      %swap3A_387 = tpu.memref_slice %arg9[%add3A_343, %swap3A_386] : memref<640x128xf32, #tpu.memory_space<vmem>> -> memref<1x128xf32, #tpu.memory_space<vmem>>
      %swap3A_388 = tpu.memref_squeeze %swap3A_387 : memref<1x128xf32, #tpu.memory_space<vmem>> -> memref<128xf32, #tpu.memory_space<vmem>>
      %swap3A_389 = arith.constant 96 : index
      %swap3A_390 = tpu.vector_load %swap3A_388[%swap3A_389] {strides = array<i32>} : memref<128xf32, #tpu.memory_space<vmem>>, vector<16xf32>,
      %swap3A_391 = vector.shape_cast %swap3A_390 : vector<16xf32> to vector<16xf32>
      %swap3A_392 = vector.shape_cast %add3A_339 : vector<16xf32> to vector<16xf32>
      tpu.vector_store %swap3A_388[%swap3A_389], %swap3A_392 {strides = array<i32>} : memref<128xf32, #tpu.memory_space<vmem>>, vector<16xf32>,
      %swap3A_393 = arith.constant 0 : i32
      %swap3A_394 = tpu.memref_slice %arg9[%add3A_343, %swap3A_393] : memref<640x128xf32, #tpu.memory_space<vmem>> -> memref<1x128xf32, #tpu.memory_space<vmem>>
      %swap3A_395 = tpu.memref_squeeze %swap3A_394 : memref<1x128xf32, #tpu.memory_space<vmem>> -> memref<128xf32, #tpu.memory_space<vmem>>
      %swap3A_396 = arith.constant 112 : index
      %swap3A_397 = tpu.vector_load %swap3A_395[%swap3A_396] {strides = array<i32>} : memref<128xf32, #tpu.memory_space<vmem>>, vector<16xf32>,
      %swap3A_398 = vector.shape_cast %swap3A_397 : vector<16xf32> to vector<16xf32>
      %swap3A_399 = vector.shape_cast %add3A_339 : vector<16xf32> to vector<16xf32>
      tpu.vector_store %swap3A_395[%swap3A_396], %swap3A_399 {strides = array<i32>} : memref<128xf32, #tpu.memory_space<vmem>>, vector<16xf32>,
      %broadcast_in_dim3A_400 = arith.constant 0.000000e+00 : f32
      %broadcast_in_dim3A_401 = vector.broadcast %broadcast_in_dim3A_400 : f32 to vector<16xf32>
      %slice3A_402 = vector.extract_strided_slice %get3A_137 {offsets = [4], sizes = [1], strides = [1]} : vector<16xf32> to vector<1xf32>
      %squeeze3A_403 = vector.extract %slice3A_402[0] : f32 from vector<1xf32>
      %add3A_404 = vector.broadcast %squeeze3A_403 : f32 to vector<16xf32>
      %add3A_405 = arith.addf %broadcast_in_dim3A_401, %add3A_404 : vector<16xf32>
      %mul3A_406 = arith.constant 16 : i32
      %mul3A_407 = arith.muli %mul3A_406, %scan3A_133 : i32
      %add3A_408 = arith.constant 4 : i32
      %add3A_409 = arith.addi %mul3A_407, %add3A_408 : i32
      %swap3A_410 = arith.constant 0 : i32
      %swap3A_411 = tpu.memref_slice %arg9[%add3A_409, %swap3A_410] : memref<640x128xf32, #tpu.memory_space<vmem>> -> memref<1x128xf32, #tpu.memory_space<vmem>>
      %swap3A_412 = tpu.memref_squeeze %swap3A_411 : memref<1x128xf32, #tpu.memory_space<vmem>> -> memref<128xf32, #tpu.memory_space<vmem>>
      %swap3A_413 = arith.constant 0 : index
      %swap3A_414 = tpu.vector_load %swap3A_412[%swap3A_413] {strides = array<i32>} : memref<128xf32, #tpu.memory_space<vmem>>, vector<16xf32>,
      %swap3A_415 = vector.shape_cast %swap3A_414 : vector<16xf32> to vector<16xf32>
      %swap3A_416 = vector.shape_cast %add3A_405 : vector<16xf32> to vector<16xf32>
      tpu.vector_store %swap3A_412[%swap3A_413], %swap3A_416 {strides = array<i32>} : memref<128xf32, #tpu.memory_space<vmem>>, vector<16xf32>,
      %swap3A_417 = arith.constant 0 : i32
      %swap3A_418 = tpu.memref_slice %arg9[%add3A_409, %swap3A_417] : memref<640x128xf32, #tpu.memory_space<vmem>> -> memref<1x128xf32, #tpu.memory_space<vmem>>
      %swap3A_419 = tpu.memref_squeeze %swap3A_418 : memref<1x128xf32, #tpu.memory_space<vmem>> -> memref<128xf32, #tpu.memory_space<vmem>>
      %swap3A_420 = arith.constant 16 : index
      %swap3A_421 = tpu.vector_load %swap3A_419[%swap3A_420] {strides = array<i32>} : memref<128xf32, #tpu.memory_space<vmem>>, vector<16xf32>,
      %swap3A_422 = vector.shape_cast %swap3A_421 : vector<16xf32> to vector<16xf32>
      %swap3A_423 = vector.shape_cast %add3A_405 : vector<16xf32> to vector<16xf32>
      tpu.vector_store %swap3A_419[%swap3A_420], %swap3A_423 {strides = array<i32>} : memref<128xf32, #tpu.memory_space<vmem>>, vector<16xf32>,
      %swap3A_424 = arith.constant 0 : i32
      %swap3A_425 = tpu.memref_slice %arg9[%add3A_409, %swap3A_424] : memref<640x128xf32, #tpu.memory_space<vmem>> -> memref<1x128xf32, #tpu.memory_space<vmem>>
      %swap3A_426 = tpu.memref_squeeze %swap3A_425 : memref<1x128xf32, #tpu.memory_space<vmem>> -> memref<128xf32, #tpu.memory_space<vmem>>
      %swap3A_427 = arith.constant 32 : index
      %swap3A_428 = tpu.vector_load %swap3A_426[%swap3A_427] {strides = array<i32>} : memref<128xf32, #tpu.memory_space<vmem>>, vector<16xf32>,
      %swap3A_429 = vector.shape_cast %swap3A_428 : vector<16xf32> to vector<16xf32>
      %swap3A_430 = vector.shape_cast %add3A_405 : vector<16xf32> to vector<16xf32>
      tpu.vector_store %swap3A_426[%swap3A_427], %swap3A_430 {strides = array<i32>} : memref<128xf32, #tpu.memory_space<vmem>>, vector<16xf32>,
      %swap3A_431 = arith.constant 0 : i32
      %swap3A_432 = tpu.memref_slice %arg9[%add3A_409, %swap3A_431] : memref<640x128xf32, #tpu.memory_space<vmem>> -> memref<1x128xf32, #tpu.memory_space<vmem>>
      %swap3A_433 = tpu.memref_squeeze %swap3A_432 : memref<1x128xf32, #tpu.memory_space<vmem>> -> memref<128xf32, #tpu.memory_space<vmem>>
      %swap3A_434 = arith.constant 48 : index
      %swap3A_435 = tpu.vector_load %swap3A_433[%swap3A_434] {strides = array<i32>} : memref<128xf32, #tpu.memory_space<vmem>>, vector<16xf32>,
      %swap3A_436 = vector.shape_cast %swap3A_435 : vector<16xf32> to vector<16xf32>
      %swap3A_437 = vector.shape_cast %add3A_405 : vector<16xf32> to vector<16xf32>
      tpu.vector_store %swap3A_433[%swap3A_434], %swap3A_437 {strides = array<i32>} : memref<128xf32, #tpu.memory_space<vmem>>, vector<16xf32>,
      %swap3A_438 = arith.constant 0 : i32
      %swap3A_439 = tpu.memref_slice %arg9[%add3A_409, %swap3A_438] : memref<640x128xf32, #tpu.memory_space<vmem>> -> memref<1x128xf32, #tpu.memory_space<vmem>>
      %swap3A_440 = tpu.memref_squeeze %swap3A_439 : memref<1x128xf32, #tpu.memory_space<vmem>> -> memref<128xf32, #tpu.memory_space<vmem>>
      %swap3A_441 = arith.constant 64 : index
      %swap3A_442 = tpu.vector_load %swap3A_440[%swap3A_441] {strides = array<i32>} : memref<128xf32, #tpu.memory_space<vmem>>, vector<16xf32>,
      %swap3A_443 = vector.shape_cast %swap3A_442 : vector<16xf32> to vector<16xf32>
      %swap3A_444 = vector.shape_cast %add3A_405 : vector<16xf32> to vector<16xf32>
      tpu.vector_store %swap3A_440[%swap3A_441], %swap3A_444 {strides = array<i32>} : memref<128xf32, #tpu.memory_space<vmem>>, vector<16xf32>,
      %swap3A_445 = arith.constant 0 : i32
      %swap3A_446 = tpu.memref_slice %arg9[%add3A_409, %swap3A_445] : memref<640x128xf32, #tpu.memory_space<vmem>> -> memref<1x128xf32, #tpu.memory_space<vmem>>
      %swap3A_447 = tpu.memref_squeeze %swap3A_446 : memref<1x128xf32, #tpu.memory_space<vmem>> -> memref<128xf32, #tpu.memory_space<vmem>>
      %swap3A_448 = arith.constant 80 : index
      %swap3A_449 = tpu.vector_load %swap3A_447[%swap3A_448] {strides = array<i32>} : memref<128xf32, #tpu.memory_space<vmem>>, vector<16xf32>,
      %swap3A_450 = vector.shape_cast %swap3A_449 : vector<16xf32> to vector<16xf32>
      %swap3A_451 = vector.shape_cast %add3A_405 : vector<16xf32> to vector<16xf32>
      tpu.vector_store %swap3A_447[%swap3A_448], %swap3A_451 {strides = array<i32>} : memref<128xf32, #tpu.memory_space<vmem>>, vector<16xf32>,
      %swap3A_452 = arith.constant 0 : i32
      %swap3A_453 = tpu.memref_slice %arg9[%add3A_409, %swap3A_452] : memref<640x128xf32, #tpu.memory_space<vmem>> -> memref<1x128xf32, #tpu.memory_space<vmem>>
      %swap3A_454 = tpu.memref_squeeze %swap3A_453 : memref<1x128xf32, #tpu.memory_space<vmem>> -> memref<128xf32, #tpu.memory_space<vmem>>
      %swap3A_455 = arith.constant 96 : index
      %swap3A_456 = tpu.vector_load %swap3A_454[%swap3A_455] {strides = array<i32>} : memref<128xf32, #tpu.memory_space<vmem>>, vector<16xf32>,
      %swap3A_457 = vector.shape_cast %swap3A_456 : vector<16xf32> to vector<16xf32>
      %swap3A_458 = vector.shape_cast %add3A_405 : vector<16xf32> to vector<16xf32>
      tpu.vector_store %swap3A_454[%swap3A_455], %swap3A_458 {strides = array<i32>} : memref<128xf32, #tpu.memory_space<vmem>>, vector<16xf32>,
      %swap3A_459 = arith.constant 0 : i32
      %swap3A_460 = tpu.memref_slice %arg9[%add3A_409, %swap3A_459] : memref<640x128xf32, #tpu.memory_space<vmem>> -> memref<1x128xf32, #tpu.memory_space<vmem>>
      %swap3A_461 = tpu.memref_squeeze %swap3A_460 : memref<1x128xf32, #tpu.memory_space<vmem>> -> memref<128xf32, #tpu.memory_space<vmem>>
      %swap3A_462 = arith.constant 112 : index
      %swap3A_463 = tpu.vector_load %swap3A_461[%swap3A_462] {strides = array<i32>} : memref<128xf32, #tpu.memory_space<vmem>>, vector<16xf32>,
      %swap3A_464 = vector.shape_cast %swap3A_463 : vector<16xf32> to vector<16xf32>
      %swap3A_465 = vector.shape_cast %add3A_405 : vector<16xf32> to vector<16xf32>
      tpu.vector_store %swap3A_461[%swap3A_462], %swap3A_465 {strides = array<i32>} : memref<128xf32, #tpu.memory_space<vmem>>, vector<16xf32>,
      %broadcast_in_dim3A_466 = arith.constant 0.000000e+00 : f32
      %broadcast_in_dim3A_467 = vector.broadcast %broadcast_in_dim3A_466 : f32 to vector<16xf32>
      %slice3A_468 = vector.extract_strided_slice %get3A_137 {offsets = [5], sizes = [1], strides = [1]} : vector<16xf32> to vector<1xf32>
      %squeeze3A_469 = vector.extract %slice3A_468[0] : f32 from vector<1xf32>
      %add3A_470 = vector.broadcast %squeeze3A_469 : f32 to vector<16xf32>
      %add3A_471 = arith.addf %broadcast_in_dim3A_467, %add3A_470 : vector<16xf32>
      %mul3A_472 = arith.constant 16 : i32
      %mul3A_473 = arith.muli %mul3A_472, %scan3A_133 : i32
      %add3A_474 = arith.constant 5 : i32
      %add3A_475 = arith.addi %mul3A_473, %add3A_474 : i32
      %swap3A_476 = arith.constant 0 : i32
      %swap3A_477 = tpu.memref_slice %arg9[%add3A_475, %swap3A_476] : memref<640x128xf32, #tpu.memory_space<vmem>> -> memref<1x128xf32, #tpu.memory_space<vmem>>
      %swap3A_478 = tpu.memref_squeeze %swap3A_477 : memref<1x128xf32, #tpu.memory_space<vmem>> -> memref<128xf32, #tpu.memory_space<vmem>>
      %swap3A_479 = arith.constant 0 : index
      %swap3A_480 = tpu.vector_load %swap3A_478[%swap3A_479] {strides = array<i32>} : memref<128xf32, #tpu.memory_space<vmem>>, vector<16xf32>,
      %swap3A_481 = vector.shape_cast %swap3A_480 : vector<16xf32> to vector<16xf32>
      %swap3A_482 = vector.shape_cast %add3A_471 : vector<16xf32> to vector<16xf32>
      tpu.vector_store %swap3A_478[%swap3A_479], %swap3A_482 {strides = array<i32>} : memref<128xf32, #tpu.memory_space<vmem>>, vector<16xf32>,
      %swap3A_483 = arith.constant 0 : i32
      %swap3A_484 = tpu.memref_slice %arg9[%add3A_475, %swap3A_483] : memref<640x128xf32, #tpu.memory_space<vmem>> -> memref<1x128xf32, #tpu.memory_space<vmem>>
      %swap3A_485 = tpu.memref_squeeze %swap3A_484 : memref<1x128xf32, #tpu.memory_space<vmem>> -> memref<128xf32, #tpu.memory_space<vmem>>
      %swap3A_486 = arith.constant 16 : index
      %swap3A_487 = tpu.vector_load %swap3A_485[%swap3A_486] {strides = array<i32>} : memref<128xf32, #tpu.memory_space<vmem>>, vector<16xf32>,
      %swap3A_488 = vector.shape_cast %swap3A_487 : vector<16xf32> to vector<16xf32>
      %swap3A_489 = vector.shape_cast %add3A_471 : vector<16xf32> to vector<16xf32>
      tpu.vector_store %swap3A_485[%swap3A_486], %swap3A_489 {strides = array<i32>} : memref<128xf32, #tpu.memory_space<vmem>>, vector<16xf32>,
      %swap3A_490 = arith.constant 0 : i32
      %swap3A_491 = tpu.memref_slice %arg9[%add3A_475, %swap3A_490] : memref<640x128xf32, #tpu.memory_space<vmem>> -> memref<1x128xf32, #tpu.memory_space<vmem>>
      %swap3A_492 = tpu.memref_squeeze %swap3A_491 : memref<1x128xf32, #tpu.memory_space<vmem>> -> memref<128xf32, #tpu.memory_space<vmem>>
      %swap3A_493 = arith.constant 32 : index
      %swap3A_494 = tpu.vector_load %swap3A_492[%swap3A_493] {strides = array<i32>} : memref<128xf32, #tpu.memory_space<vmem>>, vector<16xf32>,
      %swap3A_495 = vector.shape_cast %swap3A_494 : vector<16xf32> to vector<16xf32>
      %swap3A_496 = vector.shape_cast %add3A_471 : vector<16xf32> to vector<16xf32>
      tpu.vector_store %swap3A_492[%swap3A_493], %swap3A_496 {strides = array<i32>} : memref<128xf32, #tpu.memory_space<vmem>>, vector<16xf32>,
      %swap3A_497 = arith.constant 0 : i32
      %swap3A_498 = tpu.memref_slice %arg9[%add3A_475, %swap3A_497] : memref<640x128xf32, #tpu.memory_space<vmem>> -> memref<1x128xf32, #tpu.memory_space<vmem>>
      %swap3A_499 = tpu.memref_squeeze %swap3A_498 : memref<1x128xf32, #tpu.memory_space<vmem>> -> memref<128xf32, #tpu.memory_space<vmem>>
      %swap3A_500 = arith.constant 48 : index
      %swap3A_501 = tpu.vector_load %swap3A_499[%swap3A_500] {strides = array<i32>} : memref<128xf32, #tpu.memory_space<vmem>>, vector<16xf32>,
      %swap3A_502 = vector.shape_cast %swap3A_501 : vector<16xf32> to vector<16xf32>
      %swap3A_503 = vector.shape_cast %add3A_471 : vector<16xf32> to vector<16xf32>
      tpu.vector_store %swap3A_499[%swap3A_500], %swap3A_503 {strides = array<i32>} : memref<128xf32, #tpu.memory_space<vmem>>, vector<16xf32>,
      %swap3A_504 = arith.constant 0 : i32
      %swap3A_505 = tpu.memref_slice %arg9[%add3A_475, %swap3A_504] : memref<640x128xf32, #tpu.memory_space<vmem>> -> memref<1x128xf32, #tpu.memory_space<vmem>>
      %swap3A_506 = tpu.memref_squeeze %swap3A_505 : memref<1x128xf32, #tpu.memory_space<vmem>> -> memref<128xf32, #tpu.memory_space<vmem>>
      %swap3A_507 = arith.constant 64 : index
      %swap3A_508 = tpu.vector_load %swap3A_506[%swap3A_507] {strides = array<i32>} : memref<128xf32, #tpu.memory_space<vmem>>, vector<16xf32>,
      %swap3A_509 = vector.shape_cast %swap3A_508 : vector<16xf32> to vector<16xf32>
      %swap3A_510 = vector.shape_cast %add3A_471 : vector<16xf32> to vector<16xf32>
      tpu.vector_store %swap3A_506[%swap3A_507], %swap3A_510 {strides = array<i32>} : memref<128xf32, #tpu.memory_space<vmem>>, vector<16xf32>,
      %swap3A_511 = arith.constant 0 : i32
      %swap3A_512 = tpu.memref_slice %arg9[%add3A_475, %swap3A_511] : memref<640x128xf32, #tpu.memory_space<vmem>> -> memref<1x128xf32, #tpu.memory_space<vmem>>
      %swap3A_513 = tpu.memref_squeeze %swap3A_512 : memref<1x128xf32, #tpu.memory_space<vmem>> -> memref<128xf32, #tpu.memory_space<vmem>>
      %swap3A_514 = arith.constant 80 : index
      %swap3A_515 = tpu.vector_load %swap3A_513[%swap3A_514] {strides = array<i32>} : memref<128xf32, #tpu.memory_space<vmem>>, vector<16xf32>,
      %swap3A_516 = vector.shape_cast %swap3A_515 : vector<16xf32> to vector<16xf32>
      %swap3A_517 = vector.shape_cast %add3A_471 : vector<16xf32> to vector<16xf32>
      tpu.vector_store %swap3A_513[%swap3A_514], %swap3A_517 {strides = array<i32>} : memref<128xf32, #tpu.memory_space<vmem>>, vector<16xf32>,
      %swap3A_518 = arith.constant 0 : i32
      %swap3A_519 = tpu.memref_slice %arg9[%add3A_475, %swap3A_518] : memref<640x128xf32, #tpu.memory_space<vmem>> -> memref<1x128xf32, #tpu.memory_space<vmem>>
      %swap3A_520 = tpu.memref_squeeze %swap3A_519 : memref<1x128xf32, #tpu.memory_space<vmem>> -> memref<128xf32, #tpu.memory_space<vmem>>
      %swap3A_521 = arith.constant 96 : index
      %swap3A_522 = tpu.vector_load %swap3A_520[%swap3A_521] {strides = array<i32>} : memref<128xf32, #tpu.memory_space<vmem>>, vector<16xf32>,
      %swap3A_523 = vector.shape_cast %swap3A_522 : vector<16xf32> to vector<16xf32>
      %swap3A_524 = vector.shape_cast %add3A_471 : vector<16xf32> to vector<16xf32>
      tpu.vector_store %swap3A_520[%swap3A_521], %swap3A_524 {strides = array<i32>} : memref<128xf32, #tpu.memory_space<vmem>>, vector<16xf32>,
      %swap3A_525 = arith.constant 0 : i32
      %swap3A_526 = tpu.memref_slice %arg9[%add3A_475, %swap3A_525] : memref<640x128xf32, #tpu.memory_space<vmem>> -> memref<1x128xf32, #tpu.memory_space<vmem>>
      %swap3A_527 = tpu.memref_squeeze %swap3A_526 : memref<1x128xf32, #tpu.memory_space<vmem>> -> memref<128xf32, #tpu.memory_space<vmem>>
      %swap3A_528 = arith.constant 112 : index
      %swap3A_529 = tpu.vector_load %swap3A_527[%swap3A_528] {strides = array<i32>} : memref<128xf32, #tpu.memory_space<vmem>>, vector<16xf32>,
      %swap3A_530 = vector.shape_cast %swap3A_529 : vector<16xf32> to vector<16xf32>
      %swap3A_531 = vector.shape_cast %add3A_471 : vector<16xf32> to vector<16xf32>
      tpu.vector_store %swap3A_527[%swap3A_528], %swap3A_531 {strides = array<i32>} : memref<128xf32, #tpu.memory_space<vmem>>, vector<16xf32>,
      %broadcast_in_dim3A_532 = arith.constant 0.000000e+00 : f32
      %broadcast_in_dim3A_533 = vector.broadcast %broadcast_in_dim3A_532 : f32 to vector<16xf32>
      %slice3A_534 = vector.extract_strided_slice %get3A_137 {offsets = [6], sizes = [1], strides = [1]} : vector<16xf32> to vector<1xf32>
      %squeeze3A_535 = vector.extract %slice3A_534[0] : f32 from vector<1xf32>
      %add3A_536 = vector.broadcast %squeeze3A_535 : f32 to vector<16xf32>
      %add3A_537 = arith.addf %broadcast_in_dim3A_533, %add3A_536 : vector<16xf32>
      %mul3A_538 = arith.constant 16 : i32
      %mul3A_539 = arith.muli %mul3A_538, %scan3A_133 : i32
      %add3A_540 = arith.constant 6 : i32
      %add3A_541 = arith.addi %mul3A_539, %add3A_540 : i32
      %swap3A_542 = arith.constant 0 : i32
      %swap3A_543 = tpu.memref_slice %arg9[%add3A_541, %swap3A_542] : memref<640x128xf32, #tpu.memory_space<vmem>> -> memref<1x128xf32, #tpu.memory_space<vmem>>
      %swap3A_544 = tpu.memref_squeeze %swap3A_543 : memref<1x128xf32, #tpu.memory_space<vmem>> -> memref<128xf32, #tpu.memory_space<vmem>>
      %swap3A_545 = arith.constant 0 : index
      %swap3A_546 = tpu.vector_load %swap3A_544[%swap3A_545] {strides = array<i32>} : memref<128xf32, #tpu.memory_space<vmem>>, vector<16xf32>,
      %swap3A_547 = vector.shape_cast %swap3A_546 : vector<16xf32> to vector<16xf32>
      %swap3A_548 = vector.shape_cast %add3A_537 : vector<16xf32> to vector<16xf32>
      tpu.vector_store %swap3A_544[%swap3A_545], %swap3A_548 {strides = array<i32>} : memref<128xf32, #tpu.memory_space<vmem>>, vector<16xf32>,
      %swap3A_549 = arith.constant 0 : i32
      %swap3A_550 = tpu.memref_slice %arg9[%add3A_541, %swap3A_549] : memref<640x128xf32, #tpu.memory_space<vmem>> -> memref<1x128xf32, #tpu.memory_space<vmem>>
      %swap3A_551 = tpu.memref_squeeze %swap3A_550 : memref<1x128xf32, #tpu.memory_space<vmem>> -> memref<128xf32, #tpu.memory_space<vmem>>
      %swap3A_552 = arith.constant 16 : index
      %swap3A_553 = tpu.vector_load %swap3A_551[%swap3A_552] {strides = array<i32>} : memref<128xf32, #tpu.memory_space<vmem>>, vector<16xf32>,
      %swap3A_554 = vector.shape_cast %swap3A_553 : vector<16xf32> to vector<16xf32>
      %swap3A_555 = vector.shape_cast %add3A_537 : vector<16xf32> to vector<16xf32>
      tpu.vector_store %swap3A_551[%swap3A_552], %swap3A_555 {strides = array<i32>} : memref<128xf32, #tpu.memory_space<vmem>>, vector<16xf32>,
      %swap3A_556 = arith.constant 0 : i32
      %swap3A_557 = tpu.memref_slice %arg9[%add3A_541, %swap3A_556] : memref<640x128xf32, #tpu.memory_space<vmem>> -> memref<1x128xf32, #tpu.memory_space<vmem>>
      %swap3A_558 = tpu.memref_squeeze %swap3A_557 : memref<1x128xf32, #tpu.memory_space<vmem>> -> memref<128xf32, #tpu.memory_space<vmem>>
      %swap3A_559 = arith.constant 32 : index
      %swap3A_560 = tpu.vector_load %swap3A_558[%swap3A_559] {strides = array<i32>} : memref<128xf32, #tpu.memory_space<vmem>>, vector<16xf32>,
      %swap3A_561 = vector.shape_cast %swap3A_560 : vector<16xf32> to vector<16xf32>
      %swap3A_562 = vector.shape_cast %add3A_537 : vector<16xf32> to vector<16xf32>
      tpu.vector_store %swap3A_558[%swap3A_559], %swap3A_562 {strides = array<i32>} : memref<128xf32, #tpu.memory_space<vmem>>, vector<16xf32>,
      %swap3A_563 = arith.constant 0 : i32
      %swap3A_564 = tpu.memref_slice %arg9[%add3A_541, %swap3A_563] : memref<640x128xf32, #tpu.memory_space<vmem>> -> memref<1x128xf32, #tpu.memory_space<vmem>>
      %swap3A_565 = tpu.memref_squeeze %swap3A_564 : memref<1x128xf32, #tpu.memory_space<vmem>> -> memref<128xf32, #tpu.memory_space<vmem>>
      %swap3A_566 = arith.constant 48 : index
      %swap3A_567 = tpu.vector_load %swap3A_565[%swap3A_566] {strides = array<i32>} : memref<128xf32, #tpu.memory_space<vmem>>, vector<16xf32>,
      %swap3A_568 = vector.shape_cast %swap3A_567 : vector<16xf32> to vector<16xf32>
      %swap3A_569 = vector.shape_cast %add3A_537 : vector<16xf32> to vector<16xf32>
      tpu.vector_store %swap3A_565[%swap3A_566], %swap3A_569 {strides = array<i32>} : memref<128xf32, #tpu.memory_space<vmem>>, vector<16xf32>,
      %swap3A_570 = arith.constant 0 : i32
      %swap3A_571 = tpu.memref_slice %arg9[%add3A_541, %swap3A_570] : memref<640x128xf32, #tpu.memory_space<vmem>> -> memref<1x128xf32, #tpu.memory_space<vmem>>
      %swap3A_572 = tpu.memref_squeeze %swap3A_571 : memref<1x128xf32, #tpu.memory_space<vmem>> -> memref<128xf32, #tpu.memory_space<vmem>>
      %swap3A_573 = arith.constant 64 : index
      %swap3A_574 = tpu.vector_load %swap3A_572[%swap3A_573] {strides = array<i32>} : memref<128xf32, #tpu.memory_space<vmem>>, vector<16xf32>,
      %swap3A_575 = vector.shape_cast %swap3A_574 : vector<16xf32> to vector<16xf32>
      %swap3A_576 = vector.shape_cast %add3A_537 : vector<16xf32> to vector<16xf32>
      tpu.vector_store %swap3A_572[%swap3A_573], %swap3A_576 {strides = array<i32>} : memref<128xf32, #tpu.memory_space<vmem>>, vector<16xf32>,
      %swap3A_577 = arith.constant 0 : i32
      %swap3A_578 = tpu.memref_slice %arg9[%add3A_541, %swap3A_577] : memref<640x128xf32, #tpu.memory_space<vmem>> -> memref<1x128xf32, #tpu.memory_space<vmem>>
      %swap3A_579 = tpu.memref_squeeze %swap3A_578 : memref<1x128xf32, #tpu.memory_space<vmem>> -> memref<128xf32, #tpu.memory_space<vmem>>
      %swap3A_580 = arith.constant 80 : index
      %swap3A_581 = tpu.vector_load %swap3A_579[%swap3A_580] {strides = array<i32>} : memref<128xf32, #tpu.memory_space<vmem>>, vector<16xf32>,
      %swap3A_582 = vector.shape_cast %swap3A_581 : vector<16xf32> to vector<16xf32>
      %swap3A_583 = vector.shape_cast %add3A_537 : vector<16xf32> to vector<16xf32>
      tpu.vector_store %swap3A_579[%swap3A_580], %swap3A_583 {strides = array<i32>} : memref<128xf32, #tpu.memory_space<vmem>>, vector<16xf32>,
      %swap3A_584 = arith.constant 0 : i32
      %swap3A_585 = tpu.memref_slice %arg9[%add3A_541, %swap3A_584] : memref<640x128xf32, #tpu.memory_space<vmem>> -> memref<1x128xf32, #tpu.memory_space<vmem>>
      %swap3A_586 = tpu.memref_squeeze %swap3A_585 : memref<1x128xf32, #tpu.memory_space<vmem>> -> memref<128xf32, #tpu.memory_space<vmem>>
      %swap3A_587 = arith.constant 96 : index
      %swap3A_588 = tpu.vector_load %swap3A_586[%swap3A_587] {strides = array<i32>} : memref<128xf32, #tpu.memory_space<vmem>>, vector<16xf32>,
      %swap3A_589 = vector.shape_cast %swap3A_588 : vector<16xf32> to vector<16xf32>
      %swap3A_590 = vector.shape_cast %add3A_537 : vector<16xf32> to vector<16xf32>
      tpu.vector_store %swap3A_586[%swap3A_587], %swap3A_590 {strides = array<i32>} : memref<128xf32, #tpu.memory_space<vmem>>, vector<16xf32>,
      %swap3A_591 = arith.constant 0 : i32
      %swap3A_592 = tpu.memref_slice %arg9[%add3A_541, %swap3A_591] : memref<640x128xf32, #tpu.memory_space<vmem>> -> memref<1x128xf32, #tpu.memory_space<vmem>>
      %swap3A_593 = tpu.memref_squeeze %swap3A_592 : memref<1x128xf32, #tpu.memory_space<vmem>> -> memref<128xf32, #tpu.memory_space<vmem>>
      %swap3A_594 = arith.constant 112 : index
      %swap3A_595 = tpu.vector_load %swap3A_593[%swap3A_594] {strides = array<i32>} : memref<128xf32, #tpu.memory_space<vmem>>, vector<16xf32>,
      %swap3A_596 = vector.shape_cast %swap3A_595 : vector<16xf32> to vector<16xf32>
      %swap3A_597 = vector.shape_cast %add3A_537 : vector<16xf32> to vector<16xf32>
      tpu.vector_store %swap3A_593[%swap3A_594], %swap3A_597 {strides = array<i32>} : memref<128xf32, #tpu.memory_space<vmem>>, vector<16xf32>,
      %broadcast_in_dim3A_598 = arith.constant 0.000000e+00 : f32
      %broadcast_in_dim3A_599 = vector.broadcast %broadcast_in_dim3A_598 : f32 to vector<16xf32>
      %slice3A_600 = vector.extract_strided_slice %get3A_137 {offsets = [7], sizes = [1], strides = [1]} : vector<16xf32> to vector<1xf32>
      %squeeze3A_601 = vector.extract %slice3A_600[0] : f32 from vector<1xf32>
      %add3A_602 = vector.broadcast %squeeze3A_601 : f32 to vector<16xf32>
      %add3A_603 = arith.addf %broadcast_in_dim3A_599, %add3A_602 : vector<16xf32>
      %mul3A_604 = arith.constant 16 : i32
      %mul3A_605 = arith.muli %mul3A_604, %scan3A_133 : i32
      %add3A_606 = arith.constant 7 : i32
      %add3A_607 = arith.addi %mul3A_605, %add3A_606 : i32
      %swap3A_608 = arith.constant 0 : i32
      %swap3A_609 = tpu.memref_slice %arg9[%add3A_607, %swap3A_608] : memref<640x128xf32, #tpu.memory_space<vmem>> -> memref<1x128xf32, #tpu.memory_space<vmem>>
      %swap3A_610 = tpu.memref_squeeze %swap3A_609 : memref<1x128xf32, #tpu.memory_space<vmem>> -> memref<128xf32, #tpu.memory_space<vmem>>
      %swap3A_611 = arith.constant 0 : index
      %swap3A_612 = tpu.vector_load %swap3A_610[%swap3A_611] {strides = array<i32>} : memref<128xf32, #tpu.memory_space<vmem>>, vector<16xf32>,
      %swap3A_613 = vector.shape_cast %swap3A_612 : vector<16xf32> to vector<16xf32>
      %swap3A_614 = vector.shape_cast %add3A_603 : vector<16xf32> to vector<16xf32>
      tpu.vector_store %swap3A_610[%swap3A_611], %swap3A_614 {strides = array<i32>} : memref<128xf32, #tpu.memory_space<vmem>>, vector<16xf32>,
      %swap3A_615 = arith.constant 0 : i32
      %swap3A_616 = tpu.memref_slice %arg9[%add3A_607, %swap3A_615] : memref<640x128xf32, #tpu.memory_space<vmem>> -> memref<1x128xf32, #tpu.memory_space<vmem>>
      %swap3A_617 = tpu.memref_squeeze %swap3A_616 : memref<1x128xf32, #tpu.memory_space<vmem>> -> memref<128xf32, #tpu.memory_space<vmem>>
      %swap3A_618 = arith.constant 16 : index
      %swap3A_619 = tpu.vector_load %swap3A_617[%swap3A_618] {strides = array<i32>} : memref<128xf32, #tpu.memory_space<vmem>>, vector<16xf32>,
      %swap3A_620 = vector.shape_cast %swap3A_619 : vector<16xf32> to vector<16xf32>
      %swap3A_621 = vector.shape_cast %add3A_603 : vector<16xf32> to vector<16xf32>
      tpu.vector_store %swap3A_617[%swap3A_618], %swap3A_621 {strides = array<i32>} : memref<128xf32, #tpu.memory_space<vmem>>, vector<16xf32>,
      %swap3A_622 = arith.constant 0 : i32
      %swap3A_623 = tpu.memref_slice %arg9[%add3A_607, %swap3A_622] : memref<640x128xf32, #tpu.memory_space<vmem>> -> memref<1x128xf32, #tpu.memory_space<vmem>>
      %swap3A_624 = tpu.memref_squeeze %swap3A_623 : memref<1x128xf32, #tpu.memory_space<vmem>> -> memref<128xf32, #tpu.memory_space<vmem>>
      %swap3A_625 = arith.constant 32 : index
      %swap3A_626 = tpu.vector_load %swap3A_624[%swap3A_625] {strides = array<i32>} : memref<128xf32, #tpu.memory_space<vmem>>, vector<16xf32>,
      %swap3A_627 = vector.shape_cast %swap3A_626 : vector<16xf32> to vector<16xf32>
      %swap3A_628 = vector.shape_cast %add3A_603 : vector<16xf32> to vector<16xf32>
      tpu.vector_store %swap3A_624[%swap3A_625], %swap3A_628 {strides = array<i32>} : memref<128xf32, #tpu.memory_space<vmem>>, vector<16xf32>,
      %swap3A_629 = arith.constant 0 : i32
      %swap3A_630 = tpu.memref_slice %arg9[%add3A_607, %swap3A_629] : memref<640x128xf32, #tpu.memory_space<vmem>> -> memref<1x128xf32, #tpu.memory_space<vmem>>
      %swap3A_631 = tpu.memref_squeeze %swap3A_630 : memref<1x128xf32, #tpu.memory_space<vmem>> -> memref<128xf32, #tpu.memory_space<vmem>>
      %swap3A_632 = arith.constant 48 : index
      %swap3A_633 = tpu.vector_load %swap3A_631[%swap3A_632] {strides = array<i32>} : memref<128xf32, #tpu.memory_space<vmem>>, vector<16xf32>,
      %swap3A_634 = vector.shape_cast %swap3A_633 : vector<16xf32> to vector<16xf32>
      %swap3A_635 = vector.shape_cast %add3A_603 : vector<16xf32> to vector<16xf32>
      tpu.vector_store %swap3A_631[%swap3A_632], %swap3A_635 {strides = array<i32>} : memref<128xf32, #tpu.memory_space<vmem>>, vector<16xf32>,
      %swap3A_636 = arith.constant 0 : i32
      %swap3A_637 = tpu.memref_slice %arg9[%add3A_607, %swap3A_636] : memref<640x128xf32, #tpu.memory_space<vmem>> -> memref<1x128xf32, #tpu.memory_space<vmem>>
      %swap3A_638 = tpu.memref_squeeze %swap3A_637 : memref<1x128xf32, #tpu.memory_space<vmem>> -> memref<128xf32, #tpu.memory_space<vmem>>
      %swap3A_639 = arith.constant 64 : index
      %swap3A_640 = tpu.vector_load %swap3A_638[%swap3A_639] {strides = array<i32>} : memref<128xf32, #tpu.memory_space<vmem>>, vector<16xf32>,
      %swap3A_641 = vector.shape_cast %swap3A_640 : vector<16xf32> to vector<16xf32>
      %swap3A_642 = vector.shape_cast %add3A_603 : vector<16xf32> to vector<16xf32>
      tpu.vector_store %swap3A_638[%swap3A_639], %swap3A_642 {strides = array<i32>} : memref<128xf32, #tpu.memory_space<vmem>>, vector<16xf32>,
      %swap3A_643 = arith.constant 0 : i32
      %swap3A_644 = tpu.memref_slice %arg9[%add3A_607, %swap3A_643] : memref<640x128xf32, #tpu.memory_space<vmem>> -> memref<1x128xf32, #tpu.memory_space<vmem>>
      %swap3A_645 = tpu.memref_squeeze %swap3A_644 : memref<1x128xf32, #tpu.memory_space<vmem>> -> memref<128xf32, #tpu.memory_space<vmem>>
      %swap3A_646 = arith.constant 80 : index
      %swap3A_647 = tpu.vector_load %swap3A_645[%swap3A_646] {strides = array<i32>} : memref<128xf32, #tpu.memory_space<vmem>>, vector<16xf32>,
      %swap3A_648 = vector.shape_cast %swap3A_647 : vector<16xf32> to vector<16xf32>
      %swap3A_649 = vector.shape_cast %add3A_603 : vector<16xf32> to vector<16xf32>
      tpu.vector_store %swap3A_645[%swap3A_646], %swap3A_649 {strides = array<i32>} : memref<128xf32, #tpu.memory_space<vmem>>, vector<16xf32>,
      %swap3A_650 = arith.constant 0 : i32
      %swap3A_651 = tpu.memref_slice %arg9[%add3A_607, %swap3A_650] : memref<640x128xf32, #tpu.memory_space<vmem>> -> memref<1x128xf32, #tpu.memory_space<vmem>>
      %swap3A_652 = tpu.memref_squeeze %swap3A_651 : memref<1x128xf32, #tpu.memory_space<vmem>> -> memref<128xf32, #tpu.memory_space<vmem>>
      %swap3A_653 = arith.constant 96 : index
      %swap3A_654 = tpu.vector_load %swap3A_652[%swap3A_653] {strides = array<i32>} : memref<128xf32, #tpu.memory_space<vmem>>, vector<16xf32>,
      %swap3A_655 = vector.shape_cast %swap3A_654 : vector<16xf32> to vector<16xf32>
      %swap3A_656 = vector.shape_cast %add3A_603 : vector<16xf32> to vector<16xf32>
      tpu.vector_store %swap3A_652[%swap3A_653], %swap3A_656 {strides = array<i32>} : memref<128xf32, #tpu.memory_space<vmem>>, vector<16xf32>,
      %swap3A_657 = arith.constant 0 : i32
      %swap3A_658 = tpu.memref_slice %arg9[%add3A_607, %swap3A_657] : memref<640x128xf32, #tpu.memory_space<vmem>> -> memref<1x128xf32, #tpu.memory_space<vmem>>
      %swap3A_659 = tpu.memref_squeeze %swap3A_658 : memref<1x128xf32, #tpu.memory_space<vmem>> -> memref<128xf32, #tpu.memory_space<vmem>>
      %swap3A_660 = arith.constant 112 : index
      %swap3A_661 = tpu.vector_load %swap3A_659[%swap3A_660] {strides = array<i32>} : memref<128xf32, #tpu.memory_space<vmem>>, vector<16xf32>,
      %swap3A_662 = vector.shape_cast %swap3A_661 : vector<16xf32> to vector<16xf32>
      %swap3A_663 = vector.shape_cast %add3A_603 : vector<16xf32> to vector<16xf32>
      tpu.vector_store %swap3A_659[%swap3A_660], %swap3A_663 {strides = array<i32>} : memref<128xf32, #tpu.memory_space<vmem>>, vector<16xf32>,
      %broadcast_in_dim3A_664 = arith.constant 0.000000e+00 : f32
      %broadcast_in_dim3A_665 = vector.broadcast %broadcast_in_dim3A_664 : f32 to vector<16xf32>
      %slice3A_666 = vector.extract_strided_slice %get3A_137 {offsets = [8], sizes = [1], strides = [1]} : vector<16xf32> to vector<1xf32>
      %squeeze3A_667 = vector.extract %slice3A_666[0] : f32 from vector<1xf32>
      %add3A_668 = vector.broadcast %squeeze3A_667 : f32 to vector<16xf32>
      %add3A_669 = arith.addf %broadcast_in_dim3A_665, %add3A_668 : vector<16xf32>
      %mul3A_670 = arith.constant 16 : i32
      %mul3A_671 = arith.muli %mul3A_670, %scan3A_133 : i32
      %add3A_672 = arith.constant 8 : i32
      %add3A_673 = arith.addi %mul3A_671, %add3A_672 : i32
      %swap3A_674 = arith.constant 0 : i32
      %swap3A_675 = tpu.memref_slice %arg9[%add3A_673, %swap3A_674] : memref<640x128xf32, #tpu.memory_space<vmem>> -> memref<1x128xf32, #tpu.memory_space<vmem>>
      %swap3A_676 = tpu.memref_squeeze %swap3A_675 : memref<1x128xf32, #tpu.memory_space<vmem>> -> memref<128xf32, #tpu.memory_space<vmem>>
      %swap3A_677 = arith.constant 0 : index
      %swap3A_678 = tpu.vector_load %swap3A_676[%swap3A_677] {strides = array<i32>} : memref<128xf32, #tpu.memory_space<vmem>>, vector<16xf32>,
      %swap3A_679 = vector.shape_cast %swap3A_678 : vector<16xf32> to vector<16xf32>
      %swap3A_680 = vector.shape_cast %add3A_669 : vector<16xf32> to vector<16xf32>
      tpu.vector_store %swap3A_676[%swap3A_677], %swap3A_680 {strides = array<i32>} : memref<128xf32, #tpu.memory_space<vmem>>, vector<16xf32>,
      %swap3A_681 = arith.constant 0 : i32
      %swap3A_682 = tpu.memref_slice %arg9[%add3A_673, %swap3A_681] : memref<640x128xf32, #tpu.memory_space<vmem>> -> memref<1x128xf32, #tpu.memory_space<vmem>>
      %swap3A_683 = tpu.memref_squeeze %swap3A_682 : memref<1x128xf32, #tpu.memory_space<vmem>> -> memref<128xf32, #tpu.memory_space<vmem>>
      %swap3A_684 = arith.constant 16 : index
      %swap3A_685 = tpu.vector_load %swap3A_683[%swap3A_684] {strides = array<i32>} : memref<128xf32, #tpu.memory_space<vmem>>, vector<16xf32>,
      %swap3A_686 = vector.shape_cast %swap3A_685 : vector<16xf32> to vector<16xf32>
      %swap3A_687 = vector.shape_cast %add3A_669 : vector<16xf32> to vector<16xf32>
      tpu.vector_store %swap3A_683[%swap3A_684], %swap3A_687 {strides = array<i32>} : memref<128xf32, #tpu.memory_space<vmem>>, vector<16xf32>,
      %swap3A_688 = arith.constant 0 : i32
      %swap3A_689 = tpu.memref_slice %arg9[%add3A_673, %swap3A_688] : memref<640x128xf32, #tpu.memory_space<vmem>> -> memref<1x128xf32, #tpu.memory_space<vmem>>
      %swap3A_690 = tpu.memref_squeeze %swap3A_689 : memref<1x128xf32, #tpu.memory_space<vmem>> -> memref<128xf32, #tpu.memory_space<vmem>>
      %swap3A_691 = arith.constant 32 : index
      %swap3A_692 = tpu.vector_load %swap3A_690[%swap3A_691] {strides = array<i32>} : memref<128xf32, #tpu.memory_space<vmem>>, vector<16xf32>,
      %swap3A_693 = vector.shape_cast %swap3A_692 : vector<16xf32> to vector<16xf32>
      %swap3A_694 = vector.shape_cast %add3A_669 : vector<16xf32> to vector<16xf32>
      tpu.vector_store %swap3A_690[%swap3A_691], %swap3A_694 {strides = array<i32>} : memref<128xf32, #tpu.memory_space<vmem>>, vector<16xf32>,
      %swap3A_695 = arith.constant 0 : i32
      %swap3A_696 = tpu.memref_slice %arg9[%add3A_673, %swap3A_695] : memref<640x128xf32, #tpu.memory_space<vmem>> -> memref<1x128xf32, #tpu.memory_space<vmem>>
      %swap3A_697 = tpu.memref_squeeze %swap3A_696 : memref<1x128xf32, #tpu.memory_space<vmem>> -> memref<128xf32, #tpu.memory_space<vmem>>
      %swap3A_698 = arith.constant 48 : index
      %swap3A_699 = tpu.vector_load %swap3A_697[%swap3A_698] {strides = array<i32>} : memref<128xf32, #tpu.memory_space<vmem>>, vector<16xf32>,
      %swap3A_700 = vector.shape_cast %swap3A_699 : vector<16xf32> to vector<16xf32>
      %swap3A_701 = vector.shape_cast %add3A_669 : vector<16xf32> to vector<16xf32>
      tpu.vector_store %swap3A_697[%swap3A_698], %swap3A_701 {strides = array<i32>} : memref<128xf32, #tpu.memory_space<vmem>>, vector<16xf32>,
      %swap3A_702 = arith.constant 0 : i32
      %swap3A_703 = tpu.memref_slice %arg9[%add3A_673, %swap3A_702] : memref<640x128xf32, #tpu.memory_space<vmem>> -> memref<1x128xf32, #tpu.memory_space<vmem>>
      %swap3A_704 = tpu.memref_squeeze %swap3A_703 : memref<1x128xf32, #tpu.memory_space<vmem>> -> memref<128xf32, #tpu.memory_space<vmem>>
      %swap3A_705 = arith.constant 64 : index
      %swap3A_706 = tpu.vector_load %swap3A_704[%swap3A_705] {strides = array<i32>} : memref<128xf32, #tpu.memory_space<vmem>>, vector<16xf32>,
      %swap3A_707 = vector.shape_cast %swap3A_706 : vector<16xf32> to vector<16xf32>
      %swap3A_708 = vector.shape_cast %add3A_669 : vector<16xf32> to vector<16xf32>
      tpu.vector_store %swap3A_704[%swap3A_705], %swap3A_708 {strides = array<i32>} : memref<128xf32, #tpu.memory_space<vmem>>, vector<16xf32>,
      %swap3A_709 = arith.constant 0 : i32
      %swap3A_710 = tpu.memref_slice %arg9[%add3A_673, %swap3A_709] : memref<640x128xf32, #tpu.memory_space<vmem>> -> memref<1x128xf32, #tpu.memory_space<vmem>>
      %swap3A_711 = tpu.memref_squeeze %swap3A_710 : memref<1x128xf32, #tpu.memory_space<vmem>> -> memref<128xf32, #tpu.memory_space<vmem>>
      %swap3A_712 = arith.constant 80 : index
      %swap3A_713 = tpu.vector_load %swap3A_711[%swap3A_712] {strides = array<i32>} : memref<128xf32, #tpu.memory_space<vmem>>, vector<16xf32>,
      %swap3A_714 = vector.shape_cast %swap3A_713 : vector<16xf32> to vector<16xf32>
      %swap3A_715 = vector.shape_cast %add3A_669 : vector<16xf32> to vector<16xf32>
      tpu.vector_store %swap3A_711[%swap3A_712], %swap3A_715 {strides = array<i32>} : memref<128xf32, #tpu.memory_space<vmem>>, vector<16xf32>,
      %swap3A_716 = arith.constant 0 : i32
      %swap3A_717 = tpu.memref_slice %arg9[%add3A_673, %swap3A_716] : memref<640x128xf32, #tpu.memory_space<vmem>> -> memref<1x128xf32, #tpu.memory_space<vmem>>
      %swap3A_718 = tpu.memref_squeeze %swap3A_717 : memref<1x128xf32, #tpu.memory_space<vmem>> -> memref<128xf32, #tpu.memory_space<vmem>>
      %swap3A_719 = arith.constant 96 : index
      %swap3A_720 = tpu.vector_load %swap3A_718[%swap3A_719] {strides = array<i32>} : memref<128xf32, #tpu.memory_space<vmem>>, vector<16xf32>,
      %swap3A_721 = vector.shape_cast %swap3A_720 : vector<16xf32> to vector<16xf32>
      %swap3A_722 = vector.shape_cast %add3A_669 : vector<16xf32> to vector<16xf32>
      tpu.vector_store %swap3A_718[%swap3A_719], %swap3A_722 {strides = array<i32>} : memref<128xf32, #tpu.memory_space<vmem>>, vector<16xf32>,
      %swap3A_723 = arith.constant 0 : i32
      %swap3A_724 = tpu.memref_slice %arg9[%add3A_673, %swap3A_723] : memref<640x128xf32, #tpu.memory_space<vmem>> -> memref<1x128xf32, #tpu.memory_space<vmem>>
      %swap3A_725 = tpu.memref_squeeze %swap3A_724 : memref<1x128xf32, #tpu.memory_space<vmem>> -> memref<128xf32, #tpu.memory_space<vmem>>
      %swap3A_726 = arith.constant 112 : index
      %swap3A_727 = tpu.vector_load %swap3A_725[%swap3A_726] {strides = array<i32>} : memref<128xf32, #tpu.memory_space<vmem>>, vector<16xf32>,
      %swap3A_728 = vector.shape_cast %swap3A_727 : vector<16xf32> to vector<16xf32>
      %swap3A_729 = vector.shape_cast %add3A_669 : vector<16xf32> to vector<16xf32>
      tpu.vector_store %swap3A_725[%swap3A_726], %swap3A_729 {strides = array<i32>} : memref<128xf32, #tpu.memory_space<vmem>>, vector<16xf32>,
      %broadcast_in_dim3A_730 = arith.constant 0.000000e+00 : f32
      %broadcast_in_dim3A_731 = vector.broadcast %broadcast_in_dim3A_730 : f32 to vector<16xf32>
      %slice3A_732 = vector.extract_strided_slice %get3A_137 {offsets = [9], sizes = [1], strides = [1]} : vector<16xf32> to vector<1xf32>
      %squeeze3A_733 = vector.extract %slice3A_732[0] : f32 from vector<1xf32>
      %add3A_734 = vector.broadcast %squeeze3A_733 : f32 to vector<16xf32>
      %add3A_735 = arith.addf %broadcast_in_dim3A_731, %add3A_734 : vector<16xf32>
      %mul3A_736 = arith.constant 16 : i32
      %mul3A_737 = arith.muli %mul3A_736, %scan3A_133 : i32
      %add3A_738 = arith.constant 9 : i32
      %add3A_739 = arith.addi %mul3A_737, %add3A_738 : i32
      %swap3A_740 = arith.constant 0 : i32
      %swap3A_741 = tpu.memref_slice %arg9[%add3A_739, %swap3A_740] : memref<640x128xf32, #tpu.memory_space<vmem>> -> memref<1x128xf32, #tpu.memory_space<vmem>>
      %swap3A_742 = tpu.memref_squeeze %swap3A_741 : memref<1x128xf32, #tpu.memory_space<vmem>> -> memref<128xf32, #tpu.memory_space<vmem>>
      %swap3A_743 = arith.constant 0 : index
      %swap3A_744 = tpu.vector_load %swap3A_742[%swap3A_743] {strides = array<i32>} : memref<128xf32, #tpu.memory_space<vmem>>, vector<16xf32>,
      %swap3A_745 = vector.shape_cast %swap3A_744 : vector<16xf32> to vector<16xf32>
      %swap3A_746 = vector.shape_cast %add3A_735 : vector<16xf32> to vector<16xf32>
      tpu.vector_store %swap3A_742[%swap3A_743], %swap3A_746 {strides = array<i32>} : memref<128xf32, #tpu.memory_space<vmem>>, vector<16xf32>,
      %swap3A_747 = arith.constant 0 : i32
      %swap3A_748 = tpu.memref_slice %arg9[%add3A_739, %swap3A_747] : memref<640x128xf32, #tpu.memory_space<vmem>> -> memref<1x128xf32, #tpu.memory_space<vmem>>
      %swap3A_749 = tpu.memref_squeeze %swap3A_748 : memref<1x128xf32, #tpu.memory_space<vmem>> -> memref<128xf32, #tpu.memory_space<vmem>>
      %swap3A_750 = arith.constant 16 : index
      %swap3A_751 = tpu.vector_load %swap3A_749[%swap3A_750] {strides = array<i32>} : memref<128xf32, #tpu.memory_space<vmem>>, vector<16xf32>,
      %swap3A_752 = vector.shape_cast %swap3A_751 : vector<16xf32> to vector<16xf32>
      %swap3A_753 = vector.shape_cast %add3A_735 : vector<16xf32> to vector<16xf32>
      tpu.vector_store %swap3A_749[%swap3A_750], %swap3A_753 {strides = array<i32>} : memref<128xf32, #tpu.memory_space<vmem>>, vector<16xf32>,
      %swap3A_754 = arith.constant 0 : i32
      %swap3A_755 = tpu.memref_slice %arg9[%add3A_739, %swap3A_754] : memref<640x128xf32, #tpu.memory_space<vmem>> -> memref<1x128xf32, #tpu.memory_space<vmem>>
      %swap3A_756 = tpu.memref_squeeze %swap3A_755 : memref<1x128xf32, #tpu.memory_space<vmem>> -> memref<128xf32, #tpu.memory_space<vmem>>
      %swap3A_757 = arith.constant 32 : index
      %swap3A_758 = tpu.vector_load %swap3A_756[%swap3A_757] {strides = array<i32>} : memref<128xf32, #tpu.memory_space<vmem>>, vector<16xf32>,
      %swap3A_759 = vector.shape_cast %swap3A_758 : vector<16xf32> to vector<16xf32>
      %swap3A_760 = vector.shape_cast %add3A_735 : vector<16xf32> to vector<16xf32>
      tpu.vector_store %swap3A_756[%swap3A_757], %swap3A_760 {strides = array<i32>} : memref<128xf32, #tpu.memory_space<vmem>>, vector<16xf32>,
      %swap3A_761 = arith.constant 0 : i32
      %swap3A_762 = tpu.memref_slice %arg9[%add3A_739, %swap3A_761] : memref<640x128xf32, #tpu.memory_space<vmem>> -> memref<1x128xf32, #tpu.memory_space<vmem>>
      %swap3A_763 = tpu.memref_squeeze %swap3A_762 : memref<1x128xf32, #tpu.memory_space<vmem>> -> memref<128xf32, #tpu.memory_space<vmem>>
      %swap3A_764 = arith.constant 48 : index
      %swap3A_765 = tpu.vector_load %swap3A_763[%swap3A_764] {strides = array<i32>} : memref<128xf32, #tpu.memory_space<vmem>>, vector<16xf32>,
      %swap3A_766 = vector.shape_cast %swap3A_765 : vector<16xf32> to vector<16xf32>
      %swap3A_767 = vector.shape_cast %add3A_735 : vector<16xf32> to vector<16xf32>
      tpu.vector_store %swap3A_763[%swap3A_764], %swap3A_767 {strides = array<i32>} : memref<128xf32, #tpu.memory_space<vmem>>, vector<16xf32>,
      %swap3A_768 = arith.constant 0 : i32
      %swap3A_769 = tpu.memref_slice %arg9[%add3A_739, %swap3A_768] : memref<640x128xf32, #tpu.memory_space<vmem>> -> memref<1x128xf32, #tpu.memory_space<vmem>>
      %swap3A_770 = tpu.memref_squeeze %swap3A_769 : memref<1x128xf32, #tpu.memory_space<vmem>> -> memref<128xf32, #tpu.memory_space<vmem>>
      %swap3A_771 = arith.constant 64 : index
      %swap3A_772 = tpu.vector_load %swap3A_770[%swap3A_771] {strides = array<i32>} : memref<128xf32, #tpu.memory_space<vmem>>, vector<16xf32>,
      %swap3A_773 = vector.shape_cast %swap3A_772 : vector<16xf32> to vector<16xf32>
      %swap3A_774 = vector.shape_cast %add3A_735 : vector<16xf32> to vector<16xf32>
      tpu.vector_store %swap3A_770[%swap3A_771], %swap3A_774 {strides = array<i32>} : memref<128xf32, #tpu.memory_space<vmem>>, vector<16xf32>,
      %swap3A_775 = arith.constant 0 : i32
      %swap3A_776 = tpu.memref_slice %arg9[%add3A_739, %swap3A_775] : memref<640x128xf32, #tpu.memory_space<vmem>> -> memref<1x128xf32, #tpu.memory_space<vmem>>
      %swap3A_777 = tpu.memref_squeeze %swap3A_776 : memref<1x128xf32, #tpu.memory_space<vmem>> -> memref<128xf32, #tpu.memory_space<vmem>>
      %swap3A_778 = arith.constant 80 : index
      %swap3A_779 = tpu.vector_load %swap3A_777[%swap3A_778] {strides = array<i32>} : memref<128xf32, #tpu.memory_space<vmem>>, vector<16xf32>,
      %swap3A_780 = vector.shape_cast %swap3A_779 : vector<16xf32> to vector<16xf32>
      %swap3A_781 = vector.shape_cast %add3A_735 : vector<16xf32> to vector<16xf32>
      tpu.vector_store %swap3A_777[%swap3A_778], %swap3A_781 {strides = array<i32>} : memref<128xf32, #tpu.memory_space<vmem>>, vector<16xf32>,
      %swap3A_782 = arith.constant 0 : i32
      %swap3A_783 = tpu.memref_slice %arg9[%add3A_739, %swap3A_782] : memref<640x128xf32, #tpu.memory_space<vmem>> -> memref<1x128xf32, #tpu.memory_space<vmem>>
      %swap3A_784 = tpu.memref_squeeze %swap3A_783 : memref<1x128xf32, #tpu.memory_space<vmem>> -> memref<128xf32, #tpu.memory_space<vmem>>
      %swap3A_785 = arith.constant 96 : index
      %swap3A_786 = tpu.vector_load %swap3A_784[%swap3A_785] {strides = array<i32>} : memref<128xf32, #tpu.memory_space<vmem>>, vector<16xf32>,
      %swap3A_787 = vector.shape_cast %swap3A_786 : vector<16xf32> to vector<16xf32>
      %swap3A_788 = vector.shape_cast %add3A_735 : vector<16xf32> to vector<16xf32>
      tpu.vector_store %swap3A_784[%swap3A_785], %swap3A_788 {strides = array<i32>} : memref<128xf32, #tpu.memory_space<vmem>>, vector<16xf32>,
      %swap3A_789 = arith.constant 0 : i32
      %swap3A_790 = tpu.memref_slice %arg9[%add3A_739, %swap3A_789] : memref<640x128xf32, #tpu.memory_space<vmem>> -> memref<1x128xf32, #tpu.memory_space<vmem>>
      %swap3A_791 = tpu.memref_squeeze %swap3A_790 : memref<1x128xf32, #tpu.memory_space<vmem>> -> memref<128xf32, #tpu.memory_space<vmem>>
      %swap3A_792 = arith.constant 112 : index
      %swap3A_793 = tpu.vector_load %swap3A_791[%swap3A_792] {strides = array<i32>} : memref<128xf32, #tpu.memory_space<vmem>>, vector<16xf32>,
      %swap3A_794 = vector.shape_cast %swap3A_793 : vector<16xf32> to vector<16xf32>
      %swap3A_795 = vector.shape_cast %add3A_735 : vector<16xf32> to vector<16xf32>
      tpu.vector_store %swap3A_791[%swap3A_792], %swap3A_795 {strides = array<i32>} : memref<128xf32, #tpu.memory_space<vmem>>, vector<16xf32>,
      %broadcast_in_dim3A_796 = arith.constant 0.000000e+00 : f32
      %broadcast_in_dim3A_797 = vector.broadcast %broadcast_in_dim3A_796 : f32 to vector<16xf32>
      %slice3A_798 = vector.extract_strided_slice %get3A_137 {offsets = [10], sizes = [1], strides = [1]} : vector<16xf32> to vector<1xf32>
      %squeeze3A_799 = vector.extract %slice3A_798[0] : f32 from vector<1xf32>
      %add3A_800 = vector.broadcast %squeeze3A_799 : f32 to vector<16xf32>
      %add3A_801 = arith.addf %broadcast_in_dim3A_797, %add3A_800 : vector<16xf32>
      %mul3A_802 = arith.constant 16 : i32
      %mul3A_803 = arith.muli %mul3A_802, %scan3A_133 : i32
      %add3A_804 = arith.constant 10 : i32
      %add3A_805 = arith.addi %mul3A_803, %add3A_804 : i32
      %swap3A_806 = arith.constant 0 : i32
      %swap3A_807 = tpu.memref_slice %arg9[%add3A_805, %swap3A_806] : memref<640x128xf32, #tpu.memory_space<vmem>> -> memref<1x128xf32, #tpu.memory_space<vmem>>
      %swap3A_808 = tpu.memref_squeeze %swap3A_807 : memref<1x128xf32, #tpu.memory_space<vmem>> -> memref<128xf32, #tpu.memory_space<vmem>>
      %swap3A_809 = arith.constant 0 : index
      %swap3A_810 = tpu.vector_load %swap3A_808[%swap3A_809] {strides = array<i32>} : memref<128xf32, #tpu.memory_space<vmem>>, vector<16xf32>,
      %swap3A_811 = vector.shape_cast %swap3A_810 : vector<16xf32> to vector<16xf32>
      %swap3A_812 = vector.shape_cast %add3A_801 : vector<16xf32> to vector<16xf32>
      tpu.vector_store %swap3A_808[%swap3A_809], %swap3A_812 {strides = array<i32>} : memref<128xf32, #tpu.memory_space<vmem>>, vector<16xf32>,
      %swap3A_813 = arith.constant 0 : i32
      %swap3A_814 = tpu.memref_slice %arg9[%add3A_805, %swap3A_813] : memref<640x128xf32, #tpu.memory_space<vmem>> -> memref<1x128xf32, #tpu.memory_space<vmem>>
      %swap3A_815 = tpu.memref_squeeze %swap3A_814 : memref<1x128xf32, #tpu.memory_space<vmem>> -> memref<128xf32, #tpu.memory_space<vmem>>
      %swap3A_816 = arith.constant 16 : index
      %swap3A_817 = tpu.vector_load %swap3A_815[%swap3A_816] {strides = array<i32>} : memref<128xf32, #tpu.memory_space<vmem>>, vector<16xf32>,
      %swap3A_818 = vector.shape_cast %swap3A_817 : vector<16xf32> to vector<16xf32>
      %swap3A_819 = vector.shape_cast %add3A_801 : vector<16xf32> to vector<16xf32>
      tpu.vector_store %swap3A_815[%swap3A_816], %swap3A_819 {strides = array<i32>} : memref<128xf32, #tpu.memory_space<vmem>>, vector<16xf32>,
      %swap3A_820 = arith.constant 0 : i32
      %swap3A_821 = tpu.memref_slice %arg9[%add3A_805, %swap3A_820] : memref<640x128xf32, #tpu.memory_space<vmem>> -> memref<1x128xf32, #tpu.memory_space<vmem>>
      %swap3A_822 = tpu.memref_squeeze %swap3A_821 : memref<1x128xf32, #tpu.memory_space<vmem>> -> memref<128xf32, #tpu.memory_space<vmem>>
      %swap3A_823 = arith.constant 32 : index
      %swap3A_824 = tpu.vector_load %swap3A_822[%swap3A_823] {strides = array<i32>} : memref<128xf32, #tpu.memory_space<vmem>>, vector<16xf32>,
      %swap3A_825 = vector.shape_cast %swap3A_824 : vector<16xf32> to vector<16xf32>
      %swap3A_826 = vector.shape_cast %add3A_801 : vector<16xf32> to vector<16xf32>
      tpu.vector_store %swap3A_822[%swap3A_823], %swap3A_826 {strides = array<i32>} : memref<128xf32, #tpu.memory_space<vmem>>, vector<16xf32>,
      %swap3A_827 = arith.constant 0 : i32
      %swap3A_828 = tpu.memref_slice %arg9[%add3A_805, %swap3A_827] : memref<640x128xf32, #tpu.memory_space<vmem>> -> memref<1x128xf32, #tpu.memory_space<vmem>>
      %swap3A_829 = tpu.memref_squeeze %swap3A_828 : memref<1x128xf32, #tpu.memory_space<vmem>> -> memref<128xf32, #tpu.memory_space<vmem>>
      %swap3A_830 = arith.constant 48 : index
      %swap3A_831 = tpu.vector_load %swap3A_829[%swap3A_830] {strides = array<i32>} : memref<128xf32, #tpu.memory_space<vmem>>, vector<16xf32>,
      %swap3A_832 = vector.shape_cast %swap3A_831 : vector<16xf32> to vector<16xf32>
      %swap3A_833 = vector.shape_cast %add3A_801 : vector<16xf32> to vector<16xf32>
      tpu.vector_store %swap3A_829[%swap3A_830], %swap3A_833 {strides = array<i32>} : memref<128xf32, #tpu.memory_space<vmem>>, vector<16xf32>,
      %swap3A_834 = arith.constant 0 : i32
      %swap3A_835 = tpu.memref_slice %arg9[%add3A_805, %swap3A_834] : memref<640x128xf32, #tpu.memory_space<vmem>> -> memref<1x128xf32, #tpu.memory_space<vmem>>
      %swap3A_836 = tpu.memref_squeeze %swap3A_835 : memref<1x128xf32, #tpu.memory_space<vmem>> -> memref<128xf32, #tpu.memory_space<vmem>>
      %swap3A_837 = arith.constant 64 : index
      %swap3A_838 = tpu.vector_load %swap3A_836[%swap3A_837] {strides = array<i32>} : memref<128xf32, #tpu.memory_space<vmem>>, vector<16xf32>,
      %swap3A_839 = vector.shape_cast %swap3A_838 : vector<16xf32> to vector<16xf32>
      %swap3A_840 = vector.shape_cast %add3A_801 : vector<16xf32> to vector<16xf32>
      tpu.vector_store %swap3A_836[%swap3A_837], %swap3A_840 {strides = array<i32>} : memref<128xf32, #tpu.memory_space<vmem>>, vector<16xf32>,
      %swap3A_841 = arith.constant 0 : i32
      %swap3A_842 = tpu.memref_slice %arg9[%add3A_805, %swap3A_841] : memref<640x128xf32, #tpu.memory_space<vmem>> -> memref<1x128xf32, #tpu.memory_space<vmem>>
      %swap3A_843 = tpu.memref_squeeze %swap3A_842 : memref<1x128xf32, #tpu.memory_space<vmem>> -> memref<128xf32, #tpu.memory_space<vmem>>
      %swap3A_844 = arith.constant 80 : index
      %swap3A_845 = tpu.vector_load %swap3A_843[%swap3A_844] {strides = array<i32>} : memref<128xf32, #tpu.memory_space<vmem>>, vector<16xf32>,
      %swap3A_846 = vector.shape_cast %swap3A_845 : vector<16xf32> to vector<16xf32>
      %swap3A_847 = vector.shape_cast %add3A_801 : vector<16xf32> to vector<16xf32>
      tpu.vector_store %swap3A_843[%swap3A_844], %swap3A_847 {strides = array<i32>} : memref<128xf32, #tpu.memory_space<vmem>>, vector<16xf32>,
      %swap3A_848 = arith.constant 0 : i32
      %swap3A_849 = tpu.memref_slice %arg9[%add3A_805, %swap3A_848] : memref<640x128xf32, #tpu.memory_space<vmem>> -> memref<1x128xf32, #tpu.memory_space<vmem>>
      %swap3A_850 = tpu.memref_squeeze %swap3A_849 : memref<1x128xf32, #tpu.memory_space<vmem>> -> memref<128xf32, #tpu.memory_space<vmem>>
      %swap3A_851 = arith.constant 96 : index
      %swap3A_852 = tpu.vector_load %swap3A_850[%swap3A_851] {strides = array<i32>} : memref<128xf32, #tpu.memory_space<vmem>>, vector<16xf32>,
      %swap3A_853 = vector.shape_cast %swap3A_852 : vector<16xf32> to vector<16xf32>
      %swap3A_854 = vector.shape_cast %add3A_801 : vector<16xf32> to vector<16xf32>
      tpu.vector_store %swap3A_850[%swap3A_851], %swap3A_854 {strides = array<i32>} : memref<128xf32, #tpu.memory_space<vmem>>, vector<16xf32>,
      %swap3A_855 = arith.constant 0 : i32
      %swap3A_856 = tpu.memref_slice %arg9[%add3A_805, %swap3A_855] : memref<640x128xf32, #tpu.memory_space<vmem>> -> memref<1x128xf32, #tpu.memory_space<vmem>>
      %swap3A_857 = tpu.memref_squeeze %swap3A_856 : memref<1x128xf32, #tpu.memory_space<vmem>> -> memref<128xf32, #tpu.memory_space<vmem>>
      %swap3A_858 = arith.constant 112 : index
      %swap3A_859 = tpu.vector_load %swap3A_857[%swap3A_858] {strides = array<i32>} : memref<128xf32, #tpu.memory_space<vmem>>, vector<16xf32>,
      %swap3A_860 = vector.shape_cast %swap3A_859 : vector<16xf32> to vector<16xf32>
      %swap3A_861 = vector.shape_cast %add3A_801 : vector<16xf32> to vector<16xf32>
      tpu.vector_store %swap3A_857[%swap3A_858], %swap3A_861 {strides = array<i32>} : memref<128xf32, #tpu.memory_space<vmem>>, vector<16xf32>,
      %broadcast_in_dim3A_862 = arith.constant 0.000000e+00 : f32
      %broadcast_in_dim3A_863 = vector.broadcast %broadcast_in_dim3A_862 : f32 to vector<16xf32>
      %slice3A_864 = vector.extract_strided_slice %get3A_137 {offsets = [11], sizes = [1], strides = [1]} : vector<16xf32> to vector<1xf32>
      %squeeze3A_865 = vector.extract %slice3A_864[0] : f32 from vector<1xf32>
      %add3A_866 = vector.broadcast %squeeze3A_865 : f32 to vector<16xf32>
      %add3A_867 = arith.addf %broadcast_in_dim3A_863, %add3A_866 : vector<16xf32>
      %mul3A_868 = arith.constant 16 : i32
      %mul3A_869 = arith.muli %mul3A_868, %scan3A_133 : i32
      %add3A_870 = arith.constant 11 : i32
      %add3A_871 = arith.addi %mul3A_869, %add3A_870 : i32
      %swap3A_872 = arith.constant 0 : i32
      %swap3A_873 = tpu.memref_slice %arg9[%add3A_871, %swap3A_872] : memref<640x128xf32, #tpu.memory_space<vmem>> -> memref<1x128xf32, #tpu.memory_space<vmem>>
      %swap3A_874 = tpu.memref_squeeze %swap3A_873 : memref<1x128xf32, #tpu.memory_space<vmem>> -> memref<128xf32, #tpu.memory_space<vmem>>
      %swap3A_875 = arith.constant 0 : index
      %swap3A_876 = tpu.vector_load %swap3A_874[%swap3A_875] {strides = array<i32>} : memref<128xf32, #tpu.memory_space<vmem>>, vector<16xf32>,
      %swap3A_877 = vector.shape_cast %swap3A_876 : vector<16xf32> to vector<16xf32>
      %swap3A_878 = vector.shape_cast %add3A_867 : vector<16xf32> to vector<16xf32>
      tpu.vector_store %swap3A_874[%swap3A_875], %swap3A_878 {strides = array<i32>} : memref<128xf32, #tpu.memory_space<vmem>>, vector<16xf32>,
      %swap3A_879 = arith.constant 0 : i32
      %swap3A_880 = tpu.memref_slice %arg9[%add3A_871, %swap3A_879] : memref<640x128xf32, #tpu.memory_space<vmem>> -> memref<1x128xf32, #tpu.memory_space<vmem>>
      %swap3A_881 = tpu.memref_squeeze %swap3A_880 : memref<1x128xf32, #tpu.memory_space<vmem>> -> memref<128xf32, #tpu.memory_space<vmem>>
      %swap3A_882 = arith.constant 16 : index
      %swap3A_883 = tpu.vector_load %swap3A_881[%swap3A_882] {strides = array<i32>} : memref<128xf32, #tpu.memory_space<vmem>>, vector<16xf32>,
      %swap3A_884 = vector.shape_cast %swap3A_883 : vector<16xf32> to vector<16xf32>
      %swap3A_885 = vector.shape_cast %add3A_867 : vector<16xf32> to vector<16xf32>
      tpu.vector_store %swap3A_881[%swap3A_882], %swap3A_885 {strides = array<i32>} : memref<128xf32, #tpu.memory_space<vmem>>, vector<16xf32>,
      %swap3A_886 = arith.constant 0 : i32
      %swap3A_887 = tpu.memref_slice %arg9[%add3A_871, %swap3A_886] : memref<640x128xf32, #tpu.memory_space<vmem>> -> memref<1x128xf32, #tpu.memory_space<vmem>>
      %swap3A_888 = tpu.memref_squeeze %swap3A_887 : memref<1x128xf32, #tpu.memory_space<vmem>> -> memref<128xf32, #tpu.memory_space<vmem>>
      %swap3A_889 = arith.constant 32 : index
      %swap3A_890 = tpu.vector_load %swap3A_888[%swap3A_889] {strides = array<i32>} : memref<128xf32, #tpu.memory_space<vmem>>, vector<16xf32>,
      %swap3A_891 = vector.shape_cast %swap3A_890 : vector<16xf32> to vector<16xf32>
      %swap3A_892 = vector.shape_cast %add3A_867 : vector<16xf32> to vector<16xf32>
      tpu.vector_store %swap3A_888[%swap3A_889], %swap3A_892 {strides = array<i32>} : memref<128xf32, #tpu.memory_space<vmem>>, vector<16xf32>,
      %swap3A_893 = arith.constant 0 : i32
      %swap3A_894 = tpu.memref_slice %arg9[%add3A_871, %swap3A_893] : memref<640x128xf32, #tpu.memory_space<vmem>> -> memref<1x128xf32, #tpu.memory_space<vmem>>
      %swap3A_895 = tpu.memref_squeeze %swap3A_894 : memref<1x128xf32, #tpu.memory_space<vmem>> -> memref<128xf32, #tpu.memory_space<vmem>>
      %swap3A_896 = arith.constant 48 : index
      %swap3A_897 = tpu.vector_load %swap3A_895[%swap3A_896] {strides = array<i32>} : memref<128xf32, #tpu.memory_space<vmem>>, vector<16xf32>,
      %swap3A_898 = vector.shape_cast %swap3A_897 : vector<16xf32> to vector<16xf32>
      %swap3A_899 = vector.shape_cast %add3A_867 : vector<16xf32> to vector<16xf32>
      tpu.vector_store %swap3A_895[%swap3A_896], %swap3A_899 {strides = array<i32>} : memref<128xf32, #tpu.memory_space<vmem>>, vector<16xf32>,
      %swap3A_900 = arith.constant 0 : i32
      %swap3A_901 = tpu.memref_slice %arg9[%add3A_871, %swap3A_900] : memref<640x128xf32, #tpu.memory_space<vmem>> -> memref<1x128xf32, #tpu.memory_space<vmem>>
      %swap3A_902 = tpu.memref_squeeze %swap3A_901 : memref<1x128xf32, #tpu.memory_space<vmem>> -> memref<128xf32, #tpu.memory_space<vmem>>
      %swap3A_903 = arith.constant 64 : index
      %swap3A_904 = tpu.vector_load %swap3A_902[%swap3A_903] {strides = array<i32>} : memref<128xf32, #tpu.memory_space<vmem>>, vector<16xf32>,
      %swap3A_905 = vector.shape_cast %swap3A_904 : vector<16xf32> to vector<16xf32>
      %swap3A_906 = vector.shape_cast %add3A_867 : vector<16xf32> to vector<16xf32>
      tpu.vector_store %swap3A_902[%swap3A_903], %swap3A_906 {strides = array<i32>} : memref<128xf32, #tpu.memory_space<vmem>>, vector<16xf32>,
      %swap3A_907 = arith.constant 0 : i32
      %swap3A_908 = tpu.memref_slice %arg9[%add3A_871, %swap3A_907] : memref<640x128xf32, #tpu.memory_space<vmem>> -> memref<1x128xf32, #tpu.memory_space<vmem>>
      %swap3A_909 = tpu.memref_squeeze %swap3A_908 : memref<1x128xf32, #tpu.memory_space<vmem>> -> memref<128xf32, #tpu.memory_space<vmem>>
      %swap3A_910 = arith.constant 80 : index
      %swap3A_911 = tpu.vector_load %swap3A_909[%swap3A_910] {strides = array<i32>} : memref<128xf32, #tpu.memory_space<vmem>>, vector<16xf32>,
      %swap3A_912 = vector.shape_cast %swap3A_911 : vector<16xf32> to vector<16xf32>
      %swap3A_913 = vector.shape_cast %add3A_867 : vector<16xf32> to vector<16xf32>
      tpu.vector_store %swap3A_909[%swap3A_910], %swap3A_913 {strides = array<i32>} : memref<128xf32, #tpu.memory_space<vmem>>, vector<16xf32>,
      %swap3A_914 = arith.constant 0 : i32
      %swap3A_915 = tpu.memref_slice %arg9[%add3A_871, %swap3A_914] : memref<640x128xf32, #tpu.memory_space<vmem>> -> memref<1x128xf32, #tpu.memory_space<vmem>>
      %swap3A_916 = tpu.memref_squeeze %swap3A_915 : memref<1x128xf32, #tpu.memory_space<vmem>> -> memref<128xf32, #tpu.memory_space<vmem>>
      %swap3A_917 = arith.constant 96 : index
      %swap3A_918 = tpu.vector_load %swap3A_916[%swap3A_917] {strides = array<i32>} : memref<128xf32, #tpu.memory_space<vmem>>, vector<16xf32>,
      %swap3A_919 = vector.shape_cast %swap3A_918 : vector<16xf32> to vector<16xf32>
      %swap3A_920 = vector.shape_cast %add3A_867 : vector<16xf32> to vector<16xf32>
      tpu.vector_store %swap3A_916[%swap3A_917], %swap3A_920 {strides = array<i32>} : memref<128xf32, #tpu.memory_space<vmem>>, vector<16xf32>,
      %swap3A_921 = arith.constant 0 : i32
      %swap3A_922 = tpu.memref_slice %arg9[%add3A_871, %swap3A_921] : memref<640x128xf32, #tpu.memory_space<vmem>> -> memref<1x128xf32, #tpu.memory_space<vmem>>
      %swap3A_923 = tpu.memref_squeeze %swap3A_922 : memref<1x128xf32, #tpu.memory_space<vmem>> -> memref<128xf32, #tpu.memory_space<vmem>>
      %swap3A_924 = arith.constant 112 : index
      %swap3A_925 = tpu.vector_load %swap3A_923[%swap3A_924] {strides = array<i32>} : memref<128xf32, #tpu.memory_space<vmem>>, vector<16xf32>,
      %swap3A_926 = vector.shape_cast %swap3A_925 : vector<16xf32> to vector<16xf32>
      %swap3A_927 = vector.shape_cast %add3A_867 : vector<16xf32> to vector<16xf32>
      tpu.vector_store %swap3A_923[%swap3A_924], %swap3A_927 {strides = array<i32>} : memref<128xf32, #tpu.memory_space<vmem>>, vector<16xf32>,
      %broadcast_in_dim3A_928 = arith.constant 0.000000e+00 : f32
      %broadcast_in_dim3A_929 = vector.broadcast %broadcast_in_dim3A_928 : f32 to vector<16xf32>
      %slice3A_930 = vector.extract_strided_slice %get3A_137 {offsets = [12], sizes = [1], strides = [1]} : vector<16xf32> to vector<1xf32>
      %squeeze3A_931 = vector.extract %slice3A_930[0] : f32 from vector<1xf32>
      %add3A_932 = vector.broadcast %squeeze3A_931 : f32 to vector<16xf32>
      %add3A_933 = arith.addf %broadcast_in_dim3A_929, %add3A_932 : vector<16xf32>
      %mul3A_934 = arith.constant 16 : i32
      %mul3A_935 = arith.muli %mul3A_934, %scan3A_133 : i32
      %add3A_936 = arith.constant 12 : i32
      %add3A_937 = arith.addi %mul3A_935, %add3A_936 : i32
      %swap3A_938 = arith.constant 0 : i32
      %swap3A_939 = tpu.memref_slice %arg9[%add3A_937, %swap3A_938] : memref<640x128xf32, #tpu.memory_space<vmem>> -> memref<1x128xf32, #tpu.memory_space<vmem>>
      %swap3A_940 = tpu.memref_squeeze %swap3A_939 : memref<1x128xf32, #tpu.memory_space<vmem>> -> memref<128xf32, #tpu.memory_space<vmem>>
      %swap3A_941 = arith.constant 0 : index
      %swap3A_942 = tpu.vector_load %swap3A_940[%swap3A_941] {strides = array<i32>} : memref<128xf32, #tpu.memory_space<vmem>>, vector<16xf32>,
      %swap3A_943 = vector.shape_cast %swap3A_942 : vector<16xf32> to vector<16xf32>
      %swap3A_944 = vector.shape_cast %add3A_933 : vector<16xf32> to vector<16xf32>
      tpu.vector_store %swap3A_940[%swap3A_941], %swap3A_944 {strides = array<i32>} : memref<128xf32, #tpu.memory_space<vmem>>, vector<16xf32>,
      %swap3A_945 = arith.constant 0 : i32
      %swap3A_946 = tpu.memref_slice %arg9[%add3A_937, %swap3A_945] : memref<640x128xf32, #tpu.memory_space<vmem>> -> memref<1x128xf32, #tpu.memory_space<vmem>>
      %swap3A_947 = tpu.memref_squeeze %swap3A_946 : memref<1x128xf32, #tpu.memory_space<vmem>> -> memref<128xf32, #tpu.memory_space<vmem>>
      %swap3A_948 = arith.constant 16 : index
      %swap3A_949 = tpu.vector_load %swap3A_947[%swap3A_948] {strides = array<i32>} : memref<128xf32, #tpu.memory_space<vmem>>, vector<16xf32>,
      %swap3A_950 = vector.shape_cast %swap3A_949 : vector<16xf32> to vector<16xf32>
      %swap3A_951 = vector.shape_cast %add3A_933 : vector<16xf32> to vector<16xf32>
      tpu.vector_store %swap3A_947[%swap3A_948], %swap3A_951 {strides = array<i32>} : memref<128xf32, #tpu.memory_space<vmem>>, vector<16xf32>,
      %swap3A_952 = arith.constant 0 : i32
      %swap3A_953 = tpu.memref_slice %arg9[%add3A_937, %swap3A_952] : memref<640x128xf32, #tpu.memory_space<vmem>> -> memref<1x128xf32, #tpu.memory_space<vmem>>
      %swap3A_954 = tpu.memref_squeeze %swap3A_953 : memref<1x128xf32, #tpu.memory_space<vmem>> -> memref<128xf32, #tpu.memory_space<vmem>>
      %swap3A_955 = arith.constant 32 : index
      %swap3A_956 = tpu.vector_load %swap3A_954[%swap3A_955] {strides = array<i32>} : memref<128xf32, #tpu.memory_space<vmem>>, vector<16xf32>,
      %swap3A_957 = vector.shape_cast %swap3A_956 : vector<16xf32> to vector<16xf32>
      %swap3A_958 = vector.shape_cast %add3A_933 : vector<16xf32> to vector<16xf32>
      tpu.vector_store %swap3A_954[%swap3A_955], %swap3A_958 {strides = array<i32>} : memref<128xf32, #tpu.memory_space<vmem>>, vector<16xf32>,
      %swap3A_959 = arith.constant 0 : i32
      %swap3A_960 = tpu.memref_slice %arg9[%add3A_937, %swap3A_959] : memref<640x128xf32, #tpu.memory_space<vmem>> -> memref<1x128xf32, #tpu.memory_space<vmem>>
      %swap3A_961 = tpu.memref_squeeze %swap3A_960 : memref<1x128xf32, #tpu.memory_space<vmem>> -> memref<128xf32, #tpu.memory_space<vmem>>
      %swap3A_962 = arith.constant 48 : index
      %swap3A_963 = tpu.vector_load %swap3A_961[%swap3A_962] {strides = array<i32>} : memref<128xf32, #tpu.memory_space<vmem>>, vector<16xf32>,
      %swap3A_964 = vector.shape_cast %swap3A_963 : vector<16xf32> to vector<16xf32>
      %swap3A_965 = vector.shape_cast %add3A_933 : vector<16xf32> to vector<16xf32>
      tpu.vector_store %swap3A_961[%swap3A_962], %swap3A_965 {strides = array<i32>} : memref<128xf32, #tpu.memory_space<vmem>>, vector<16xf32>,
      %swap3A_966 = arith.constant 0 : i32
      %swap3A_967 = tpu.memref_slice %arg9[%add3A_937, %swap3A_966] : memref<640x128xf32, #tpu.memory_space<vmem>> -> memref<1x128xf32, #tpu.memory_space<vmem>>
      %swap3A_968 = tpu.memref_squeeze %swap3A_967 : memref<1x128xf32, #tpu.memory_space<vmem>> -> memref<128xf32, #tpu.memory_space<vmem>>
      %swap3A_969 = arith.constant 64 : index
      %swap3A_970 = tpu.vector_load %swap3A_968[%swap3A_969] {strides = array<i32>} : memref<128xf32, #tpu.memory_space<vmem>>, vector<16xf32>,
      %swap3A_971 = vector.shape_cast %swap3A_970 : vector<16xf32> to vector<16xf32>
      %swap3A_972 = vector.shape_cast %add3A_933 : vector<16xf32> to vector<16xf32>
      tpu.vector_store %swap3A_968[%swap3A_969], %swap3A_972 {strides = array<i32>} : memref<128xf32, #tpu.memory_space<vmem>>, vector<16xf32>,
      %swap3A_973 = arith.constant 0 : i32
      %swap3A_974 = tpu.memref_slice %arg9[%add3A_937, %swap3A_973] : memref<640x128xf32, #tpu.memory_space<vmem>> -> memref<1x128xf32, #tpu.memory_space<vmem>>
      %swap3A_975 = tpu.memref_squeeze %swap3A_974 : memref<1x128xf32, #tpu.memory_space<vmem>> -> memref<128xf32, #tpu.memory_space<vmem>>
      %swap3A_976 = arith.constant 80 : index
      %swap3A_977 = tpu.vector_load %swap3A_975[%swap3A_976] {strides = array<i32>} : memref<128xf32, #tpu.memory_space<vmem>>, vector<16xf32>,
      %swap3A_978 = vector.shape_cast %swap3A_977 : vector<16xf32> to vector<16xf32>
      %swap3A_979 = vector.shape_cast %add3A_933 : vector<16xf32> to vector<16xf32>
      tpu.vector_store %swap3A_975[%swap3A_976], %swap3A_979 {strides = array<i32>} : memref<128xf32, #tpu.memory_space<vmem>>, vector<16xf32>,
      %swap3A_980 = arith.constant 0 : i32
      %swap3A_981 = tpu.memref_slice %arg9[%add3A_937, %swap3A_980] : memref<640x128xf32, #tpu.memory_space<vmem>> -> memref<1x128xf32, #tpu.memory_space<vmem>>
      %swap3A_982 = tpu.memref_squeeze %swap3A_981 : memref<1x128xf32, #tpu.memory_space<vmem>> -> memref<128xf32, #tpu.memory_space<vmem>>
      %swap3A_983 = arith.constant 96 : index
      %swap3A_984 = tpu.vector_load %swap3A_982[%swap3A_983] {strides = array<i32>} : memref<128xf32, #tpu.memory_space<vmem>>, vector<16xf32>,
      %swap3A_985 = vector.shape_cast %swap3A_984 : vector<16xf32> to vector<16xf32>
      %swap3A_986 = vector.shape_cast %add3A_933 : vector<16xf32> to vector<16xf32>
      tpu.vector_store %swap3A_982[%swap3A_983], %swap3A_986 {strides = array<i32>} : memref<128xf32, #tpu.memory_space<vmem>>, vector<16xf32>,
      %swap3A_987 = arith.constant 0 : i32
      %swap3A_988 = tpu.memref_slice %arg9[%add3A_937, %swap3A_987] : memref<640x128xf32, #tpu.memory_space<vmem>> -> memref<1x128xf32, #tpu.memory_space<vmem>>
      %swap3A_989 = tpu.memref_squeeze %swap3A_988 : memref<1x128xf32, #tpu.memory_space<vmem>> -> memref<128xf32, #tpu.memory_space<vmem>>
      %swap3A_990 = arith.constant 112 : index
      %swap3A_991 = tpu.vector_load %swap3A_989[%swap3A_990] {strides = array<i32>} : memref<128xf32, #tpu.memory_space<vmem>>, vector<16xf32>,
      %swap3A_992 = vector.shape_cast %swap3A_991 : vector<16xf32> to vector<16xf32>
      %swap3A_993 = vector.shape_cast %add3A_933 : vector<16xf32> to vector<16xf32>
      tpu.vector_store %swap3A_989[%swap3A_990], %swap3A_993 {strides = array<i32>} : memref<128xf32, #tpu.memory_space<vmem>>, vector<16xf32>,
      %broadcast_in_dim3A_994 = arith.constant 0.000000e+00 : f32
      %broadcast_in_dim3A_995 = vector.broadcast %broadcast_in_dim3A_994 : f32 to vector<16xf32>
      %slice3A_996 = vector.extract_strided_slice %get3A_137 {offsets = [13], sizes = [1], strides = [1]} : vector<16xf32> to vector<1xf32>
      %squeeze3A_997 = vector.extract %slice3A_996[0] : f32 from vector<1xf32>
      %add3A_998 = vector.broadcast %squeeze3A_997 : f32 to vector<16xf32>
      %add3A_999 = arith.addf %broadcast_in_dim3A_995, %add3A_998 : vector<16xf32>
      %mul3A_1000 = arith.constant 16 : i32
      %mul3A_1001 = arith.muli %mul3A_1000, %scan3A_133 : i32
      %add3A_1002 = arith.constant 13 : i32
      %add3A_1003 = arith.addi %mul3A_1001, %add3A_1002 : i32
      %swap3A_1004 = arith.constant 0 : i32
      %swap3A_1005 = tpu.memref_slice %arg9[%add3A_1003, %swap3A_1004] : memref<640x128xf32, #tpu.memory_space<vmem>> -> memref<1x128xf32, #tpu.memory_space<vmem>>
      %swap3A_1006 = tpu.memref_squeeze %swap3A_1005 : memref<1x128xf32, #tpu.memory_space<vmem>> -> memref<128xf32, #tpu.memory_space<vmem>>
      %swap3A_1007 = arith.constant 0 : index
      %swap3A_1008 = tpu.vector_load %swap3A_1006[%swap3A_1007] {strides = array<i32>} : memref<128xf32, #tpu.memory_space<vmem>>, vector<16xf32>,
      %swap3A_1009 = vector.shape_cast %swap3A_1008 : vector<16xf32> to vector<16xf32>
      %swap3A_1010 = vector.shape_cast %add3A_999 : vector<16xf32> to vector<16xf32>
      tpu.vector_store %swap3A_1006[%swap3A_1007], %swap3A_1010 {strides = array<i32>} : memref<128xf32, #tpu.memory_space<vmem>>, vector<16xf32>,
      %swap3A_1011 = arith.constant 0 : i32
      %swap3A_1012 = tpu.memref_slice %arg9[%add3A_1003, %swap3A_1011] : memref<640x128xf32, #tpu.memory_space<vmem>> -> memref<1x128xf32, #tpu.memory_space<vmem>>
      %swap3A_1013 = tpu.memref_squeeze %swap3A_1012 : memref<1x128xf32, #tpu.memory_space<vmem>> -> memref<128xf32, #tpu.memory_space<vmem>>
      %swap3A_1014 = arith.constant 16 : index
      %swap3A_1015 = tpu.vector_load %swap3A_1013[%swap3A_1014] {strides = array<i32>} : memref<128xf32, #tpu.memory_space<vmem>>, vector<16xf32>,
      %swap3A_1016 = vector.shape_cast %swap3A_1015 : vector<16xf32> to vector<16xf32>
      %swap3A_1017 = vector.shape_cast %add3A_999 : vector<16xf32> to vector<16xf32>
      tpu.vector_store %swap3A_1013[%swap3A_1014], %swap3A_1017 {strides = array<i32>} : memref<128xf32, #tpu.memory_space<vmem>>, vector<16xf32>,
      %swap3A_1018 = arith.constant 0 : i32
      %swap3A_1019 = tpu.memref_slice %arg9[%add3A_1003, %swap3A_1018] : memref<640x128xf32, #tpu.memory_space<vmem>> -> memref<1x128xf32, #tpu.memory_space<vmem>>
      %swap3A_1020 = tpu.memref_squeeze %swap3A_1019 : memref<1x128xf32, #tpu.memory_space<vmem>> -> memref<128xf32, #tpu.memory_space<vmem>>
      %swap3A_1021 = arith.constant 32 : index
      %swap3A_1022 = tpu.vector_load %swap3A_1020[%swap3A_1021] {strides = array<i32>} : memref<128xf32, #tpu.memory_space<vmem>>, vector<16xf32>,
      %swap3A_1023 = vector.shape_cast %swap3A_1022 : vector<16xf32> to vector<16xf32>
      %swap3A_1024 = vector.shape_cast %add3A_999 : vector<16xf32> to vector<16xf32>
      tpu.vector_store %swap3A_1020[%swap3A_1021], %swap3A_1024 {strides = array<i32>} : memref<128xf32, #tpu.memory_space<vmem>>, vector<16xf32>,
      %swap3A_1025 = arith.constant 0 : i32
      %swap3A_1026 = tpu.memref_slice %arg9[%add3A_1003, %swap3A_1025] : memref<640x128xf32, #tpu.memory_space<vmem>> -> memref<1x128xf32, #tpu.memory_space<vmem>>
      %swap3A_1027 = tpu.memref_squeeze %swap3A_1026 : memref<1x128xf32, #tpu.memory_space<vmem>> -> memref<128xf32, #tpu.memory_space<vmem>>
      %swap3A_1028 = arith.constant 48 : index
      %swap3A_1029 = tpu.vector_load %swap3A_1027[%swap3A_1028] {strides = array<i32>} : memref<128xf32, #tpu.memory_space<vmem>>, vector<16xf32>,
      %swap3A_1030 = vector.shape_cast %swap3A_1029 : vector<16xf32> to vector<16xf32>
      %swap3A_1031 = vector.shape_cast %add3A_999 : vector<16xf32> to vector<16xf32>
      tpu.vector_store %swap3A_1027[%swap3A_1028], %swap3A_1031 {strides = array<i32>} : memref<128xf32, #tpu.memory_space<vmem>>, vector<16xf32>,
      %swap3A_1032 = arith.constant 0 : i32
      %swap3A_1033 = tpu.memref_slice %arg9[%add3A_1003, %swap3A_1032] : memref<640x128xf32, #tpu.memory_space<vmem>> -> memref<1x128xf32, #tpu.memory_space<vmem>>
      %swap3A_1034 = tpu.memref_squeeze %swap3A_1033 : memref<1x128xf32, #tpu.memory_space<vmem>> -> memref<128xf32, #tpu.memory_space<vmem>>
      %swap3A_1035 = arith.constant 64 : index
      %swap3A_1036 = tpu.vector_load %swap3A_1034[%swap3A_1035] {strides = array<i32>} : memref<128xf32, #tpu.memory_space<vmem>>, vector<16xf32>,
      %swap3A_1037 = vector.shape_cast %swap3A_1036 : vector<16xf32> to vector<16xf32>
      %swap3A_1038 = vector.shape_cast %add3A_999 : vector<16xf32> to vector<16xf32>
      tpu.vector_store %swap3A_1034[%swap3A_1035], %swap3A_1038 {strides = array<i32>} : memref<128xf32, #tpu.memory_space<vmem>>, vector<16xf32>,
      %swap3A_1039 = arith.constant 0 : i32
      %swap3A_1040 = tpu.memref_slice %arg9[%add3A_1003, %swap3A_1039] : memref<640x128xf32, #tpu.memory_space<vmem>> -> memref<1x128xf32, #tpu.memory_space<vmem>>
      %swap3A_1041 = tpu.memref_squeeze %swap3A_1040 : memref<1x128xf32, #tpu.memory_space<vmem>> -> memref<128xf32, #tpu.memory_space<vmem>>
      %swap3A_1042 = arith.constant 80 : index
      %swap3A_1043 = tpu.vector_load %swap3A_1041[%swap3A_1042] {strides = array<i32>} : memref<128xf32, #tpu.memory_space<vmem>>, vector<16xf32>,
      %swap3A_1044 = vector.shape_cast %swap3A_1043 : vector<16xf32> to vector<16xf32>
      %swap3A_1045 = vector.shape_cast %add3A_999 : vector<16xf32> to vector<16xf32>
      tpu.vector_store %swap3A_1041[%swap3A_1042], %swap3A_1045 {strides = array<i32>} : memref<128xf32, #tpu.memory_space<vmem>>, vector<16xf32>,
      %swap3A_1046 = arith.constant 0 : i32
      %swap3A_1047 = tpu.memref_slice %arg9[%add3A_1003, %swap3A_1046] : memref<640x128xf32, #tpu.memory_space<vmem>> -> memref<1x128xf32, #tpu.memory_space<vmem>>
      %swap3A_1048 = tpu.memref_squeeze %swap3A_1047 : memref<1x128xf32, #tpu.memory_space<vmem>> -> memref<128xf32, #tpu.memory_space<vmem>>
      %swap3A_1049 = arith.constant 96 : index
      %swap3A_1050 = tpu.vector_load %swap3A_1048[%swap3A_1049] {strides = array<i32>} : memref<128xf32, #tpu.memory_space<vmem>>, vector<16xf32>,
      %swap3A_1051 = vector.shape_cast %swap3A_1050 : vector<16xf32> to vector<16xf32>
      %swap3A_1052 = vector.shape_cast %add3A_999 : vector<16xf32> to vector<16xf32>
      tpu.vector_store %swap3A_1048[%swap3A_1049], %swap3A_1052 {strides = array<i32>} : memref<128xf32, #tpu.memory_space<vmem>>, vector<16xf32>,
      %swap3A_1053 = arith.constant 0 : i32
      %swap3A_1054 = tpu.memref_slice %arg9[%add3A_1003, %swap3A_1053] : memref<640x128xf32, #tpu.memory_space<vmem>> -> memref<1x128xf32, #tpu.memory_space<vmem>>
      %swap3A_1055 = tpu.memref_squeeze %swap3A_1054 : memref<1x128xf32, #tpu.memory_space<vmem>> -> memref<128xf32, #tpu.memory_space<vmem>>
      %swap3A_1056 = arith.constant 112 : index
      %swap3A_1057 = tpu.vector_load %swap3A_1055[%swap3A_1056] {strides = array<i32>} : memref<128xf32, #tpu.memory_space<vmem>>, vector<16xf32>,
      %swap3A_1058 = vector.shape_cast %swap3A_1057 : vector<16xf32> to vector<16xf32>
      %swap3A_1059 = vector.shape_cast %add3A_999 : vector<16xf32> to vector<16xf32>
      tpu.vector_store %swap3A_1055[%swap3A_1056], %swap3A_1059 {strides = array<i32>} : memref<128xf32, #tpu.memory_space<vmem>>, vector<16xf32>,
      %broadcast_in_dim3A_1060 = arith.constant 0.000000e+00 : f32
      %broadcast_in_dim3A_1061 = vector.broadcast %broadcast_in_dim3A_1060 : f32 to vector<16xf32>
      %slice3A_1062 = vector.extract_strided_slice %get3A_137 {offsets = [14], sizes = [1], strides = [1]} : vector<16xf32> to vector<1xf32>
      %squeeze3A_1063 = vector.extract %slice3A_1062[0] : f32 from vector<1xf32>
      %add3A_1064 = vector.broadcast %squeeze3A_1063 : f32 to vector<16xf32>
      %add3A_1065 = arith.addf %broadcast_in_dim3A_1061, %add3A_1064 : vector<16xf32>
      %mul3A_1066 = arith.constant 16 : i32
      %mul3A_1067 = arith.muli %mul3A_1066, %scan3A_133 : i32
      %add3A_1068 = arith.constant 14 : i32
      %add3A_1069 = arith.addi %mul3A_1067, %add3A_1068 : i32
      %swap3A_1070 = arith.constant 0 : i32
      %swap3A_1071 = tpu.memref_slice %arg9[%add3A_1069, %swap3A_1070] : memref<640x128xf32, #tpu.memory_space<vmem>> -> memref<1x128xf32, #tpu.memory_space<vmem>>
      %swap3A_1072 = tpu.memref_squeeze %swap3A_1071 : memref<1x128xf32, #tpu.memory_space<vmem>> -> memref<128xf32, #tpu.memory_space<vmem>>
      %swap3A_1073 = arith.constant 0 : index
      %swap3A_1074 = tpu.vector_load %swap3A_1072[%swap3A_1073] {strides = array<i32>} : memref<128xf32, #tpu.memory_space<vmem>>, vector<16xf32>,
      %swap3A_1075 = vector.shape_cast %swap3A_1074 : vector<16xf32> to vector<16xf32>
      %swap3A_1076 = vector.shape_cast %add3A_1065 : vector<16xf32> to vector<16xf32>
      tpu.vector_store %swap3A_1072[%swap3A_1073], %swap3A_1076 {strides = array<i32>} : memref<128xf32, #tpu.memory_space<vmem>>, vector<16xf32>,
      %swap3A_1077 = arith.constant 0 : i32
      %swap3A_1078 = tpu.memref_slice %arg9[%add3A_1069, %swap3A_1077] : memref<640x128xf32, #tpu.memory_space<vmem>> -> memref<1x128xf32, #tpu.memory_space<vmem>>
      %swap3A_1079 = tpu.memref_squeeze %swap3A_1078 : memref<1x128xf32, #tpu.memory_space<vmem>> -> memref<128xf32, #tpu.memory_space<vmem>>
      %swap3A_1080 = arith.constant 16 : index
      %swap3A_1081 = tpu.vector_load %swap3A_1079[%swap3A_1080] {strides = array<i32>} : memref<128xf32, #tpu.memory_space<vmem>>, vector<16xf32>,
      %swap3A_1082 = vector.shape_cast %swap3A_1081 : vector<16xf32> to vector<16xf32>
      %swap3A_1083 = vector.shape_cast %add3A_1065 : vector<16xf32> to vector<16xf32>
      tpu.vector_store %swap3A_1079[%swap3A_1080], %swap3A_1083 {strides = array<i32>} : memref<128xf32, #tpu.memory_space<vmem>>, vector<16xf32>,
      %swap3A_1084 = arith.constant 0 : i32
      %swap3A_1085 = tpu.memref_slice %arg9[%add3A_1069, %swap3A_1084] : memref<640x128xf32, #tpu.memory_space<vmem>> -> memref<1x128xf32, #tpu.memory_space<vmem>>
      %swap3A_1086 = tpu.memref_squeeze %swap3A_1085 : memref<1x128xf32, #tpu.memory_space<vmem>> -> memref<128xf32, #tpu.memory_space<vmem>>
      %swap3A_1087 = arith.constant 32 : index
      %swap3A_1088 = tpu.vector_load %swap3A_1086[%swap3A_1087] {strides = array<i32>} : memref<128xf32, #tpu.memory_space<vmem>>, vector<16xf32>,
      %swap3A_1089 = vector.shape_cast %swap3A_1088 : vector<16xf32> to vector<16xf32>
      %swap3A_1090 = vector.shape_cast %add3A_1065 : vector<16xf32> to vector<16xf32>
      tpu.vector_store %swap3A_1086[%swap3A_1087], %swap3A_1090 {strides = array<i32>} : memref<128xf32, #tpu.memory_space<vmem>>, vector<16xf32>,
      %swap3A_1091 = arith.constant 0 : i32
      %swap3A_1092 = tpu.memref_slice %arg9[%add3A_1069, %swap3A_1091] : memref<640x128xf32, #tpu.memory_space<vmem>> -> memref<1x128xf32, #tpu.memory_space<vmem>>
      %swap3A_1093 = tpu.memref_squeeze %swap3A_1092 : memref<1x128xf32, #tpu.memory_space<vmem>> -> memref<128xf32, #tpu.memory_space<vmem>>
      %swap3A_1094 = arith.constant 48 : index
      %swap3A_1095 = tpu.vector_load %swap3A_1093[%swap3A_1094] {strides = array<i32>} : memref<128xf32, #tpu.memory_space<vmem>>, vector<16xf32>,
      %swap3A_1096 = vector.shape_cast %swap3A_1095 : vector<16xf32> to vector<16xf32>
      %swap3A_1097 = vector.shape_cast %add3A_1065 : vector<16xf32> to vector<16xf32>
      tpu.vector_store %swap3A_1093[%swap3A_1094], %swap3A_1097 {strides = array<i32>} : memref<128xf32, #tpu.memory_space<vmem>>, vector<16xf32>,
      %swap3A_1098 = arith.constant 0 : i32
      %swap3A_1099 = tpu.memref_slice %arg9[%add3A_1069, %swap3A_1098] : memref<640x128xf32, #tpu.memory_space<vmem>> -> memref<1x128xf32, #tpu.memory_space<vmem>>
      %swap3A_1100 = tpu.memref_squeeze %swap3A_1099 : memref<1x128xf32, #tpu.memory_space<vmem>> -> memref<128xf32, #tpu.memory_space<vmem>>
      %swap3A_1101 = arith.constant 64 : index
      %swap3A_1102 = tpu.vector_load %swap3A_1100[%swap3A_1101] {strides = array<i32>} : memref<128xf32, #tpu.memory_space<vmem>>, vector<16xf32>,
      %swap3A_1103 = vector.shape_cast %swap3A_1102 : vector<16xf32> to vector<16xf32>
      %swap3A_1104 = vector.shape_cast %add3A_1065 : vector<16xf32> to vector<16xf32>
      tpu.vector_store %swap3A_1100[%swap3A_1101], %swap3A_1104 {strides = array<i32>} : memref<128xf32, #tpu.memory_space<vmem>>, vector<16xf32>,
      %swap3A_1105 = arith.constant 0 : i32
      %swap3A_1106 = tpu.memref_slice %arg9[%add3A_1069, %swap3A_1105] : memref<640x128xf32, #tpu.memory_space<vmem>> -> memref<1x128xf32, #tpu.memory_space<vmem>>
      %swap3A_1107 = tpu.memref_squeeze %swap3A_1106 : memref<1x128xf32, #tpu.memory_space<vmem>> -> memref<128xf32, #tpu.memory_space<vmem>>
      %swap3A_1108 = arith.constant 80 : index
      %swap3A_1109 = tpu.vector_load %swap3A_1107[%swap3A_1108] {strides = array<i32>} : memref<128xf32, #tpu.memory_space<vmem>>, vector<16xf32>,
      %swap3A_1110 = vector.shape_cast %swap3A_1109 : vector<16xf32> to vector<16xf32>
      %swap3A_1111 = vector.shape_cast %add3A_1065 : vector<16xf32> to vector<16xf32>
      tpu.vector_store %swap3A_1107[%swap3A_1108], %swap3A_1111 {strides = array<i32>} : memref<128xf32, #tpu.memory_space<vmem>>, vector<16xf32>,
      %swap3A_1112 = arith.constant 0 : i32
      %swap3A_1113 = tpu.memref_slice %arg9[%add3A_1069, %swap3A_1112] : memref<640x128xf32, #tpu.memory_space<vmem>> -> memref<1x128xf32, #tpu.memory_space<vmem>>
      %swap3A_1114 = tpu.memref_squeeze %swap3A_1113 : memref<1x128xf32, #tpu.memory_space<vmem>> -> memref<128xf32, #tpu.memory_space<vmem>>
      %swap3A_1115 = arith.constant 96 : index
      %swap3A_1116 = tpu.vector_load %swap3A_1114[%swap3A_1115] {strides = array<i32>} : memref<128xf32, #tpu.memory_space<vmem>>, vector<16xf32>,
      %swap3A_1117 = vector.shape_cast %swap3A_1116 : vector<16xf32> to vector<16xf32>
      %swap3A_1118 = vector.shape_cast %add3A_1065 : vector<16xf32> to vector<16xf32>
      tpu.vector_store %swap3A_1114[%swap3A_1115], %swap3A_1118 {strides = array<i32>} : memref<128xf32, #tpu.memory_space<vmem>>, vector<16xf32>,
      %swap3A_1119 = arith.constant 0 : i32
      %swap3A_1120 = tpu.memref_slice %arg9[%add3A_1069, %swap3A_1119] : memref<640x128xf32, #tpu.memory_space<vmem>> -> memref<1x128xf32, #tpu.memory_space<vmem>>
      %swap3A_1121 = tpu.memref_squeeze %swap3A_1120 : memref<1x128xf32, #tpu.memory_space<vmem>> -> memref<128xf32, #tpu.memory_space<vmem>>
      %swap3A_1122 = arith.constant 112 : index
      %swap3A_1123 = tpu.vector_load %swap3A_1121[%swap3A_1122] {strides = array<i32>} : memref<128xf32, #tpu.memory_space<vmem>>, vector<16xf32>,
      %swap3A_1124 = vector.shape_cast %swap3A_1123 : vector<16xf32> to vector<16xf32>
      %swap3A_1125 = vector.shape_cast %add3A_1065 : vector<16xf32> to vector<16xf32>
      tpu.vector_store %swap3A_1121[%swap3A_1122], %swap3A_1125 {strides = array<i32>} : memref<128xf32, #tpu.memory_space<vmem>>, vector<16xf32>,
      %broadcast_in_dim3A_1126 = arith.constant 0.000000e+00 : f32
      %broadcast_in_dim3A_1127 = vector.broadcast %broadcast_in_dim3A_1126 : f32 to vector<16xf32>
      %slice3A_1128 = vector.extract_strided_slice %get3A_137 {offsets = [15], sizes = [1], strides = [1]} : vector<16xf32> to vector<1xf32>
      %squeeze3A_1129 = vector.extract %slice3A_1128[0] : f32 from vector<1xf32>
      %add3A_1130 = vector.broadcast %squeeze3A_1129 : f32 to vector<16xf32>
      %add3A_1131 = arith.addf %broadcast_in_dim3A_1127, %add3A_1130 : vector<16xf32>
      %mul3A_1132 = arith.constant 16 : i32
      %mul3A_1133 = arith.muli %mul3A_1132, %scan3A_133 : i32
      %add3A_1134 = arith.constant 15 : i32
      %add3A_1135 = arith.addi %mul3A_1133, %add3A_1134 : i32
      %swap3A_1136 = arith.constant 0 : i32
      %swap3A_1137 = tpu.memref_slice %arg9[%add3A_1135, %swap3A_1136] : memref<640x128xf32, #tpu.memory_space<vmem>> -> memref<1x128xf32, #tpu.memory_space<vmem>>
      %swap3A_1138 = tpu.memref_squeeze %swap3A_1137 : memref<1x128xf32, #tpu.memory_space<vmem>> -> memref<128xf32, #tpu.memory_space<vmem>>
      %swap3A_1139 = arith.constant 0 : index
      %swap3A_1140 = tpu.vector_load %swap3A_1138[%swap3A_1139] {strides = array<i32>} : memref<128xf32, #tpu.memory_space<vmem>>, vector<16xf32>,
      %swap3A_1141 = vector.shape_cast %swap3A_1140 : vector<16xf32> to vector<16xf32>
      %swap3A_1142 = vector.shape_cast %add3A_1131 : vector<16xf32> to vector<16xf32>
      tpu.vector_store %swap3A_1138[%swap3A_1139], %swap3A_1142 {strides = array<i32>} : memref<128xf32, #tpu.memory_space<vmem>>, vector<16xf32>,
      %swap3A_1143 = arith.constant 0 : i32
      %swap3A_1144 = tpu.memref_slice %arg9[%add3A_1135, %swap3A_1143] : memref<640x128xf32, #tpu.memory_space<vmem>> -> memref<1x128xf32, #tpu.memory_space<vmem>>
      %swap3A_1145 = tpu.memref_squeeze %swap3A_1144 : memref<1x128xf32, #tpu.memory_space<vmem>> -> memref<128xf32, #tpu.memory_space<vmem>>
      %swap3A_1146 = arith.constant 16 : index
      %swap3A_1147 = tpu.vector_load %swap3A_1145[%swap3A_1146] {strides = array<i32>} : memref<128xf32, #tpu.memory_space<vmem>>, vector<16xf32>,
      %swap3A_1148 = vector.shape_cast %swap3A_1147 : vector<16xf32> to vector<16xf32>
      %swap3A_1149 = vector.shape_cast %add3A_1131 : vector<16xf32> to vector<16xf32>
      tpu.vector_store %swap3A_1145[%swap3A_1146], %swap3A_1149 {strides = array<i32>} : memref<128xf32, #tpu.memory_space<vmem>>, vector<16xf32>,
      %swap3A_1150 = arith.constant 0 : i32
      %swap3A_1151 = tpu.memref_slice %arg9[%add3A_1135, %swap3A_1150] : memref<640x128xf32, #tpu.memory_space<vmem>> -> memref<1x128xf32, #tpu.memory_space<vmem>>
      %swap3A_1152 = tpu.memref_squeeze %swap3A_1151 : memref<1x128xf32, #tpu.memory_space<vmem>> -> memref<128xf32, #tpu.memory_space<vmem>>
      %swap3A_1153 = arith.constant 32 : index
      %swap3A_1154 = tpu.vector_load %swap3A_1152[%swap3A_1153] {strides = array<i32>} : memref<128xf32, #tpu.memory_space<vmem>>, vector<16xf32>,
      %swap3A_1155 = vector.shape_cast %swap3A_1154 : vector<16xf32> to vector<16xf32>
      %swap3A_1156 = vector.shape_cast %add3A_1131 : vector<16xf32> to vector<16xf32>
      tpu.vector_store %swap3A_1152[%swap3A_1153], %swap3A_1156 {strides = array<i32>} : memref<128xf32, #tpu.memory_space<vmem>>, vector<16xf32>,
      %swap3A_1157 = arith.constant 0 : i32
      %swap3A_1158 = tpu.memref_slice %arg9[%add3A_1135, %swap3A_1157] : memref<640x128xf32, #tpu.memory_space<vmem>> -> memref<1x128xf32, #tpu.memory_space<vmem>>
      %swap3A_1159 = tpu.memref_squeeze %swap3A_1158 : memref<1x128xf32, #tpu.memory_space<vmem>> -> memref<128xf32, #tpu.memory_space<vmem>>
      %swap3A_1160 = arith.constant 48 : index
      %swap3A_1161 = tpu.vector_load %swap3A_1159[%swap3A_1160] {strides = array<i32>} : memref<128xf32, #tpu.memory_space<vmem>>, vector<16xf32>,
      %swap3A_1162 = vector.shape_cast %swap3A_1161 : vector<16xf32> to vector<16xf32>
      %swap3A_1163 = vector.shape_cast %add3A_1131 : vector<16xf32> to vector<16xf32>
      tpu.vector_store %swap3A_1159[%swap3A_1160], %swap3A_1163 {strides = array<i32>} : memref<128xf32, #tpu.memory_space<vmem>>, vector<16xf32>,
      %swap3A_1164 = arith.constant 0 : i32
      %swap3A_1165 = tpu.memref_slice %arg9[%add3A_1135, %swap3A_1164] : memref<640x128xf32, #tpu.memory_space<vmem>> -> memref<1x128xf32, #tpu.memory_space<vmem>>
      %swap3A_1166 = tpu.memref_squeeze %swap3A_1165 : memref<1x128xf32, #tpu.memory_space<vmem>> -> memref<128xf32, #tpu.memory_space<vmem>>
      %swap3A_1167 = arith.constant 64 : index
      %swap3A_1168 = tpu.vector_load %swap3A_1166[%swap3A_1167] {strides = array<i32>} : memref<128xf32, #tpu.memory_space<vmem>>, vector<16xf32>,
      %swap3A_1169 = vector.shape_cast %swap3A_1168 : vector<16xf32> to vector<16xf32>
      %swap3A_1170 = vector.shape_cast %add3A_1131 : vector<16xf32> to vector<16xf32>
      tpu.vector_store %swap3A_1166[%swap3A_1167], %swap3A_1170 {strides = array<i32>} : memref<128xf32, #tpu.memory_space<vmem>>, vector<16xf32>,
      %swap3A_1171 = arith.constant 0 : i32
      %swap3A_1172 = tpu.memref_slice %arg9[%add3A_1135, %swap3A_1171] : memref<640x128xf32, #tpu.memory_space<vmem>> -> memref<1x128xf32, #tpu.memory_space<vmem>>
      %swap3A_1173 = tpu.memref_squeeze %swap3A_1172 : memref<1x128xf32, #tpu.memory_space<vmem>> -> memref<128xf32, #tpu.memory_space<vmem>>
      %swap3A_1174 = arith.constant 80 : index
      %swap3A_1175 = tpu.vector_load %swap3A_1173[%swap3A_1174] {strides = array<i32>} : memref<128xf32, #tpu.memory_space<vmem>>, vector<16xf32>,
      %swap3A_1176 = vector.shape_cast %swap3A_1175 : vector<16xf32> to vector<16xf32>
      %swap3A_1177 = vector.shape_cast %add3A_1131 : vector<16xf32> to vector<16xf32>
      tpu.vector_store %swap3A_1173[%swap3A_1174], %swap3A_1177 {strides = array<i32>} : memref<128xf32, #tpu.memory_space<vmem>>, vector<16xf32>,
      %swap3A_1178 = arith.constant 0 : i32
      %swap3A_1179 = tpu.memref_slice %arg9[%add3A_1135, %swap3A_1178] : memref<640x128xf32, #tpu.memory_space<vmem>> -> memref<1x128xf32, #tpu.memory_space<vmem>>
      %swap3A_1180 = tpu.memref_squeeze %swap3A_1179 : memref<1x128xf32, #tpu.memory_space<vmem>> -> memref<128xf32, #tpu.memory_space<vmem>>
      %swap3A_1181 = arith.constant 96 : index
      %swap3A_1182 = tpu.vector_load %swap3A_1180[%swap3A_1181] {strides = array<i32>} : memref<128xf32, #tpu.memory_space<vmem>>, vector<16xf32>,
      %swap3A_1183 = vector.shape_cast %swap3A_1182 : vector<16xf32> to vector<16xf32>
      %swap3A_1184 = vector.shape_cast %add3A_1131 : vector<16xf32> to vector<16xf32>
      tpu.vector_store %swap3A_1180[%swap3A_1181], %swap3A_1184 {strides = array<i32>} : memref<128xf32, #tpu.memory_space<vmem>>, vector<16xf32>,
      %swap3A_1185 = arith.constant 0 : i32
      %swap3A_1186 = tpu.memref_slice %arg9[%add3A_1135, %swap3A_1185] : memref<640x128xf32, #tpu.memory_space<vmem>> -> memref<1x128xf32, #tpu.memory_space<vmem>>
      %swap3A_1187 = tpu.memref_squeeze %swap3A_1186 : memref<1x128xf32, #tpu.memory_space<vmem>> -> memref<128xf32, #tpu.memory_space<vmem>>
      %swap3A_1188 = arith.constant 112 : index
      %swap3A_1189 = tpu.vector_load %swap3A_1187[%swap3A_1188] {strides = array<i32>} : memref<128xf32, #tpu.memory_space<vmem>>, vector<16xf32>,
      %swap3A_1190 = vector.shape_cast %swap3A_1189 : vector<16xf32> to vector<16xf32>
      %swap3A_1191 = vector.shape_cast %add3A_1131 : vector<16xf32> to vector<16xf32>
      tpu.vector_store %swap3A_1187[%swap3A_1188], %swap3A_1191 {strides = array<i32>} : memref<128xf32, #tpu.memory_space<vmem>>, vector<16xf32>,
    }
    %scan3A_132 = arith.constant 40 : i32
    "tpu.region"() ({
      %run_scoped3A = tpu.sem_alloc : memref<!tpu.dma_semaphore, #tpu.memory_space<semaphore_mem>>
      %dma_start3A_133 = arith.constant 0 : i32
      %dma_start3A_134 = tpu.memref_slice %arg3[%arg0, %mul3A_2, %dma_start3A_133] : memref<2x10240x128xf32, #tpu.memory_space<hbm>> -> memref<1x640x128xf32, #tpu.memory_space<hbm>>
      %dma_start3A_135 = tpu.memref_squeeze %dma_start3A_134 : memref<1x640x128xf32, #tpu.memory_space<hbm>> -> memref<640x128xf32, #tpu.memory_space<hbm>>
      %dma_start3A_136 = arith.constant 0 : i32
      %dma_start3A_137 = tpu.memref_slice %arg3[%arg0, %mul3A_2, %dma_start3A_136] : memref<2x10240x128xf32, #tpu.memory_space<hbm>> -> memref<1x640x128xf32, #tpu.memory_space<hbm>>
      %dma_start3A_138 = tpu.memref_squeeze %dma_start3A_137 : memref<1x640x128xf32, #tpu.memory_space<hbm>> -> memref<640x128xf32, #tpu.memory_space<hbm>>
      tpu.enqueue_dma source(%arg9 : memref<640x128xf32, #tpu.memory_space<vmem>>) target(%dma_start3A_138 : memref<640x128xf32, #tpu.memory_space<hbm>>) target_semaphore(%run_scoped3A : memref<!tpu.dma_semaphore, #tpu.memory_space<semaphore_mem>>)
      %dma_wait3A_139 = arith.constant 0 : i32
      %dma_wait3A_140 = tpu.memref_slice %arg3[%arg0, %mul3A_2, %dma_wait3A_139] : memref<2x10240x128xf32, #tpu.memory_space<hbm>> -> memref<1x640x128xf32, #tpu.memory_space<hbm>>
      %dma_wait3A_141 = tpu.memref_squeeze %dma_wait3A_140 : memref<1x640x128xf32, #tpu.memory_space<hbm>> -> memref<640x128xf32, #tpu.memory_space<hbm>>
      %dma_wait3A_142 = arith.constant 0 : i32
      %dma_wait3A_143 = tpu.memref_slice %arg3[%arg0, %mul3A_2, %dma_wait3A_142] : memref<2x10240x128xf32, #tpu.memory_space<hbm>> -> memref<1x640x128xf32, #tpu.memory_space<hbm>>
      %dma_wait3A_144 = tpu.memref_squeeze %dma_wait3A_143 : memref<1x640x128xf32, #tpu.memory_space<hbm>> -> memref<640x128xf32, #tpu.memory_space<hbm>>
      tpu.wait_dma2 semaphore(%run_scoped3A : memref<!tpu.dma_semaphore, #tpu.memory_space<semaphore_mem>>) src(%arg9 : memref<640x128xf32, #tpu.memory_space<vmem>>) dst(%dma_wait3A_144 : memref<640x128xf32, #tpu.memory_space<hbm>>)
      tpu.yield
    }) : () -> ()
    return
  }
}

#map = affine_map<(d0, d1) -> (0, 0)>
#map1 = affine_map<(d0, d1) -> (0, 0, 0)>
module attributes {stable_mosaic.version = 14 : i64} {
  func.func @k(%arg0: i32, %arg1: i32, %arg2: memref<10240x128xf32, #tpu.memory_space<hbm>>, %arg3: memref<32x80x128xi32, #tpu.memory_space<hbm>>, %arg4: memref<32x80x128xi32, #tpu.memory_space<hbm>>, %arg5: memref<2x10240x128xf32, #tpu.memory_space<hbm>>, %arg6: memref<10240x128xf32, #tpu.memory_space<vmem_shared>>, %arg7: memref<8x128xi32, #tpu.memory_space<vmem>>, %arg8: memref<8x128xi32, #tpu.memory_space<vmem>>, %arg9: memref<8x128xi32, #tpu.memory_space<vmem>>, %arg10: memref<8x128xi32, #tpu.memory_space<vmem>>, %arg11: memref<128x128xf32, #tpu.memory_space<vmem>>, %arg12: memref<128x128xf32, #tpu.memory_space<vmem>>, %arg13: memref<!tpu.dma_semaphore, #tpu.memory_space<semaphore_mem>>, %arg14: memref<!tpu.dma_semaphore, #tpu.memory_space<semaphore_mem>>, %arg15: memref<!tpu.dma_semaphore, #tpu.memory_space<semaphore_mem>>, %arg16: memref<!tpu.dma_semaphore, #tpu.memory_space<semaphore_mem>>, %arg17: memref<!tpu.dma_semaphore, #tpu.memory_space<semaphore_mem>>, %arg18: memref<!tpu.dma_semaphore, #tpu.memory_space<semaphore_mem>>, %arg19: memref<!tpu.dma_semaphore, #tpu.memory_space<semaphore_mem>>, %arg20: memref<!tpu.dma_semaphore, #tpu.memory_space<semaphore_mem>>) attributes {dimension_semantics = [#tpu.dimension_semantics<core_parallel>, #tpu.dimension_semantics<subcore_parallel>], iteration_bounds = array<i64: 2, 16>, scalar_prefetch = 0 : i64, scratch_operands = 15 : i64, tpu.core_type = #tpu.core_type<sc_vector_subcore>, window_params = [{transform_indices = #map}, {transform_indices = #map1}, {transform_indices = #map1}, {transform_indices = #map1}]} {
    %mul3A = arith.constant 16 : i32
    %mul3A_0 = arith.muli %arg0, %mul3A : i32
    %add3A = arith.addi %mul3A_0, %arg1 : i32
    %mul3A_1 = arith.constant 640 : i32
    %mul3A_2 = arith.muli %arg1, %mul3A_1 : i32
    %dma_start3A = arith.constant 0 : i32
    %dma_start3A_3 = arith.constant 0 : i32
    %dma_start3A_4 = tpu.memref_slice %arg3[%add3A, %dma_start3A, %dma_start3A_3] : memref<32x80x128xi32, #tpu.memory_space<hbm>> -> memref<1x8x128xi32, #tpu.memory_space<hbm>>
    %dma_start3A_5 = tpu.memref_squeeze %dma_start3A_4 : memref<1x8x128xi32, #tpu.memory_space<hbm>> -> memref<8x128xi32, #tpu.memory_space<hbm>>
    %dma_start3A_6 = arith.constant 0 : i32
    %dma_start3A_7 = arith.constant 0 : i32
    %dma_start3A_8 = tpu.memref_slice %arg3[%add3A, %dma_start3A_6, %dma_start3A_7] : memref<32x80x128xi32, #tpu.memory_space<hbm>> -> memref<1x8x128xi32, #tpu.memory_space<hbm>>
    %dma_start3A_9 = tpu.memref_squeeze %dma_start3A_8 : memref<1x8x128xi32, #tpu.memory_space<hbm>> -> memref<8x128xi32, #tpu.memory_space<hbm>>
    tpu.enqueue_dma source(%dma_start3A_9 : memref<8x128xi32, #tpu.memory_space<hbm>>) target(%arg7 : memref<8x128xi32, #tpu.memory_space<vmem>>) target_semaphore(%arg17 : memref<!tpu.dma_semaphore, #tpu.memory_space<semaphore_mem>>)
    %dma_start3A_10 = arith.constant 0 : i32
    %dma_start3A_11 = arith.constant 0 : i32
    %dma_start3A_12 = tpu.memref_slice %arg4[%add3A, %dma_start3A_10, %dma_start3A_11] : memref<32x80x128xi32, #tpu.memory_space<hbm>> -> memref<1x8x128xi32, #tpu.memory_space<hbm>>
    %dma_start3A_13 = tpu.memref_squeeze %dma_start3A_12 : memref<1x8x128xi32, #tpu.memory_space<hbm>> -> memref<8x128xi32, #tpu.memory_space<hbm>>
    %dma_start3A_14 = arith.constant 0 : i32
    %dma_start3A_15 = arith.constant 0 : i32
    %dma_start3A_16 = tpu.memref_slice %arg4[%add3A, %dma_start3A_14, %dma_start3A_15] : memref<32x80x128xi32, #tpu.memory_space<hbm>> -> memref<1x8x128xi32, #tpu.memory_space<hbm>>
    %dma_start3A_17 = tpu.memref_squeeze %dma_start3A_16 : memref<1x8x128xi32, #tpu.memory_space<hbm>> -> memref<8x128xi32, #tpu.memory_space<hbm>>
    tpu.enqueue_dma source(%dma_start3A_17 : memref<8x128xi32, #tpu.memory_space<hbm>>) target(%arg9 : memref<8x128xi32, #tpu.memory_space<vmem>>) target_semaphore(%arg18 : memref<!tpu.dma_semaphore, #tpu.memory_space<semaphore_mem>>)
    %scan3A = arith.constant 0 : i32
    %scan3A_18 = arith.constant 0 : i32
    %scan3A_19 = arith.constant 128 : i32
    %scan3A_20 = arith.addi %scan3A_18, %scan3A_19 : i32
    %scan3A_21 = arith.constant 1 : i32
    scf.for %scan3A_55 = %scan3A_18 to %scan3A_20 step %scan3A_21  : i32 {
      %broadcast_in_dim3A = arith.constant 0.000000e+00 : f32
      %broadcast_in_dim3A_56 = vector.broadcast %broadcast_in_dim3A : f32 to vector<16xf32>
      %swap3A = arith.constant 0 : i32
      %swap3A_57 = tpu.memref_slice %arg11[%scan3A_55, %swap3A] : memref<128x128xf32, #tpu.memory_space<vmem>> -> memref<1x128xf32, #tpu.memory_space<vmem>>
      %swap3A_58 = tpu.memref_squeeze %swap3A_57 : memref<1x128xf32, #tpu.memory_space<vmem>> -> memref<128xf32, #tpu.memory_space<vmem>>
      %swap3A_59 = arith.constant 0 : index
      %swap3A_60 = tpu.vector_load %swap3A_58[%swap3A_59] {strides = array<i32>} : memref<128xf32, #tpu.memory_space<vmem>>, vector<16xf32>,
      %swap3A_61 = vector.shape_cast %swap3A_60 : vector<16xf32> to vector<16xf32>
      %swap3A_62 = vector.shape_cast %broadcast_in_dim3A_56 : vector<16xf32> to vector<16xf32>
      tpu.vector_store %swap3A_58[%swap3A_59], %swap3A_62 {strides = array<i32>} : memref<128xf32, #tpu.memory_space<vmem>>, vector<16xf32>,
      %broadcast_in_dim3A_63 = arith.constant 0.000000e+00 : f32
      %broadcast_in_dim3A_64 = vector.broadcast %broadcast_in_dim3A_63 : f32 to vector<16xf32>
      %swap3A_65 = arith.constant 0 : i32
      %swap3A_66 = tpu.memref_slice %arg11[%scan3A_55, %swap3A_65] : memref<128x128xf32, #tpu.memory_space<vmem>> -> memref<1x128xf32, #tpu.memory_space<vmem>>
      %swap3A_67 = tpu.memref_squeeze %swap3A_66 : memref<1x128xf32, #tpu.memory_space<vmem>> -> memref<128xf32, #tpu.memory_space<vmem>>
      %swap3A_68 = arith.constant 16 : index
      %swap3A_69 = tpu.vector_load %swap3A_67[%swap3A_68] {strides = array<i32>} : memref<128xf32, #tpu.memory_space<vmem>>, vector<16xf32>,
      %swap3A_70 = vector.shape_cast %swap3A_69 : vector<16xf32> to vector<16xf32>
      %swap3A_71 = vector.shape_cast %broadcast_in_dim3A_64 : vector<16xf32> to vector<16xf32>
      tpu.vector_store %swap3A_67[%swap3A_68], %swap3A_71 {strides = array<i32>} : memref<128xf32, #tpu.memory_space<vmem>>, vector<16xf32>,
      %broadcast_in_dim3A_72 = arith.constant 0.000000e+00 : f32
      %broadcast_in_dim3A_73 = vector.broadcast %broadcast_in_dim3A_72 : f32 to vector<16xf32>
      %swap3A_74 = arith.constant 0 : i32
      %swap3A_75 = tpu.memref_slice %arg11[%scan3A_55, %swap3A_74] : memref<128x128xf32, #tpu.memory_space<vmem>> -> memref<1x128xf32, #tpu.memory_space<vmem>>
      %swap3A_76 = tpu.memref_squeeze %swap3A_75 : memref<1x128xf32, #tpu.memory_space<vmem>> -> memref<128xf32, #tpu.memory_space<vmem>>
      %swap3A_77 = arith.constant 32 : index
      %swap3A_78 = tpu.vector_load %swap3A_76[%swap3A_77] {strides = array<i32>} : memref<128xf32, #tpu.memory_space<vmem>>, vector<16xf32>,
      %swap3A_79 = vector.shape_cast %swap3A_78 : vector<16xf32> to vector<16xf32>
      %swap3A_80 = vector.shape_cast %broadcast_in_dim3A_73 : vector<16xf32> to vector<16xf32>
      tpu.vector_store %swap3A_76[%swap3A_77], %swap3A_80 {strides = array<i32>} : memref<128xf32, #tpu.memory_space<vmem>>, vector<16xf32>,
      %broadcast_in_dim3A_81 = arith.constant 0.000000e+00 : f32
      %broadcast_in_dim3A_82 = vector.broadcast %broadcast_in_dim3A_81 : f32 to vector<16xf32>
      %swap3A_83 = arith.constant 0 : i32
      %swap3A_84 = tpu.memref_slice %arg11[%scan3A_55, %swap3A_83] : memref<128x128xf32, #tpu.memory_space<vmem>> -> memref<1x128xf32, #tpu.memory_space<vmem>>
      %swap3A_85 = tpu.memref_squeeze %swap3A_84 : memref<1x128xf32, #tpu.memory_space<vmem>> -> memref<128xf32, #tpu.memory_space<vmem>>
      %swap3A_86 = arith.constant 48 : index
      %swap3A_87 = tpu.vector_load %swap3A_85[%swap3A_86] {strides = array<i32>} : memref<128xf32, #tpu.memory_space<vmem>>, vector<16xf32>,
      %swap3A_88 = vector.shape_cast %swap3A_87 : vector<16xf32> to vector<16xf32>
      %swap3A_89 = vector.shape_cast %broadcast_in_dim3A_82 : vector<16xf32> to vector<16xf32>
      tpu.vector_store %swap3A_85[%swap3A_86], %swap3A_89 {strides = array<i32>} : memref<128xf32, #tpu.memory_space<vmem>>, vector<16xf32>,
      %broadcast_in_dim3A_90 = arith.constant 0.000000e+00 : f32
      %broadcast_in_dim3A_91 = vector.broadcast %broadcast_in_dim3A_90 : f32 to vector<16xf32>
      %swap3A_92 = arith.constant 0 : i32
      %swap3A_93 = tpu.memref_slice %arg11[%scan3A_55, %swap3A_92] : memref<128x128xf32, #tpu.memory_space<vmem>> -> memref<1x128xf32, #tpu.memory_space<vmem>>
      %swap3A_94 = tpu.memref_squeeze %swap3A_93 : memref<1x128xf32, #tpu.memory_space<vmem>> -> memref<128xf32, #tpu.memory_space<vmem>>
      %swap3A_95 = arith.constant 64 : index
      %swap3A_96 = tpu.vector_load %swap3A_94[%swap3A_95] {strides = array<i32>} : memref<128xf32, #tpu.memory_space<vmem>>, vector<16xf32>,
      %swap3A_97 = vector.shape_cast %swap3A_96 : vector<16xf32> to vector<16xf32>
      %swap3A_98 = vector.shape_cast %broadcast_in_dim3A_91 : vector<16xf32> to vector<16xf32>
      tpu.vector_store %swap3A_94[%swap3A_95], %swap3A_98 {strides = array<i32>} : memref<128xf32, #tpu.memory_space<vmem>>, vector<16xf32>,
      %broadcast_in_dim3A_99 = arith.constant 0.000000e+00 : f32
      %broadcast_in_dim3A_100 = vector.broadcast %broadcast_in_dim3A_99 : f32 to vector<16xf32>
      %swap3A_101 = arith.constant 0 : i32
      %swap3A_102 = tpu.memref_slice %arg11[%scan3A_55, %swap3A_101] : memref<128x128xf32, #tpu.memory_space<vmem>> -> memref<1x128xf32, #tpu.memory_space<vmem>>
      %swap3A_103 = tpu.memref_squeeze %swap3A_102 : memref<1x128xf32, #tpu.memory_space<vmem>> -> memref<128xf32, #tpu.memory_space<vmem>>
      %swap3A_104 = arith.constant 80 : index
      %swap3A_105 = tpu.vector_load %swap3A_103[%swap3A_104] {strides = array<i32>} : memref<128xf32, #tpu.memory_space<vmem>>, vector<16xf32>,
      %swap3A_106 = vector.shape_cast %swap3A_105 : vector<16xf32> to vector<16xf32>
      %swap3A_107 = vector.shape_cast %broadcast_in_dim3A_100 : vector<16xf32> to vector<16xf32>
      tpu.vector_store %swap3A_103[%swap3A_104], %swap3A_107 {strides = array<i32>} : memref<128xf32, #tpu.memory_space<vmem>>, vector<16xf32>,
      %broadcast_in_dim3A_108 = arith.constant 0.000000e+00 : f32
      %broadcast_in_dim3A_109 = vector.broadcast %broadcast_in_dim3A_108 : f32 to vector<16xf32>
      %swap3A_110 = arith.constant 0 : i32
      %swap3A_111 = tpu.memref_slice %arg11[%scan3A_55, %swap3A_110] : memref<128x128xf32, #tpu.memory_space<vmem>> -> memref<1x128xf32, #tpu.memory_space<vmem>>
      %swap3A_112 = tpu.memref_squeeze %swap3A_111 : memref<1x128xf32, #tpu.memory_space<vmem>> -> memref<128xf32, #tpu.memory_space<vmem>>
      %swap3A_113 = arith.constant 96 : index
      %swap3A_114 = tpu.vector_load %swap3A_112[%swap3A_113] {strides = array<i32>} : memref<128xf32, #tpu.memory_space<vmem>>, vector<16xf32>,
      %swap3A_115 = vector.shape_cast %swap3A_114 : vector<16xf32> to vector<16xf32>
      %swap3A_116 = vector.shape_cast %broadcast_in_dim3A_109 : vector<16xf32> to vector<16xf32>
      tpu.vector_store %swap3A_112[%swap3A_113], %swap3A_116 {strides = array<i32>} : memref<128xf32, #tpu.memory_space<vmem>>, vector<16xf32>,
      %broadcast_in_dim3A_117 = arith.constant 0.000000e+00 : f32
      %broadcast_in_dim3A_118 = vector.broadcast %broadcast_in_dim3A_117 : f32 to vector<16xf32>
      %swap3A_119 = arith.constant 0 : i32
      %swap3A_120 = tpu.memref_slice %arg11[%scan3A_55, %swap3A_119] : memref<128x128xf32, #tpu.memory_space<vmem>> -> memref<1x128xf32, #tpu.memory_space<vmem>>
      %swap3A_121 = tpu.memref_squeeze %swap3A_120 : memref<1x128xf32, #tpu.memory_space<vmem>> -> memref<128xf32, #tpu.memory_space<vmem>>
      %swap3A_122 = arith.constant 112 : index
      %swap3A_123 = tpu.vector_load %swap3A_121[%swap3A_122] {strides = array<i32>} : memref<128xf32, #tpu.memory_space<vmem>>, vector<16xf32>,
      %swap3A_124 = vector.shape_cast %swap3A_123 : vector<16xf32> to vector<16xf32>
      %swap3A_125 = vector.shape_cast %broadcast_in_dim3A_118 : vector<16xf32> to vector<16xf32>
      tpu.vector_store %swap3A_121[%swap3A_122], %swap3A_125 {strides = array<i32>} : memref<128xf32, #tpu.memory_space<vmem>>, vector<16xf32>,
    }
    %scan3A_22 = arith.constant 128 : i32
    %add3A_23 = arith.constant 0 : i32
    %add3A_24 = arith.addi %mul3A_2, %add3A_23 : i32
    "tpu.region"() ({
      %run_scoped3A = tpu.sem_alloc : memref<!tpu.dma_semaphore, #tpu.memory_space<semaphore_mem>>
      %dma_start3A_55 = arith.constant 0 : i32
      %dma_start3A_56 = tpu.memref_slice %arg6[%add3A_24, %dma_start3A_55] : memref<10240x128xf32, #tpu.memory_space<vmem_shared>> -> memref<128x128xf32, #tpu.memory_space<vmem_shared>>
      %dma_start3A_57 = arith.constant 0 : i32
      %dma_start3A_58 = tpu.memref_slice %arg6[%add3A_24, %dma_start3A_57] : memref<10240x128xf32, #tpu.memory_space<vmem_shared>> -> memref<128x128xf32, #tpu.memory_space<vmem_shared>>
      tpu.enqueue_dma source(%arg11 : memref<128x128xf32, #tpu.memory_space<vmem>>) target(%dma_start3A_58 : memref<128x128xf32, #tpu.memory_space<vmem_shared>>) target_semaphore(%run_scoped3A : memref<!tpu.dma_semaphore, #tpu.memory_space<semaphore_mem>>)
      %dma_wait3A_59 = arith.constant 0 : i32
      %dma_wait3A_60 = tpu.memref_slice %arg6[%add3A_24, %dma_wait3A_59] : memref<10240x128xf32, #tpu.memory_space<vmem_shared>> -> memref<128x128xf32, #tpu.memory_space<vmem_shared>>
      %dma_wait3A_61 = arith.constant 0 : i32
      %dma_wait3A_62 = tpu.memref_slice %arg6[%add3A_24, %dma_wait3A_61] : memref<10240x128xf32, #tpu.memory_space<vmem_shared>> -> memref<128x128xf32, #tpu.memory_space<vmem_shared>>
      tpu.wait_dma2 semaphore(%run_scoped3A : memref<!tpu.dma_semaphore, #tpu.memory_space<semaphore_mem>>) src(%arg11 : memref<128x128xf32, #tpu.memory_space<vmem>>) dst(%dma_wait3A_62 : memref<128x128xf32, #tpu.memory_space<vmem_shared>>)
      tpu.yield
    }) : () -> ()
    %add3A_25 = arith.constant 128 : i32
    %add3A_26 = arith.addi %mul3A_2, %add3A_25 : i32
    "tpu.region"() ({
      %run_scoped3A = tpu.sem_alloc : memref<!tpu.dma_semaphore, #tpu.memory_space<semaphore_mem>>
      %dma_start3A_55 = arith.constant 0 : i32
      %dma_start3A_56 = tpu.memref_slice %arg6[%add3A_26, %dma_start3A_55] : memref<10240x128xf32, #tpu.memory_space<vmem_shared>> -> memref<128x128xf32, #tpu.memory_space<vmem_shared>>
      %dma_start3A_57 = arith.constant 0 : i32
      %dma_start3A_58 = tpu.memref_slice %arg6[%add3A_26, %dma_start3A_57] : memref<10240x128xf32, #tpu.memory_space<vmem_shared>> -> memref<128x128xf32, #tpu.memory_space<vmem_shared>>
      tpu.enqueue_dma source(%arg11 : memref<128x128xf32, #tpu.memory_space<vmem>>) target(%dma_start3A_58 : memref<128x128xf32, #tpu.memory_space<vmem_shared>>) target_semaphore(%run_scoped3A : memref<!tpu.dma_semaphore, #tpu.memory_space<semaphore_mem>>)
      %dma_wait3A_59 = arith.constant 0 : i32
      %dma_wait3A_60 = tpu.memref_slice %arg6[%add3A_26, %dma_wait3A_59] : memref<10240x128xf32, #tpu.memory_space<vmem_shared>> -> memref<128x128xf32, #tpu.memory_space<vmem_shared>>
      %dma_wait3A_61 = arith.constant 0 : i32
      %dma_wait3A_62 = tpu.memref_slice %arg6[%add3A_26, %dma_wait3A_61] : memref<10240x128xf32, #tpu.memory_space<vmem_shared>> -> memref<128x128xf32, #tpu.memory_space<vmem_shared>>
      tpu.wait_dma2 semaphore(%run_scoped3A : memref<!tpu.dma_semaphore, #tpu.memory_space<semaphore_mem>>) src(%arg11 : memref<128x128xf32, #tpu.memory_space<vmem>>) dst(%dma_wait3A_62 : memref<128x128xf32, #tpu.memory_space<vmem_shared>>)
      tpu.yield
    }) : () -> ()
    %add3A_27 = arith.constant 256 : i32
    %add3A_28 = arith.addi %mul3A_2, %add3A_27 : i32
    "tpu.region"() ({
      %run_scoped3A = tpu.sem_alloc : memref<!tpu.dma_semaphore, #tpu.memory_space<semaphore_mem>>
      %dma_start3A_55 = arith.constant 0 : i32
      %dma_start3A_56 = tpu.memref_slice %arg6[%add3A_28, %dma_start3A_55] : memref<10240x128xf32, #tpu.memory_space<vmem_shared>> -> memref<128x128xf32, #tpu.memory_space<vmem_shared>>
      %dma_start3A_57 = arith.constant 0 : i32
      %dma_start3A_58 = tpu.memref_slice %arg6[%add3A_28, %dma_start3A_57] : memref<10240x128xf32, #tpu.memory_space<vmem_shared>> -> memref<128x128xf32, #tpu.memory_space<vmem_shared>>
      tpu.enqueue_dma source(%arg11 : memref<128x128xf32, #tpu.memory_space<vmem>>) target(%dma_start3A_58 : memref<128x128xf32, #tpu.memory_space<vmem_shared>>) target_semaphore(%run_scoped3A : memref<!tpu.dma_semaphore, #tpu.memory_space<semaphore_mem>>)
      %dma_wait3A_59 = arith.constant 0 : i32
      %dma_wait3A_60 = tpu.memref_slice %arg6[%add3A_28, %dma_wait3A_59] : memref<10240x128xf32, #tpu.memory_space<vmem_shared>> -> memref<128x128xf32, #tpu.memory_space<vmem_shared>>
      %dma_wait3A_61 = arith.constant 0 : i32
      %dma_wait3A_62 = tpu.memref_slice %arg6[%add3A_28, %dma_wait3A_61] : memref<10240x128xf32, #tpu.memory_space<vmem_shared>> -> memref<128x128xf32, #tpu.memory_space<vmem_shared>>
      tpu.wait_dma2 semaphore(%run_scoped3A : memref<!tpu.dma_semaphore, #tpu.memory_space<semaphore_mem>>) src(%arg11 : memref<128x128xf32, #tpu.memory_space<vmem>>) dst(%dma_wait3A_62 : memref<128x128xf32, #tpu.memory_space<vmem_shared>>)
      tpu.yield
    }) : () -> ()
    %add3A_29 = arith.constant 384 : i32
    %add3A_30 = arith.addi %mul3A_2, %add3A_29 : i32
    "tpu.region"() ({
      %run_scoped3A = tpu.sem_alloc : memref<!tpu.dma_semaphore, #tpu.memory_space<semaphore_mem>>
      %dma_start3A_55 = arith.constant 0 : i32
      %dma_start3A_56 = tpu.memref_slice %arg6[%add3A_30, %dma_start3A_55] : memref<10240x128xf32, #tpu.memory_space<vmem_shared>> -> memref<128x128xf32, #tpu.memory_space<vmem_shared>>
      %dma_start3A_57 = arith.constant 0 : i32
      %dma_start3A_58 = tpu.memref_slice %arg6[%add3A_30, %dma_start3A_57] : memref<10240x128xf32, #tpu.memory_space<vmem_shared>> -> memref<128x128xf32, #tpu.memory_space<vmem_shared>>
      tpu.enqueue_dma source(%arg11 : memref<128x128xf32, #tpu.memory_space<vmem>>) target(%dma_start3A_58 : memref<128x128xf32, #tpu.memory_space<vmem_shared>>) target_semaphore(%run_scoped3A : memref<!tpu.dma_semaphore, #tpu.memory_space<semaphore_mem>>)
      %dma_wait3A_59 = arith.constant 0 : i32
      %dma_wait3A_60 = tpu.memref_slice %arg6[%add3A_30, %dma_wait3A_59] : memref<10240x128xf32, #tpu.memory_space<vmem_shared>> -> memref<128x128xf32, #tpu.memory_space<vmem_shared>>
      %dma_wait3A_61 = arith.constant 0 : i32
      %dma_wait3A_62 = tpu.memref_slice %arg6[%add3A_30, %dma_wait3A_61] : memref<10240x128xf32, #tpu.memory_space<vmem_shared>> -> memref<128x128xf32, #tpu.memory_space<vmem_shared>>
      tpu.wait_dma2 semaphore(%run_scoped3A : memref<!tpu.dma_semaphore, #tpu.memory_space<semaphore_mem>>) src(%arg11 : memref<128x128xf32, #tpu.memory_space<vmem>>) dst(%dma_wait3A_62 : memref<128x128xf32, #tpu.memory_space<vmem_shared>>)
      tpu.yield
    }) : () -> ()
    %add3A_31 = arith.constant 512 : i32
    %add3A_32 = arith.addi %mul3A_2, %add3A_31 : i32
    "tpu.region"() ({
      %run_scoped3A = tpu.sem_alloc : memref<!tpu.dma_semaphore, #tpu.memory_space<semaphore_mem>>
      %dma_start3A_55 = arith.constant 0 : i32
      %dma_start3A_56 = tpu.memref_slice %arg6[%add3A_32, %dma_start3A_55] : memref<10240x128xf32, #tpu.memory_space<vmem_shared>> -> memref<128x128xf32, #tpu.memory_space<vmem_shared>>
      %dma_start3A_57 = arith.constant 0 : i32
      %dma_start3A_58 = tpu.memref_slice %arg6[%add3A_32, %dma_start3A_57] : memref<10240x128xf32, #tpu.memory_space<vmem_shared>> -> memref<128x128xf32, #tpu.memory_space<vmem_shared>>
      tpu.enqueue_dma source(%arg11 : memref<128x128xf32, #tpu.memory_space<vmem>>) target(%dma_start3A_58 : memref<128x128xf32, #tpu.memory_space<vmem_shared>>) target_semaphore(%run_scoped3A : memref<!tpu.dma_semaphore, #tpu.memory_space<semaphore_mem>>)
      %dma_wait3A_59 = arith.constant 0 : i32
      %dma_wait3A_60 = tpu.memref_slice %arg6[%add3A_32, %dma_wait3A_59] : memref<10240x128xf32, #tpu.memory_space<vmem_shared>> -> memref<128x128xf32, #tpu.memory_space<vmem_shared>>
      %dma_wait3A_61 = arith.constant 0 : i32
      %dma_wait3A_62 = tpu.memref_slice %arg6[%add3A_32, %dma_wait3A_61] : memref<10240x128xf32, #tpu.memory_space<vmem_shared>> -> memref<128x128xf32, #tpu.memory_space<vmem_shared>>
      tpu.wait_dma2 semaphore(%run_scoped3A : memref<!tpu.dma_semaphore, #tpu.memory_space<semaphore_mem>>) src(%arg11 : memref<128x128xf32, #tpu.memory_space<vmem>>) dst(%dma_wait3A_62 : memref<128x128xf32, #tpu.memory_space<vmem_shared>>)
      tpu.yield
    }) : () -> ()
    %dma_wait3A = arith.constant 0 : i32
    %dma_wait3A_33 = arith.constant 0 : i32
    %dma_wait3A_34 = tpu.memref_slice %arg3[%add3A, %dma_wait3A, %dma_wait3A_33] : memref<32x80x128xi32, #tpu.memory_space<hbm>> -> memref<1x8x128xi32, #tpu.memory_space<hbm>>
    %dma_wait3A_35 = tpu.memref_squeeze %dma_wait3A_34 : memref<1x8x128xi32, #tpu.memory_space<hbm>> -> memref<8x128xi32, #tpu.memory_space<hbm>>
    %dma_wait3A_36 = arith.constant 0 : i32
    %dma_wait3A_37 = arith.constant 0 : i32
    %dma_wait3A_38 = tpu.memref_slice %arg3[%add3A, %dma_wait3A_36, %dma_wait3A_37] : memref<32x80x128xi32, #tpu.memory_space<hbm>> -> memref<1x8x128xi32, #tpu.memory_space<hbm>>
    %dma_wait3A_39 = tpu.memref_squeeze %dma_wait3A_38 : memref<1x8x128xi32, #tpu.memory_space<hbm>> -> memref<8x128xi32, #tpu.memory_space<hbm>>
    tpu.wait_dma2 semaphore(%arg17 : memref<!tpu.dma_semaphore, #tpu.memory_space<semaphore_mem>>) src(%dma_wait3A_39 : memref<8x128xi32, #tpu.memory_space<hbm>>) dst(%arg7 : memref<8x128xi32, #tpu.memory_space<vmem>>)
    %dma_wait3A_40 = arith.constant 0 : i32
    %dma_wait3A_41 = arith.constant 0 : i32
    %dma_wait3A_42 = tpu.memref_slice %arg4[%add3A, %dma_wait3A_40, %dma_wait3A_41] : memref<32x80x128xi32, #tpu.memory_space<hbm>> -> memref<1x8x128xi32, #tpu.memory_space<hbm>>
    %dma_wait3A_43 = tpu.memref_squeeze %dma_wait3A_42 : memref<1x8x128xi32, #tpu.memory_space<hbm>> -> memref<8x128xi32, #tpu.memory_space<hbm>>
    %dma_wait3A_44 = arith.constant 0 : i32
    %dma_wait3A_45 = arith.constant 0 : i32
    %dma_wait3A_46 = tpu.memref_slice %arg4[%add3A, %dma_wait3A_44, %dma_wait3A_45] : memref<32x80x128xi32, #tpu.memory_space<hbm>> -> memref<1x8x128xi32, #tpu.memory_space<hbm>>
    %dma_wait3A_47 = tpu.memref_squeeze %dma_wait3A_46 : memref<1x8x128xi32, #tpu.memory_space<hbm>> -> memref<8x128xi32, #tpu.memory_space<hbm>>
    tpu.wait_dma2 semaphore(%arg18 : memref<!tpu.dma_semaphore, #tpu.memory_space<semaphore_mem>>) src(%dma_wait3A_47 : memref<8x128xi32, #tpu.memory_space<hbm>>) dst(%arg9 : memref<8x128xi32, #tpu.memory_space<vmem>>)
    %barrier3A = arith.constant 0 : index
    tpu.barrier barrier_id(%barrier3A)
    %scan3A_48 = arith.constant 0 : i32
    %scan3A_49 = arith.constant 0 : i32
    %scan3A_50 = arith.constant 5 : i32
    %scan3A_51 = arith.addi %scan3A_49, %scan3A_50 : i32
    %scan3A_52 = arith.constant 1 : i32
    scf.for %scan3A_55 = %scan3A_49 to %scan3A_51 step %scan3A_52  : i32 {
      %mul3A_56 = arith.constant 2 : i32
      %mul3A_57 = arith.muli %mul3A_56, %scan3A_55 : i32
      %add3A_58 = arith.constant 1 : i32
      %add3A_59 = arith.addi %mul3A_57, %add3A_58 : i32
      %mul3A_60 = arith.constant 8 : i32
      %mul3A_61 = arith.muli %mul3A_60, %add3A_59 : i32
      %dma_start3A_62 = arith.constant 0 : i32
      %dma_start3A_63 = tpu.memref_slice %arg3[%add3A, %mul3A_61, %dma_start3A_62] : memref<32x80x128xi32, #tpu.memory_space<hbm>> -> memref<1x8x128xi32, #tpu.memory_space<hbm>>
      %dma_start3A_64 = tpu.memref_squeeze %dma_start3A_63 : memref<1x8x128xi32, #tpu.memory_space<hbm>> -> memref<8x128xi32, #tpu.memory_space<hbm>>
      %dma_start3A_65 = arith.constant 0 : i32
      %dma_start3A_66 = tpu.memref_slice %arg3[%add3A, %mul3A_61, %dma_start3A_65] : memref<32x80x128xi32, #tpu.memory_space<hbm>> -> memref<1x8x128xi32, #tpu.memory_space<hbm>>
      %dma_start3A_67 = tpu.memref_squeeze %dma_start3A_66 : memref<1x8x128xi32, #tpu.memory_space<hbm>> -> memref<8x128xi32, #tpu.memory_space<hbm>>
      tpu.enqueue_dma source(%dma_start3A_67 : memref<8x128xi32, #tpu.memory_space<hbm>>) target(%arg8 : memref<8x128xi32, #tpu.memory_space<vmem>>) target_semaphore(%arg19 : memref<!tpu.dma_semaphore, #tpu.memory_space<semaphore_mem>>)
      %mul3A_68 = arith.constant 2 : i32
      %mul3A_69 = arith.muli %mul3A_68, %scan3A_55 : i32
      %add3A_70 = arith.constant 1 : i32
      %add3A_71 = arith.addi %mul3A_69, %add3A_70 : i32
      %mul3A_72 = arith.constant 8 : i32
      %mul3A_73 = arith.muli %mul3A_72, %add3A_71 : i32
      %dma_start3A_74 = arith.constant 0 : i32
      %dma_start3A_75 = tpu.memref_slice %arg4[%add3A, %mul3A_73, %dma_start3A_74] : memref<32x80x128xi32, #tpu.memory_space<hbm>> -> memref<1x8x128xi32, #tpu.memory_space<hbm>>
      %dma_start3A_76 = tpu.memref_squeeze %dma_start3A_75 : memref<1x8x128xi32, #tpu.memory_space<hbm>> -> memref<8x128xi32, #tpu.memory_space<hbm>>
      %dma_start3A_77 = arith.constant 0 : i32
      %dma_start3A_78 = tpu.memref_slice %arg4[%add3A, %mul3A_73, %dma_start3A_77] : memref<32x80x128xi32, #tpu.memory_space<hbm>> -> memref<1x8x128xi32, #tpu.memory_space<hbm>>
      %dma_start3A_79 = tpu.memref_squeeze %dma_start3A_78 : memref<1x8x128xi32, #tpu.memory_space<hbm>> -> memref<8x128xi32, #tpu.memory_space<hbm>>
      tpu.enqueue_dma source(%dma_start3A_79 : memref<8x128xi32, #tpu.memory_space<hbm>>) target(%arg10 : memref<8x128xi32, #tpu.memory_space<vmem>>) target_semaphore(%arg20 : memref<!tpu.dma_semaphore, #tpu.memory_space<semaphore_mem>>)
      %dma_start3A_80 = arith.constant 0 : i32
      %dma_start3A_81 = arith.constant 0 : i32
      %dma_start3A_82 = tpu.memref_slice %arg7[%dma_start3A_80, %dma_start3A_81] : memref<8x128xi32, #tpu.memory_space<vmem>> -> memref<1x128xi32, #tpu.memory_space<vmem>>
      %dma_start3A_83 = tpu.memref_squeeze %dma_start3A_82 : memref<1x128xi32, #tpu.memory_space<vmem>> -> memref<128xi32, #tpu.memory_space<vmem>>
      %dma_start3A_84 = arith.constant 0 : i32
      %dma_start3A_85 = arith.constant 0 : i32
      %dma_start3A_86 = tpu.memref_slice %arg2[%dma_start3A_84, %dma_start3A_85] : memref<10240x128xf32, #tpu.memory_space<hbm>> -> memref<10240x128xf32, #tpu.memory_space<hbm>>
      tpu.enqueue_indirect_dma source(%dma_start3A_86 : memref<10240x128xf32, #tpu.memory_space<hbm>>) target(%arg11 : memref<128x128xf32, #tpu.memory_space<vmem>>) offsets(%dma_start3A_83 : memref<128xi32, #tpu.memory_space<vmem>>) semaphore(%arg13 : memref<!tpu.dma_semaphore, #tpu.memory_space<semaphore_mem>>)
      %dma_start3A_87 = arith.constant 1 : i32
      %dma_start3A_88 = arith.constant 0 : i32
      %dma_start3A_89 = tpu.memref_slice %arg7[%dma_start3A_87, %dma_start3A_88] : memref<8x128xi32, #tpu.memory_space<vmem>> -> memref<1x128xi32, #tpu.memory_space<vmem>>
      %dma_start3A_90 = tpu.memref_squeeze %dma_start3A_89 : memref<1x128xi32, #tpu.memory_space<vmem>> -> memref<128xi32, #tpu.memory_space<vmem>>
      %dma_start3A_91 = arith.constant 0 : i32
      %dma_start3A_92 = arith.constant 0 : i32
      %dma_start3A_93 = tpu.memref_slice %arg2[%dma_start3A_91, %dma_start3A_92] : memref<10240x128xf32, #tpu.memory_space<hbm>> -> memref<10240x128xf32, #tpu.memory_space<hbm>>
      tpu.enqueue_indirect_dma source(%dma_start3A_93 : memref<10240x128xf32, #tpu.memory_space<hbm>>) target(%arg12 : memref<128x128xf32, #tpu.memory_space<vmem>>) offsets(%dma_start3A_90 : memref<128xi32, #tpu.memory_space<vmem>>) semaphore(%arg14 : memref<!tpu.dma_semaphore, #tpu.memory_space<semaphore_mem>>)
      %dma_wait3A_94 = arith.constant 0 : i32
      %dma_wait3A_95 = arith.constant 0 : i32
      %dma_wait3A_96 = tpu.memref_slice %arg7[%dma_wait3A_94, %dma_wait3A_95] : memref<8x128xi32, #tpu.memory_space<vmem>> -> memref<1x128xi32, #tpu.memory_space<vmem>>
      %dma_wait3A_97 = tpu.memref_squeeze %dma_wait3A_96 : memref<1x128xi32, #tpu.memory_space<vmem>> -> memref<128xi32, #tpu.memory_space<vmem>>
      %dma_wait3A_98 = arith.constant 0 : i32
      %dma_wait3A_99 = arith.constant 0 : i32
      %dma_wait3A_100 = tpu.memref_slice %arg2[%dma_wait3A_98, %dma_wait3A_99] : memref<10240x128xf32, #tpu.memory_space<hbm>> -> memref<10240x128xf32, #tpu.memory_space<hbm>>
      tpu.wait_indirect_dma semaphore(%arg13 : memref<!tpu.dma_semaphore, #tpu.memory_space<semaphore_mem>>) src(%dma_wait3A_100 : memref<10240x128xf32, #tpu.memory_space<hbm>>) dst(%arg11 : memref<128x128xf32, #tpu.memory_space<vmem>>)
      %dma_start3A_101 = arith.constant 0 : i32
      %dma_start3A_102 = arith.constant 0 : i32
      %dma_start3A_103 = tpu.memref_slice %arg9[%dma_start3A_101, %dma_start3A_102] : memref<8x128xi32, #tpu.memory_space<vmem>> -> memref<1x128xi32, #tpu.memory_space<vmem>>
      %dma_start3A_104 = tpu.memref_squeeze %dma_start3A_103 : memref<1x128xi32, #tpu.memory_space<vmem>> -> memref<128xi32, #tpu.memory_space<vmem>>
      %dma_start3A_105 = arith.constant 0 : i32
      %dma_start3A_106 = arith.constant 0 : i32
      %dma_start3A_107 = tpu.memref_slice %arg6[%dma_start3A_105, %dma_start3A_106] : memref<10240x128xf32, #tpu.memory_space<vmem_shared>> -> memref<10240x128xf32, #tpu.memory_space<vmem_shared>>
      tpu.enqueue_indirect_dma source(%arg11 : memref<128x128xf32, #tpu.memory_space<vmem>>) target(%dma_start3A_107 : memref<10240x128xf32, #tpu.memory_space<vmem_shared>>) offsets(%dma_start3A_104 : memref<128xi32, #tpu.memory_space<vmem>>) semaphore(%arg15 : memref<!tpu.dma_semaphore, #tpu.memory_space<semaphore_mem>>) {add = true}
      %dma_wait3A_108 = arith.constant 0 : i32
      %dma_wait3A_109 = arith.constant 0 : i32
      %dma_wait3A_110 = tpu.memref_slice %arg9[%dma_wait3A_108, %dma_wait3A_109] : memref<8x128xi32, #tpu.memory_space<vmem>> -> memref<1x128xi32, #tpu.memory_space<vmem>>
      %dma_wait3A_111 = tpu.memref_squeeze %dma_wait3A_110 : memref<1x128xi32, #tpu.memory_space<vmem>> -> memref<128xi32, #tpu.memory_space<vmem>>
      %dma_wait3A_112 = arith.constant 0 : i32
      %dma_wait3A_113 = arith.constant 0 : i32
      %dma_wait3A_114 = tpu.memref_slice %arg6[%dma_wait3A_112, %dma_wait3A_113] : memref<10240x128xf32, #tpu.memory_space<vmem_shared>> -> memref<10240x128xf32, #tpu.memory_space<vmem_shared>>
      tpu.wait_indirect_dma semaphore(%arg15 : memref<!tpu.dma_semaphore, #tpu.memory_space<semaphore_mem>>) src(%arg11 : memref<128x128xf32, #tpu.memory_space<vmem>>) dst(%dma_wait3A_114 : memref<10240x128xf32, #tpu.memory_space<vmem_shared>>)
      %dma_start3A_115 = arith.constant 2 : i32
      %dma_start3A_116 = arith.constant 0 : i32
      %dma_start3A_117 = tpu.memref_slice %arg7[%dma_start3A_115, %dma_start3A_116] : memref<8x128xi32, #tpu.memory_space<vmem>> -> memref<1x128xi32, #tpu.memory_space<vmem>>
      %dma_start3A_118 = tpu.memref_squeeze %dma_start3A_117 : memref<1x128xi32, #tpu.memory_space<vmem>> -> memref<128xi32, #tpu.memory_space<vmem>>
      %dma_start3A_119 = arith.constant 0 : i32
      %dma_start3A_120 = arith.constant 0 : i32
      %dma_start3A_121 = tpu.memref_slice %arg2[%dma_start3A_119, %dma_start3A_120] : memref<10240x128xf32, #tpu.memory_space<hbm>> -> memref<10240x128xf32, #tpu.memory_space<hbm>>
      tpu.enqueue_indirect_dma source(%dma_start3A_121 : memref<10240x128xf32, #tpu.memory_space<hbm>>) target(%arg11 : memref<128x128xf32, #tpu.memory_space<vmem>>) offsets(%dma_start3A_118 : memref<128xi32, #tpu.memory_space<vmem>>) semaphore(%arg13 : memref<!tpu.dma_semaphore, #tpu.memory_space<semaphore_mem>>)
      %dma_wait3A_122 = arith.constant 1 : i32
      %dma_wait3A_123 = arith.constant 0 : i32
      %dma_wait3A_124 = tpu.memref_slice %arg7[%dma_wait3A_122, %dma_wait3A_123] : memref<8x128xi32, #tpu.memory_space<vmem>> -> memref<1x128xi32, #tpu.memory_space<vmem>>
      %dma_wait3A_125 = tpu.memref_squeeze %dma_wait3A_124 : memref<1x128xi32, #tpu.memory_space<vmem>> -> memref<128xi32, #tpu.memory_space<vmem>>
      %dma_wait3A_126 = arith.constant 0 : i32
      %dma_wait3A_127 = arith.constant 0 : i32
      %dma_wait3A_128 = tpu.memref_slice %arg2[%dma_wait3A_126, %dma_wait3A_127] : memref<10240x128xf32, #tpu.memory_space<hbm>> -> memref<10240x128xf32, #tpu.memory_space<hbm>>
      tpu.wait_indirect_dma semaphore(%arg14 : memref<!tpu.dma_semaphore, #tpu.memory_space<semaphore_mem>>) src(%dma_wait3A_128 : memref<10240x128xf32, #tpu.memory_space<hbm>>) dst(%arg12 : memref<128x128xf32, #tpu.memory_space<vmem>>)
      %dma_start3A_129 = arith.constant 1 : i32
      %dma_start3A_130 = arith.constant 0 : i32
      %dma_start3A_131 = tpu.memref_slice %arg9[%dma_start3A_129, %dma_start3A_130] : memref<8x128xi32, #tpu.memory_space<vmem>> -> memref<1x128xi32, #tpu.memory_space<vmem>>
      %dma_start3A_132 = tpu.memref_squeeze %dma_start3A_131 : memref<1x128xi32, #tpu.memory_space<vmem>> -> memref<128xi32, #tpu.memory_space<vmem>>
      %dma_start3A_133 = arith.constant 0 : i32
      %dma_start3A_134 = arith.constant 0 : i32
      %dma_start3A_135 = tpu.memref_slice %arg6[%dma_start3A_133, %dma_start3A_134] : memref<10240x128xf32, #tpu.memory_space<vmem_shared>> -> memref<10240x128xf32, #tpu.memory_space<vmem_shared>>
      tpu.enqueue_indirect_dma source(%arg12 : memref<128x128xf32, #tpu.memory_space<vmem>>) target(%dma_start3A_135 : memref<10240x128xf32, #tpu.memory_space<vmem_shared>>) offsets(%dma_start3A_132 : memref<128xi32, #tpu.memory_space<vmem>>) semaphore(%arg16 : memref<!tpu.dma_semaphore, #tpu.memory_space<semaphore_mem>>) {add = true}
      %dma_wait3A_136 = arith.constant 1 : i32
      %dma_wait3A_137 = arith.constant 0 : i32
      %dma_wait3A_138 = tpu.memref_slice %arg9[%dma_wait3A_136, %dma_wait3A_137] : memref<8x128xi32, #tpu.memory_space<vmem>> -> memref<1x128xi32, #tpu.memory_space<vmem>>
      %dma_wait3A_139 = tpu.memref_squeeze %dma_wait3A_138 : memref<1x128xi32, #tpu.memory_space<vmem>> -> memref<128xi32, #tpu.memory_space<vmem>>
      %dma_wait3A_140 = arith.constant 0 : i32
      %dma_wait3A_141 = arith.constant 0 : i32
      %dma_wait3A_142 = tpu.memref_slice %arg6[%dma_wait3A_140, %dma_wait3A_141] : memref<10240x128xf32, #tpu.memory_space<vmem_shared>> -> memref<10240x128xf32, #tpu.memory_space<vmem_shared>>
      tpu.wait_indirect_dma semaphore(%arg16 : memref<!tpu.dma_semaphore, #tpu.memory_space<semaphore_mem>>) src(%arg12 : memref<128x128xf32, #tpu.memory_space<vmem>>) dst(%dma_wait3A_142 : memref<10240x128xf32, #tpu.memory_space<vmem_shared>>)
      %dma_start3A_143 = arith.constant 3 : i32
      %dma_start3A_144 = arith.constant 0 : i32
      %dma_start3A_145 = tpu.memref_slice %arg7[%dma_start3A_143, %dma_start3A_144] : memref<8x128xi32, #tpu.memory_space<vmem>> -> memref<1x128xi32, #tpu.memory_space<vmem>>
      %dma_start3A_146 = tpu.memref_squeeze %dma_start3A_145 : memref<1x128xi32, #tpu.memory_space<vmem>> -> memref<128xi32, #tpu.memory_space<vmem>>
      %dma_start3A_147 = arith.constant 0 : i32
      %dma_start3A_148 = arith.constant 0 : i32
      %dma_start3A_149 = tpu.memref_slice %arg2[%dma_start3A_147, %dma_start3A_148] : memref<10240x128xf32, #tpu.memory_space<hbm>> -> memref<10240x128xf32, #tpu.memory_space<hbm>>
      tpu.enqueue_indirect_dma source(%dma_start3A_149 : memref<10240x128xf32, #tpu.memory_space<hbm>>) target(%arg12 : memref<128x128xf32, #tpu.memory_space<vmem>>) offsets(%dma_start3A_146 : memref<128xi32, #tpu.memory_space<vmem>>) semaphore(%arg14 : memref<!tpu.dma_semaphore, #tpu.memory_space<semaphore_mem>>)
      %dma_wait3A_150 = arith.constant 2 : i32
      %dma_wait3A_151 = arith.constant 0 : i32
      %dma_wait3A_152 = tpu.memref_slice %arg7[%dma_wait3A_150, %dma_wait3A_151] : memref<8x128xi32, #tpu.memory_space<vmem>> -> memref<1x128xi32, #tpu.memory_space<vmem>>
      %dma_wait3A_153 = tpu.memref_squeeze %dma_wait3A_152 : memref<1x128xi32, #tpu.memory_space<vmem>> -> memref<128xi32, #tpu.memory_space<vmem>>
      %dma_wait3A_154 = arith.constant 0 : i32
      %dma_wait3A_155 = arith.constant 0 : i32
      %dma_wait3A_156 = tpu.memref_slice %arg2[%dma_wait3A_154, %dma_wait3A_155] : memref<10240x128xf32, #tpu.memory_space<hbm>> -> memref<10240x128xf32, #tpu.memory_space<hbm>>
      tpu.wait_indirect_dma semaphore(%arg13 : memref<!tpu.dma_semaphore, #tpu.memory_space<semaphore_mem>>) src(%dma_wait3A_156 : memref<10240x128xf32, #tpu.memory_space<hbm>>) dst(%arg11 : memref<128x128xf32, #tpu.memory_space<vmem>>)
      %dma_start3A_157 = arith.constant 2 : i32
      %dma_start3A_158 = arith.constant 0 : i32
      %dma_start3A_159 = tpu.memref_slice %arg9[%dma_start3A_157, %dma_start3A_158] : memref<8x128xi32, #tpu.memory_space<vmem>> -> memref<1x128xi32, #tpu.memory_space<vmem>>
      %dma_start3A_160 = tpu.memref_squeeze %dma_start3A_159 : memref<1x128xi32, #tpu.memory_space<vmem>> -> memref<128xi32, #tpu.memory_space<vmem>>
      %dma_start3A_161 = arith.constant 0 : i32
      %dma_start3A_162 = arith.constant 0 : i32
      %dma_start3A_163 = tpu.memref_slice %arg6[%dma_start3A_161, %dma_start3A_162] : memref<10240x128xf32, #tpu.memory_space<vmem_shared>> -> memref<10240x128xf32, #tpu.memory_space<vmem_shared>>
      tpu.enqueue_indirect_dma source(%arg11 : memref<128x128xf32, #tpu.memory_space<vmem>>) target(%dma_start3A_163 : memref<10240x128xf32, #tpu.memory_space<vmem_shared>>) offsets(%dma_start3A_160 : memref<128xi32, #tpu.memory_space<vmem>>) semaphore(%arg15 : memref<!tpu.dma_semaphore, #tpu.memory_space<semaphore_mem>>) {add = true}
      %dma_wait3A_164 = arith.constant 2 : i32
      %dma_wait3A_165 = arith.constant 0 : i32
      %dma_wait3A_166 = tpu.memref_slice %arg9[%dma_wait3A_164, %dma_wait3A_165] : memref<8x128xi32, #tpu.memory_space<vmem>> -> memref<1x128xi32, #tpu.memory_space<vmem>>
      %dma_wait3A_167 = tpu.memref_squeeze %dma_wait3A_166 : memref<1x128xi32, #tpu.memory_space<vmem>> -> memref<128xi32, #tpu.memory_space<vmem>>
      %dma_wait3A_168 = arith.constant 0 : i32
      %dma_wait3A_169 = arith.constant 0 : i32
      %dma_wait3A_170 = tpu.memref_slice %arg6[%dma_wait3A_168, %dma_wait3A_169] : memref<10240x128xf32, #tpu.memory_space<vmem_shared>> -> memref<10240x128xf32, #tpu.memory_space<vmem_shared>>
      tpu.wait_indirect_dma semaphore(%arg15 : memref<!tpu.dma_semaphore, #tpu.memory_space<semaphore_mem>>) src(%arg11 : memref<128x128xf32, #tpu.memory_space<vmem>>) dst(%dma_wait3A_170 : memref<10240x128xf32, #tpu.memory_space<vmem_shared>>)
      %dma_start3A_171 = arith.constant 4 : i32
      %dma_start3A_172 = arith.constant 0 : i32
      %dma_start3A_173 = tpu.memref_slice %arg7[%dma_start3A_171, %dma_start3A_172] : memref<8x128xi32, #tpu.memory_space<vmem>> -> memref<1x128xi32, #tpu.memory_space<vmem>>
      %dma_start3A_174 = tpu.memref_squeeze %dma_start3A_173 : memref<1x128xi32, #tpu.memory_space<vmem>> -> memref<128xi32, #tpu.memory_space<vmem>>
      %dma_start3A_175 = arith.constant 0 : i32
      %dma_start3A_176 = arith.constant 0 : i32
      %dma_start3A_177 = tpu.memref_slice %arg2[%dma_start3A_175, %dma_start3A_176] : memref<10240x128xf32, #tpu.memory_space<hbm>> -> memref<10240x128xf32, #tpu.memory_space<hbm>>
      tpu.enqueue_indirect_dma source(%dma_start3A_177 : memref<10240x128xf32, #tpu.memory_space<hbm>>) target(%arg11 : memref<128x128xf32, #tpu.memory_space<vmem>>) offsets(%dma_start3A_174 : memref<128xi32, #tpu.memory_space<vmem>>) semaphore(%arg13 : memref<!tpu.dma_semaphore, #tpu.memory_space<semaphore_mem>>)
      %dma_wait3A_178 = arith.constant 3 : i32
      %dma_wait3A_179 = arith.constant 0 : i32
      %dma_wait3A_180 = tpu.memref_slice %arg7[%dma_wait3A_178, %dma_wait3A_179] : memref<8x128xi32, #tpu.memory_space<vmem>> -> memref<1x128xi32, #tpu.memory_space<vmem>>
      %dma_wait3A_181 = tpu.memref_squeeze %dma_wait3A_180 : memref<1x128xi32, #tpu.memory_space<vmem>> -> memref<128xi32, #tpu.memory_space<vmem>>
      %dma_wait3A_182 = arith.constant 0 : i32
      %dma_wait3A_183 = arith.constant 0 : i32
      %dma_wait3A_184 = tpu.memref_slice %arg2[%dma_wait3A_182, %dma_wait3A_183] : memref<10240x128xf32, #tpu.memory_space<hbm>> -> memref<10240x128xf32, #tpu.memory_space<hbm>>
      tpu.wait_indirect_dma semaphore(%arg14 : memref<!tpu.dma_semaphore, #tpu.memory_space<semaphore_mem>>) src(%dma_wait3A_184 : memref<10240x128xf32, #tpu.memory_space<hbm>>) dst(%arg12 : memref<128x128xf32, #tpu.memory_space<vmem>>)
      %dma_start3A_185 = arith.constant 3 : i32
      %dma_start3A_186 = arith.constant 0 : i32
      %dma_start3A_187 = tpu.memref_slice %arg9[%dma_start3A_185, %dma_start3A_186] : memref<8x128xi32, #tpu.memory_space<vmem>> -> memref<1x128xi32, #tpu.memory_space<vmem>>
      %dma_start3A_188 = tpu.memref_squeeze %dma_start3A_187 : memref<1x128xi32, #tpu.memory_space<vmem>> -> memref<128xi32, #tpu.memory_space<vmem>>
      %dma_start3A_189 = arith.constant 0 : i32
      %dma_start3A_190 = arith.constant 0 : i32
      %dma_start3A_191 = tpu.memref_slice %arg6[%dma_start3A_189, %dma_start3A_190] : memref<10240x128xf32, #tpu.memory_space<vmem_shared>> -> memref<10240x128xf32, #tpu.memory_space<vmem_shared>>
      tpu.enqueue_indirect_dma source(%arg12 : memref<128x128xf32, #tpu.memory_space<vmem>>) target(%dma_start3A_191 : memref<10240x128xf32, #tpu.memory_space<vmem_shared>>) offsets(%dma_start3A_188 : memref<128xi32, #tpu.memory_space<vmem>>) semaphore(%arg16 : memref<!tpu.dma_semaphore, #tpu.memory_space<semaphore_mem>>) {add = true}
      %dma_wait3A_192 = arith.constant 3 : i32
      %dma_wait3A_193 = arith.constant 0 : i32
      %dma_wait3A_194 = tpu.memref_slice %arg9[%dma_wait3A_192, %dma_wait3A_193] : memref<8x128xi32, #tpu.memory_space<vmem>> -> memref<1x128xi32, #tpu.memory_space<vmem>>
      %dma_wait3A_195 = tpu.memref_squeeze %dma_wait3A_194 : memref<1x128xi32, #tpu.memory_space<vmem>> -> memref<128xi32, #tpu.memory_space<vmem>>
      %dma_wait3A_196 = arith.constant 0 : i32
      %dma_wait3A_197 = arith.constant 0 : i32
      %dma_wait3A_198 = tpu.memref_slice %arg6[%dma_wait3A_196, %dma_wait3A_197] : memref<10240x128xf32, #tpu.memory_space<vmem_shared>> -> memref<10240x128xf32, #tpu.memory_space<vmem_shared>>
      tpu.wait_indirect_dma semaphore(%arg16 : memref<!tpu.dma_semaphore, #tpu.memory_space<semaphore_mem>>) src(%arg12 : memref<128x128xf32, #tpu.memory_space<vmem>>) dst(%dma_wait3A_198 : memref<10240x128xf32, #tpu.memory_space<vmem_shared>>)
      %dma_start3A_199 = arith.constant 5 : i32
      %dma_start3A_200 = arith.constant 0 : i32
      %dma_start3A_201 = tpu.memref_slice %arg7[%dma_start3A_199, %dma_start3A_200] : memref<8x128xi32, #tpu.memory_space<vmem>> -> memref<1x128xi32, #tpu.memory_space<vmem>>
      %dma_start3A_202 = tpu.memref_squeeze %dma_start3A_201 : memref<1x128xi32, #tpu.memory_space<vmem>> -> memref<128xi32, #tpu.memory_space<vmem>>
      %dma_start3A_203 = arith.constant 0 : i32
      %dma_start3A_204 = arith.constant 0 : i32
      %dma_start3A_205 = tpu.memref_slice %arg2[%dma_start3A_203, %dma_start3A_204] : memref<10240x128xf32, #tpu.memory_space<hbm>> -> memref<10240x128xf32, #tpu.memory_space<hbm>>
      tpu.enqueue_indirect_dma source(%dma_start3A_205 : memref<10240x128xf32, #tpu.memory_space<hbm>>) target(%arg12 : memref<128x128xf32, #tpu.memory_space<vmem>>) offsets(%dma_start3A_202 : memref<128xi32, #tpu.memory_space<vmem>>) semaphore(%arg14 : memref<!tpu.dma_semaphore, #tpu.memory_space<semaphore_mem>>)
      %dma_wait3A_206 = arith.constant 4 : i32
      %dma_wait3A_207 = arith.constant 0 : i32
      %dma_wait3A_208 = tpu.memref_slice %arg7[%dma_wait3A_206, %dma_wait3A_207] : memref<8x128xi32, #tpu.memory_space<vmem>> -> memref<1x128xi32, #tpu.memory_space<vmem>>
      %dma_wait3A_209 = tpu.memref_squeeze %dma_wait3A_208 : memref<1x128xi32, #tpu.memory_space<vmem>> -> memref<128xi32, #tpu.memory_space<vmem>>
      %dma_wait3A_210 = arith.constant 0 : i32
      %dma_wait3A_211 = arith.constant 0 : i32
      %dma_wait3A_212 = tpu.memref_slice %arg2[%dma_wait3A_210, %dma_wait3A_211] : memref<10240x128xf32, #tpu.memory_space<hbm>> -> memref<10240x128xf32, #tpu.memory_space<hbm>>
      tpu.wait_indirect_dma semaphore(%arg13 : memref<!tpu.dma_semaphore, #tpu.memory_space<semaphore_mem>>) src(%dma_wait3A_212 : memref<10240x128xf32, #tpu.memory_space<hbm>>) dst(%arg11 : memref<128x128xf32, #tpu.memory_space<vmem>>)
      %dma_start3A_213 = arith.constant 4 : i32
      %dma_start3A_214 = arith.constant 0 : i32
      %dma_start3A_215 = tpu.memref_slice %arg9[%dma_start3A_213, %dma_start3A_214] : memref<8x128xi32, #tpu.memory_space<vmem>> -> memref<1x128xi32, #tpu.memory_space<vmem>>
      %dma_start3A_216 = tpu.memref_squeeze %dma_start3A_215 : memref<1x128xi32, #tpu.memory_space<vmem>> -> memref<128xi32, #tpu.memory_space<vmem>>
      %dma_start3A_217 = arith.constant 0 : i32
      %dma_start3A_218 = arith.constant 0 : i32
      %dma_start3A_219 = tpu.memref_slice %arg6[%dma_start3A_217, %dma_start3A_218] : memref<10240x128xf32, #tpu.memory_space<vmem_shared>> -> memref<10240x128xf32, #tpu.memory_space<vmem_shared>>
      tpu.enqueue_indirect_dma source(%arg11 : memref<128x128xf32, #tpu.memory_space<vmem>>) target(%dma_start3A_219 : memref<10240x128xf32, #tpu.memory_space<vmem_shared>>) offsets(%dma_start3A_216 : memref<128xi32, #tpu.memory_space<vmem>>) semaphore(%arg15 : memref<!tpu.dma_semaphore, #tpu.memory_space<semaphore_mem>>) {add = true}
      %dma_wait3A_220 = arith.constant 4 : i32
      %dma_wait3A_221 = arith.constant 0 : i32
      %dma_wait3A_222 = tpu.memref_slice %arg9[%dma_wait3A_220, %dma_wait3A_221] : memref<8x128xi32, #tpu.memory_space<vmem>> -> memref<1x128xi32, #tpu.memory_space<vmem>>
      %dma_wait3A_223 = tpu.memref_squeeze %dma_wait3A_222 : memref<1x128xi32, #tpu.memory_space<vmem>> -> memref<128xi32, #tpu.memory_space<vmem>>
      %dma_wait3A_224 = arith.constant 0 : i32
      %dma_wait3A_225 = arith.constant 0 : i32
      %dma_wait3A_226 = tpu.memref_slice %arg6[%dma_wait3A_224, %dma_wait3A_225] : memref<10240x128xf32, #tpu.memory_space<vmem_shared>> -> memref<10240x128xf32, #tpu.memory_space<vmem_shared>>
      tpu.wait_indirect_dma semaphore(%arg15 : memref<!tpu.dma_semaphore, #tpu.memory_space<semaphore_mem>>) src(%arg11 : memref<128x128xf32, #tpu.memory_space<vmem>>) dst(%dma_wait3A_226 : memref<10240x128xf32, #tpu.memory_space<vmem_shared>>)
      %dma_start3A_227 = arith.constant 6 : i32
      %dma_start3A_228 = arith.constant 0 : i32
      %dma_start3A_229 = tpu.memref_slice %arg7[%dma_start3A_227, %dma_start3A_228] : memref<8x128xi32, #tpu.memory_space<vmem>> -> memref<1x128xi32, #tpu.memory_space<vmem>>
      %dma_start3A_230 = tpu.memref_squeeze %dma_start3A_229 : memref<1x128xi32, #tpu.memory_space<vmem>> -> memref<128xi32, #tpu.memory_space<vmem>>
      %dma_start3A_231 = arith.constant 0 : i32
      %dma_start3A_232 = arith.constant 0 : i32
      %dma_start3A_233 = tpu.memref_slice %arg2[%dma_start3A_231, %dma_start3A_232] : memref<10240x128xf32, #tpu.memory_space<hbm>> -> memref<10240x128xf32, #tpu.memory_space<hbm>>
      tpu.enqueue_indirect_dma source(%dma_start3A_233 : memref<10240x128xf32, #tpu.memory_space<hbm>>) target(%arg11 : memref<128x128xf32, #tpu.memory_space<vmem>>) offsets(%dma_start3A_230 : memref<128xi32, #tpu.memory_space<vmem>>) semaphore(%arg13 : memref<!tpu.dma_semaphore, #tpu.memory_space<semaphore_mem>>)
      %dma_wait3A_234 = arith.constant 5 : i32
      %dma_wait3A_235 = arith.constant 0 : i32
      %dma_wait3A_236 = tpu.memref_slice %arg7[%dma_wait3A_234, %dma_wait3A_235] : memref<8x128xi32, #tpu.memory_space<vmem>> -> memref<1x128xi32, #tpu.memory_space<vmem>>
      %dma_wait3A_237 = tpu.memref_squeeze %dma_wait3A_236 : memref<1x128xi32, #tpu.memory_space<vmem>> -> memref<128xi32, #tpu.memory_space<vmem>>
      %dma_wait3A_238 = arith.constant 0 : i32
      %dma_wait3A_239 = arith.constant 0 : i32
      %dma_wait3A_240 = tpu.memref_slice %arg2[%dma_wait3A_238, %dma_wait3A_239] : memref<10240x128xf32, #tpu.memory_space<hbm>> -> memref<10240x128xf32, #tpu.memory_space<hbm>>
      tpu.wait_indirect_dma semaphore(%arg14 : memref<!tpu.dma_semaphore, #tpu.memory_space<semaphore_mem>>) src(%dma_wait3A_240 : memref<10240x128xf32, #tpu.memory_space<hbm>>) dst(%arg12 : memref<128x128xf32, #tpu.memory_space<vmem>>)
      %dma_start3A_241 = arith.constant 5 : i32
      %dma_start3A_242 = arith.constant 0 : i32
      %dma_start3A_243 = tpu.memref_slice %arg9[%dma_start3A_241, %dma_start3A_242] : memref<8x128xi32, #tpu.memory_space<vmem>> -> memref<1x128xi32, #tpu.memory_space<vmem>>
      %dma_start3A_244 = tpu.memref_squeeze %dma_start3A_243 : memref<1x128xi32, #tpu.memory_space<vmem>> -> memref<128xi32, #tpu.memory_space<vmem>>
      %dma_start3A_245 = arith.constant 0 : i32
      %dma_start3A_246 = arith.constant 0 : i32
      %dma_start3A_247 = tpu.memref_slice %arg6[%dma_start3A_245, %dma_start3A_246] : memref<10240x128xf32, #tpu.memory_space<vmem_shared>> -> memref<10240x128xf32, #tpu.memory_space<vmem_shared>>
      tpu.enqueue_indirect_dma source(%arg12 : memref<128x128xf32, #tpu.memory_space<vmem>>) target(%dma_start3A_247 : memref<10240x128xf32, #tpu.memory_space<vmem_shared>>) offsets(%dma_start3A_244 : memref<128xi32, #tpu.memory_space<vmem>>) semaphore(%arg16 : memref<!tpu.dma_semaphore, #tpu.memory_space<semaphore_mem>>) {add = true}
      %dma_wait3A_248 = arith.constant 5 : i32
      %dma_wait3A_249 = arith.constant 0 : i32
      %dma_wait3A_250 = tpu.memref_slice %arg9[%dma_wait3A_248, %dma_wait3A_249] : memref<8x128xi32, #tpu.memory_space<vmem>> -> memref<1x128xi32, #tpu.memory_space<vmem>>
      %dma_wait3A_251 = tpu.memref_squeeze %dma_wait3A_250 : memref<1x128xi32, #tpu.memory_space<vmem>> -> memref<128xi32, #tpu.memory_space<vmem>>
      %dma_wait3A_252 = arith.constant 0 : i32
      %dma_wait3A_253 = arith.constant 0 : i32
      %dma_wait3A_254 = tpu.memref_slice %arg6[%dma_wait3A_252, %dma_wait3A_253] : memref<10240x128xf32, #tpu.memory_space<vmem_shared>> -> memref<10240x128xf32, #tpu.memory_space<vmem_shared>>
      tpu.wait_indirect_dma semaphore(%arg16 : memref<!tpu.dma_semaphore, #tpu.memory_space<semaphore_mem>>) src(%arg12 : memref<128x128xf32, #tpu.memory_space<vmem>>) dst(%dma_wait3A_254 : memref<10240x128xf32, #tpu.memory_space<vmem_shared>>)
      %dma_start3A_255 = arith.constant 7 : i32
      %dma_start3A_256 = arith.constant 0 : i32
      %dma_start3A_257 = tpu.memref_slice %arg7[%dma_start3A_255, %dma_start3A_256] : memref<8x128xi32, #tpu.memory_space<vmem>> -> memref<1x128xi32, #tpu.memory_space<vmem>>
      %dma_start3A_258 = tpu.memref_squeeze %dma_start3A_257 : memref<1x128xi32, #tpu.memory_space<vmem>> -> memref<128xi32, #tpu.memory_space<vmem>>
      %dma_start3A_259 = arith.constant 0 : i32
      %dma_start3A_260 = arith.constant 0 : i32
      %dma_start3A_261 = tpu.memref_slice %arg2[%dma_start3A_259, %dma_start3A_260] : memref<10240x128xf32, #tpu.memory_space<hbm>> -> memref<10240x128xf32, #tpu.memory_space<hbm>>
      tpu.enqueue_indirect_dma source(%dma_start3A_261 : memref<10240x128xf32, #tpu.memory_space<hbm>>) target(%arg12 : memref<128x128xf32, #tpu.memory_space<vmem>>) offsets(%dma_start3A_258 : memref<128xi32, #tpu.memory_space<vmem>>) semaphore(%arg14 : memref<!tpu.dma_semaphore, #tpu.memory_space<semaphore_mem>>)
      %dma_wait3A_262 = arith.constant 6 : i32
      %dma_wait3A_263 = arith.constant 0 : i32
      %dma_wait3A_264 = tpu.memref_slice %arg7[%dma_wait3A_262, %dma_wait3A_263] : memref<8x128xi32, #tpu.memory_space<vmem>> -> memref<1x128xi32, #tpu.memory_space<vmem>>
      %dma_wait3A_265 = tpu.memref_squeeze %dma_wait3A_264 : memref<1x128xi32, #tpu.memory_space<vmem>> -> memref<128xi32, #tpu.memory_space<vmem>>
      %dma_wait3A_266 = arith.constant 0 : i32
      %dma_wait3A_267 = arith.constant 0 : i32
      %dma_wait3A_268 = tpu.memref_slice %arg2[%dma_wait3A_266, %dma_wait3A_267] : memref<10240x128xf32, #tpu.memory_space<hbm>> -> memref<10240x128xf32, #tpu.memory_space<hbm>>
      tpu.wait_indirect_dma semaphore(%arg13 : memref<!tpu.dma_semaphore, #tpu.memory_space<semaphore_mem>>) src(%dma_wait3A_268 : memref<10240x128xf32, #tpu.memory_space<hbm>>) dst(%arg11 : memref<128x128xf32, #tpu.memory_space<vmem>>)
      %dma_start3A_269 = arith.constant 6 : i32
      %dma_start3A_270 = arith.constant 0 : i32
      %dma_start3A_271 = tpu.memref_slice %arg9[%dma_start3A_269, %dma_start3A_270] : memref<8x128xi32, #tpu.memory_space<vmem>> -> memref<1x128xi32, #tpu.memory_space<vmem>>
      %dma_start3A_272 = tpu.memref_squeeze %dma_start3A_271 : memref<1x128xi32, #tpu.memory_space<vmem>> -> memref<128xi32, #tpu.memory_space<vmem>>
      %dma_start3A_273 = arith.constant 0 : i32
      %dma_start3A_274 = arith.constant 0 : i32
      %dma_start3A_275 = tpu.memref_slice %arg6[%dma_start3A_273, %dma_start3A_274] : memref<10240x128xf32, #tpu.memory_space<vmem_shared>> -> memref<10240x128xf32, #tpu.memory_space<vmem_shared>>
      tpu.enqueue_indirect_dma source(%arg11 : memref<128x128xf32, #tpu.memory_space<vmem>>) target(%dma_start3A_275 : memref<10240x128xf32, #tpu.memory_space<vmem_shared>>) offsets(%dma_start3A_272 : memref<128xi32, #tpu.memory_space<vmem>>) semaphore(%arg15 : memref<!tpu.dma_semaphore, #tpu.memory_space<semaphore_mem>>) {add = true}
      %dma_wait3A_276 = arith.constant 7 : i32
      %dma_wait3A_277 = arith.constant 0 : i32
      %dma_wait3A_278 = tpu.memref_slice %arg7[%dma_wait3A_276, %dma_wait3A_277] : memref<8x128xi32, #tpu.memory_space<vmem>> -> memref<1x128xi32, #tpu.memory_space<vmem>>
      %dma_wait3A_279 = tpu.memref_squeeze %dma_wait3A_278 : memref<1x128xi32, #tpu.memory_space<vmem>> -> memref<128xi32, #tpu.memory_space<vmem>>
      %dma_wait3A_280 = arith.constant 0 : i32
      %dma_wait3A_281 = arith.constant 0 : i32
      %dma_wait3A_282 = tpu.memref_slice %arg2[%dma_wait3A_280, %dma_wait3A_281] : memref<10240x128xf32, #tpu.memory_space<hbm>> -> memref<10240x128xf32, #tpu.memory_space<hbm>>
      tpu.wait_indirect_dma semaphore(%arg14 : memref<!tpu.dma_semaphore, #tpu.memory_space<semaphore_mem>>) src(%dma_wait3A_282 : memref<10240x128xf32, #tpu.memory_space<hbm>>) dst(%arg12 : memref<128x128xf32, #tpu.memory_space<vmem>>)
      %dma_start3A_283 = arith.constant 7 : i32
      %dma_start3A_284 = arith.constant 0 : i32
      %dma_start3A_285 = tpu.memref_slice %arg9[%dma_start3A_283, %dma_start3A_284] : memref<8x128xi32, #tpu.memory_space<vmem>> -> memref<1x128xi32, #tpu.memory_space<vmem>>
      %dma_start3A_286 = tpu.memref_squeeze %dma_start3A_285 : memref<1x128xi32, #tpu.memory_space<vmem>> -> memref<128xi32, #tpu.memory_space<vmem>>
      %dma_start3A_287 = arith.constant 0 : i32
      %dma_start3A_288 = arith.constant 0 : i32
      %dma_start3A_289 = tpu.memref_slice %arg6[%dma_start3A_287, %dma_start3A_288] : memref<10240x128xf32, #tpu.memory_space<vmem_shared>> -> memref<10240x128xf32, #tpu.memory_space<vmem_shared>>
      tpu.enqueue_indirect_dma source(%arg12 : memref<128x128xf32, #tpu.memory_space<vmem>>) target(%dma_start3A_289 : memref<10240x128xf32, #tpu.memory_space<vmem_shared>>) offsets(%dma_start3A_286 : memref<128xi32, #tpu.memory_space<vmem>>) semaphore(%arg16 : memref<!tpu.dma_semaphore, #tpu.memory_space<semaphore_mem>>) {add = true}
      %dma_wait3A_290 = arith.constant 6 : i32
      %dma_wait3A_291 = arith.constant 0 : i32
      %dma_wait3A_292 = tpu.memref_slice %arg9[%dma_wait3A_290, %dma_wait3A_291] : memref<8x128xi32, #tpu.memory_space<vmem>> -> memref<1x128xi32, #tpu.memory_space<vmem>>
      %dma_wait3A_293 = tpu.memref_squeeze %dma_wait3A_292 : memref<1x128xi32, #tpu.memory_space<vmem>> -> memref<128xi32, #tpu.memory_space<vmem>>
      %dma_wait3A_294 = arith.constant 0 : i32
      %dma_wait3A_295 = arith.constant 0 : i32
      %dma_wait3A_296 = tpu.memref_slice %arg6[%dma_wait3A_294, %dma_wait3A_295] : memref<10240x128xf32, #tpu.memory_space<vmem_shared>> -> memref<10240x128xf32, #tpu.memory_space<vmem_shared>>
      tpu.wait_indirect_dma semaphore(%arg15 : memref<!tpu.dma_semaphore, #tpu.memory_space<semaphore_mem>>) src(%arg11 : memref<128x128xf32, #tpu.memory_space<vmem>>) dst(%dma_wait3A_296 : memref<10240x128xf32, #tpu.memory_space<vmem_shared>>)
      %dma_wait3A_297 = arith.constant 7 : i32
      %dma_wait3A_298 = arith.constant 0 : i32
      %dma_wait3A_299 = tpu.memref_slice %arg9[%dma_wait3A_297, %dma_wait3A_298] : memref<8x128xi32, #tpu.memory_space<vmem>> -> memref<1x128xi32, #tpu.memory_space<vmem>>
      %dma_wait3A_300 = tpu.memref_squeeze %dma_wait3A_299 : memref<1x128xi32, #tpu.memory_space<vmem>> -> memref<128xi32, #tpu.memory_space<vmem>>
      %dma_wait3A_301 = arith.constant 0 : i32
      %dma_wait3A_302 = arith.constant 0 : i32
      %dma_wait3A_303 = tpu.memref_slice %arg6[%dma_wait3A_301, %dma_wait3A_302] : memref<10240x128xf32, #tpu.memory_space<vmem_shared>> -> memref<10240x128xf32, #tpu.memory_space<vmem_shared>>
      tpu.wait_indirect_dma semaphore(%arg16 : memref<!tpu.dma_semaphore, #tpu.memory_space<semaphore_mem>>) src(%arg12 : memref<128x128xf32, #tpu.memory_space<vmem>>) dst(%dma_wait3A_303 : memref<10240x128xf32, #tpu.memory_space<vmem_shared>>)
      %dma_wait3A_304 = arith.constant 0 : i32
      %dma_wait3A_305 = tpu.memref_slice %arg3[%add3A, %mul3A_61, %dma_wait3A_304] : memref<32x80x128xi32, #tpu.memory_space<hbm>> -> memref<1x8x128xi32, #tpu.memory_space<hbm>>
      %dma_wait3A_306 = tpu.memref_squeeze %dma_wait3A_305 : memref<1x8x128xi32, #tpu.memory_space<hbm>> -> memref<8x128xi32, #tpu.memory_space<hbm>>
      %dma_wait3A_307 = arith.constant 0 : i32
      %dma_wait3A_308 = tpu.memref_slice %arg3[%add3A, %mul3A_61, %dma_wait3A_307] : memref<32x80x128xi32, #tpu.memory_space<hbm>> -> memref<1x8x128xi32, #tpu.memory_space<hbm>>
      %dma_wait3A_309 = tpu.memref_squeeze %dma_wait3A_308 : memref<1x8x128xi32, #tpu.memory_space<hbm>> -> memref<8x128xi32, #tpu.memory_space<hbm>>
      tpu.wait_dma2 semaphore(%arg19 : memref<!tpu.dma_semaphore, #tpu.memory_space<semaphore_mem>>) src(%dma_wait3A_309 : memref<8x128xi32, #tpu.memory_space<hbm>>) dst(%arg8 : memref<8x128xi32, #tpu.memory_space<vmem>>)
      %dma_wait3A_310 = arith.constant 0 : i32
      %dma_wait3A_311 = tpu.memref_slice %arg4[%add3A, %mul3A_73, %dma_wait3A_310] : memref<32x80x128xi32, #tpu.memory_space<hbm>> -> memref<1x8x128xi32, #tpu.memory_space<hbm>>
      %dma_wait3A_312 = tpu.memref_squeeze %dma_wait3A_311 : memref<1x8x128xi32, #tpu.memory_space<hbm>> -> memref<8x128xi32, #tpu.memory_space<hbm>>
      %dma_wait3A_313 = arith.constant 0 : i32
      %dma_wait3A_314 = tpu.memref_slice %arg4[%add3A, %mul3A_73, %dma_wait3A_313] : memref<32x80x128xi32, #tpu.memory_space<hbm>> -> memref<1x8x128xi32, #tpu.memory_space<hbm>>
      %dma_wait3A_315 = tpu.memref_squeeze %dma_wait3A_314 : memref<1x8x128xi32, #tpu.memory_space<hbm>> -> memref<8x128xi32, #tpu.memory_space<hbm>>
      tpu.wait_dma2 semaphore(%arg20 : memref<!tpu.dma_semaphore, #tpu.memory_space<semaphore_mem>>) src(%dma_wait3A_315 : memref<8x128xi32, #tpu.memory_space<hbm>>) dst(%arg10 : memref<8x128xi32, #tpu.memory_space<vmem>>)
      %mul3A_316 = arith.constant 2 : i32
      %mul3A_317 = arith.muli %mul3A_316, %scan3A_55 : i32
      %add3A_318 = arith.constant 2 : i32
      %add3A_319 = arith.addi %mul3A_317, %add3A_318 : i32
      %mul3A_320 = arith.constant 8 : i32
      %mul3A_321 = arith.muli %mul3A_320, %add3A_319 : i32
      %min3A = arith.constant 72 : i32
      %min3A_322 = arith.minsi %mul3A_321, %min3A : i32
      %dma_start3A_323 = arith.constant 0 : i32
      %dma_start3A_324 = tpu.memref_slice %arg3[%add3A, %min3A_322, %dma_start3A_323] : memref<32x80x128xi32, #tpu.memory_space<hbm>> -> memref<1x8x128xi32, #tpu.memory_space<hbm>>
      %dma_start3A_325 = tpu.memref_squeeze %dma_start3A_324 : memref<1x8x128xi32, #tpu.memory_space<hbm>> -> memref<8x128xi32, #tpu.memory_space<hbm>>
      %dma_start3A_326 = arith.constant 0 : i32
      %dma_start3A_327 = tpu.memref_slice %arg3[%add3A, %min3A_322, %dma_start3A_326] : memref<32x80x128xi32, #tpu.memory_space<hbm>> -> memref<1x8x128xi32, #tpu.memory_space<hbm>>
      %dma_start3A_328 = tpu.memref_squeeze %dma_start3A_327 : memref<1x8x128xi32, #tpu.memory_space<hbm>> -> memref<8x128xi32, #tpu.memory_space<hbm>>
      tpu.enqueue_dma source(%dma_start3A_328 : memref<8x128xi32, #tpu.memory_space<hbm>>) target(%arg7 : memref<8x128xi32, #tpu.memory_space<vmem>>) target_semaphore(%arg17 : memref<!tpu.dma_semaphore, #tpu.memory_space<semaphore_mem>>)
      %dma_start3A_329 = arith.constant 0 : i32
      %dma_start3A_330 = tpu.memref_slice %arg4[%add3A, %min3A_322, %dma_start3A_329] : memref<32x80x128xi32, #tpu.memory_space<hbm>> -> memref<1x8x128xi32, #tpu.memory_space<hbm>>
      %dma_start3A_331 = tpu.memref_squeeze %dma_start3A_330 : memref<1x8x128xi32, #tpu.memory_space<hbm>> -> memref<8x128xi32, #tpu.memory_space<hbm>>
      %dma_start3A_332 = arith.constant 0 : i32
      %dma_start3A_333 = tpu.memref_slice %arg4[%add3A, %min3A_322, %dma_start3A_332] : memref<32x80x128xi32, #tpu.memory_space<hbm>> -> memref<1x8x128xi32, #tpu.memory_space<hbm>>
      %dma_start3A_334 = tpu.memref_squeeze %dma_start3A_333 : memref<1x8x128xi32, #tpu.memory_space<hbm>> -> memref<8x128xi32, #tpu.memory_space<hbm>>
      tpu.enqueue_dma source(%dma_start3A_334 : memref<8x128xi32, #tpu.memory_space<hbm>>) target(%arg9 : memref<8x128xi32, #tpu.memory_space<vmem>>) target_semaphore(%arg18 : memref<!tpu.dma_semaphore, #tpu.memory_space<semaphore_mem>>)
      %dma_start3A_335 = arith.constant 0 : i32
      %dma_start3A_336 = arith.constant 0 : i32
      %dma_start3A_337 = tpu.memref_slice %arg8[%dma_start3A_335, %dma_start3A_336] : memref<8x128xi32, #tpu.memory_space<vmem>> -> memref<1x128xi32, #tpu.memory_space<vmem>>
      %dma_start3A_338 = tpu.memref_squeeze %dma_start3A_337 : memref<1x128xi32, #tpu.memory_space<vmem>> -> memref<128xi32, #tpu.memory_space<vmem>>
      %dma_start3A_339 = arith.constant 0 : i32
      %dma_start3A_340 = arith.constant 0 : i32
      %dma_start3A_341 = tpu.memref_slice %arg2[%dma_start3A_339, %dma_start3A_340] : memref<10240x128xf32, #tpu.memory_space<hbm>> -> memref<10240x128xf32, #tpu.memory_space<hbm>>
      tpu.enqueue_indirect_dma source(%dma_start3A_341 : memref<10240x128xf32, #tpu.memory_space<hbm>>) target(%arg11 : memref<128x128xf32, #tpu.memory_space<vmem>>) offsets(%dma_start3A_338 : memref<128xi32, #tpu.memory_space<vmem>>) semaphore(%arg13 : memref<!tpu.dma_semaphore, #tpu.memory_space<semaphore_mem>>)
      %dma_start3A_342 = arith.constant 1 : i32
      %dma_start3A_343 = arith.constant 0 : i32
      %dma_start3A_344 = tpu.memref_slice %arg8[%dma_start3A_342, %dma_start3A_343] : memref<8x128xi32, #tpu.memory_space<vmem>> -> memref<1x128xi32, #tpu.memory_space<vmem>>
      %dma_start3A_345 = tpu.memref_squeeze %dma_start3A_344 : memref<1x128xi32, #tpu.memory_space<vmem>> -> memref<128xi32, #tpu.memory_space<vmem>>
      %dma_start3A_346 = arith.constant 0 : i32
      %dma_start3A_347 = arith.constant 0 : i32
      %dma_start3A_348 = tpu.memref_slice %arg2[%dma_start3A_346, %dma_start3A_347] : memref<10240x128xf32, #tpu.memory_space<hbm>> -> memref<10240x128xf32, #tpu.memory_space<hbm>>
      tpu.enqueue_indirect_dma source(%dma_start3A_348 : memref<10240x128xf32, #tpu.memory_space<hbm>>) target(%arg12 : memref<128x128xf32, #tpu.memory_space<vmem>>) offsets(%dma_start3A_345 : memref<128xi32, #tpu.memory_space<vmem>>) semaphore(%arg14 : memref<!tpu.dma_semaphore, #tpu.memory_space<semaphore_mem>>)
      %dma_wait3A_349 = arith.constant 0 : i32
      %dma_wait3A_350 = arith.constant 0 : i32
      %dma_wait3A_351 = tpu.memref_slice %arg8[%dma_wait3A_349, %dma_wait3A_350] : memref<8x128xi32, #tpu.memory_space<vmem>> -> memref<1x128xi32, #tpu.memory_space<vmem>>
      %dma_wait3A_352 = tpu.memref_squeeze %dma_wait3A_351 : memref<1x128xi32, #tpu.memory_space<vmem>> -> memref<128xi32, #tpu.memory_space<vmem>>
      %dma_wait3A_353 = arith.constant 0 : i32
      %dma_wait3A_354 = arith.constant 0 : i32
      %dma_wait3A_355 = tpu.memref_slice %arg2[%dma_wait3A_353, %dma_wait3A_354] : memref<10240x128xf32, #tpu.memory_space<hbm>> -> memref<10240x128xf32, #tpu.memory_space<hbm>>
      tpu.wait_indirect_dma semaphore(%arg13 : memref<!tpu.dma_semaphore, #tpu.memory_space<semaphore_mem>>) src(%dma_wait3A_355 : memref<10240x128xf32, #tpu.memory_space<hbm>>) dst(%arg11 : memref<128x128xf32, #tpu.memory_space<vmem>>)
      %dma_start3A_356 = arith.constant 0 : i32
      %dma_start3A_357 = arith.constant 0 : i32
      %dma_start3A_358 = tpu.memref_slice %arg10[%dma_start3A_356, %dma_start3A_357] : memref<8x128xi32, #tpu.memory_space<vmem>> -> memref<1x128xi32, #tpu.memory_space<vmem>>
      %dma_start3A_359 = tpu.memref_squeeze %dma_start3A_358 : memref<1x128xi32, #tpu.memory_space<vmem>> -> memref<128xi32, #tpu.memory_space<vmem>>
      %dma_start3A_360 = arith.constant 0 : i32
      %dma_start3A_361 = arith.constant 0 : i32
      %dma_start3A_362 = tpu.memref_slice %arg6[%dma_start3A_360, %dma_start3A_361] : memref<10240x128xf32, #tpu.memory_space<vmem_shared>> -> memref<10240x128xf32, #tpu.memory_space<vmem_shared>>
      tpu.enqueue_indirect_dma source(%arg11 : memref<128x128xf32, #tpu.memory_space<vmem>>) target(%dma_start3A_362 : memref<10240x128xf32, #tpu.memory_space<vmem_shared>>) offsets(%dma_start3A_359 : memref<128xi32, #tpu.memory_space<vmem>>) semaphore(%arg15 : memref<!tpu.dma_semaphore, #tpu.memory_space<semaphore_mem>>) {add = true}
      %dma_wait3A_363 = arith.constant 0 : i32
      %dma_wait3A_364 = arith.constant 0 : i32
      %dma_wait3A_365 = tpu.memref_slice %arg10[%dma_wait3A_363, %dma_wait3A_364] : memref<8x128xi32, #tpu.memory_space<vmem>> -> memref<1x128xi32, #tpu.memory_space<vmem>>
      %dma_wait3A_366 = tpu.memref_squeeze %dma_wait3A_365 : memref<1x128xi32, #tpu.memory_space<vmem>> -> memref<128xi32, #tpu.memory_space<vmem>>
      %dma_wait3A_367 = arith.constant 0 : i32
      %dma_wait3A_368 = arith.constant 0 : i32
      %dma_wait3A_369 = tpu.memref_slice %arg6[%dma_wait3A_367, %dma_wait3A_368] : memref<10240x128xf32, #tpu.memory_space<vmem_shared>> -> memref<10240x128xf32, #tpu.memory_space<vmem_shared>>
      tpu.wait_indirect_dma semaphore(%arg15 : memref<!tpu.dma_semaphore, #tpu.memory_space<semaphore_mem>>) src(%arg11 : memref<128x128xf32, #tpu.memory_space<vmem>>) dst(%dma_wait3A_369 : memref<10240x128xf32, #tpu.memory_space<vmem_shared>>)
      %dma_start3A_370 = arith.constant 2 : i32
      %dma_start3A_371 = arith.constant 0 : i32
      %dma_start3A_372 = tpu.memref_slice %arg8[%dma_start3A_370, %dma_start3A_371] : memref<8x128xi32, #tpu.memory_space<vmem>> -> memref<1x128xi32, #tpu.memory_space<vmem>>
      %dma_start3A_373 = tpu.memref_squeeze %dma_start3A_372 : memref<1x128xi32, #tpu.memory_space<vmem>> -> memref<128xi32, #tpu.memory_space<vmem>>
      %dma_start3A_374 = arith.constant 0 : i32
      %dma_start3A_375 = arith.constant 0 : i32
      %dma_start3A_376 = tpu.memref_slice %arg2[%dma_start3A_374, %dma_start3A_375] : memref<10240x128xf32, #tpu.memory_space<hbm>> -> memref<10240x128xf32, #tpu.memory_space<hbm>>
      tpu.enqueue_indirect_dma source(%dma_start3A_376 : memref<10240x128xf32, #tpu.memory_space<hbm>>) target(%arg11 : memref<128x128xf32, #tpu.memory_space<vmem>>) offsets(%dma_start3A_373 : memref<128xi32, #tpu.memory_space<vmem>>) semaphore(%arg13 : memref<!tpu.dma_semaphore, #tpu.memory_space<semaphore_mem>>)
      %dma_wait3A_377 = arith.constant 1 : i32
      %dma_wait3A_378 = arith.constant 0 : i32
      %dma_wait3A_379 = tpu.memref_slice %arg8[%dma_wait3A_377, %dma_wait3A_378] : memref<8x128xi32, #tpu.memory_space<vmem>> -> memref<1x128xi32, #tpu.memory_space<vmem>>
      %dma_wait3A_380 = tpu.memref_squeeze %dma_wait3A_379 : memref<1x128xi32, #tpu.memory_space<vmem>> -> memref<128xi32, #tpu.memory_space<vmem>>
      %dma_wait3A_381 = arith.constant 0 : i32
      %dma_wait3A_382 = arith.constant 0 : i32
      %dma_wait3A_383 = tpu.memref_slice %arg2[%dma_wait3A_381, %dma_wait3A_382] : memref<10240x128xf32, #tpu.memory_space<hbm>> -> memref<10240x128xf32, #tpu.memory_space<hbm>>
      tpu.wait_indirect_dma semaphore(%arg14 : memref<!tpu.dma_semaphore, #tpu.memory_space<semaphore_mem>>) src(%dma_wait3A_383 : memref<10240x128xf32, #tpu.memory_space<hbm>>) dst(%arg12 : memref<128x128xf32, #tpu.memory_space<vmem>>)
      %dma_start3A_384 = arith.constant 1 : i32
      %dma_start3A_385 = arith.constant 0 : i32
      %dma_start3A_386 = tpu.memref_slice %arg10[%dma_start3A_384, %dma_start3A_385] : memref<8x128xi32, #tpu.memory_space<vmem>> -> memref<1x128xi32, #tpu.memory_space<vmem>>
      %dma_start3A_387 = tpu.memref_squeeze %dma_start3A_386 : memref<1x128xi32, #tpu.memory_space<vmem>> -> memref<128xi32, #tpu.memory_space<vmem>>
      %dma_start3A_388 = arith.constant 0 : i32
      %dma_start3A_389 = arith.constant 0 : i32
      %dma_start3A_390 = tpu.memref_slice %arg6[%dma_start3A_388, %dma_start3A_389] : memref<10240x128xf32, #tpu.memory_space<vmem_shared>> -> memref<10240x128xf32, #tpu.memory_space<vmem_shared>>
      tpu.enqueue_indirect_dma source(%arg12 : memref<128x128xf32, #tpu.memory_space<vmem>>) target(%dma_start3A_390 : memref<10240x128xf32, #tpu.memory_space<vmem_shared>>) offsets(%dma_start3A_387 : memref<128xi32, #tpu.memory_space<vmem>>) semaphore(%arg16 : memref<!tpu.dma_semaphore, #tpu.memory_space<semaphore_mem>>) {add = true}
      %dma_wait3A_391 = arith.constant 1 : i32
      %dma_wait3A_392 = arith.constant 0 : i32
      %dma_wait3A_393 = tpu.memref_slice %arg10[%dma_wait3A_391, %dma_wait3A_392] : memref<8x128xi32, #tpu.memory_space<vmem>> -> memref<1x128xi32, #tpu.memory_space<vmem>>
      %dma_wait3A_394 = tpu.memref_squeeze %dma_wait3A_393 : memref<1x128xi32, #tpu.memory_space<vmem>> -> memref<128xi32, #tpu.memory_space<vmem>>
      %dma_wait3A_395 = arith.constant 0 : i32
      %dma_wait3A_396 = arith.constant 0 : i32
      %dma_wait3A_397 = tpu.memref_slice %arg6[%dma_wait3A_395, %dma_wait3A_396] : memref<10240x128xf32, #tpu.memory_space<vmem_shared>> -> memref<10240x128xf32, #tpu.memory_space<vmem_shared>>
      tpu.wait_indirect_dma semaphore(%arg16 : memref<!tpu.dma_semaphore, #tpu.memory_space<semaphore_mem>>) src(%arg12 : memref<128x128xf32, #tpu.memory_space<vmem>>) dst(%dma_wait3A_397 : memref<10240x128xf32, #tpu.memory_space<vmem_shared>>)
      %dma_start3A_398 = arith.constant 3 : i32
      %dma_start3A_399 = arith.constant 0 : i32
      %dma_start3A_400 = tpu.memref_slice %arg8[%dma_start3A_398, %dma_start3A_399] : memref<8x128xi32, #tpu.memory_space<vmem>> -> memref<1x128xi32, #tpu.memory_space<vmem>>
      %dma_start3A_401 = tpu.memref_squeeze %dma_start3A_400 : memref<1x128xi32, #tpu.memory_space<vmem>> -> memref<128xi32, #tpu.memory_space<vmem>>
      %dma_start3A_402 = arith.constant 0 : i32
      %dma_start3A_403 = arith.constant 0 : i32
      %dma_start3A_404 = tpu.memref_slice %arg2[%dma_start3A_402, %dma_start3A_403] : memref<10240x128xf32, #tpu.memory_space<hbm>> -> memref<10240x128xf32, #tpu.memory_space<hbm>>
      tpu.enqueue_indirect_dma source(%dma_start3A_404 : memref<10240x128xf32, #tpu.memory_space<hbm>>) target(%arg12 : memref<128x128xf32, #tpu.memory_space<vmem>>) offsets(%dma_start3A_401 : memref<128xi32, #tpu.memory_space<vmem>>) semaphore(%arg14 : memref<!tpu.dma_semaphore, #tpu.memory_space<semaphore_mem>>)
      %dma_wait3A_405 = arith.constant 2 : i32
      %dma_wait3A_406 = arith.constant 0 : i32
      %dma_wait3A_407 = tpu.memref_slice %arg8[%dma_wait3A_405, %dma_wait3A_406] : memref<8x128xi32, #tpu.memory_space<vmem>> -> memref<1x128xi32, #tpu.memory_space<vmem>>
      %dma_wait3A_408 = tpu.memref_squeeze %dma_wait3A_407 : memref<1x128xi32, #tpu.memory_space<vmem>> -> memref<128xi32, #tpu.memory_space<vmem>>
      %dma_wait3A_409 = arith.constant 0 : i32
      %dma_wait3A_410 = arith.constant 0 : i32
      %dma_wait3A_411 = tpu.memref_slice %arg2[%dma_wait3A_409, %dma_wait3A_410] : memref<10240x128xf32, #tpu.memory_space<hbm>> -> memref<10240x128xf32, #tpu.memory_space<hbm>>
      tpu.wait_indirect_dma semaphore(%arg13 : memref<!tpu.dma_semaphore, #tpu.memory_space<semaphore_mem>>) src(%dma_wait3A_411 : memref<10240x128xf32, #tpu.memory_space<hbm>>) dst(%arg11 : memref<128x128xf32, #tpu.memory_space<vmem>>)
      %dma_start3A_412 = arith.constant 2 : i32
      %dma_start3A_413 = arith.constant 0 : i32
      %dma_start3A_414 = tpu.memref_slice %arg10[%dma_start3A_412, %dma_start3A_413] : memref<8x128xi32, #tpu.memory_space<vmem>> -> memref<1x128xi32, #tpu.memory_space<vmem>>
      %dma_start3A_415 = tpu.memref_squeeze %dma_start3A_414 : memref<1x128xi32, #tpu.memory_space<vmem>> -> memref<128xi32, #tpu.memory_space<vmem>>
      %dma_start3A_416 = arith.constant 0 : i32
      %dma_start3A_417 = arith.constant 0 : i32
      %dma_start3A_418 = tpu.memref_slice %arg6[%dma_start3A_416, %dma_start3A_417] : memref<10240x128xf32, #tpu.memory_space<vmem_shared>> -> memref<10240x128xf32, #tpu.memory_space<vmem_shared>>
      tpu.enqueue_indirect_dma source(%arg11 : memref<128x128xf32, #tpu.memory_space<vmem>>) target(%dma_start3A_418 : memref<10240x128xf32, #tpu.memory_space<vmem_shared>>) offsets(%dma_start3A_415 : memref<128xi32, #tpu.memory_space<vmem>>) semaphore(%arg15 : memref<!tpu.dma_semaphore, #tpu.memory_space<semaphore_mem>>) {add = true}
      %dma_wait3A_419 = arith.constant 2 : i32
      %dma_wait3A_420 = arith.constant 0 : i32
      %dma_wait3A_421 = tpu.memref_slice %arg10[%dma_wait3A_419, %dma_wait3A_420] : memref<8x128xi32, #tpu.memory_space<vmem>> -> memref<1x128xi32, #tpu.memory_space<vmem>>
      %dma_wait3A_422 = tpu.memref_squeeze %dma_wait3A_421 : memref<1x128xi32, #tpu.memory_space<vmem>> -> memref<128xi32, #tpu.memory_space<vmem>>
      %dma_wait3A_423 = arith.constant 0 : i32
      %dma_wait3A_424 = arith.constant 0 : i32
      %dma_wait3A_425 = tpu.memref_slice %arg6[%dma_wait3A_423, %dma_wait3A_424] : memref<10240x128xf32, #tpu.memory_space<vmem_shared>> -> memref<10240x128xf32, #tpu.memory_space<vmem_shared>>
      tpu.wait_indirect_dma semaphore(%arg15 : memref<!tpu.dma_semaphore, #tpu.memory_space<semaphore_mem>>) src(%arg11 : memref<128x128xf32, #tpu.memory_space<vmem>>) dst(%dma_wait3A_425 : memref<10240x128xf32, #tpu.memory_space<vmem_shared>>)
      %dma_start3A_426 = arith.constant 4 : i32
      %dma_start3A_427 = arith.constant 0 : i32
      %dma_start3A_428 = tpu.memref_slice %arg8[%dma_start3A_426, %dma_start3A_427] : memref<8x128xi32, #tpu.memory_space<vmem>> -> memref<1x128xi32, #tpu.memory_space<vmem>>
      %dma_start3A_429 = tpu.memref_squeeze %dma_start3A_428 : memref<1x128xi32, #tpu.memory_space<vmem>> -> memref<128xi32, #tpu.memory_space<vmem>>
      %dma_start3A_430 = arith.constant 0 : i32
      %dma_start3A_431 = arith.constant 0 : i32
      %dma_start3A_432 = tpu.memref_slice %arg2[%dma_start3A_430, %dma_start3A_431] : memref<10240x128xf32, #tpu.memory_space<hbm>> -> memref<10240x128xf32, #tpu.memory_space<hbm>>
      tpu.enqueue_indirect_dma source(%dma_start3A_432 : memref<10240x128xf32, #tpu.memory_space<hbm>>) target(%arg11 : memref<128x128xf32, #tpu.memory_space<vmem>>) offsets(%dma_start3A_429 : memref<128xi32, #tpu.memory_space<vmem>>) semaphore(%arg13 : memref<!tpu.dma_semaphore, #tpu.memory_space<semaphore_mem>>)
      %dma_wait3A_433 = arith.constant 3 : i32
      %dma_wait3A_434 = arith.constant 0 : i32
      %dma_wait3A_435 = tpu.memref_slice %arg8[%dma_wait3A_433, %dma_wait3A_434] : memref<8x128xi32, #tpu.memory_space<vmem>> -> memref<1x128xi32, #tpu.memory_space<vmem>>
      %dma_wait3A_436 = tpu.memref_squeeze %dma_wait3A_435 : memref<1x128xi32, #tpu.memory_space<vmem>> -> memref<128xi32, #tpu.memory_space<vmem>>
      %dma_wait3A_437 = arith.constant 0 : i32
      %dma_wait3A_438 = arith.constant 0 : i32
      %dma_wait3A_439 = tpu.memref_slice %arg2[%dma_wait3A_437, %dma_wait3A_438] : memref<10240x128xf32, #tpu.memory_space<hbm>> -> memref<10240x128xf32, #tpu.memory_space<hbm>>
      tpu.wait_indirect_dma semaphore(%arg14 : memref<!tpu.dma_semaphore, #tpu.memory_space<semaphore_mem>>) src(%dma_wait3A_439 : memref<10240x128xf32, #tpu.memory_space<hbm>>) dst(%arg12 : memref<128x128xf32, #tpu.memory_space<vmem>>)
      %dma_start3A_440 = arith.constant 3 : i32
      %dma_start3A_441 = arith.constant 0 : i32
      %dma_start3A_442 = tpu.memref_slice %arg10[%dma_start3A_440, %dma_start3A_441] : memref<8x128xi32, #tpu.memory_space<vmem>> -> memref<1x128xi32, #tpu.memory_space<vmem>>
      %dma_start3A_443 = tpu.memref_squeeze %dma_start3A_442 : memref<1x128xi32, #tpu.memory_space<vmem>> -> memref<128xi32, #tpu.memory_space<vmem>>
      %dma_start3A_444 = arith.constant 0 : i32
      %dma_start3A_445 = arith.constant 0 : i32
      %dma_start3A_446 = tpu.memref_slice %arg6[%dma_start3A_444, %dma_start3A_445] : memref<10240x128xf32, #tpu.memory_space<vmem_shared>> -> memref<10240x128xf32, #tpu.memory_space<vmem_shared>>
      tpu.enqueue_indirect_dma source(%arg12 : memref<128x128xf32, #tpu.memory_space<vmem>>) target(%dma_start3A_446 : memref<10240x128xf32, #tpu.memory_space<vmem_shared>>) offsets(%dma_start3A_443 : memref<128xi32, #tpu.memory_space<vmem>>) semaphore(%arg16 : memref<!tpu.dma_semaphore, #tpu.memory_space<semaphore_mem>>) {add = true}
      %dma_wait3A_447 = arith.constant 3 : i32
      %dma_wait3A_448 = arith.constant 0 : i32
      %dma_wait3A_449 = tpu.memref_slice %arg10[%dma_wait3A_447, %dma_wait3A_448] : memref<8x128xi32, #tpu.memory_space<vmem>> -> memref<1x128xi32, #tpu.memory_space<vmem>>
      %dma_wait3A_450 = tpu.memref_squeeze %dma_wait3A_449 : memref<1x128xi32, #tpu.memory_space<vmem>> -> memref<128xi32, #tpu.memory_space<vmem>>
      %dma_wait3A_451 = arith.constant 0 : i32
      %dma_wait3A_452 = arith.constant 0 : i32
      %dma_wait3A_453 = tpu.memref_slice %arg6[%dma_wait3A_451, %dma_wait3A_452] : memref<10240x128xf32, #tpu.memory_space<vmem_shared>> -> memref<10240x128xf32, #tpu.memory_space<vmem_shared>>
      tpu.wait_indirect_dma semaphore(%arg16 : memref<!tpu.dma_semaphore, #tpu.memory_space<semaphore_mem>>) src(%arg12 : memref<128x128xf32, #tpu.memory_space<vmem>>) dst(%dma_wait3A_453 : memref<10240x128xf32, #tpu.memory_space<vmem_shared>>)
      %dma_start3A_454 = arith.constant 5 : i32
      %dma_start3A_455 = arith.constant 0 : i32
      %dma_start3A_456 = tpu.memref_slice %arg8[%dma_start3A_454, %dma_start3A_455] : memref<8x128xi32, #tpu.memory_space<vmem>> -> memref<1x128xi32, #tpu.memory_space<vmem>>
      %dma_start3A_457 = tpu.memref_squeeze %dma_start3A_456 : memref<1x128xi32, #tpu.memory_space<vmem>> -> memref<128xi32, #tpu.memory_space<vmem>>
      %dma_start3A_458 = arith.constant 0 : i32
      %dma_start3A_459 = arith.constant 0 : i32
      %dma_start3A_460 = tpu.memref_slice %arg2[%dma_start3A_458, %dma_start3A_459] : memref<10240x128xf32, #tpu.memory_space<hbm>> -> memref<10240x128xf32, #tpu.memory_space<hbm>>
      tpu.enqueue_indirect_dma source(%dma_start3A_460 : memref<10240x128xf32, #tpu.memory_space<hbm>>) target(%arg12 : memref<128x128xf32, #tpu.memory_space<vmem>>) offsets(%dma_start3A_457 : memref<128xi32, #tpu.memory_space<vmem>>) semaphore(%arg14 : memref<!tpu.dma_semaphore, #tpu.memory_space<semaphore_mem>>)
      %dma_wait3A_461 = arith.constant 4 : i32
      %dma_wait3A_462 = arith.constant 0 : i32
      %dma_wait3A_463 = tpu.memref_slice %arg8[%dma_wait3A_461, %dma_wait3A_462] : memref<8x128xi32, #tpu.memory_space<vmem>> -> memref<1x128xi32, #tpu.memory_space<vmem>>
      %dma_wait3A_464 = tpu.memref_squeeze %dma_wait3A_463 : memref<1x128xi32, #tpu.memory_space<vmem>> -> memref<128xi32, #tpu.memory_space<vmem>>
      %dma_wait3A_465 = arith.constant 0 : i32
      %dma_wait3A_466 = arith.constant 0 : i32
      %dma_wait3A_467 = tpu.memref_slice %arg2[%dma_wait3A_465, %dma_wait3A_466] : memref<10240x128xf32, #tpu.memory_space<hbm>> -> memref<10240x128xf32, #tpu.memory_space<hbm>>
      tpu.wait_indirect_dma semaphore(%arg13 : memref<!tpu.dma_semaphore, #tpu.memory_space<semaphore_mem>>) src(%dma_wait3A_467 : memref<10240x128xf32, #tpu.memory_space<hbm>>) dst(%arg11 : memref<128x128xf32, #tpu.memory_space<vmem>>)
      %dma_start3A_468 = arith.constant 4 : i32
      %dma_start3A_469 = arith.constant 0 : i32
      %dma_start3A_470 = tpu.memref_slice %arg10[%dma_start3A_468, %dma_start3A_469] : memref<8x128xi32, #tpu.memory_space<vmem>> -> memref<1x128xi32, #tpu.memory_space<vmem>>
      %dma_start3A_471 = tpu.memref_squeeze %dma_start3A_470 : memref<1x128xi32, #tpu.memory_space<vmem>> -> memref<128xi32, #tpu.memory_space<vmem>>
      %dma_start3A_472 = arith.constant 0 : i32
      %dma_start3A_473 = arith.constant 0 : i32
      %dma_start3A_474 = tpu.memref_slice %arg6[%dma_start3A_472, %dma_start3A_473] : memref<10240x128xf32, #tpu.memory_space<vmem_shared>> -> memref<10240x128xf32, #tpu.memory_space<vmem_shared>>
      tpu.enqueue_indirect_dma source(%arg11 : memref<128x128xf32, #tpu.memory_space<vmem>>) target(%dma_start3A_474 : memref<10240x128xf32, #tpu.memory_space<vmem_shared>>) offsets(%dma_start3A_471 : memref<128xi32, #tpu.memory_space<vmem>>) semaphore(%arg15 : memref<!tpu.dma_semaphore, #tpu.memory_space<semaphore_mem>>) {add = true}
      %dma_wait3A_475 = arith.constant 4 : i32
      %dma_wait3A_476 = arith.constant 0 : i32
      %dma_wait3A_477 = tpu.memref_slice %arg10[%dma_wait3A_475, %dma_wait3A_476] : memref<8x128xi32, #tpu.memory_space<vmem>> -> memref<1x128xi32, #tpu.memory_space<vmem>>
      %dma_wait3A_478 = tpu.memref_squeeze %dma_wait3A_477 : memref<1x128xi32, #tpu.memory_space<vmem>> -> memref<128xi32, #tpu.memory_space<vmem>>
      %dma_wait3A_479 = arith.constant 0 : i32
      %dma_wait3A_480 = arith.constant 0 : i32
      %dma_wait3A_481 = tpu.memref_slice %arg6[%dma_wait3A_479, %dma_wait3A_480] : memref<10240x128xf32, #tpu.memory_space<vmem_shared>> -> memref<10240x128xf32, #tpu.memory_space<vmem_shared>>
      tpu.wait_indirect_dma semaphore(%arg15 : memref<!tpu.dma_semaphore, #tpu.memory_space<semaphore_mem>>) src(%arg11 : memref<128x128xf32, #tpu.memory_space<vmem>>) dst(%dma_wait3A_481 : memref<10240x128xf32, #tpu.memory_space<vmem_shared>>)
      %dma_start3A_482 = arith.constant 6 : i32
      %dma_start3A_483 = arith.constant 0 : i32
      %dma_start3A_484 = tpu.memref_slice %arg8[%dma_start3A_482, %dma_start3A_483] : memref<8x128xi32, #tpu.memory_space<vmem>> -> memref<1x128xi32, #tpu.memory_space<vmem>>
      %dma_start3A_485 = tpu.memref_squeeze %dma_start3A_484 : memref<1x128xi32, #tpu.memory_space<vmem>> -> memref<128xi32, #tpu.memory_space<vmem>>
      %dma_start3A_486 = arith.constant 0 : i32
      %dma_start3A_487 = arith.constant 0 : i32
      %dma_start3A_488 = tpu.memref_slice %arg2[%dma_start3A_486, %dma_start3A_487] : memref<10240x128xf32, #tpu.memory_space<hbm>> -> memref<10240x128xf32, #tpu.memory_space<hbm>>
      tpu.enqueue_indirect_dma source(%dma_start3A_488 : memref<10240x128xf32, #tpu.memory_space<hbm>>) target(%arg11 : memref<128x128xf32, #tpu.memory_space<vmem>>) offsets(%dma_start3A_485 : memref<128xi32, #tpu.memory_space<vmem>>) semaphore(%arg13 : memref<!tpu.dma_semaphore, #tpu.memory_space<semaphore_mem>>)
      %dma_wait3A_489 = arith.constant 5 : i32
      %dma_wait3A_490 = arith.constant 0 : i32
      %dma_wait3A_491 = tpu.memref_slice %arg8[%dma_wait3A_489, %dma_wait3A_490] : memref<8x128xi32, #tpu.memory_space<vmem>> -> memref<1x128xi32, #tpu.memory_space<vmem>>
      %dma_wait3A_492 = tpu.memref_squeeze %dma_wait3A_491 : memref<1x128xi32, #tpu.memory_space<vmem>> -> memref<128xi32, #tpu.memory_space<vmem>>
      %dma_wait3A_493 = arith.constant 0 : i32
      %dma_wait3A_494 = arith.constant 0 : i32
      %dma_wait3A_495 = tpu.memref_slice %arg2[%dma_wait3A_493, %dma_wait3A_494] : memref<10240x128xf32, #tpu.memory_space<hbm>> -> memref<10240x128xf32, #tpu.memory_space<hbm>>
      tpu.wait_indirect_dma semaphore(%arg14 : memref<!tpu.dma_semaphore, #tpu.memory_space<semaphore_mem>>) src(%dma_wait3A_495 : memref<10240x128xf32, #tpu.memory_space<hbm>>) dst(%arg12 : memref<128x128xf32, #tpu.memory_space<vmem>>)
      %dma_start3A_496 = arith.constant 5 : i32
      %dma_start3A_497 = arith.constant 0 : i32
      %dma_start3A_498 = tpu.memref_slice %arg10[%dma_start3A_496, %dma_start3A_497] : memref<8x128xi32, #tpu.memory_space<vmem>> -> memref<1x128xi32, #tpu.memory_space<vmem>>
      %dma_start3A_499 = tpu.memref_squeeze %dma_start3A_498 : memref<1x128xi32, #tpu.memory_space<vmem>> -> memref<128xi32, #tpu.memory_space<vmem>>
      %dma_start3A_500 = arith.constant 0 : i32
      %dma_start3A_501 = arith.constant 0 : i32
      %dma_start3A_502 = tpu.memref_slice %arg6[%dma_start3A_500, %dma_start3A_501] : memref<10240x128xf32, #tpu.memory_space<vmem_shared>> -> memref<10240x128xf32, #tpu.memory_space<vmem_shared>>
      tpu.enqueue_indirect_dma source(%arg12 : memref<128x128xf32, #tpu.memory_space<vmem>>) target(%dma_start3A_502 : memref<10240x128xf32, #tpu.memory_space<vmem_shared>>) offsets(%dma_start3A_499 : memref<128xi32, #tpu.memory_space<vmem>>) semaphore(%arg16 : memref<!tpu.dma_semaphore, #tpu.memory_space<semaphore_mem>>) {add = true}
      %dma_wait3A_503 = arith.constant 5 : i32
      %dma_wait3A_504 = arith.constant 0 : i32
      %dma_wait3A_505 = tpu.memref_slice %arg10[%dma_wait3A_503, %dma_wait3A_504] : memref<8x128xi32, #tpu.memory_space<vmem>> -> memref<1x128xi32, #tpu.memory_space<vmem>>
      %dma_wait3A_506 = tpu.memref_squeeze %dma_wait3A_505 : memref<1x128xi32, #tpu.memory_space<vmem>> -> memref<128xi32, #tpu.memory_space<vmem>>
      %dma_wait3A_507 = arith.constant 0 : i32
      %dma_wait3A_508 = arith.constant 0 : i32
      %dma_wait3A_509 = tpu.memref_slice %arg6[%dma_wait3A_507, %dma_wait3A_508] : memref<10240x128xf32, #tpu.memory_space<vmem_shared>> -> memref<10240x128xf32, #tpu.memory_space<vmem_shared>>
      tpu.wait_indirect_dma semaphore(%arg16 : memref<!tpu.dma_semaphore, #tpu.memory_space<semaphore_mem>>) src(%arg12 : memref<128x128xf32, #tpu.memory_space<vmem>>) dst(%dma_wait3A_509 : memref<10240x128xf32, #tpu.memory_space<vmem_shared>>)
      %dma_start3A_510 = arith.constant 7 : i32
      %dma_start3A_511 = arith.constant 0 : i32
      %dma_start3A_512 = tpu.memref_slice %arg8[%dma_start3A_510, %dma_start3A_511] : memref<8x128xi32, #tpu.memory_space<vmem>> -> memref<1x128xi32, #tpu.memory_space<vmem>>
      %dma_start3A_513 = tpu.memref_squeeze %dma_start3A_512 : memref<1x128xi32, #tpu.memory_space<vmem>> -> memref<128xi32, #tpu.memory_space<vmem>>
      %dma_start3A_514 = arith.constant 0 : i32
      %dma_start3A_515 = arith.constant 0 : i32
      %dma_start3A_516 = tpu.memref_slice %arg2[%dma_start3A_514, %dma_start3A_515] : memref<10240x128xf32, #tpu.memory_space<hbm>> -> memref<10240x128xf32, #tpu.memory_space<hbm>>
      tpu.enqueue_indirect_dma source(%dma_start3A_516 : memref<10240x128xf32, #tpu.memory_space<hbm>>) target(%arg12 : memref<128x128xf32, #tpu.memory_space<vmem>>) offsets(%dma_start3A_513 : memref<128xi32, #tpu.memory_space<vmem>>) semaphore(%arg14 : memref<!tpu.dma_semaphore, #tpu.memory_space<semaphore_mem>>)
      %dma_wait3A_517 = arith.constant 6 : i32
      %dma_wait3A_518 = arith.constant 0 : i32
      %dma_wait3A_519 = tpu.memref_slice %arg8[%dma_wait3A_517, %dma_wait3A_518] : memref<8x128xi32, #tpu.memory_space<vmem>> -> memref<1x128xi32, #tpu.memory_space<vmem>>
      %dma_wait3A_520 = tpu.memref_squeeze %dma_wait3A_519 : memref<1x128xi32, #tpu.memory_space<vmem>> -> memref<128xi32, #tpu.memory_space<vmem>>
      %dma_wait3A_521 = arith.constant 0 : i32
      %dma_wait3A_522 = arith.constant 0 : i32
      %dma_wait3A_523 = tpu.memref_slice %arg2[%dma_wait3A_521, %dma_wait3A_522] : memref<10240x128xf32, #tpu.memory_space<hbm>> -> memref<10240x128xf32, #tpu.memory_space<hbm>>
      tpu.wait_indirect_dma semaphore(%arg13 : memref<!tpu.dma_semaphore, #tpu.memory_space<semaphore_mem>>) src(%dma_wait3A_523 : memref<10240x128xf32, #tpu.memory_space<hbm>>) dst(%arg11 : memref<128x128xf32, #tpu.memory_space<vmem>>)
      %dma_start3A_524 = arith.constant 6 : i32
      %dma_start3A_525 = arith.constant 0 : i32
      %dma_start3A_526 = tpu.memref_slice %arg10[%dma_start3A_524, %dma_start3A_525] : memref<8x128xi32, #tpu.memory_space<vmem>> -> memref<1x128xi32, #tpu.memory_space<vmem>>
      %dma_start3A_527 = tpu.memref_squeeze %dma_start3A_526 : memref<1x128xi32, #tpu.memory_space<vmem>> -> memref<128xi32, #tpu.memory_space<vmem>>
      %dma_start3A_528 = arith.constant 0 : i32
      %dma_start3A_529 = arith.constant 0 : i32
      %dma_start3A_530 = tpu.memref_slice %arg6[%dma_start3A_528, %dma_start3A_529] : memref<10240x128xf32, #tpu.memory_space<vmem_shared>> -> memref<10240x128xf32, #tpu.memory_space<vmem_shared>>
      tpu.enqueue_indirect_dma source(%arg11 : memref<128x128xf32, #tpu.memory_space<vmem>>) target(%dma_start3A_530 : memref<10240x128xf32, #tpu.memory_space<vmem_shared>>) offsets(%dma_start3A_527 : memref<128xi32, #tpu.memory_space<vmem>>) semaphore(%arg15 : memref<!tpu.dma_semaphore, #tpu.memory_space<semaphore_mem>>) {add = true}
      %dma_wait3A_531 = arith.constant 7 : i32
      %dma_wait3A_532 = arith.constant 0 : i32
      %dma_wait3A_533 = tpu.memref_slice %arg8[%dma_wait3A_531, %dma_wait3A_532] : memref<8x128xi32, #tpu.memory_space<vmem>> -> memref<1x128xi32, #tpu.memory_space<vmem>>
      %dma_wait3A_534 = tpu.memref_squeeze %dma_wait3A_533 : memref<1x128xi32, #tpu.memory_space<vmem>> -> memref<128xi32, #tpu.memory_space<vmem>>
      %dma_wait3A_535 = arith.constant 0 : i32
      %dma_wait3A_536 = arith.constant 0 : i32
      %dma_wait3A_537 = tpu.memref_slice %arg2[%dma_wait3A_535, %dma_wait3A_536] : memref<10240x128xf32, #tpu.memory_space<hbm>> -> memref<10240x128xf32, #tpu.memory_space<hbm>>
      tpu.wait_indirect_dma semaphore(%arg14 : memref<!tpu.dma_semaphore, #tpu.memory_space<semaphore_mem>>) src(%dma_wait3A_537 : memref<10240x128xf32, #tpu.memory_space<hbm>>) dst(%arg12 : memref<128x128xf32, #tpu.memory_space<vmem>>)
      %dma_start3A_538 = arith.constant 7 : i32
      %dma_start3A_539 = arith.constant 0 : i32
      %dma_start3A_540 = tpu.memref_slice %arg10[%dma_start3A_538, %dma_start3A_539] : memref<8x128xi32, #tpu.memory_space<vmem>> -> memref<1x128xi32, #tpu.memory_space<vmem>>
      %dma_start3A_541 = tpu.memref_squeeze %dma_start3A_540 : memref<1x128xi32, #tpu.memory_space<vmem>> -> memref<128xi32, #tpu.memory_space<vmem>>
      %dma_start3A_542 = arith.constant 0 : i32
      %dma_start3A_543 = arith.constant 0 : i32
      %dma_start3A_544 = tpu.memref_slice %arg6[%dma_start3A_542, %dma_start3A_543] : memref<10240x128xf32, #tpu.memory_space<vmem_shared>> -> memref<10240x128xf32, #tpu.memory_space<vmem_shared>>
      tpu.enqueue_indirect_dma source(%arg12 : memref<128x128xf32, #tpu.memory_space<vmem>>) target(%dma_start3A_544 : memref<10240x128xf32, #tpu.memory_space<vmem_shared>>) offsets(%dma_start3A_541 : memref<128xi32, #tpu.memory_space<vmem>>) semaphore(%arg16 : memref<!tpu.dma_semaphore, #tpu.memory_space<semaphore_mem>>) {add = true}
      %dma_wait3A_545 = arith.constant 6 : i32
      %dma_wait3A_546 = arith.constant 0 : i32
      %dma_wait3A_547 = tpu.memref_slice %arg10[%dma_wait3A_545, %dma_wait3A_546] : memref<8x128xi32, #tpu.memory_space<vmem>> -> memref<1x128xi32, #tpu.memory_space<vmem>>
      %dma_wait3A_548 = tpu.memref_squeeze %dma_wait3A_547 : memref<1x128xi32, #tpu.memory_space<vmem>> -> memref<128xi32, #tpu.memory_space<vmem>>
      %dma_wait3A_549 = arith.constant 0 : i32
      %dma_wait3A_550 = arith.constant 0 : i32
      %dma_wait3A_551 = tpu.memref_slice %arg6[%dma_wait3A_549, %dma_wait3A_550] : memref<10240x128xf32, #tpu.memory_space<vmem_shared>> -> memref<10240x128xf32, #tpu.memory_space<vmem_shared>>
      tpu.wait_indirect_dma semaphore(%arg15 : memref<!tpu.dma_semaphore, #tpu.memory_space<semaphore_mem>>) src(%arg11 : memref<128x128xf32, #tpu.memory_space<vmem>>) dst(%dma_wait3A_551 : memref<10240x128xf32, #tpu.memory_space<vmem_shared>>)
      %dma_wait3A_552 = arith.constant 7 : i32
      %dma_wait3A_553 = arith.constant 0 : i32
      %dma_wait3A_554 = tpu.memref_slice %arg10[%dma_wait3A_552, %dma_wait3A_553] : memref<8x128xi32, #tpu.memory_space<vmem>> -> memref<1x128xi32, #tpu.memory_space<vmem>>
      %dma_wait3A_555 = tpu.memref_squeeze %dma_wait3A_554 : memref<1x128xi32, #tpu.memory_space<vmem>> -> memref<128xi32, #tpu.memory_space<vmem>>
      %dma_wait3A_556 = arith.constant 0 : i32
      %dma_wait3A_557 = arith.constant 0 : i32
      %dma_wait3A_558 = tpu.memref_slice %arg6[%dma_wait3A_556, %dma_wait3A_557] : memref<10240x128xf32, #tpu.memory_space<vmem_shared>> -> memref<10240x128xf32, #tpu.memory_space<vmem_shared>>
      tpu.wait_indirect_dma semaphore(%arg16 : memref<!tpu.dma_semaphore, #tpu.memory_space<semaphore_mem>>) src(%arg12 : memref<128x128xf32, #tpu.memory_space<vmem>>) dst(%dma_wait3A_558 : memref<10240x128xf32, #tpu.memory_space<vmem_shared>>)
      %dma_wait3A_559 = arith.constant 0 : i32
      %dma_wait3A_560 = tpu.memref_slice %arg3[%add3A, %min3A_322, %dma_wait3A_559] : memref<32x80x128xi32, #tpu.memory_space<hbm>> -> memref<1x8x128xi32, #tpu.memory_space<hbm>>
      %dma_wait3A_561 = tpu.memref_squeeze %dma_wait3A_560 : memref<1x8x128xi32, #tpu.memory_space<hbm>> -> memref<8x128xi32, #tpu.memory_space<hbm>>
      %dma_wait3A_562 = arith.constant 0 : i32
      %dma_wait3A_563 = tpu.memref_slice %arg3[%add3A, %min3A_322, %dma_wait3A_562] : memref<32x80x128xi32, #tpu.memory_space<hbm>> -> memref<1x8x128xi32, #tpu.memory_space<hbm>>
      %dma_wait3A_564 = tpu.memref_squeeze %dma_wait3A_563 : memref<1x8x128xi32, #tpu.memory_space<hbm>> -> memref<8x128xi32, #tpu.memory_space<hbm>>
      tpu.wait_dma2 semaphore(%arg17 : memref<!tpu.dma_semaphore, #tpu.memory_space<semaphore_mem>>) src(%dma_wait3A_564 : memref<8x128xi32, #tpu.memory_space<hbm>>) dst(%arg7 : memref<8x128xi32, #tpu.memory_space<vmem>>)
      %dma_wait3A_565 = arith.constant 0 : i32
      %dma_wait3A_566 = tpu.memref_slice %arg4[%add3A, %min3A_322, %dma_wait3A_565] : memref<32x80x128xi32, #tpu.memory_space<hbm>> -> memref<1x8x128xi32, #tpu.memory_space<hbm>>
      %dma_wait3A_567 = tpu.memref_squeeze %dma_wait3A_566 : memref<1x8x128xi32, #tpu.memory_space<hbm>> -> memref<8x128xi32, #tpu.memory_space<hbm>>
      %dma_wait3A_568 = arith.constant 0 : i32
      %dma_wait3A_569 = tpu.memref_slice %arg4[%add3A, %min3A_322, %dma_wait3A_568] : memref<32x80x128xi32, #tpu.memory_space<hbm>> -> memref<1x8x128xi32, #tpu.memory_space<hbm>>
      %dma_wait3A_570 = tpu.memref_squeeze %dma_wait3A_569 : memref<1x8x128xi32, #tpu.memory_space<hbm>> -> memref<8x128xi32, #tpu.memory_space<hbm>>
      tpu.wait_dma2 semaphore(%arg18 : memref<!tpu.dma_semaphore, #tpu.memory_space<semaphore_mem>>) src(%dma_wait3A_570 : memref<8x128xi32, #tpu.memory_space<hbm>>) dst(%arg9 : memref<8x128xi32, #tpu.memory_space<vmem>>)
    }
    %scan3A_53 = arith.constant 5 : i32
    %barrier3A_54 = arith.constant 0 : index
    tpu.barrier barrier_id(%barrier3A_54)
    "tpu.region"() ({
      %run_scoped3A = tpu.sem_alloc : memref<!tpu.dma_semaphore, #tpu.memory_space<semaphore_mem>>
      %dma_start3A_55 = arith.constant 0 : i32
      %dma_start3A_56 = tpu.memref_slice %arg5[%arg0, %mul3A_2, %dma_start3A_55] : memref<2x10240x128xf32, #tpu.memory_space<hbm>> -> memref<1x640x128xf32, #tpu.memory_space<hbm>>
      %dma_start3A_57 = tpu.memref_squeeze %dma_start3A_56 : memref<1x640x128xf32, #tpu.memory_space<hbm>> -> memref<640x128xf32, #tpu.memory_space<hbm>>
      %dma_start3A_58 = arith.constant 0 : i32
      %dma_start3A_59 = tpu.memref_slice %arg6[%mul3A_2, %dma_start3A_58] : memref<10240x128xf32, #tpu.memory_space<vmem_shared>> -> memref<640x128xf32, #tpu.memory_space<vmem_shared>>
      tpu.enqueue_dma source(%dma_start3A_59 : memref<640x128xf32, #tpu.memory_space<vmem_shared>>) target(%dma_start3A_57 : memref<640x128xf32, #tpu.memory_space<hbm>>) target_semaphore(%run_scoped3A : memref<!tpu.dma_semaphore, #tpu.memory_space<semaphore_mem>>)
      %dma_wait3A_60 = arith.constant 0 : i32
      %dma_wait3A_61 = tpu.memref_slice %arg5[%arg0, %mul3A_2, %dma_wait3A_60] : memref<2x10240x128xf32, #tpu.memory_space<hbm>> -> memref<1x640x128xf32, #tpu.memory_space<hbm>>
      %dma_wait3A_62 = tpu.memref_squeeze %dma_wait3A_61 : memref<1x640x128xf32, #tpu.memory_space<hbm>> -> memref<640x128xf32, #tpu.memory_space<hbm>>
      %dma_wait3A_63 = arith.constant 0 : i32
      %dma_wait3A_64 = tpu.memref_slice %arg6[%mul3A_2, %dma_wait3A_63] : memref<10240x128xf32, #tpu.memory_space<vmem_shared>> -> memref<640x128xf32, #tpu.memory_space<vmem_shared>>
      tpu.wait_dma2 semaphore(%run_scoped3A : memref<!tpu.dma_semaphore, #tpu.memory_space<semaphore_mem>>) src(%dma_wait3A_64 : memref<640x128xf32, #tpu.memory_space<vmem_shared>>) dst(%dma_wait3A_62 : memref<640x128xf32, #tpu.memory_space<hbm>>)
      tpu.yield
    }) : () -> ()
    return
  }
}

module attributes {stable_mosaic.version = 14 : i64} {
  func.func @body(%arg0: i32, %arg1: memref<1024x128xf32, #tpu.memory_space<vmem>>, %arg2: memref<128x128xf32, #tpu.memory_space<vmem>>, %arg3: memref<1x128xf32, #tpu.memory_space<vmem>>, %arg4: memref<1024x128xf32, #tpu.memory_space<vmem>>) attributes {dimension_semantics = [#tpu.dimension_semantics<arbitrary>], iteration_bounds = array<i64: 10>, scalar_prefetch = 0 : i64, scratch_operands = 0 : i64, tpu.core_type = #tpu.core_type<tc>, window_params = [{transform_indices = @transform_0, window_bounds = array<i64: 1024, 128>}, {pipeline_mode = #tpu.pipeline_mode<synchronous>, transform_indices = @transform_1, window_bounds = array<i64: 128, 128>}, {pipeline_mode = #tpu.pipeline_mode<synchronous>, transform_indices = @transform_2, window_bounds = array<i64: 1, 128>}, {transform_indices = @transform_3, window_bounds = array<i64: 1024, 128>}]} {
    %get3A = arith.constant 0 : index
    %get3A_0 = arith.constant 0 : index
    %get3A_1 = vector.load %arg1[%get3A, %get3A_0] : memref<1024x128xf32, #tpu.memory_space<vmem>>, vector<1024x128xf32>
    %get3A_2 = arith.constant 0 : index
    %get3A_3 = arith.constant 0 : index
    %get3A_4 = vector.load %arg2[%get3A_2, %get3A_3] : memref<128x128xf32, #tpu.memory_space<vmem>>, vector<128x128xf32>
    %dot_general3A = arith.constant dense<0.000000e+00> : vector<1024x128xf32>
    %dot_general3A_5 = tpu.matmul %get3A_1, %get3A_4, %dot_general3A {dimension_numbers = #tpu.dot_dimension_numbers<[1], [0], [0], [1], [0, 0, 1, 1], [], []>, transpose_lhs_hint = false} : vector<1024x128xf32>, vector<128x128xf32>, vector<1024x128xf32> -> vector<1024x128xf32>
    %get3A_6 = arith.constant 0 : index
    %get3A_7 = arith.constant 0 : index
    %get3A_8 = vector.load %arg3[%get3A_6, %get3A_7] : memref<1x128xf32, #tpu.memory_space<vmem>>, vector<1x128xf32>
    %add3A = vector.broadcast %get3A_8 : vector<1x128xf32> to vector<1024x128xf32>
    %add3A_9 = arith.addf %dot_general3A_5, %add3A : vector<1024x128xf32>
    %swap3A = arith.constant 0 : index
    %swap3A_10 = arith.constant 0 : index
    %swap3A_11 = vector.load %arg4[%swap3A, %swap3A_10] : memref<1024x128xf32, #tpu.memory_space<vmem>>, vector<1024x128xf32>
    tpu.vector_store %arg4[%swap3A, %swap3A_10], %add3A_9 {strides = array<i32>} : memref<1024x128xf32, #tpu.memory_space<vmem>>, vector<1024x128xf32>,
    return
  }
  func.func @transform_0(%arg0: i32) -> (i32, i32) {
    %c0_i32 = arith.constant 0 : i32
    %c0_i32_0 = arith.constant 0 : i32
    return %arg0, %c0_i32 : i32, i32
  }
  func.func @transform_1(%arg0: i32) -> (i32, i32) {
    %c0_i32 = arith.constant 0 : i32
    %c0_i32_0 = arith.constant 0 : i32
    %c0_i32_1 = arith.constant 0 : i32
    return %c0_i32, %c0_i32_0 : i32, i32
  }
  func.func @transform_2(%arg0: i32) -> (i32, i32) {
    %c0_i32 = arith.constant 0 : i32
    %c0_i32_0 = arith.constant 0 : i32
    %c0_i32_1 = arith.constant 0 : i32
    return %c0_i32, %c0_i32_0 : i32, i32
  }
  func.func @transform_3(%arg0: i32) -> (i32, i32) {
    %c0_i32 = arith.constant 0 : i32
    %c0_i32_0 = arith.constant 0 : i32
    return %arg0, %c0_i32 : i32, i32
  }
}

module attributes {stable_mosaic.version = 14 : i64} {
  func.func @body(%arg0: i32, %arg1: memref<2x1024x128xf32, #tpu.memory_space<vmem>>, %arg2: memref<1024x128xf32, #tpu.memory_space<vmem>>, %arg3: memref<1024x128xf32, #tpu.memory_space<vmem>>, %arg4: memref<1024x128xf32, #tpu.memory_space<vmem>>) attributes {dimension_semantics = [#tpu.dimension_semantics<arbitrary>], iteration_bounds = array<i64: 10>, scalar_prefetch = 0 : i64, scratch_operands = 0 : i64, tpu.core_type = #tpu.core_type<tc>, window_params = [{transform_indices = @transform_0, window_bounds = array<i64: 2, 1024, 128>}, {transform_indices = @transform_1, window_bounds = array<i64: 1024, 128>}, {transform_indices = @transform_2, window_bounds = array<i64: 1024, 128>}, {transform_indices = @transform_3, window_bounds = array<i64: 1024, 128>}]} {
    %get3A = arith.constant 0 : index
    %get3A_0 = arith.constant 0 : index
    %get3A_1 = arith.constant 0 : index
    %get3A_2 = vector.load %arg1[%get3A, %get3A_0, %get3A_1] : memref<2x1024x128xf32, #tpu.memory_space<vmem>>, vector<2x1024x128xf32>
    %slice3A = vector.extract_strided_slice %get3A_2 {offsets = [0, 0, 0], sizes = [1, 1024, 128], strides = [1, 1, 1]} : vector<2x1024x128xf32> to vector<1x1024x128xf32>
    %squeeze3A = vector.shape_cast %slice3A : vector<1x1024x128xf32> to vector<1024x128xf32>
    %slice3A_3 = vector.extract_strided_slice %get3A_2 {offsets = [1, 0, 0], sizes = [1, 1024, 128], strides = [1, 1, 1]} : vector<2x1024x128xf32> to vector<1x1024x128xf32>
    %squeeze3A_4 = vector.shape_cast %slice3A_3 : vector<1x1024x128xf32> to vector<1024x128xf32>
    %add3A = arith.addf %squeeze3A, %squeeze3A_4 : vector<1024x128xf32>
    %add3A_5 = arith.constant 1.000000e+00 : f32
    %add3A_6 = vector.broadcast %add3A_5 : f32 to vector<1024x128xf32>
    %add3A_7 = arith.addf %add3A, %add3A_6 : vector<1024x128xf32>
    %rsqrt3A = math.rsqrt %add3A_7 : vector<1024x128xf32>
    %swap3A = arith.constant 0 : index
    %swap3A_8 = arith.constant 0 : index
    %swap3A_9 = vector.load %arg3[%swap3A, %swap3A_8] : memref<1024x128xf32, #tpu.memory_space<vmem>>, vector<1024x128xf32>
    tpu.vector_store %arg3[%swap3A, %swap3A_8], %rsqrt3A {strides = array<i32>} : memref<1024x128xf32, #tpu.memory_space<vmem>>, vector<1024x128xf32>,
    %get3A_10 = arith.constant 0 : index
    %get3A_11 = arith.constant 0 : index
    %get3A_12 = vector.load %arg2[%get3A_10, %get3A_11] : memref<1024x128xf32, #tpu.memory_space<vmem>>, vector<1024x128xf32>
    %mul3A = arith.mulf %get3A_12, %rsqrt3A : vector<1024x128xf32>
    %swap3A_13 = arith.constant 0 : index
    %swap3A_14 = arith.constant 0 : index
    %swap3A_15 = vector.load %arg4[%swap3A_13, %swap3A_14] : memref<1024x128xf32, #tpu.memory_space<vmem>>, vector<1024x128xf32>
    tpu.vector_store %arg4[%swap3A_13, %swap3A_14], %mul3A {strides = array<i32>} : memref<1024x128xf32, #tpu.memory_space<vmem>>, vector<1024x128xf32>,
    return
  }
  func.func @transform_0(%arg0: i32) -> (i32, i32, i32) {
    %c0_i32 = arith.constant 0 : i32
    %c0_i32_0 = arith.constant 0 : i32
    %c0_i32_1 = arith.constant 0 : i32
    return %c0_i32, %arg0, %c0_i32_0 : i32, i32, i32
  }
  func.func @transform_1(%arg0: i32) -> (i32, i32) {
    %c0_i32 = arith.constant 0 : i32
    %c0_i32_0 = arith.constant 0 : i32
    return %arg0, %c0_i32 : i32, i32
  }
  func.func @transform_2(%arg0: i32) -> (i32, i32) {
    %c0_i32 = arith.constant 0 : i32
    %c0_i32_0 = arith.constant 0 : i32
    return %arg0, %c0_i32 : i32, i32
  }
  func.func @transform_3(%arg0: i32) -> (i32, i32) {
    %c0_i32 = arith.constant 0 : i32
    %c0_i32_0 = arith.constant 0 : i32
    return %arg0, %c0_i32 : i32, i32
  }
}

module attributes {stable_mosaic.version = 14 : i64} {
  func.func @body(%arg0: i32, %arg1: memref<2x1024x128xf32, #tpu.memory_space<vmem>>, %arg2: memref<1024x128xf32, #tpu.memory_space<vmem>>, %arg3: memref<1024x128xf32, #tpu.memory_space<vmem>>, %arg4: memref<128x128xf32, #tpu.memory_space<vmem>>, %arg5: memref<1x128xf32, #tpu.memory_space<vmem>>, %arg6: memref<1024x128xf32, #tpu.memory_space<vmem>>, %arg7: memref<1024x128xf32, #tpu.memory_space<vmem>>) attributes {dimension_semantics = [#tpu.dimension_semantics<arbitrary>], iteration_bounds = array<i64: 10>, scalar_prefetch = 0 : i64, scratch_operands = 0 : i64, tpu.core_type = #tpu.core_type<tc>, window_params = [{transform_indices = @transform_0, window_bounds = array<i64: 2, 1024, 128>}, {transform_indices = @transform_1, window_bounds = array<i64: 1024, 128>}, {transform_indices = @transform_2, window_bounds = array<i64: 1024, 128>}, {pipeline_mode = #tpu.pipeline_mode<synchronous>, transform_indices = @transform_3, window_bounds = array<i64: 128, 128>}, {pipeline_mode = #tpu.pipeline_mode<synchronous>, transform_indices = @transform_4, window_bounds = array<i64: 1, 128>}, {transform_indices = @transform_5, window_bounds = array<i64: 1024, 128>}, {transform_indices = @transform_6, window_bounds = array<i64: 1024, 128>}]} {
    %get3A = arith.constant 0 : index
    %get3A_0 = arith.constant 0 : index
    %get3A_1 = arith.constant 0 : index
    %get3A_2 = vector.load %arg1[%get3A, %get3A_0, %get3A_1] : memref<2x1024x128xf32, #tpu.memory_space<vmem>>, vector<2x1024x128xf32>
    %get3A_3 = arith.constant 0 : index
    %get3A_4 = arith.constant 0 : index
    %get3A_5 = vector.load %arg3[%get3A_3, %get3A_4] : memref<1024x128xf32, #tpu.memory_space<vmem>>, vector<1024x128xf32>
    %slice3A = vector.extract_strided_slice %get3A_2 {offsets = [0, 0, 0], sizes = [1, 1024, 128], strides = [1, 1, 1]} : vector<2x1024x128xf32> to vector<1x1024x128xf32>
    %squeeze3A = vector.shape_cast %slice3A : vector<1x1024x128xf32> to vector<1024x128xf32>
    %slice3A_6 = vector.extract_strided_slice %get3A_2 {offsets = [1, 0, 0], sizes = [1, 1024, 128], strides = [1, 1, 1]} : vector<2x1024x128xf32> to vector<1x1024x128xf32>
    %squeeze3A_7 = vector.shape_cast %slice3A_6 : vector<1x1024x128xf32> to vector<1024x128xf32>
    %add3A = arith.addf %squeeze3A, %squeeze3A_7 : vector<1024x128xf32>
    %get3A_8 = arith.constant 0 : index
    %get3A_9 = arith.constant 0 : index
    %get3A_10 = vector.load %arg2[%get3A_8, %get3A_9] : memref<1024x128xf32, #tpu.memory_space<vmem>>, vector<1024x128xf32>
    %add3A_11 = arith.addf %add3A, %get3A_10 : vector<1024x128xf32>
    %mul3A = arith.mulf %get3A_5, %add3A_11 : vector<1024x128xf32>
    %max3A = arith.constant 0.000000e+00 : f32
    %max3A_12 = vector.broadcast %max3A : f32 to vector<1024x128xf32>
    %max3A_13 = arith.maximumf %mul3A, %max3A_12 : vector<1024x128xf32>
    %swap3A = arith.constant 0 : index
    %swap3A_14 = arith.constant 0 : index
    %swap3A_15 = vector.load %arg6[%swap3A, %swap3A_14] : memref<1024x128xf32, #tpu.memory_space<vmem>>, vector<1024x128xf32>
    tpu.vector_store %arg6[%swap3A, %swap3A_14], %max3A_13 {strides = array<i32>} : memref<1024x128xf32, #tpu.memory_space<vmem>>, vector<1024x128xf32>,
    %get3A_16 = arith.constant 0 : index
    %get3A_17 = arith.constant 0 : index
    %get3A_18 = vector.load %arg4[%get3A_16, %get3A_17] : memref<128x128xf32, #tpu.memory_space<vmem>>, vector<128x128xf32>
    %dot_general3A = arith.constant dense<0.000000e+00> : vector<1024x128xf32>
    %dot_general3A_19 = tpu.matmul %max3A_13, %get3A_18, %dot_general3A {dimension_numbers = #tpu.dot_dimension_numbers<[1], [0], [0], [1], [0, 0, 1, 1], [], []>, transpose_lhs_hint = false} : vector<1024x128xf32>, vector<128x128xf32>, vector<1024x128xf32> -> vector<1024x128xf32>
    %get3A_20 = arith.constant 0 : index
    %get3A_21 = arith.constant 0 : index
    %get3A_22 = vector.load %arg5[%get3A_20, %get3A_21] : memref<1x128xf32, #tpu.memory_space<vmem>>, vector<1x128xf32>
    %add3A_23 = vector.broadcast %get3A_22 : vector<1x128xf32> to vector<1024x128xf32>
    %add3A_24 = arith.addf %dot_general3A_19, %add3A_23 : vector<1024x128xf32>
    %mul3A_25 = arith.mulf %add3A_24, %get3A_5 : vector<1024x128xf32>
    %swap3A_26 = arith.constant 0 : index
    %swap3A_27 = arith.constant 0 : index
    %swap3A_28 = vector.load %arg7[%swap3A_26, %swap3A_27] : memref<1024x128xf32, #tpu.memory_space<vmem>>, vector<1024x128xf32>
    tpu.vector_store %arg7[%swap3A_26, %swap3A_27], %mul3A_25 {strides = array<i32>} : memref<1024x128xf32, #tpu.memory_space<vmem>>, vector<1024x128xf32>,
    return
  }
  func.func @transform_0(%arg0: i32) -> (i32, i32, i32) {
    %c0_i32 = arith.constant 0 : i32
    %c0_i32_0 = arith.constant 0 : i32
    %c0_i32_1 = arith.constant 0 : i32
    return %c0_i32, %arg0, %c0_i32_0 : i32, i32, i32
  }
  func.func @transform_1(%arg0: i32) -> (i32, i32) {
    %c0_i32 = arith.constant 0 : i32
    %c0_i32_0 = arith.constant 0 : i32
    return %arg0, %c0_i32 : i32, i32
  }
  func.func @transform_2(%arg0: i32) -> (i32, i32) {
    %c0_i32 = arith.constant 0 : i32
    %c0_i32_0 = arith.constant 0 : i32
    return %arg0, %c0_i32 : i32, i32
  }
  func.func @transform_3(%arg0: i32) -> (i32, i32) {
    %c0_i32 = arith.constant 0 : i32
    %c0_i32_0 = arith.constant 0 : i32
    %c0_i32_1 = arith.constant 0 : i32
    return %c0_i32, %c0_i32_0 : i32, i32
  }
  func.func @transform_4(%arg0: i32) -> (i32, i32) {
    %c0_i32 = arith.constant 0 : i32
    %c0_i32_0 = arith.constant 0 : i32
    %c0_i32_1 = arith.constant 0 : i32
    return %c0_i32, %c0_i32_0 : i32, i32
  }
  func.func @transform_5(%arg0: i32) -> (i32, i32) {
    %c0_i32 = arith.constant 0 : i32
    %c0_i32_0 = arith.constant 0 : i32
    return %arg0, %c0_i32 : i32, i32
  }
  func.func @transform_6(%arg0: i32) -> (i32, i32) {
    %c0_i32 = arith.constant 0 : i32
    %c0_i32_0 = arith.constant 0 : i32
    return %arg0, %c0_i32 : i32, i32
  }
}

module attributes {stable_mosaic.version = 14 : i64} {
  func.func @body(%arg0: i32, %arg1: memref<2x1024x128xf32, #tpu.memory_space<vmem>>, %arg2: memref<1024x128xf32, #tpu.memory_space<vmem>>, %arg3: memref<1024x128xf32, #tpu.memory_space<vmem>>, %arg4: memref<1024x128xf32, #tpu.memory_space<vmem>>, %arg5: memref<128x128xf32, #tpu.memory_space<vmem>>, %arg6: memref<1x128xf32, #tpu.memory_space<vmem>>, %arg7: memref<1024x128xf32, #tpu.memory_space<vmem>>) attributes {dimension_semantics = [#tpu.dimension_semantics<arbitrary>], iteration_bounds = array<i64: 10>, scalar_prefetch = 0 : i64, scratch_operands = 0 : i64, tpu.core_type = #tpu.core_type<tc>, window_params = [{transform_indices = @transform_0, window_bounds = array<i64: 2, 1024, 128>}, {transform_indices = @transform_1, window_bounds = array<i64: 1024, 128>}, {transform_indices = @transform_2, window_bounds = array<i64: 1024, 128>}, {transform_indices = @transform_3, window_bounds = array<i64: 1024, 128>}, {pipeline_mode = #tpu.pipeline_mode<synchronous>, transform_indices = @transform_4, window_bounds = array<i64: 128, 128>}, {pipeline_mode = #tpu.pipeline_mode<synchronous>, transform_indices = @transform_5, window_bounds = array<i64: 1, 128>}, {transform_indices = @transform_6, window_bounds = array<i64: 1024, 128>}]} {
    %get3A = arith.constant 0 : index
    %get3A_0 = arith.constant 0 : index
    %get3A_1 = arith.constant 0 : index
    %get3A_2 = vector.load %arg1[%get3A, %get3A_0, %get3A_1] : memref<2x1024x128xf32, #tpu.memory_space<vmem>>, vector<2x1024x128xf32>
    %get3A_3 = arith.constant 0 : index
    %get3A_4 = arith.constant 0 : index
    %get3A_5 = vector.load %arg3[%get3A_3, %get3A_4] : memref<1024x128xf32, #tpu.memory_space<vmem>>, vector<1024x128xf32>
    %slice3A = vector.extract_strided_slice %get3A_2 {offsets = [0, 0, 0], sizes = [1, 1024, 128], strides = [1, 1, 1]} : vector<2x1024x128xf32> to vector<1x1024x128xf32>
    %squeeze3A = vector.shape_cast %slice3A : vector<1x1024x128xf32> to vector<1024x128xf32>
    %slice3A_6 = vector.extract_strided_slice %get3A_2 {offsets = [1, 0, 0], sizes = [1, 1024, 128], strides = [1, 1, 1]} : vector<2x1024x128xf32> to vector<1x1024x128xf32>
    %squeeze3A_7 = vector.shape_cast %slice3A_6 : vector<1x1024x128xf32> to vector<1024x128xf32>
    %add3A = arith.addf %squeeze3A, %squeeze3A_7 : vector<1024x128xf32>
    %get3A_8 = arith.constant 0 : index
    %get3A_9 = arith.constant 0 : index
    %get3A_10 = vector.load %arg2[%get3A_8, %get3A_9] : memref<1024x128xf32, #tpu.memory_space<vmem>>, vector<1024x128xf32>
    %add3A_11 = arith.addf %add3A, %get3A_10 : vector<1024x128xf32>
    %mul3A = arith.mulf %get3A_5, %add3A_11 : vector<1024x128xf32>
    %max3A = arith.constant 0.000000e+00 : f32
    %max3A_12 = vector.broadcast %max3A : f32 to vector<1024x128xf32>
    %max3A_13 = arith.maximumf %mul3A, %max3A_12 : vector<1024x128xf32>
    %get3A_14 = arith.constant 0 : index
    %get3A_15 = arith.constant 0 : index
    %get3A_16 = vector.load %arg4[%get3A_14, %get3A_15] : memref<1024x128xf32, #tpu.memory_space<vmem>>, vector<1024x128xf32>
    %mul3A_17 = arith.mulf %get3A_16, %get3A_16 : vector<1024x128xf32>
    %reduce_sum3A = arith.constant dense<0.000000e+00> : vector<1024xf32>
    %reduce_sum3A_18 = vector.multi_reduction <add>, %mul3A_17, %reduce_sum3A [1] : vector<1024x128xf32> to vector<1024xf32>
    %broadcast_in_dim3A = vector.shape_cast %reduce_sum3A_18 : vector<1024xf32> to vector<1024x1xf32>
    %mul3A_19 = arith.mulf %max3A_13, %max3A_13 : vector<1024x128xf32>
    %reduce_sum3A_20 = arith.constant dense<0.000000e+00> : vector<1024xf32>
    %reduce_sum3A_21 = vector.multi_reduction <add>, %mul3A_19, %reduce_sum3A_20 [1] : vector<1024x128xf32> to vector<1024xf32>
    %broadcast_in_dim3A_22 = vector.shape_cast %reduce_sum3A_21 : vector<1024xf32> to vector<1024x1xf32>
    %max3A_23 = arith.maximumf %broadcast_in_dim3A, %broadcast_in_dim3A_22 : vector<1024x1xf32>
    %sub3A = arith.subf %broadcast_in_dim3A, %max3A_23 : vector<1024x1xf32>
    %exp3A = math.exp %sub3A : vector<1024x1xf32>
    %sub3A_24 = arith.subf %broadcast_in_dim3A_22, %max3A_23 : vector<1024x1xf32>
    %exp3A_25 = math.exp %sub3A_24 : vector<1024x1xf32>
    %mul3A_26 = vector.broadcast %exp3A : vector<1024x1xf32> to vector<1024x128xf32>
    %mul3A_27 = arith.mulf %mul3A_26, %get3A_16 : vector<1024x128xf32>
    %mul3A_28 = vector.broadcast %exp3A_25 : vector<1024x1xf32> to vector<1024x128xf32>
    %mul3A_29 = arith.mulf %mul3A_28, %max3A_13 : vector<1024x128xf32>
    %add3A_30 = arith.addf %mul3A_27, %mul3A_29 : vector<1024x128xf32>
    %add3A_31 = arith.addf %exp3A, %exp3A_25 : vector<1024x1xf32>
    %div3A = vector.broadcast %add3A_31 : vector<1024x1xf32> to vector<1024x128xf32>
    %div3A_32 = arith.divf %add3A_30, %div3A : vector<1024x128xf32>
    %get3A_33 = arith.constant 0 : index
    %get3A_34 = arith.constant 0 : index
    %get3A_35 = vector.load %arg5[%get3A_33, %get3A_34] : memref<128x128xf32, #tpu.memory_space<vmem>>, vector<128x128xf32>
    %dot_general3A = arith.constant dense<0.000000e+00> : vector<1024x128xf32>
    %dot_general3A_36 = tpu.matmul %div3A_32, %get3A_35, %dot_general3A {dimension_numbers = #tpu.dot_dimension_numbers<[1], [0], [0], [1], [0, 0, 1, 1], [], []>, transpose_lhs_hint = false} : vector<1024x128xf32>, vector<128x128xf32>, vector<1024x128xf32> -> vector<1024x128xf32>
    %get3A_37 = arith.constant 0 : index
    %get3A_38 = arith.constant 0 : index
    %get3A_39 = vector.load %arg6[%get3A_37, %get3A_38] : memref<1x128xf32, #tpu.memory_space<vmem>>, vector<1x128xf32>
    %add3A_40 = vector.broadcast %get3A_39 : vector<1x128xf32> to vector<1024x128xf32>
    %add3A_41 = arith.addf %dot_general3A_36, %add3A_40 : vector<1024x128xf32>
    %swap3A = arith.constant 0 : index
    %swap3A_42 = arith.constant 0 : index
    %swap3A_43 = vector.load %arg7[%swap3A, %swap3A_42] : memref<1024x128xf32, #tpu.memory_space<vmem>>, vector<1024x128xf32>
    tpu.vector_store %arg7[%swap3A, %swap3A_42], %add3A_41 {strides = array<i32>} : memref<1024x128xf32, #tpu.memory_space<vmem>>, vector<1024x128xf32>,
    return
  }
  func.func @transform_0(%arg0: i32) -> (i32, i32, i32) {
    %c0_i32 = arith.constant 0 : i32
    %c0_i32_0 = arith.constant 0 : i32
    %c0_i32_1 = arith.constant 0 : i32
    return %c0_i32, %arg0, %c0_i32_0 : i32, i32, i32
  }
  func.func @transform_1(%arg0: i32) -> (i32, i32) {
    %c0_i32 = arith.constant 0 : i32
    %c0_i32_0 = arith.constant 0 : i32
    return %arg0, %c0_i32 : i32, i32
  }
  func.func @transform_2(%arg0: i32) -> (i32, i32) {
    %c0_i32 = arith.constant 0 : i32
    %c0_i32_0 = arith.constant 0 : i32
    return %arg0, %c0_i32 : i32, i32
  }
  func.func @transform_3(%arg0: i32) -> (i32, i32) {
    %c0_i32 = arith.constant 0 : i32
    %c0_i32_0 = arith.constant 0 : i32
    return %arg0, %c0_i32 : i32, i32
  }
  func.func @transform_4(%arg0: i32) -> (i32, i32) {
    %c0_i32 = arith.constant 0 : i32
    %c0_i32_0 = arith.constant 0 : i32
    %c0_i32_1 = arith.constant 0 : i32
    return %c0_i32, %c0_i32_0 : i32, i32
  }
  func.func @transform_5(%arg0: i32) -> (i32, i32) {
    %c0_i32 = arith.constant 0 : i32
    %c0_i32_0 = arith.constant 0 : i32
    %c0_i32_1 = arith.constant 0 : i32
    return %c0_i32, %c0_i32_0 : i32, i32
  }
  func.func @transform_6(%arg0: i32) -> (i32, i32) {
    %c0_i32 = arith.constant 0 : i32
    %c0_i32_0 = arith.constant 0 : i32
    return %arg0, %c0_i32 : i32, i32
  }
}

</mosaic_0001>

<sc_bundles>
// kernel: kernel.12.cloned.1.call-start
scs
__scs_entry_jumppad:
0x0: {  	(pc) =	sbr.rel $0x88, $3  }
0x1: {  	(tag) =	ssettag $0x0;
	lr =	simm.s32 $0x1  }
0x2: {  	[smem:$0x3F99] =	sst lr;
	_ =	strace $0xD0000000  }
0x3: {  	_ = 	snop  }
0x4: {  	_ = 	snop  }
0x5: {  	_ = 	snop  }
0x6: {  	_ = 	snop  }
0x7: {  	_ = 	snop  }
__scs_overlays_trampoline_lowered:
0x8: {  	[smem:$0x3FA8] =	sst s0  }
0x9: {  	[smem:$0x3FA9] =	sst s1  }
0xa: {  	[smem:$0x3FAA] =	sst s2  }
0xb: {  	[smem:$0x3FAB] =	sst s3  }
0xc: {  	[smem:$0x3FAC] =	sst s4  }
0xd: {  	[smem:$0x3FAD] =	sst s5  }
0xe: {  	[smem:$0x3FAE] =	sst s6  }
0xf: {  	[smem:$0x3FAF] =	sst s7  }
0x10: {  	[smem:$0x3FB0] =	sst s8  }
0x11: {  	[smem:$0x3FB1] =	sst s9;
	s0 =	simm.s32 @!p0 $0x0  }
0x12: {  	s1 =	sld [smem:$0x3F97];
	s0 =	simm.s32 @p0 $0x1  }
0x13: {  	[smem:$0x3FB2] =	sst s0;
	s0 =	simm.s32 @!p1 $0x0  }
0x14: {  	s2 =	sld [smem:$0x3F96];
	s0 =	simm.s32 @p1 $0x1  }
0x15: {  	[smem:$0x3FB3] =	sst s0;
	s0 =	simm.s32 @!p2 $0x0  }
0x16: {  	s3 =	sld [smem:$0x3FDB];
	s0 =	simm.s32 @p2 $0x1  }
0x17: {  	s4 =	simm.s32 $0x1BF5;
	[smem:$0x3FB5] =	sst s0  }
0x18: {  	s0 =	sld [smem:$0x3F98];
	_ =	swait.ge [sflag:s4], $0x0  }
0x19: {  	s7 =	sld [smem:$0x3F99]  }
0x1a: {  	s8 =	sadd.s32 $0xFFFFE003, lr  }
0x1b: {  	s9 =	sadd.s32 $0xFFFFFEF7, lr;
	s5 =	simm.s32 $0xFFFFFFFF;
	p2 =	slt.u32 s8, $0xFFFFF086  }
0x1c: {  	p1 =	slt.u32 s9, $0xF7A;
	s5 =	simm.s32 @!p2 $0x0  }
0x1d: {  	s5 =	simm.s32 @p1 $0x1;
	p0 =	seq.s32 s7, s2  }
0x1e: {  	s7 =	smul.u32 @!p0 $0xF7A, s2;
	p2 =	seq.s32 @!p0 s5, $0x0  }
0x1f: {  	s9 =	smul.u32 $0xF7A, s1;
	s8 =	simm.s32 @!p0 $0x1BF5;
	p2 =	por !p2, p0  }
0x20: {  	[sflag:s8] =	ssyncset.s32 @!p0 $0xFFFFF086;
	s6 =	sadd.s32 @!p0 s3, s7;
	s7 =	simm.s32 @!p0 $0x108  }
0x21: {  	s3 =	sadd.s32 s3, s9;
	s6 =	sadd.s32 @!p0 $0x88, s6;
	s7 =	simm.s32 @p2 $0x1082  }
0x22: {  	[simem:s7], [sflag:s8] =	dma.local @!p0 [hbm:s6], $0xF7A  }
0x23: {  	s9 =	sor.u32 $0xD0000000, s2;
	s6 =	simm.s32 $0x108;
	_ =	swait.ge @!p0 [sflag:s8], $0x0  }
0x24: {  	s3 =	sadd.s32 $0x88, s3;
	s6 =	simm.s32 @!p1 $0x1082;
	[sflag:s4] =	ssyncset.s32 $0xFFFFF086  }
0x25: {  	[simem:s6], [sflag:s4] =	dma.local [hbm:s3], $0xF7A  }
0x26: {  	[smem:$0x3F99] =	sst s1;
	(tag) =	ssettag s2;
	_ =	strace s9  }
0x27: {  	s1 =	sld [smem:$0x3FA9]  }
0x28: {  	s2 =	sld [smem:$0x3FAA]  }
0x29: {  	s4 =	sld [smem:$0x3FAC]  }
0x2a: {  	p0 =	seq.s32 s5, $0x0;
	s5 =	sld [smem:$0x3FAD]  }
0x2b: {  	s6 =	sld [smem:$0x3FAE]  }
0x2c: {  	s7 =	sld [smem:$0x3FAF]  }
0x2d: {  	s3 =	simm.s32 $0x108;
	s8 =	sld [smem:$0x3FB0]  }
0x2e: {  	s3 =	simm.s32 @!p0 $0x1082;
	s9 =	sld [smem:$0x3FB1]  }
0x2f: {  	lr =	sadd.s32 s0, s3;
	s0 =	sld [smem:$0x3FA8]  }
0x30: {  	s3 =	sld [smem:$0x3FAB]  }
0x31: {  	[smem:$0x3FB4] =	sst s10  }
0x32: {  	s10 =	sld [smem:$0x3FB2];
	_ =	sdelay $0x3  }
0x33: {  	p0 =	seq.s32 s10, $0x1;
	s10 =	sld [smem:$0x3FB4];
	_ =	sdelay $0x3  }
0x34: {  	[smem:$0x3FB4] =	sst s10  }
0x35: {  	s10 =	sld [smem:$0x3FB3];
	_ =	sdelay $0x3  }
0x36: {  	p1 =	seq.s32 s10, $0x1;
	s10 =	sld [smem:$0x3FB4];
	_ =	sdelay $0x3  }
0x37: {  	[smem:$0x3FB4] =	sst s10  }
0x38: {  	s10 =	sld [smem:$0x3FB5]  }
0x39: {  	_ = 	snop;
	(pc) =	sbr.ind lr, $3  }
0x3a: {  	_ = 	snop  }
0x3b: {  	_ = 	snop  }
0x3c: {  	p2 =	seq.s32 s10, $0x1;
	s10 =	sld [smem:$0x3FB4]  }
0x3d: {  	_ =	shalt  }
0x3e: {  	_ =	shalt  }
0x3f: {  	_ =	shalt  }
0x40: {  	_ =	shalt  }
0x41: {  	_ =	shalt  }
0x42: {  	_ =	shalt  }
0x43: {  	_ =	shalt  }
0x44: {  	_ =	shalt  }
0x45: {  	_ =	shalt  }
0x46: {  	_ =	shalt  }
0x47: {  	_ =	shalt  }
0x48: {  	_ =	shalt  }
0x49: {  	_ =	shalt  }
0x4a: {  	_ =	shalt  }
0x4b: {  	_ =	shalt  }
0x4c: {  	_ =	shalt  }
0x4d: {  	_ =	shalt  }
0x4e: {  	_ =	shalt  }
0x4f: {  	_ =	shalt  }
0x50: {  	_ =	shalt  }
0x51: {  	_ =	shalt  }
0x52: {  	_ =	shalt  }
0x53: {  	_ =	shalt  }
0x54: {  	_ =	shalt  }
0x55: {  	_ =	shalt  }
0x56: {  	_ =	shalt  }
0x57: {  	_ =	shalt  }
0x58: {  	_ =	shalt  }
0x59: {  	_ =	shalt  }
0x5a: {  	_ =	shalt  }
0x5b: {  	_ =	shalt  }
0x5c: {  	_ =	shalt  }
0x5d: {  	_ =	shalt  }
0x5e: {  	_ =	shalt  }
0x5f: {  	_ =	shalt  }
0x60: {  	_ =	shalt  }
0x61: {  	_ =	shalt  }
0x62: {  	_ =	shalt  }
0x63: {  	_ =	shalt  }
0x64: {  	_ =	shalt  }
0x65: {  	_ =	shalt  }
0x66: {  	_ =	shalt  }
0x67: {  	_ =	shalt  }
0x68: {  	_ =	shalt  }
0x69: {  	_ =	shalt  }
0x6a: {  	_ =	shalt  }
0x6b: {  	_ =	shalt  }
0x6c: {  	_ =	shalt  }
0x6d: {  	_ =	shalt  }
0x6e: {  	_ =	shalt  }
0x6f: {  	_ =	shalt  }
0x70: {  	_ =	shalt  }
0x71: {  	_ =	shalt  }
0x72: {  	_ =	shalt  }
0x73: {  	_ =	shalt  }
0x74: {  	_ =	shalt  }
0x75: {  	_ =	shalt  }
0x76: {  	_ =	shalt  }
0x77: {  	_ =	shalt  }
0x78: {  	_ =	shalt  }
0x79: {  	_ =	shalt  }
0x7a: {  	_ =	shalt  }
0x7b: {  	_ =	shalt  }
0x7c: {  	_ =	shalt  }
0x7d: {  	_ =	shalt  }
0x7e: {  	_ =	shalt  }
0x7f: {  	_ =	shalt  }
0x80: {  	_ =	shalt  }
0x81: {  	_ =	shalt  }
0x82: {  	_ =	shalt  }
0x83: {  	_ =	shalt  }
0x84: {  	_ =	shalt  }
0x85: {  	_ =	shalt  }
0x86: {  	_ =	shalt  }
0x87: {  	_ =	shalt  }
.Lfunc_end0:
.L_simem_size_0:
called_computation.1_lowered:
.L_overlay_start_0:
0x88: {  	s2 =	sld [smem:$0x3FD9]  }
0x89: {  	s3 =	sld [smem:$0x3FFE];
	_ =	sdelay $0x1  }
0x8a: {  	s1 =	srdreg.scid  }
0x8b: {  	s0 =	sand.u32 $0x1, s1  }
0x8c: {  	s17 =	sshll.u32 s0, $0xA;
	s2 =	sadd.s32 s3, s2  }
0x8d: {  	s2 =	sadd.s32 s2, s17  }
0x8e: {  	[smem:$0x3FC0] =	sst s2  }
0x8f: {  	_ = 	snop  }
0x90: {  	s2 =	sld [smem:$0x3FD0];
	(tm) =	ssettm $0x1  }
0x91: {  	s18 =	sld [smem:$0x3FFB];
	_ =	sdelay $0x3  }
0x92: {  	_ =	strace s18  }
0x93: {  	s3 =	sld [smem:$0x3FFC];
	_ =	sdelay $0x3  }
0x94: {  	_ =	strace s3  }
0x95: {  	s3 =	sld [smem:$0x3FFD];
	_ =	sdelay $0x3  }
0x96: {  	_ =	strace s3  }
0x97: {  	_ =	strace $0x8FFFFFFF  }
0x98: {  	s19 =	sld [smem:$0x3FDB];
	_ =	sdelay $0x1  }
0x99: {  	s4 =	simm.s32 $_scs_section_size  }
0x9a: {  	s5 =	simm.s32 $_size__tile_overlayer_lowered;
	s6 =	simm.s32 $_tile_overlayer_lowered  }
0x9b: {  	s22 =	simm.s32 $0x1BFF;
	s21 =	sshll.u32 s6, $0x1;
	s3 =	sadd.s32 s4, s19  }
0x9c: {  	s7 =	simm.s32 $0x0;
	s20 =	sshll.u32 s5, $0x1;
	s5 =	sadd.s32 s21, s3  }
0x9d: {  	[timem:s7], [sflag:s22] =	dma.local [hbm:s5], s20  }
0x9e: {  	_ =	swait.ge [sflag:s22], s20  }
0x9f: {  	s4 =	ssub.s32 $0x0, s20;
	[sflag:s22] =	ssyncset.done $0x0  }
0xa0: {  	[sflag:s22] =	ssyncadd.s32 s4;
	_ =	sdelay $0x1  }
0xa1: {  	s23 =	simm.s32 $0x1B8B  }
0xa2: {  	_ =	swait.ge [sflag:s23], $0x1  }
0xa3: {  	[sflag:s23] =	ssyncset.done $0x0  }
0xa4: {  	s25 =	simm.s32 $0x1B8E;
	s24 =	sld [smem:$0x3FFE];
	[sflag:s23] =	ssyncadd.s32 $0xFFFFFFFF  }
0xa5: {  	s26 =	simm.s32 $execute0_lowered;
	[smem:$0x3FD2] =	sst s25  }
0xa6: {  	s5 =	sshll.u32 s26, $0x1;
	_ =	strace $0x80000049;
	[dreg:$0x1] =	wrdreg $0xFFFFFFFF  }
0xa7: {  	s28 =	simm.s32 $_size_execute0_lowered;
	s3 =	sadd.s32 s3, s5;
	[dreg:$0x0] =	wrdreg $0x0  }
0xa8: {  	s5 =	sshll.u32 s28, $0x1;
	[dreg:$0x2] =	wrdreg s3  }
0xa9: {  	[dreg:$0x3] =	wrdreg s5  }
0xaa: {  	[dreg:$0x4] =	wrdreg $0xC0  }
0xab: {  	_ =	task [dreg:s7], $0x5FFFF  }
0xac: {  	[dreg:$0x1] =	wrdreg $0xFFFFFFFF  }
0xad: {  	[dreg:$0x0] =	wrdreg $0x60  }
0xae: {  	[dreg:$0x2] =	wrdreg s24  }
0xaf: {  	[dreg:$0x3] =	wrdreg s2  }
0xb0: {  	[dreg:$0x4] =	wrdreg $0x0  }
0xb1: {  	[dreg:$0x5] =	wrdreg $0x9  }
0xb2: {  	_ =	task.clear_ibuf [dreg:s7], $0x6FFFF;
	_ =	strace $0x90000049  }
0xb3: {  	s29 =	simm.s32 $0x9;
	_ =	strace $0x8000004B  }
0xb4: {  	_ =	swait.ge [sflag:s29], $0x1  }
0xb5: {  	[sflag:s29] =	ssyncadd.s32 $0xFFFFFFFF  }
0xb6: {  	_ =	strace $0x9000004B  }
0xb7: {  	_ =	sfence  }
0xb8: {  	s30 =	sld [smem:$0x0];
	_ =	sdelay $0x2  }
0xb9: {  	s31 =	sshll.u32 s1, $0xD;
	s1 =	sshrl.u32 s1, $0x2  }
0xba: {  	s3 =	sand.u32 $0x4000, s31;
	s1 =	sadd.s32 s1, s30  }
0xbb: {  	s0 =	sor.u32 s3, s0;
	s1 =	sshll.u32 s1, $0x11  }
0xbc: {  	s0 =	sor.u32 s1, s0  }
0xbd: {  	s0 =	sadd.s32 $0x8F2B, s0  }
0xbe: {  	[sflag:s0] =	ssyncadd.remote.s32 $0x1  }
0xbf: {  	_ =	sfence.sel $0xFFFF  }
0xc0: {  	[dreg:$0x0] =	wrdreg $0xFFFFFFFF;
	(pc) =	sbr.abs _section_cstart, $3  }
0xc1: {  	[dreg:$0x1] =	wrdreg $0xFFFFFFFF  }
0xc2: {  	_ =	task.clear_ibuf [dreg:s7], $0x2FFFF;
	_ =	strace $0x9FFFFFFF  }
0xc3: {  	(tm) =	ssettm $0x7FFFFFFF  }
tec
execute0_lowered:
.L_overlay_start_1:
0x0: {  	(tag) =	ssettag $0x1  }
0x1: {  	s0 =	rddreg [dreg:$0x0]  }
0x2: {  	s2 =	srdreg.scid;
	s1 =	rddreg [dreg:$0x1]  }
0x3: {  	s11 =	stileid.u32;
	s3 =	rddreg [dreg:$0x2];
	s4 =	simm.s32 $0x0  }
0x4: {  	s23 =	simm.s32 $0x14080;
	s24 =	simm.s32 $0x14100;
	[smem:$0x7FF] =	sst s4  }
0x5: {  	s25 =	simm.s32 $0x14880;
	_ =	strace $0x8000004A;
	[dreg:$0x5] =	wrdreg s23  }
0x6: {  	s26 =	simm.s32 $0x14180;
	s13 =	simm.s32 $0x14900;
	[dreg:$0x6] =	wrdreg s24  }
0x7: {  	s15 =	simm.s32 $0x14200;
	s16 =	simm.s32 $0x14980;
	[dreg:$0x7] =	wrdreg s25  }
0x8: {  	s18 =	simm.s32 $0x14280;
	s19 =	simm.s32 $0x14A00;
	[dreg:$0x8] =	wrdreg s26  }
0x9: {  	s20 =	simm.s32 $0x14300;
	s28 =	simm.s32 $0x19000;
	[dreg:$0x9] =	wrdreg s13  }
0xa: {  	s29 =	simm.s32 $0x1;
	s30 =	simm.s32 $0x3;
	[dreg:$0xa] =	wrdreg s15  }
0xb: {  	s31 =	simm.s32 $0x2;
	s6 =	smul.u32 $0x14000, s11;
	[dreg:$0xb] =	wrdreg s16  }
0xc: {  	s2 =	sand.u32 $0x1, s2;
	s14 =	smul.u32 $0x50000, s11;
	[dreg:$0xc] =	wrdreg s18  }
0xd: {  	s5 =	smul.u32 $0x140000, s2;
	s7 =	sshll.u32 s2, $0x4;
	[dreg:$0xd] =	wrdreg s19  }
0xe: {  	s9 =	ssub.s32 $0x2, s2;
	[dreg:$0xe] =	wrdreg s20;
	s24 =	simm.s32 $0x14380  }
0xf: {  	s26 =	simm.s32 $0x14B00;
	s2 =	smul.u32 $0x28000, s2;
	[dreg:$0x10] =	wrdreg s24  }
0x10: {  	s13 =	simm.s32 $0x14500;
	s16 =	simm.s32 $0x14580;
	[dreg:$0x11] =	wrdreg s26  }
0x11: {  	s18 =	simm.s32 $0x14600;
	s19 =	simm.s32 $0x14D80;
	[dreg:$0x14] =	wrdreg s13  }
0x12: {  	s20 =	simm.s32 $0x14680;
	s7 =	sor.u32 s11, s7;
	[dreg:$0x16] =	wrdreg s16  }
0x13: {  	s10 =	sshrl.u32 s9, $0x1;
	s17 =	sshrl.u32 s14, $0x2;
	[dreg:$0x18] =	wrdreg s18  }
0x14: {  	s14 =	simm.s32 $0x14C80;
	[dreg:$0x19] =	wrdreg s19;
	s18 =	simm.s32 $0x14000  }
0x15: {  	[dreg:$0x1a] =	wrdreg s20;
	s19 =	simm.s32 $0x14800;
	s20 =	simm.s32 $0x15000  }
0x16: {  	s24 =	simm.s32 $0x14780;
	s26 =	simm.s32 $0x14F80;
	[dreg:$0x15] =	wrdreg s14  }
0x17: {  	s6 =	sadd.s32 s6, s5;
	s10 =	ssub.s32 s9, s10;
	[dreg:$0x1e] =	wrdreg s24  }
0x18: {  	s9 =	sadd.s32 s17, s3;
	s17 =	simm.s32 $0x14D00;
	[smem:$0x7FD] =	sst s26  }
0x19: {  	s7 =	smul.u32 $0x2800, s7;
	s21 =	sadd.s32 $0x8000, s9;
	[dreg:$0x17] =	wrdreg s17  }
0x1a: {  	s5 =	sadd.s32 $0x2400, s0;
	s23 =	sadd.s32 $0xC000, s9;
	[smem:$0x7F9] =	sst s21  }
0x1b: {  	s8 =	sshrl.u32 s6, $0x3;
	s25 =	sadd.s32 $0x10000, s9;
	[smem:$0x7FA] =	sst s23  }
0x1c: {  	s6 =	sadd.s32 $0x52400, s0;
	s22 =	sadd.s32 $0x800, s7;
	[smem:$0x7FB] =	sst s25  }
0x1d: {  	s0 =	sadd.s32 s8, s0;
	s8 =	sadd.s32 $0x4000, s9;
	[dreg:$0x4] =	wrdreg s22  }
0x1e: {  	s24 =	simm.s32 $0x14400;
	s21 =	simm.s32 $0x14E00;
	[smem:$0x7F8] =	sst s8  }
0x1f: {  	s26 =	simm.s32 $0x80;
	s23 =	simm.s32 $0x14E80;
	[dreg:$0x1b] =	wrdreg s21  }
0x20: {  	s7 =	sshrl.u32 s7, $0x3;
	s25 =	simm.s32 $0x14F00;
	[dreg:$0x1d] =	wrdreg s23  }
0x21: {  	s15 =	smax.u32 s10, $0x1;
	s12 =	sadd.s32 s6, s7;
	[dreg:$0x1f] =	wrdreg s25  }
0x22: {  	s7 =	sadd.s32 s1, s7;
	s22 =	simm.s32 $0x14A80;
	[smem:$0x7F6] =	sst s12  }
0x23: {  	s0 =	sadd.s32 $0x5C400, s0;
	s8 =	simm.s32 $0x14480;
	[smem:$0x7F7] =	sst s7  }
0x24: {  	s21 =	simm.s32 $0x9;
	s23 =	simm.s32 $0x6;
	[dreg:$0xf] =	wrdreg s22  }
0x25: {  	s25 =	simm.s32 $0x14C00;
	[smem:$0x7FC] =	sst s0;
	s12 =	smul.u32 $0x2800, s11  }
0x26: {  	s7 =	simm.s32 $0x14B80;
	[dreg:$0x13] =	wrdreg s8;
	s22 =	simm.s32 $0x14700  }
0x27: {  	s0 =	simm.s32 $0x7;
	[dreg:$0x12] =	wrdreg s7;
	s2 =	sadd.s32 s12, s2  }
0x28: {  	s8 =	simm.s32 $0x0;
	[dreg:$0x1c] =	wrdreg s22;
	s2 =	sor.u32 $0x400, s2  }
0x29: {  	s22 =	simm.s32 $0x5;
	s7 =	simm.s32 $0x8;
	s2 =	sshrl.u32 s2, $0x3  }
0x2a: {  	v0 =	vimm.f32 $0.0e+00;
	s11 =	sadd.s32 s2, s1;
	s12 =	sadd.s32 s2, s6;
	s2 =	simm.s32 $0x4  }
.LBB2_1:
0x2b: {  	s10 =	sld [smem:$0x7F6];
	_ =	sdelay $0x1  }
0x2c: {  	s17 =	sld [smem:$0x7F7]  }
0x2d: {  	[tilespmem:s18], [sflag:$0x5] =	stream.linear.gather [hbm4b:s10+s4], $0x400, $0x38;
	[tilespmem:$0x1D000] =	vst v63  }
0x2e: {  	s13 =	simm.s32 $0x200;
	s10 =	simm.s32 $0x0  }
0x2f: {  	[tilespmem:s19], [sflag:$0x6] =	stream.linear.gather [hbm4b:s17+s4], $0x400, $0x38;
	[tilespmem:$0x1D000] =	vst v63  }
.LBB2_2:
0x30: {  	p0 =	sne.s32 s13, $0xFE00;
	[tilespmem:s10+$0x15070] =	vst v0  }
0x31: {  	[tilespmem:s10+$0x15000] =	vst v0  }
0x32: {  	[tilespmem:s10+$0x15010] =	vst v0  }
.Ltmp0:
0x33: {  	[tilespmem:s10+$0x15020] =	vst v0;
	(pc) =	sbr.rel @p0 .LBB2_2-.Ltmp0, $4  }
0x34: {  	[tilespmem:s10+$0x15030] =	vst v0  }
0x35: {  	[tilespmem:s10+$0x15040] =	vst v0  }
0x36: {  	[tilespmem:s10+$0x15050] =	vst v0  }
0x37: {  	[tilespmem:s10+$0x15060] =	vst v0;
	s10 =	sshra.s32 s13, $0x2;
	s13 =	sadd.s32 $0x200, s13  }
0x38: {  	[tilespmem:s10+$0x15070] =	vst v0  }
0x39: {  	[tilespmem:s10+$0x15000] =	vst v0  }
0x3a: {  	[tilespmem:s10+$0x15010] =	vst v0  }
0x3b: {  	[tilespmem:s10+$0x15020] =	vst v0  }
0x3c: {  	[tilespmem:s10+$0x15030] =	vst v0  }
0x3d: {  	[tilespmem:s10+$0x15040] =	vst v0  }
0x3e: {  	[tilespmem:s10+$0x15050] =	vst v0  }
0x3f: {  	[tilespmem:s10+$0x15060] =	vst v0  }
0x40: {  	[spmem:s9] =	stream.linear.scatter [tilespmem:s20], [sflag:$0x9], $0x4000, $0x38;
	[tilespmem:$0x1D000] =	vst v63  }
0x41: {  	_ =	swait.ge [sflag:s21], $0x4000  }
0x42: {  	s14 =	sld [smem:$0x7F8]  }
0x43: {  	[sflag:s21] =	ssyncset.done $0x0  }
0x44: {  	[sflag:s21] =	ssyncadd.s32 $0xFFFFC000  }
0x45: {  	[spmem:s14] =	stream.linear.scatter [tilespmem:s20], [sflag:$0x9], $0x4000, $0x38;
	[tilespmem:$0x1D000] =	vst v63  }
0x46: {  	_ =	swait.ge [sflag:s21], $0x4000  }
0x47: {  	s16 =	sld [smem:$0x7F9]  }
0x48: {  	[sflag:s21] =	ssyncset.done $0x0  }
0x49: {  	[sflag:s21] =	ssyncadd.s32 $0xFFFFC000  }
0x4a: {  	[spmem:s16] =	stream.linear.scatter [tilespmem:s20], [sflag:$0x9], $0x4000, $0x38;
	[tilespmem:$0x1D000] =	vst v63  }
0x4b: {  	_ =	swait.ge [sflag:s21], $0x4000  }
0x4c: {  	s17 =	sld [smem:$0x7FA]  }
0x4d: {  	[sflag:s21] =	ssyncset.done $0x0  }
0x4e: {  	[sflag:s21] =	ssyncadd.s32 $0xFFFFC000  }
0x4f: {  	[spmem:s17] =	stream.linear.scatter [tilespmem:s20], [sflag:$0x9], $0x4000, $0x38;
	[tilespmem:$0x1D000] =	vst v63  }
0x50: {  	_ =	swait.ge [sflag:s21], $0x4000  }
0x51: {  	s13 =	sld [smem:$0x7FB]  }
0x52: {  	[sflag:s21] =	ssyncset.done $0x0  }
0x53: {  	[sflag:s21] =	ssyncadd.s32 $0xFFFFC000  }
0x54: {  	[spmem:s13] =	stream.linear.scatter [tilespmem:s20], [sflag:$0x9], $0x4000, $0x38;
	[tilespmem:$0x1D000] =	vst v63  }
0x55: {  	_ =	swait.ge [sflag:s21], $0x4000  }
0x56: {  	[sflag:s21] =	ssyncset.done $0x0  }
0x57: {  	[sflag:s21] =	ssyncadd.s32 $0xFFFFC000  }
0x58: {  	_ =	swait.ge [sflag:s22], $0x400  }
0x59: {  	[sflag:s22] =	ssyncset.done $0x0  }
0x5a: {  	[sflag:s22] =	ssyncadd.s32 $0xFFFFFC00  }
0x5b: {  	_ =	swait.ge [sflag:s23], $0x400  }
0x5c: {  	[sflag:s23] =	ssyncset.done $0x0  }
0x5d: {  	[sflag:s23] =	ssyncadd.s32 $0xFFFFFC00  }
0x5e: {  	[bflag:$0x0] =	sbarrier.arrive $0xFFFF  }
0x5f: {  	[tilespmem:s24], [sflag:$0x7] =	stream.linear.gather [hbm4b:s12+s4], $0x400, $0x38;
	[tilespmem:$0x1D000] =	vst v63  }
0x60: {  	_ = 	snop  }
0x61: {  	[tilespmem:s25], [sflag:$0x8] =	stream.linear.gather [hbm4b:s11+s4], $0x400, $0x38;
	[tilespmem:$0x1D000] =	vst v63  }
0x62: {  	_ = 	snop  }
0x63: {  	[tilespmem:s20], [sflag:$0x1] =	stream.indirect.gather [hbm4b:s5+s26], $0x80, s18, s26, $0xb8;
	[tilespmem:$0x1D000] =	vst v63  }
0x64: {  	s14 =	rddreg [dreg:$0x5]  }
0x65: {  	[tilespmem:s28], [sflag:$0x2] =	stream.indirect.gather [hbm4b:s5+s26], $0x80, s14, s26, $0xb8;
	[tilespmem:$0x1D000] =	vst v63  }
0x66: {  	_ =	swait.ge [sflag:s29], $0x4000  }
0x67: {  	[sflag:s29] =	ssyncset.done $0x0  }
0x68: {  	[sflag:s29] =	ssyncadd.s32 $0xFFFFC000  }
0x69: {  	[spmem:s3] =	stream.indirect.scatter.add.f32 [tilespmem:s20], [sflag:$0x3], $0x80, s19, s26, $0xb8;
	[tilespmem:$0x1D000] =	vst v63  }
0x6a: {  	_ =	swait.ge [sflag:s30], $0x4000  }
0x6b: {  	[sflag:s30] =	ssyncset.done $0x0  }
0x6c: {  	s16 =	rddreg [dreg:$0x6];
	[sflag:s30] =	ssyncadd.s32 $0xFFFFC000  }
0x6d: {  	[tilespmem:s20], [sflag:$0x1] =	stream.indirect.gather [hbm4b:s5+s26], $0x80, s16, s26, $0xb8;
	[tilespmem:$0x1D000] =	vst v63  }
0x6e: {  	_ =	swait.ge [sflag:s31], $0x4000  }
0x6f: {  	[sflag:s31] =	ssyncset.done $0x0  }
0x70: {  	s17 =	rddreg [dreg:$0x7];
	[sflag:s31] =	ssyncadd.s32 $0xFFFFC000  }
0x71: {  	[spmem:s3] =	stream.indirect.scatter.add.f32 [tilespmem:s28], [sflag:$0x4], $0x80, s17, s26, $0xb8;
	[tilespmem:$0x1D000] =	vst v63  }
0x72: {  	_ =	swait.ge [sflag:s2], $0x4000  }
0x73: {  	[sflag:s2] =	ssyncset.done $0x0  }
0x74: {  	s13 =	rddreg [dreg:$0x8];
	[sflag:s2] =	ssyncadd.s32 $0xFFFFC000  }
0x75: {  	[tilespmem:s28], [sflag:$0x2] =	stream.indirect.gather [hbm4b:s5+s26], $0x80, s13, s26, $0xb8;
	[tilespmem:$0x1D000] =	vst v63  }
0x76: {  	_ =	swait.ge [sflag:s29], $0x4000  }
0x77: {  	[sflag:s29] =	ssyncset.done $0x0  }
0x78: {  	s14 =	rddreg [dreg:$0x9];
	[sflag:s29] =	ssyncadd.s32 $0xFFFFC000  }
0x79: {  	[spmem:s3] =	stream.indirect.scatter.add.f32 [tilespmem:s20], [sflag:$0x3], $0x80, s14, s26, $0xb8;
	[tilespmem:$0x1D000] =	vst v63  }
0x7a: {  	_ =	swait.ge [sflag:s30], $0x4000  }
0x7b: {  	[sflag:s30] =	ssyncset.done $0x0  }
0x7c: {  	s16 =	rddreg [dreg:$0xa];
	[sflag:s30] =	ssyncadd.s32 $0xFFFFC000  }
0x7d: {  	[tilespmem:s20], [sflag:$0x1] =	stream.indirect.gather [hbm4b:s5+s26], $0x80, s16, s26, $0xb8;
	[tilespmem:$0x1D000] =	vst v63  }
0x7e: {  	_ =	swait.ge [sflag:s31], $0x4000  }
0x7f: {  	[sflag:s31] =	ssyncset.done $0x0  }
0x80: {  	s17 =	rddreg [dreg:$0xb];
	[sflag:s31] =	ssyncadd.s32 $0xFFFFC000  }
0x81: {  	[spmem:s3] =	stream.indirect.scatter.add.f32 [tilespmem:s28], [sflag:$0x4], $0x80, s17, s26, $0xb8;
	[tilespmem:$0x1D000] =	vst v63  }
0x82: {  	_ =	swait.ge [sflag:s2], $0x4000  }
0x83: {  	[sflag:s2] =	ssyncset.done $0x0  }
0x84: {  	s13 =	rddreg [dreg:$0xc];
	[sflag:s2] =	ssyncadd.s32 $0xFFFFC000  }
0x85: {  	[tilespmem:s28], [sflag:$0x2] =	stream.indirect.gather [hbm4b:s5+s26], $0x80, s13, s26, $0xb8;
	[tilespmem:$0x1D000] =	vst v63  }
0x86: {  	_ =	swait.ge [sflag:s29], $0x4000  }
0x87: {  	[sflag:s29] =	ssyncset.done $0x0  }
0x88: {  	s14 =	rddreg [dreg:$0xd];
	[sflag:s29] =	ssyncadd.s32 $0xFFFFC000  }
0x89: {  	[spmem:s3] =	stream.indirect.scatter.add.f32 [tilespmem:s20], [sflag:$0x3], $0x80, s14, s26, $0xb8;
	[tilespmem:$0x1D000] =	vst v63  }
0x8a: {  	_ =	swait.ge [sflag:s30], $0x4000  }
0x8b: {  	[sflag:s30] =	ssyncset.done $0x0  }
0x8c: {  	s16 =	rddreg [dreg:$0xe];
	[sflag:s30] =	ssyncadd.s32 $0xFFFFC000  }
0x8d: {  	[tilespmem:s20], [sflag:$0x1] =	stream.indirect.gather [hbm4b:s5+s26], $0x80, s16, s26, $0xb8;
	[tilespmem:$0x1D000] =	vst v63  }
0x8e: {  	_ =	swait.ge [sflag:s31], $0x4000  }
0x8f: {  	[sflag:s31] =	ssyncset.done $0x0  }
0x90: {  	s17 =	rddreg [dreg:$0xf];
	[sflag:s31] =	ssyncadd.s32 $0xFFFFC000  }
0x91: {  	[spmem:s3] =	stream.indirect.scatter.add.f32 [tilespmem:s28], [sflag:$0x4], $0x80, s17, s26, $0xb8;
	[tilespmem:$0x1D000] =	vst v63  }
0x92: {  	_ =	swait.ge [sflag:s2], $0x4000  }
0x93: {  	[sflag:s2] =	ssyncset.done $0x0  }
0x94: {  	s13 =	rddreg [dreg:$0x10];
	[sflag:s2] =	ssyncadd.s32 $0xFFFFC000  }
0x95: {  	[tilespmem:s28], [sflag:$0x2] =	stream.indirect.gather [hbm4b:s5+s26], $0x80, s13, s26, $0xb8;
	[tilespmem:$0x1D000] =	vst v63  }
0x96: {  	_ =	swait.ge [sflag:s29], $0x4000  }
0x97: {  	[sflag:s29] =	ssyncset.done $0x0  }
0x98: {  	s14 =	rddreg [dreg:$0x11];
	[sflag:s29] =	ssyncadd.s32 $0xFFFFC000  }
0x99: {  	[spmem:s3] =	stream.indirect.scatter.add.f32 [tilespmem:s20], [sflag:$0x3], $0x80, s14, s26, $0xb8;
	[tilespmem:$0x1D000] =	vst v63  }
0x9a: {  	_ =	swait.ge [sflag:s31], $0x4000  }
0x9b: {  	[sflag:s31] =	ssyncset.done $0x0  }
0x9c: {  	s16 =	rddreg [dreg:$0x12];
	[sflag:s31] =	ssyncadd.s32 $0xFFFFC000  }
0x9d: {  	[spmem:s3] =	stream.indirect.scatter.add.f32 [tilespmem:s28], [sflag:$0x4], $0x80, s16, s26, $0xb8;
	[tilespmem:$0x1D000] =	vst v63  }
0x9e: {  	_ =	swait.ge [sflag:s30], $0x4000  }
0x9f: {  	[sflag:s30] =	ssyncset.done $0x0  }
0xa0: {  	[sflag:s30] =	ssyncadd.s32 $0xFFFFC000  }
0xa1: {  	_ =	swait.ge [sflag:s2], $0x4000  }
0xa2: {  	[sflag:s2] =	ssyncset.done $0x0  }
0xa3: {  	[sflag:s2] =	ssyncadd.s32 $0xFFFFC000  }
0xa4: {  	_ =	swait.ge [sflag:s0], $0x400  }
0xa5: {  	[sflag:s0] =	ssyncset.done $0x0  }
0xa6: {  	s17 =	simm.s32 $0x0;
	[sflag:s0] =	ssyncadd.s32 $0xFFFFFC00  }
0xa7: {  	s10 =	smin.u32 s17, $0x38;
	_ =	swait.ge [sflag:s7], $0x400  }
0xa8: {  	s10 =	sshll.u32 s10, $0x7;
	s13 =	rddreg [dreg:$0x4]  }
0xa9: {  	s10 =	sadd.s32 s10, s13  }
0xaa: {  	[sflag:s7] =	ssyncset.done $0x0;
	s10 =	sshrl.u32 s10, $0x3  }
0xab: {  	[sflag:s7] =	ssyncadd.s32 $0xFFFFFC00;
	s14 =	sadd.s32 s6, s10  }
0xac: {  	[tilespmem:s18], [sflag:$0x5] =	stream.linear.gather [hbm4b:s14+s4], $0x400, $0x38;
	[tilespmem:$0x1D000] =	vst v63  }
0xad: {  	s10 =	sadd.s32 s1, s10  }
0xae: {  	[tilespmem:s19], [sflag:$0x6] =	stream.linear.gather [hbm4b:s10+s4], $0x400, $0x38;
	[tilespmem:$0x1D000] =	vst v63  }
0xaf: {  	_ = 	snop  }
0xb0: {  	[tilespmem:s20], [sflag:$0x1] =	stream.indirect.gather [hbm4b:s5+s26], $0x80, s24, s26, $0xb8;
	[tilespmem:$0x1D000] =	vst v63  }
0xb1: {  	s16 =	rddreg [dreg:$0x13]  }
0xb2: {  	[tilespmem:s28], [sflag:$0x2] =	stream.indirect.gather [hbm4b:s5+s26], $0x80, s16, s26, $0xb8;
	[tilespmem:$0x1D000] =	vst v63  }
0xb3: {  	_ =	swait.ge [sflag:s29], $0x4000  }
0xb4: {  	[sflag:s29] =	ssyncset.done $0x0  }
0xb5: {  	[sflag:s29] =	ssyncadd.s32 $0xFFFFC000  }
0xb6: {  	[spmem:s3] =	stream.indirect.scatter.add.f32 [tilespmem:s20], [sflag:$0x3], $0x80, s25, s26, $0xb8;
	[tilespmem:$0x1D000] =	vst v63  }
0xb7: {  	_ =	swait.ge [sflag:s30], $0x4000  }
0xb8: {  	[sflag:s30] =	ssyncset.done $0x0  }
0xb9: {  	s17 =	rddreg [dreg:$0x14];
	[sflag:s30] =	ssyncadd.s32 $0xFFFFC000  }
0xba: {  	[tilespmem:s20], [sflag:$0x1] =	stream.indirect.gather [hbm4b:s5+s26], $0x80, s17, s26, $0xb8;
	[tilespmem:$0x1D000] =	vst v63  }
0xbb: {  	_ =	swait.ge [sflag:s31], $0x4000  }
0xbc: {  	[sflag:s31] =	ssyncset.done $0x0  }
0xbd: {  	s13 =	rddreg [dreg:$0x15];
	[sflag:s31] =	ssyncadd.s32 $0xFFFFC000  }
0xbe: {  	[spmem:s3] =	stream.indirect.scatter.add.f32 [tilespmem:s28], [sflag:$0x4], $0x80, s13, s26, $0xb8;
	[tilespmem:$0x1D000] =	vst v63  }
0xbf: {  	_ =	swait.ge [sflag:s2], $0x4000  }
0xc0: {  	[sflag:s2] =	ssyncset.done $0x0  }
0xc1: {  	s14 =	rddreg [dreg:$0x16];
	[sflag:s2] =	ssyncadd.s32 $0xFFFFC000  }
0xc2: {  	[tilespmem:s28], [sflag:$0x2] =	stream.indirect.gather [hbm4b:s5+s26], $0x80, s14, s26, $0xb8;
	[tilespmem:$0x1D000] =	vst v63  }
0xc3: {  	_ =	swait.ge [sflag:s29], $0x4000  }
0xc4: {  	[sflag:s29] =	ssyncset.done $0x0  }
0xc5: {  	s16 =	rddreg [dreg:$0x17];
	[sflag:s29] =	ssyncadd.s32 $0xFFFFC000  }
0xc6: {  	[spmem:s3] =	stream.indirect.scatter.add.f32 [tilespmem:s20], [sflag:$0x3], $0x80, s16, s26, $0xb8;
	[tilespmem:$0x1D000] =	vst v63  }
0xc7: {  	_ =	swait.ge [sflag:s30], $0x4000  }
0xc8: {  	[sflag:s30] =	ssyncset.done $0x0  }
0xc9: {  	s17 =	rddreg [dreg:$0x18];
	[sflag:s30] =	ssyncadd.s32 $0xFFFFC000  }
0xca: {  	[tilespmem:s20], [sflag:$0x1] =	stream.indirect.gather [hbm4b:s5+s26], $0x80, s17, s26, $0xb8;
	[tilespmem:$0x1D000] =	vst v63  }
0xcb: {  	_ =	swait.ge [sflag:s31], $0x4000  }
0xcc: {  	[sflag:s31] =	ssyncset.done $0x0  }
0xcd: {  	s13 =	rddreg [dreg:$0x19];
	[sflag:s31] =	ssyncadd.s32 $0xFFFFC000  }
0xce: {  	[spmem:s3] =	stream.indirect.scatter.add.f32 [tilespmem:s28], [sflag:$0x4], $0x80, s13, s26, $0xb8;
	[tilespmem:$0x1D000] =	vst v63  }
0xcf: {  	_ =	swait.ge [sflag:s2], $0x4000  }
0xd0: {  	[sflag:s2] =	ssyncset.done $0x0  }
0xd1: {  	s14 =	rddreg [dreg:$0x1a];
	[sflag:s2] =	ssyncadd.s32 $0xFFFFC000  }
0xd2: {  	[tilespmem:s28], [sflag:$0x2] =	stream.indirect.gather [hbm4b:s5+s26], $0x80, s14, s26, $0xb8;
	[tilespmem:$0x1D000] =	vst v63  }
0xd3: {  	_ =	swait.ge [sflag:s29], $0x4000  }
0xd4: {  	[sflag:s29] =	ssyncset.done $0x0  }
0xd5: {  	s16 =	rddreg [dreg:$0x1b];
	[sflag:s29] =	ssyncadd.s32 $0xFFFFC000  }
0xd6: {  	[spmem:s3] =	stream.indirect.scatter.add.f32 [tilespmem:s20], [sflag:$0x3], $0x80, s16, s26, $0xb8;
	[tilespmem:$0x1D000] =	vst v63  }
0xd7: {  	_ =	swait.ge [sflag:s30], $0x4000  }
0xd8: {  	[sflag:s30] =	ssyncset.done $0x0  }
0xd9: {  	s17 =	rddreg [dreg:$0x1c];
	[sflag:s30] =	ssyncadd.s32 $0xFFFFC000  }
0xda: {  	[tilespmem:s20], [sflag:$0x1] =	stream.indirect.gather [hbm4b:s5+s26], $0x80, s17, s26, $0xb8;
	[tilespmem:$0x1D000] =	vst v63  }
0xdb: {  	_ =	swait.ge [sflag:s31], $0x4000  }
0xdc: {  	[sflag:s31] =	ssyncset.done $0x0  }
0xdd: {  	s13 =	rddreg [dreg:$0x1d];
	[sflag:s31] =	ssyncadd.s32 $0xFFFFC000  }
0xde: {  	[spmem:s3] =	stream.indirect.scatter.add.f32 [tilespmem:s28], [sflag:$0x4], $0x80, s13, s26, $0xb8;
	[tilespmem:$0x1D000] =	vst v63  }
0xdf: {  	_ =	swait.ge [sflag:s2], $0x4000  }
0xe0: {  	[sflag:s2] =	ssyncset.done $0x0  }
0xe1: {  	s14 =	rddreg [dreg:$0x1e];
	[sflag:s2] =	ssyncadd.s32 $0xFFFFC000  }
0xe2: {  	[tilespmem:s28], [sflag:$0x2] =	stream.indirect.gather [hbm4b:s5+s26], $0x80, s14, s26, $0xb8;
	[tilespmem:$0x1D000] =	vst v63  }
0xe3: {  	_ =	swait.ge [sflag:s29], $0x4000  }
0xe4: {  	[sflag:s29] =	ssyncset.done $0x0  }
0xe5: {  	s16 =	rddreg [dreg:$0x1f];
	[sflag:s29] =	ssyncadd.s32 $0xFFFFC000  }
0xe6: {  	[spmem:s3] =	stream.indirect.scatter.add.f32 [tilespmem:s20], [sflag:$0x3], $0x80, s16, s26, $0xb8;
	[tilespmem:$0x1D000] =	vst v63  }
0xe7: {  	_ =	swait.ge [sflag:s31], $0x4000  }
0xe8: {  	s17 =	sld [smem:$0x7FD]  }
0xe9: {  	[sflag:s31] =	ssyncset.done $0x0  }
0xea: {  	[sflag:s31] =	ssyncadd.s32 $0xFFFFC000  }
0xeb: {  	[spmem:s3] =	stream.indirect.scatter.add.f32 [tilespmem:s28], [sflag:$0x4], $0x80, s17, s26, $0xb8;
	[tilespmem:$0x1D000] =	vst v63  }
0xec: {  	_ =	swait.ge [sflag:s30], $0x4000  }
0xed: {  	[sflag:s30] =	ssyncset.done $0x0  }
0xee: {  	[sflag:s30] =	ssyncadd.s32 $0xFFFFC000  }
0xef: {  	_ =	swait.ge [sflag:s2], $0x4000  }
0xf0: {  	[sflag:s2] =	ssyncset.done $0x0  }
0xf1: {  	[sflag:s2] =	ssyncadd.s32 $0xFFFFC000  }
0xf2: {  	_ =	swait.ge [sflag:s22], $0x400  }
0xf3: {  	[sflag:s22] =	ssyncset.done $0x0  }
0xf4: {  	[sflag:s22] =	ssyncadd.s32 $0xFFFFFC00  }
0xf5: {  	s10 =	simm.s32 $0x10;
	_ =	swait.ge [sflag:s23], $0x400  }
0xf6: {  	s16 =	smov.u32 s11;
	s17 =	smov.u32 s12;
	[sflag:s23] =	ssyncset.done $0x0  }
.LBB2_4:
0xf7: {  	[sflag:s23] =	ssyncadd.s32 $0xFFFFFC00;
	s17 =	sadd.s32 $0x100, s17  }
0xf8: {  	[tilespmem:s24], [sflag:$0x7] =	stream.linear.gather [hbm4b:s17+s4], $0x400, $0x38;
	[tilespmem:$0x1D000] =	vst v63  }
0xf9: {  	s16 =	sadd.s32 $0x100, s16  }
0xfa: {  	[tilespmem:s25], [sflag:$0x8] =	stream.linear.gather [hbm4b:s16+s4], $0x400, $0x38;
	[tilespmem:$0x1D000] =	vst v63  }
0xfb: {  	_ = 	snop  }
0xfc: {  	[tilespmem:s20], [sflag:$0x1] =	stream.indirect.gather [hbm4b:s5+s26], $0x80, s18, s26, $0xb8;
	[tilespmem:$0x1D000] =	vst v63  }
0xfd: {  	s14 =	rddreg [dreg:$0x5]  }
0xfe: {  	[tilespmem:s28], [sflag:$0x2] =	stream.indirect.gather [hbm4b:s5+s26], $0x80, s14, s26, $0xb8;
	[tilespmem:$0x1D000] =	vst v63  }
0xff: {  	_ =	swait.ge [sflag:s29], $0x4000  }
0x100: {  	[sflag:s29] =	ssyncset.done $0x0  }
0x101: {  	[sflag:s29] =	ssyncadd.s32 $0xFFFFC000  }
0x102: {  	[spmem:s3] =	stream.indirect.scatter.add.f32 [tilespmem:s20], [sflag:$0x3], $0x80, s19, s26, $0xb8;
	[tilespmem:$0x1D000] =	vst v63  }
0x103: {  	_ =	swait.ge [sflag:s30], $0x4000  }
0x104: {  	[sflag:s30] =	ssyncset.done $0x0  }
0x105: {  	s14 =	rddreg [dreg:$0x6];
	[sflag:s30] =	ssyncadd.s32 $0xFFFFC000  }
0x106: {  	[tilespmem:s20], [sflag:$0x1] =	stream.indirect.gather [hbm4b:s5+s26], $0x80, s14, s26, $0xb8;
	[tilespmem:$0x1D000] =	vst v63  }
0x107: {  	_ =	swait.ge [sflag:s31], $0x4000  }
0x108: {  	[sflag:s31] =	ssyncset.done $0x0  }
0x109: {  	s14 =	rddreg [dreg:$0x7];
	[sflag:s31] =	ssyncadd.s32 $0xFFFFC000  }
0x10a: {  	[spmem:s3] =	stream.indirect.scatter.add.f32 [tilespmem:s28], [sflag:$0x4], $0x80, s14, s26, $0xb8;
	[tilespmem:$0x1D000] =	vst v63  }
0x10b: {  	_ =	swait.ge [sflag:s2], $0x4000  }
0x10c: {  	[sflag:s2] =	ssyncset.done $0x0  }
0x10d: {  	s14 =	rddreg [dreg:$0x8];
	[sflag:s2] =	ssyncadd.s32 $0xFFFFC000  }
0x10e: {  	[tilespmem:s28], [sflag:$0x2] =	stream.indirect.gather [hbm4b:s5+s26], $0x80, s14, s26, $0xb8;
	[tilespmem:$0x1D000] =	vst v63  }
0x10f: {  	_ =	swait.ge [sflag:s29], $0x4000  }
0x110: {  	[sflag:s29] =	ssyncset.done $0x0  }
0x111: {  	s14 =	rddreg [dreg:$0x9];
	[sflag:s29] =	ssyncadd.s32 $0xFFFFC000  }
0x112: {  	[spmem:s3] =	stream.indirect.scatter.add.f32 [tilespmem:s20], [sflag:$0x3], $0x80, s14, s26, $0xb8;
	[tilespmem:$0x1D000] =	vst v63  }
0x113: {  	_ =	swait.ge [sflag:s30], $0x4000  }
0x114: {  	[sflag:s30] =	ssyncset.done $0x0  }
0x115: {  	s14 =	rddreg [dreg:$0xa];
	[sflag:s30] =	ssyncadd.s32 $0xFFFFC000  }
0x116: {  	[tilespmem:s20], [sflag:$0x1] =	stream.indirect.gather [hbm4b:s5+s26], $0x80, s14, s26, $0xb8;
	[tilespmem:$0x1D000] =	vst v63  }
0x117: {  	_ =	swait.ge [sflag:s31], $0x4000  }
0x118: {  	[sflag:s31] =	ssyncset.done $0x0  }
0x119: {  	s14 =	rddreg [dreg:$0xb];
	[sflag:s31] =	ssyncadd.s32 $0xFFFFC000  }
0x11a: {  	[spmem:s3] =	stream.indirect.scatter.add.f32 [tilespmem:s28], [sflag:$0x4], $0x80, s14, s26, $0xb8;
	[tilespmem:$0x1D000] =	vst v63  }
0x11b: {  	_ =	swait.ge [sflag:s2], $0x4000  }
0x11c: {  	[sflag:s2] =	ssyncset.done $0x0  }
0x11d: {  	s14 =	rddreg [dreg:$0xc];
	[sflag:s2] =	ssyncadd.s32 $0xFFFFC000  }
0x11e: {  	[tilespmem:s28], [sflag:$0x2] =	stream.indirect.gather [hbm4b:s5+s26], $0x80, s14, s26, $0xb8;
	[tilespmem:$0x1D000] =	vst v63  }
0x11f: {  	_ =	swait.ge [sflag:s29], $0x4000  }
0x120: {  	[sflag:s29] =	ssyncset.done $0x0  }
0x121: {  	s14 =	rddreg [dreg:$0xd];
	[sflag:s29] =	ssyncadd.s32 $0xFFFFC000  }
0x122: {  	[spmem:s3] =	stream.indirect.scatter.add.f32 [tilespmem:s20], [sflag:$0x3], $0x80, s14, s26, $0xb8;
	[tilespmem:$0x1D000] =	vst v63  }
0x123: {  	_ =	swait.ge [sflag:s30], $0x4000  }
0x124: {  	[sflag:s30] =	ssyncset.done $0x0  }
0x125: {  	s14 =	rddreg [dreg:$0xe];
	[sflag:s30] =	ssyncadd.s32 $0xFFFFC000  }
0x126: {  	[tilespmem:s20], [sflag:$0x1] =	stream.indirect.gather [hbm4b:s5+s26], $0x80, s14, s26, $0xb8;
	[tilespmem:$0x1D000] =	vst v63  }
0x127: {  	_ =	swait.ge [sflag:s31], $0x4000  }
0x128: {  	[sflag:s31] =	ssyncset.done $0x0  }
0x129: {  	s14 =	rddreg [dreg:$0xf];
	[sflag:s31] =	ssyncadd.s32 $0xFFFFC000  }
0x12a: {  	[spmem:s3] =	stream.indirect.scatter.add.f32 [tilespmem:s28], [sflag:$0x4], $0x80, s14, s26, $0xb8;
	[tilespmem:$0x1D000] =	vst v63  }
0x12b: {  	_ =	swait.ge [sflag:s2], $0x4000  }
0x12c: {  	[sflag:s2] =	ssyncset.done $0x0  }
0x12d: {  	s14 =	rddreg [dreg:$0x10];
	[sflag:s2] =	ssyncadd.s32 $0xFFFFC000  }
0x12e: {  	[tilespmem:s28], [sflag:$0x2] =	stream.indirect.gather [hbm4b:s5+s26], $0x80, s14, s26, $0xb8;
	[tilespmem:$0x1D000] =	vst v63  }
0x12f: {  	_ =	swait.ge [sflag:s29], $0x4000  }
0x130: {  	[sflag:s29] =	ssyncset.done $0x0  }
0x131: {  	s14 =	rddreg [dreg:$0x11];
	[sflag:s29] =	ssyncadd.s32 $0xFFFFC000  }
0x132: {  	[spmem:s3] =	stream.indirect.scatter.add.f32 [tilespmem:s20], [sflag:$0x3], $0x80, s14, s26, $0xb8;
	[tilespmem:$0x1D000] =	vst v63  }
0x133: {  	_ =	swait.ge [sflag:s31], $0x4000  }
0x134: {  	[sflag:s31] =	ssyncset.done $0x0  }
0x135: {  	s14 =	rddreg [dreg:$0x12];
	[sflag:s31] =	ssyncadd.s32 $0xFFFFC000  }
0x136: {  	[spmem:s3] =	stream.indirect.scatter.add.f32 [tilespmem:s28], [sflag:$0x4], $0x80, s14, s26, $0xb8;
	[tilespmem:$0x1D000] =	vst v63  }
0x137: {  	_ =	swait.ge [sflag:s30], $0x4000  }
0x138: {  	[sflag:s30] =	ssyncset.done $0x0  }
0x139: {  	[sflag:s30] =	ssyncadd.s32 $0xFFFFC000  }
0x13a: {  	_ =	swait.ge [sflag:s2], $0x4000  }
0x13b: {  	[sflag:s2] =	ssyncset.done $0x0  }
0x13c: {  	[sflag:s2] =	ssyncadd.s32 $0xFFFFC000  }
0x13d: {  	_ =	swait.ge [sflag:s0], $0x400  }
0x13e: {  	[sflag:s0] =	ssyncset.done $0x0  }
0x13f: {  	s13 =	smov.u32 s10;
	[sflag:s0] =	ssyncadd.s32 $0xFFFFFC00  }
0x140: {  	s13 =	smin.u32 s13, $0x38;
	_ =	swait.ge [sflag:s7], $0x400  }
0x141: {  	s13 =	sshll.u32 s13, $0x7;
	s14 =	rddreg [dreg:$0x4]  }
0x142: {  	s13 =	sadd.s32 s13, s14  }
0x143: {  	[sflag:s7] =	ssyncset.done $0x0;
	s13 =	sshrl.u32 s13, $0x3  }
0x144: {  	[sflag:s7] =	ssyncadd.s32 $0xFFFFFC00;
	s14 =	sadd.s32 s6, s13  }
0x145: {  	[tilespmem:s18], [sflag:$0x5] =	stream.linear.gather [hbm4b:s14+s4], $0x400, $0x38;
	[tilespmem:$0x1D000] =	vst v63  }
0x146: {  	s13 =	sadd.s32 s1, s13  }
0x147: {  	[tilespmem:s19], [sflag:$0x6] =	stream.linear.gather [hbm4b:s13+s4], $0x400, $0x38;
	[tilespmem:$0x1D000] =	vst v63  }
0x148: {  	_ = 	snop  }
0x149: {  	[tilespmem:s20], [sflag:$0x1] =	stream.indirect.gather [hbm4b:s5+s26], $0x80, s24, s26, $0xb8;
	[tilespmem:$0x1D000] =	vst v63  }
0x14a: {  	s14 =	rddreg [dreg:$0x13]  }
0x14b: {  	[tilespmem:s28], [sflag:$0x2] =	stream.indirect.gather [hbm4b:s5+s26], $0x80, s14, s26, $0xb8;
	[tilespmem:$0x1D000] =	vst v63  }
0x14c: {  	_ =	swait.ge [sflag:s29], $0x4000  }
0x14d: {  	[sflag:s29] =	ssyncset.done $0x0  }
0x14e: {  	[sflag:s29] =	ssyncadd.s32 $0xFFFFC000  }
0x14f: {  	[spmem:s3] =	stream.indirect.scatter.add.f32 [tilespmem:s20], [sflag:$0x3], $0x80, s25, s26, $0xb8;
	[tilespmem:$0x1D000] =	vst v63  }
0x150: {  	_ =	swait.ge [sflag:s30], $0x4000  }
0x151: {  	[sflag:s30] =	ssyncset.done $0x0  }
0x152: {  	s14 =	rddreg [dreg:$0x14];
	[sflag:s30] =	ssyncadd.s32 $0xFFFFC000  }
0x153: {  	[tilespmem:s20], [sflag:$0x1] =	stream.indirect.gather [hbm4b:s5+s26], $0x80, s14, s26, $0xb8;
	[tilespmem:$0x1D000] =	vst v63  }
0x154: {  	_ =	swait.ge [sflag:s31], $0x4000  }
0x155: {  	[sflag:s31] =	ssyncset.done $0x0  }
0x156: {  	s14 =	rddreg [dreg:$0x15];
	[sflag:s31] =	ssyncadd.s32 $0xFFFFC000  }
0x157: {  	[spmem:s3] =	stream.indirect.scatter.add.f32 [tilespmem:s28], [sflag:$0x4], $0x80, s14, s26, $0xb8;
	[tilespmem:$0x1D000] =	vst v63  }
0x158: {  	_ =	swait.ge [sflag:s2], $0x4000  }
0x159: {  	[sflag:s2] =	ssyncset.done $0x0  }
0x15a: {  	s14 =	rddreg [dreg:$0x16];
	[sflag:s2] =	ssyncadd.s32 $0xFFFFC000  }
0x15b: {  	[tilespmem:s28], [sflag:$0x2] =	stream.indirect.gather [hbm4b:s5+s26], $0x80, s14, s26, $0xb8;
	[tilespmem:$0x1D000] =	vst v63  }
0x15c: {  	_ =	swait.ge [sflag:s29], $0x4000  }
0x15d: {  	[sflag:s29] =	ssyncset.done $0x0  }
0x15e: {  	s14 =	rddreg [dreg:$0x17];
	[sflag:s29] =	ssyncadd.s32 $0xFFFFC000  }
0x15f: {  	[spmem:s3] =	stream.indirect.scatter.add.f32 [tilespmem:s20], [sflag:$0x3], $0x80, s14, s26, $0xb8;
	[tilespmem:$0x1D000] =	vst v63  }
0x160: {  	_ =	swait.ge [sflag:s30], $0x4000  }
0x161: {  	[sflag:s30] =	ssyncset.done $0x0  }
0x162: {  	s14 =	rddreg [dreg:$0x18];
	[sflag:s30] =	ssyncadd.s32 $0xFFFFC000  }
0x163: {  	[tilespmem:s20], [sflag:$0x1] =	stream.indirect.gather [hbm4b:s5+s26], $0x80, s14, s26, $0xb8;
	[tilespmem:$0x1D000] =	vst v63  }
0x164: {  	_ =	swait.ge [sflag:s31], $0x4000  }
0x165: {  	[sflag:s31] =	ssyncset.done $0x0  }
0x166: {  	s14 =	rddreg [dreg:$0x19];
	[sflag:s31] =	ssyncadd.s32 $0xFFFFC000  }
0x167: {  	[spmem:s3] =	stream.indirect.scatter.add.f32 [tilespmem:s28], [sflag:$0x4], $0x80, s14, s26, $0xb8;
	[tilespmem:$0x1D000] =	vst v63  }
0x168: {  	_ =	swait.ge [sflag:s2], $0x4000  }
0x169: {  	[sflag:s2] =	ssyncset.done $0x0  }
0x16a: {  	s14 =	rddreg [dreg:$0x1a];
	[sflag:s2] =	ssyncadd.s32 $0xFFFFC000  }
0x16b: {  	[tilespmem:s28], [sflag:$0x2] =	stream.indirect.gather [hbm4b:s5+s26], $0x80, s14, s26, $0xb8;
	[tilespmem:$0x1D000] =	vst v63  }
0x16c: {  	_ =	swait.ge [sflag:s29], $0x4000  }
0x16d: {  	[sflag:s29] =	ssyncset.done $0x0  }
0x16e: {  	s14 =	rddreg [dreg:$0x1b];
	[sflag:s29] =	ssyncadd.s32 $0xFFFFC000  }
0x16f: {  	[spmem:s3] =	stream.indirect.scatter.add.f32 [tilespmem:s20], [sflag:$0x3], $0x80, s14, s26, $0xb8;
	[tilespmem:$0x1D000] =	vst v63  }
0x170: {  	_ =	swait.ge [sflag:s30], $0x4000  }
0x171: {  	[sflag:s30] =	ssyncset.done $0x0  }
0x172: {  	s14 =	rddreg [dreg:$0x1c];
	[sflag:s30] =	ssyncadd.s32 $0xFFFFC000  }
0x173: {  	[tilespmem:s20], [sflag:$0x1] =	stream.indirect.gather [hbm4b:s5+s26], $0x80, s14, s26, $0xb8;
	[tilespmem:$0x1D000] =	vst v63  }
0x174: {  	_ =	swait.ge [sflag:s31], $0x4000  }
0x175: {  	[sflag:s31] =	ssyncset.done $0x0  }
0x176: {  	s14 =	rddreg [dreg:$0x1d];
	[sflag:s31] =	ssyncadd.s32 $0xFFFFC000  }
0x177: {  	[spmem:s3] =	stream.indirect.scatter.add.f32 [tilespmem:s28], [sflag:$0x4], $0x80, s14, s26, $0xb8;
	[tilespmem:$0x1D000] =	vst v63  }
0x178: {  	_ =	swait.ge [sflag:s2], $0x4000  }
0x179: {  	[sflag:s2] =	ssyncset.done $0x0  }
0x17a: {  	s14 =	rddreg [dreg:$0x1e];
	[sflag:s2] =	ssyncadd.s32 $0xFFFFC000  }
0x17b: {  	[tilespmem:s28], [sflag:$0x2] =	stream.indirect.gather [hbm4b:s5+s26], $0x80, s14, s26, $0xb8;
	[tilespmem:$0x1D000] =	vst v63  }
0x17c: {  	_ =	swait.ge [sflag:s29], $0x4000  }
0x17d: {  	[sflag:s29] =	ssyncset.done $0x0  }
0x17e: {  	s14 =	rddreg [dreg:$0x1f];
	[sflag:s29] =	ssyncadd.s32 $0xFFFFC000  }
0x17f: {  	[spmem:s3] =	stream.indirect.scatter.add.f32 [tilespmem:s20], [sflag:$0x3], $0x80, s14, s26, $0xb8;
	[tilespmem:$0x1D000] =	vst v63  }
0x180: {  	_ =	swait.ge [sflag:s31], $0x4000  }
0x181: {  	s14 =	sld [smem:$0x7FD]  }
0x182: {  	[sflag:s31] =	ssyncset.done $0x0  }
0x183: {  	[sflag:s31] =	ssyncadd.s32 $0xFFFFC000  }
0x184: {  	[spmem:s3] =	stream.indirect.scatter.add.f32 [tilespmem:s28], [sflag:$0x4], $0x80, s14, s26, $0xb8;
	[tilespmem:$0x1D000] =	vst v63  }
0x185: {  	_ =	swait.ge [sflag:s30], $0x4000  }
0x186: {  	[sflag:s30] =	ssyncset.done $0x0  }
0x187: {  	[sflag:s30] =	ssyncadd.s32 $0xFFFFC000  }
0x188: {  	_ =	swait.ge [sflag:s2], $0x4000  }
0x189: {  	[sflag:s2] =	ssyncset.done $0x0  }
0x18a: {  	p0 =	sne.s32 s10, $0x40;
	[sflag:s2] =	ssyncadd.s32 $0xFFFFC000  }
.Ltmp1:
0x18b: {  	_ =	swait.ge [sflag:s22], $0x400;
	(pc) =	sbr.rel @p0 .LBB2_4-.Ltmp1, $4  }
0x18c: {  	[sflag:s22] =	ssyncset.done $0x0  }
0x18d: {  	[sflag:s22] =	ssyncadd.s32 $0xFFFFFC00  }
0x18e: {  	_ =	swait.ge [sflag:s23], $0x400  }
0x18f: {  	s10 =	sadd.s32 $0x10, s10;
	[sflag:s23] =	ssyncset.done $0x0  }
0x190: {  	[sflag:s23] =	ssyncadd.s32 $0xFFFFFC00  }
0x191: {  	[bflag:$0x0] =	sbarrier.arrive $0xFFFF  }
0x192: {  	s10 =	stileid.u32;
	s8 =	sadd.s32 $0x1, s8;
	s14 =	sld [smem:$0x7FC]  }
0x193: {  	s10 =	sshll.u32 s10, $0x6;
	p0 =	sne.s32 s8, s15  }
.Ltmp2:
0x194: {  	s13 =	sshrl.u32 s9, $0x3;
	s10 =	sor.u32 $0x1C09, s10;
	(pc) =	sbr.rel @p0 .LBB2_1-.Ltmp2, $4  }
0x195: {  	[hbm:s14], [sflag:s10] =	dma.local [spmem:s13], $0x2800  }
0x196: {  	_ =	swait.ge [sflag:s21], $0x2800  }
0x197: {  	[sflag:s21] =	ssyncset.done $0x0  }
0x198: {  	[sflag:s21] =	ssyncadd.s32 $0xFFFFD800  }
0x199: {  	_ =	sfence.sel $0x180000  }
0x19a: {  	[bflag:$0x0] =	sbarrier.arrive $0xFFFF  }
0x19b: {  	_ =	strace $0x9000004A  }
0x19c: {  	s0 =	stileid.u32;
	[bflag:$0x2] =	sbarrier.arrive $0xFFFF  }
0x19d: {  	p0 =	sne.s32 s0, $0x0;
	s0 =	rddreg [dreg:$0x3]  }
0x19e: {  	s0 =	sadd.s32 @!p0 $0x100000, s0  }
0x19f: {  	[sflag:s0] =	ssyncadd.tile.s32 @!p0 $0x1;
	_ =	shalt  }
.Lfunc_end2:
_tile_overlayer_lowered:
.L_overlay_start_2:
0x1a0: {  	(tag) =	ssettag $0x2  }
0x1a1: {  	s0 =	rddreg [dreg:$0x0];
	s2 =	stileid.u32  }
0x1a2: {  	s1 =	rddreg [dreg:$0x1];
	p0 =	sne.s32 s2, $0x0  }
0x1a3: {  	s3 =	rddreg [dreg:$0x2];
	[bflag:$0x3] =	sbarrier.arrive $0xFFFF;
	s2 =	simm.s32 @!p0 $0x1C09  }
0x1a4: {  	[timem:s3], [sflag:s2] =	dma.local @!p0 [hbm:s0], s1  }
0x1a5: {  	s0 =	simm.s32 @!p0 $0x9  }
0x1a6: {  	_ =	swait.ge @!p0 [sflag:s0], s1  }
0x1a7: {  	s1 =	ssub.s32 @!p0 $0x0, s1;
	[sflag:s0] =	ssyncset.done @!p0 $0x0  }
0x1a8: {  	[sflag:s0] =	ssyncadd.s32 @!p0 s1  }
0x1a9: {  	[bflag:$0x3] =	sbarrier.arrive $0xFFFF  }
0x1aa: {  	_ =	shalt  }

// kernel: kernel.15.cloned.1.call-start
scs
__scs_entry_jumppad:
0x0: {  	(pc) =	sbr.rel $0x88, $3  }
0x1: {  	(tag) =	ssettag $0x0;
	lr =	simm.s32 $0x1  }
0x2: {  	[smem:$0x3F99] =	sst lr;
	_ =	strace $0xD0000000  }
0x3: {  	_ = 	snop  }
0x4: {  	_ = 	snop  }
0x5: {  	_ = 	snop  }
0x6: {  	_ = 	snop  }
0x7: {  	_ = 	snop  }
__scs_overlays_trampoline_lowered:
0x8: {  	[smem:$0x3FA8] =	sst s0  }
0x9: {  	[smem:$0x3FA9] =	sst s1  }
0xa: {  	[smem:$0x3FAA] =	sst s2  }
0xb: {  	[smem:$0x3FAB] =	sst s3  }
0xc: {  	[smem:$0x3FAC] =	sst s4  }
0xd: {  	[smem:$0x3FAD] =	sst s5  }
0xe: {  	[smem:$0x3FAE] =	sst s6  }
0xf: {  	[smem:$0x3FAF] =	sst s7  }
0x10: {  	[smem:$0x3FB0] =	sst s8  }
0x11: {  	[smem:$0x3FB1] =	sst s9;
	s0 =	simm.s32 @!p0 $0x0  }
0x12: {  	s1 =	sld [smem:$0x3F97];
	s0 =	simm.s32 @p0 $0x1  }
0x13: {  	[smem:$0x3FB2] =	sst s0;
	s0 =	simm.s32 @!p1 $0x0  }
0x14: {  	s2 =	sld [smem:$0x3F96];
	s0 =	simm.s32 @p1 $0x1  }
0x15: {  	[smem:$0x3FB3] =	sst s0;
	s0 =	simm.s32 @!p2 $0x0  }
0x16: {  	s3 =	sld [smem:$0x3FDB];
	s0 =	simm.s32 @p2 $0x1  }
0x17: {  	s4 =	simm.s32 $0x1BF5;
	[smem:$0x3FB5] =	sst s0  }
0x18: {  	s0 =	sld [smem:$0x3F98];
	_ =	swait.ge [sflag:s4], $0x0  }
0x19: {  	s7 =	sld [smem:$0x3F99]  }
0x1a: {  	s8 =	sadd.s32 $0xFFFFE003, lr  }
0x1b: {  	s9 =	sadd.s32 $0xFFFFFEF7, lr;
	s5 =	simm.s32 $0xFFFFFFFF;
	p2 =	slt.u32 s8, $0xFFFFF086  }
0x1c: {  	p1 =	slt.u32 s9, $0xF7A;
	s5 =	simm.s32 @!p2 $0x0  }
0x1d: {  	s5 =	simm.s32 @p1 $0x1;
	p0 =	seq.s32 s7, s2  }
0x1e: {  	s7 =	smul.u32 @!p0 $0xF7A, s2;
	p2 =	seq.s32 @!p0 s5, $0x0  }
0x1f: {  	s9 =	smul.u32 $0xF7A, s1;
	s8 =	simm.s32 @!p0 $0x1BF5;
	p2 =	por !p2, p0  }
0x20: {  	[sflag:s8] =	ssyncset.s32 @!p0 $0xFFFFF086;
	s6 =	sadd.s32 @!p0 s3, s7;
	s7 =	simm.s32 @!p0 $0x108  }
0x21: {  	s3 =	sadd.s32 s3, s9;
	s6 =	sadd.s32 @!p0 $0x88, s6;
	s7 =	simm.s32 @p2 $0x1082  }
0x22: {  	[simem:s7], [sflag:s8] =	dma.local @!p0 [hbm:s6], $0xF7A  }
0x23: {  	s9 =	sor.u32 $0xD0000000, s2;
	s6 =	simm.s32 $0x108;
	_ =	swait.ge @!p0 [sflag:s8], $0x0  }
0x24: {  	s3 =	sadd.s32 $0x88, s3;
	s6 =	simm.s32 @!p1 $0x1082;
	[sflag:s4] =	ssyncset.s32 $0xFFFFF086  }
0x25: {  	[simem:s6], [sflag:s4] =	dma.local [hbm:s3], $0xF7A  }
0x26: {  	[smem:$0x3F99] =	sst s1;
	(tag) =	ssettag s2;
	_ =	strace s9  }
0x27: {  	s1 =	sld [smem:$0x3FA9]  }
0x28: {  	s2 =	sld [smem:$0x3FAA]  }
0x29: {  	s4 =	sld [smem:$0x3FAC]  }
0x2a: {  	p0 =	seq.s32 s5, $0x0;
	s5 =	sld [smem:$0x3FAD]  }
0x2b: {  	s6 =	sld [smem:$0x3FAE]  }
0x2c: {  	s7 =	sld [smem:$0x3FAF]  }
0x2d: {  	s3 =	simm.s32 $0x108;
	s8 =	sld [smem:$0x3FB0]  }
0x2e: {  	s3 =	simm.s32 @!p0 $0x1082;
	s9 =	sld [smem:$0x3FB1]  }
0x2f: {  	lr =	sadd.s32 s0, s3;
	s0 =	sld [smem:$0x3FA8]  }
0x30: {  	s3 =	sld [smem:$0x3FAB]  }
0x31: {  	[smem:$0x3FB4] =	sst s10  }
0x32: {  	s10 =	sld [smem:$0x3FB2];
	_ =	sdelay $0x3  }
0x33: {  	p0 =	seq.s32 s10, $0x1;
	s10 =	sld [smem:$0x3FB4];
	_ =	sdelay $0x3  }
0x34: {  	[smem:$0x3FB4] =	sst s10  }
0x35: {  	s10 =	sld [smem:$0x3FB3];
	_ =	sdelay $0x3  }
0x36: {  	p1 =	seq.s32 s10, $0x1;
	s10 =	sld [smem:$0x3FB4];
	_ =	sdelay $0x3  }
0x37: {  	[smem:$0x3FB4] =	sst s10  }
0x38: {  	s10 =	sld [smem:$0x3FB5]  }
0x39: {  	_ = 	snop;
	(pc) =	sbr.ind lr, $3  }
0x3a: {  	_ = 	snop  }
0x3b: {  	_ = 	snop  }
0x3c: {  	p2 =	seq.s32 s10, $0x1;
	s10 =	sld [smem:$0x3FB4]  }
0x3d: {  	_ =	shalt  }
0x3e: {  	_ =	shalt  }
0x3f: {  	_ =	shalt  }
0x40: {  	_ =	shalt  }
0x41: {  	_ =	shalt  }
0x42: {  	_ =	shalt  }
0x43: {  	_ =	shalt  }
0x44: {  	_ =	shalt  }
0x45: {  	_ =	shalt  }
0x46: {  	_ =	shalt  }
0x47: {  	_ =	shalt  }
0x48: {  	_ =	shalt  }
0x49: {  	_ =	shalt  }
0x4a: {  	_ =	shalt  }
0x4b: {  	_ =	shalt  }
0x4c: {  	_ =	shalt  }
0x4d: {  	_ =	shalt  }
0x4e: {  	_ =	shalt  }
0x4f: {  	_ =	shalt  }
0x50: {  	_ =	shalt  }
0x51: {  	_ =	shalt  }
0x52: {  	_ =	shalt  }
0x53: {  	_ =	shalt  }
0x54: {  	_ =	shalt  }
0x55: {  	_ =	shalt  }
0x56: {  	_ =	shalt  }
0x57: {  	_ =	shalt  }
0x58: {  	_ =	shalt  }
0x59: {  	_ =	shalt  }
0x5a: {  	_ =	shalt  }
0x5b: {  	_ =	shalt  }
0x5c: {  	_ =	shalt  }
0x5d: {  	_ =	shalt  }
0x5e: {  	_ =	shalt  }
0x5f: {  	_ =	shalt  }
0x60: {  	_ =	shalt  }
0x61: {  	_ =	shalt  }
0x62: {  	_ =	shalt  }
0x63: {  	_ =	shalt  }
0x64: {  	_ =	shalt  }
0x65: {  	_ =	shalt  }
0x66: {  	_ =	shalt  }
0x67: {  	_ =	shalt  }
0x68: {  	_ =	shalt  }
0x69: {  	_ =	shalt  }
0x6a: {  	_ =	shalt  }
0x6b: {  	_ =	shalt  }
0x6c: {  	_ =	shalt  }
0x6d: {  	_ =	shalt  }
0x6e: {  	_ =	shalt  }
0x6f: {  	_ =	shalt  }
0x70: {  	_ =	shalt  }
0x71: {  	_ =	shalt  }
0x72: {  	_ =	shalt  }
0x73: {  	_ =	shalt  }
0x74: {  	_ =	shalt  }
0x75: {  	_ =	shalt  }
0x76: {  	_ =	shalt  }
0x77: {  	_ =	shalt  }
0x78: {  	_ =	shalt  }
0x79: {  	_ =	shalt  }
0x7a: {  	_ =	shalt  }
0x7b: {  	_ =	shalt  }
0x7c: {  	_ =	shalt  }
0x7d: {  	_ =	shalt  }
0x7e: {  	_ =	shalt  }
0x7f: {  	_ =	shalt  }
0x80: {  	_ =	shalt  }
0x81: {  	_ =	shalt  }
0x82: {  	_ =	shalt  }
0x83: {  	_ =	shalt  }
0x84: {  	_ =	shalt  }
0x85: {  	_ =	shalt  }
0x86: {  	_ =	shalt  }
0x87: {  	_ =	shalt  }
.Lfunc_end0:
.L_simem_size_0:
called_computation.2_lowered:
.L_overlay_start_0:
0x88: {  	s2 =	sld [smem:$0x3FD9]  }
0x89: {  	s3 =	sld [smem:$0x3FFE];
	_ =	sdelay $0x1  }
0x8a: {  	s1 =	srdreg.scid  }
0x8b: {  	s0 =	sand.u32 $0x1, s1  }
0x8c: {  	s17 =	sshll.u32 s0, $0xA;
	s2 =	sadd.s32 s3, s2  }
0x8d: {  	s2 =	sadd.s32 s2, s17  }
0x8e: {  	[smem:$0x3FC0] =	sst s2  }
0x8f: {  	_ = 	snop  }
0x90: {  	s2 =	sld [smem:$0x3FD0];
	(tm) =	ssettm $0x1  }
0x91: {  	s18 =	sld [smem:$0x3FFB];
	_ =	sdelay $0x3  }
0x92: {  	_ =	strace s18  }
0x93: {  	s3 =	sld [smem:$0x3FFC];
	_ =	sdelay $0x3  }
0x94: {  	_ =	strace s3  }
0x95: {  	s3 =	sld [smem:$0x3FFD];
	_ =	sdelay $0x3  }
0x96: {  	_ =	strace s3  }
0x97: {  	_ =	strace $0x8FFFFFFF  }
0x98: {  	s19 =	sld [smem:$0x3FDB];
	_ =	sdelay $0x1  }
0x99: {  	s4 =	simm.s32 $_scs_section_size  }
0x9a: {  	s5 =	simm.s32 $_size__tile_overlayer_lowered;
	s6 =	simm.s32 $_tile_overlayer_lowered  }
0x9b: {  	s22 =	simm.s32 $0x1BFF;
	s21 =	sshll.u32 s6, $0x1;
	s3 =	sadd.s32 s4, s19  }
0x9c: {  	s7 =	simm.s32 $0x0;
	s20 =	sshll.u32 s5, $0x1;
	s5 =	sadd.s32 s21, s3  }
0x9d: {  	[timem:s7], [sflag:s22] =	dma.local [hbm:s5], s20  }
0x9e: {  	_ =	swait.ge [sflag:s22], s20  }
0x9f: {  	s4 =	ssub.s32 $0x0, s20;
	[sflag:s22] =	ssyncset.done $0x0  }
0xa0: {  	[sflag:s22] =	ssyncadd.s32 s4;
	_ =	sdelay $0x1  }
0xa1: {  	s23 =	simm.s32 $0x1B8B  }
0xa2: {  	_ =	swait.ge [sflag:s23], $0x1  }
0xa3: {  	[sflag:s23] =	ssyncset.done $0x0  }
0xa4: {  	s25 =	simm.s32 $0x1B8E;
	s24 =	sld [smem:$0x3FFE];
	[sflag:s23] =	ssyncadd.s32 $0xFFFFFFFF  }
0xa5: {  	s26 =	simm.s32 $execute0_lowered;
	[smem:$0x3FD2] =	sst s25  }
0xa6: {  	s5 =	sshll.u32 s26, $0x1;
	_ =	strace $0x8000004C;
	[dreg:$0x1] =	wrdreg $0xFFFFFFFF  }
0xa7: {  	s28 =	simm.s32 $_size_execute0_lowered;
	s3 =	sadd.s32 s3, s5;
	[dreg:$0x0] =	wrdreg $0x0  }
0xa8: {  	s5 =	sshll.u32 s28, $0x1;
	[dreg:$0x2] =	wrdreg s3  }
0xa9: {  	[dreg:$0x3] =	wrdreg s5  }
0xaa: {  	[dreg:$0x4] =	wrdreg $0xC0  }
0xab: {  	_ =	task [dreg:s7], $0x5FFFF  }
0xac: {  	[dreg:$0x1] =	wrdreg $0xFFFFFFFF  }
0xad: {  	[dreg:$0x0] =	wrdreg $0x60  }
0xae: {  	[dreg:$0x2] =	wrdreg s24  }
0xaf: {  	[dreg:$0x3] =	wrdreg s2  }
0xb0: {  	[dreg:$0x4] =	wrdreg $0x0  }
0xb1: {  	[dreg:$0x5] =	wrdreg $0x9  }
0xb2: {  	_ =	task.clear_ibuf [dreg:s7], $0x6FFFF;
	_ =	strace $0x9000004C  }
0xb3: {  	s29 =	simm.s32 $0x9;
	_ =	strace $0x8000004E  }
0xb4: {  	_ =	swait.ge [sflag:s29], $0x1  }
0xb5: {  	[sflag:s29] =	ssyncadd.s32 $0xFFFFFFFF  }
0xb6: {  	_ =	strace $0x9000004E  }
0xb7: {  	_ =	sfence  }
0xb8: {  	s30 =	sld [smem:$0x0];
	_ =	sdelay $0x2  }
0xb9: {  	s31 =	sshll.u32 s1, $0xD;
	s1 =	sshrl.u32 s1, $0x2  }
0xba: {  	s3 =	sand.u32 $0x4000, s31;
	s1 =	sadd.s32 s1, s30  }
0xbb: {  	s0 =	sor.u32 s3, s0;
	s1 =	sshll.u32 s1, $0x11  }
0xbc: {  	s0 =	sor.u32 s1, s0  }
0xbd: {  	s0 =	sadd.s32 $0x8F2B, s0  }
0xbe: {  	[sflag:s0] =	ssyncadd.remote.s32 $0x1  }
0xbf: {  	_ =	sfence.sel $0xFFFF  }
0xc0: {  	[dreg:$0x0] =	wrdreg $0xFFFFFFFF;
	(pc) =	sbr.abs _section_cstart, $3  }
0xc1: {  	[dreg:$0x1] =	wrdreg $0xFFFFFFFF  }
0xc2: {  	_ =	task.clear_ibuf [dreg:s7], $0x2FFFF;
	_ =	strace $0x9FFFFFFF  }
0xc3: {  	(tm) =	ssettm $0x7FFFFFFF  }
tec
execute0_lowered:
.L_overlay_start_1:
0x0: {  	(tag) =	ssettag $0x1  }
0x1: {  	s0 =	rddreg [dreg:$0x0]  }
0x2: {  	s2 =	srdreg.scid;
	s1 =	rddreg [dreg:$0x1]  }
0x3: {  	s11 =	stileid.u32;
	s3 =	rddreg [dreg:$0x2];
	s4 =	simm.s32 $0x0  }
0x4: {  	s23 =	simm.s32 $0x14080;
	s24 =	simm.s32 $0x14100;
	[smem:$0x7FF] =	sst s4  }
0x5: {  	s25 =	simm.s32 $0x14880;
	_ =	strace $0x8000004D;
	[dreg:$0x5] =	wrdreg s23  }
0x6: {  	s26 =	simm.s32 $0x14180;
	s13 =	simm.s32 $0x14900;
	[dreg:$0x6] =	wrdreg s24  }
0x7: {  	s15 =	simm.s32 $0x14200;
	s16 =	simm.s32 $0x14980;
	[dreg:$0x7] =	wrdreg s25  }
0x8: {  	s18 =	simm.s32 $0x14280;
	s19 =	simm.s32 $0x14A00;
	[dreg:$0x8] =	wrdreg s26  }
0x9: {  	s20 =	simm.s32 $0x14300;
	s28 =	simm.s32 $0x19000;
	[dreg:$0x9] =	wrdreg s13  }
0xa: {  	s29 =	simm.s32 $0x1;
	s30 =	simm.s32 $0x3;
	[dreg:$0xa] =	wrdreg s15  }
0xb: {  	s31 =	simm.s32 $0x2;
	s6 =	smul.u32 $0x14000, s11;
	[dreg:$0xb] =	wrdreg s16  }
0xc: {  	s2 =	sand.u32 $0x1, s2;
	s14 =	smul.u32 $0x50000, s11;
	[dreg:$0xc] =	wrdreg s18  }
0xd: {  	s5 =	smul.u32 $0x140000, s2;
	s7 =	sshll.u32 s2, $0x4;
	[dreg:$0xd] =	wrdreg s19  }
0xe: {  	s9 =	ssub.s32 $0x2, s2;
	[dreg:$0xe] =	wrdreg s20;
	s24 =	simm.s32 $0x14380  }
0xf: {  	s26 =	simm.s32 $0x14B00;
	s2 =	smul.u32 $0x28000, s2;
	[dreg:$0x10] =	wrdreg s24  }
0x10: {  	s13 =	simm.s32 $0x14500;
	s16 =	simm.s32 $0x14580;
	[dreg:$0x11] =	wrdreg s26  }
0x11: {  	s18 =	simm.s32 $0x14600;
	s19 =	simm.s32 $0x14D80;
	[dreg:$0x14] =	wrdreg s13  }
0x12: {  	s20 =	simm.s32 $0x14680;
	s7 =	sor.u32 s11, s7;
	[dreg:$0x16] =	wrdreg s16  }
0x13: {  	s10 =	sshrl.u32 s9, $0x1;
	s17 =	sshrl.u32 s14, $0x2;
	[dreg:$0x18] =	wrdreg s18  }
0x14: {  	s14 =	simm.s32 $0x14C80;
	[dreg:$0x19] =	wrdreg s19;
	s18 =	simm.s32 $0x14000  }
0x15: {  	[dreg:$0x1a] =	wrdreg s20;
	s19 =	simm.s32 $0x14800;
	s20 =	simm.s32 $0x15000  }
0x16: {  	s24 =	simm.s32 $0x14780;
	s26 =	simm.s32 $0x14F80;
	[dreg:$0x15] =	wrdreg s14  }
0x17: {  	s6 =	sadd.s32 s6, s5;
	s10 =	ssub.s32 s9, s10;
	[dreg:$0x1e] =	wrdreg s24  }
0x18: {  	s9 =	sadd.s32 s17, s3;
	s17 =	simm.s32 $0x14D00;
	[smem:$0x7FD] =	sst s26  }
0x19: {  	s7 =	smul.u32 $0x2800, s7;
	s21 =	sadd.s32 $0x8000, s9;
	[dreg:$0x17] =	wrdreg s17  }
0x1a: {  	s5 =	sadd.s32 $0x2400, s0;
	s23 =	sadd.s32 $0xC000, s9;
	[smem:$0x7F9] =	sst s21  }
0x1b: {  	s8 =	sshrl.u32 s6, $0x3;
	s25 =	sadd.s32 $0x10000, s9;
	[smem:$0x7FA] =	sst s23  }
0x1c: {  	s6 =	sadd.s32 $0x52400, s0;
	s22 =	sadd.s32 $0x800, s7;
	[smem:$0x7FB] =	sst s25  }
0x1d: {  	s0 =	sadd.s32 s8, s0;
	s8 =	sadd.s32 $0x4000, s9;
	[dreg:$0x4] =	wrdreg s22  }
0x1e: {  	s24 =	simm.s32 $0x14400;
	s21 =	simm.s32 $0x14E00;
	[smem:$0x7F8] =	sst s8  }
0x1f: {  	s26 =	simm.s32 $0x80;
	s23 =	simm.s32 $0x14E80;
	[dreg:$0x1b] =	wrdreg s21  }
0x20: {  	s7 =	sshrl.u32 s7, $0x3;
	s25 =	simm.s32 $0x14F00;
	[dreg:$0x1d] =	wrdreg s23  }
0x21: {  	s15 =	smax.u32 s10, $0x1;
	s12 =	sadd.s32 s6, s7;
	[dreg:$0x1f] =	wrdreg s25  }
0x22: {  	s7 =	sadd.s32 s1, s7;
	s22 =	simm.s32 $0x14A80;
	[smem:$0x7F6] =	sst s12  }
0x23: {  	s0 =	sadd.s32 $0x5C400, s0;
	s8 =	simm.s32 $0x14480;
	[smem:$0x7F7] =	sst s7  }
0x24: {  	s21 =	simm.s32 $0x9;
	s23 =	simm.s32 $0x6;
	[dreg:$0xf] =	wrdreg s22  }
0x25: {  	s25 =	simm.s32 $0x14C00;
	[smem:$0x7FC] =	sst s0;
	s12 =	smul.u32 $0x2800, s11  }
0x26: {  	s7 =	simm.s32 $0x14B80;
	[dreg:$0x13] =	wrdreg s8;
	s22 =	simm.s32 $0x14700  }
0x27: {  	s0 =	simm.s32 $0x7;
	[dreg:$0x12] =	wrdreg s7;
	s2 =	sadd.s32 s12, s2  }
0x28: {  	s8 =	simm.s32 $0x0;
	[dreg:$0x1c] =	wrdreg s22;
	s2 =	sor.u32 $0x400, s2  }
0x29: {  	s22 =	simm.s32 $0x5;
	s7 =	simm.s32 $0x8;
	s2 =	sshrl.u32 s2, $0x3  }
0x2a: {  	v0 =	vimm.f32 $0.0e+00;
	s11 =	sadd.s32 s2, s1;
	s12 =	sadd.s32 s2, s6;
	s2 =	simm.s32 $0x4  }
.LBB2_1:
0x2b: {  	s10 =	sld [smem:$0x7F6];
	_ =	sdelay $0x1  }
0x2c: {  	s17 =	sld [smem:$0x7F7]  }
0x2d: {  	[tilespmem:s18], [sflag:$0x5] =	stream.linear.gather [hbm4b:s10+s4], $0x400, $0x38;
	[tilespmem:$0x1D000] =	vst v63  }
0x2e: {  	s13 =	simm.s32 $0x200;
	s10 =	simm.s32 $0x0  }
0x2f: {  	[tilespmem:s19], [sflag:$0x6] =	stream.linear.gather [hbm4b:s17+s4], $0x400, $0x38;
	[tilespmem:$0x1D000] =	vst v63  }
.LBB2_2:
0x30: {  	p0 =	sne.s32 s13, $0xFE00;
	[tilespmem:s10+$0x15070] =	vst v0  }
0x31: {  	[tilespmem:s10+$0x15000] =	vst v0  }
0x32: {  	[tilespmem:s10+$0x15010] =	vst v0  }
.Ltmp0:
0x33: {  	[tilespmem:s10+$0x15020] =	vst v0;
	(pc) =	sbr.rel @p0 .LBB2_2-.Ltmp0, $4  }
0x34: {  	[tilespmem:s10+$0x15030] =	vst v0  }
0x35: {  	[tilespmem:s10+$0x15040] =	vst v0  }
0x36: {  	[tilespmem:s10+$0x15050] =	vst v0  }
0x37: {  	[tilespmem:s10+$0x15060] =	vst v0;
	s10 =	sshra.s32 s13, $0x2;
	s13 =	sadd.s32 $0x200, s13  }
0x38: {  	[tilespmem:s10+$0x15070] =	vst v0  }
0x39: {  	[tilespmem:s10+$0x15000] =	vst v0  }
0x3a: {  	[tilespmem:s10+$0x15010] =	vst v0  }
0x3b: {  	[tilespmem:s10+$0x15020] =	vst v0  }
0x3c: {  	[tilespmem:s10+$0x15030] =	vst v0  }
0x3d: {  	[tilespmem:s10+$0x15040] =	vst v0  }
0x3e: {  	[tilespmem:s10+$0x15050] =	vst v0  }
0x3f: {  	[tilespmem:s10+$0x15060] =	vst v0  }
0x40: {  	[spmem:s9] =	stream.linear.scatter [tilespmem:s20], [sflag:$0x9], $0x4000, $0x38;
	[tilespmem:$0x1D000] =	vst v63  }
0x41: {  	_ =	swait.ge [sflag:s21], $0x4000  }
0x42: {  	s14 =	sld [smem:$0x7F8]  }
0x43: {  	[sflag:s21] =	ssyncset.done $0x0  }
0x44: {  	[sflag:s21] =	ssyncadd.s32 $0xFFFFC000  }
0x45: {  	[spmem:s14] =	stream.linear.scatter [tilespmem:s20], [sflag:$0x9], $0x4000, $0x38;
	[tilespmem:$0x1D000] =	vst v63  }
0x46: {  	_ =	swait.ge [sflag:s21], $0x4000  }
0x47: {  	s16 =	sld [smem:$0x7F9]  }
0x48: {  	[sflag:s21] =	ssyncset.done $0x0  }
0x49: {  	[sflag:s21] =	ssyncadd.s32 $0xFFFFC000  }
0x4a: {  	[spmem:s16] =	stream.linear.scatter [tilespmem:s20], [sflag:$0x9], $0x4000, $0x38;
	[tilespmem:$0x1D000] =	vst v63  }
0x4b: {  	_ =	swait.ge [sflag:s21], $0x4000  }
0x4c: {  	s17 =	sld [smem:$0x7FA]  }
0x4d: {  	[sflag:s21] =	ssyncset.done $0x0  }
0x4e: {  	[sflag:s21] =	ssyncadd.s32 $0xFFFFC000  }
0x4f: {  	[spmem:s17] =	stream.linear.scatter [tilespmem:s20], [sflag:$0x9], $0x4000, $0x38;
	[tilespmem:$0x1D000] =	vst v63  }
0x50: {  	_ =	swait.ge [sflag:s21], $0x4000  }
0x51: {  	s13 =	sld [smem:$0x7FB]  }
0x52: {  	[sflag:s21] =	ssyncset.done $0x0  }
0x53: {  	[sflag:s21] =	ssyncadd.s32 $0xFFFFC000  }
0x54: {  	[spmem:s13] =	stream.linear.scatter [tilespmem:s20], [sflag:$0x9], $0x4000, $0x38;
	[tilespmem:$0x1D000] =	vst v63  }
0x55: {  	_ =	swait.ge [sflag:s21], $0x4000  }
0x56: {  	[sflag:s21] =	ssyncset.done $0x0  }
0x57: {  	[sflag:s21] =	ssyncadd.s32 $0xFFFFC000  }
0x58: {  	_ =	swait.ge [sflag:s22], $0x400  }
0x59: {  	[sflag:s22] =	ssyncset.done $0x0  }
0x5a: {  	[sflag:s22] =	ssyncadd.s32 $0xFFFFFC00  }
0x5b: {  	_ =	swait.ge [sflag:s23], $0x400  }
0x5c: {  	[sflag:s23] =	ssyncset.done $0x0  }
0x5d: {  	[sflag:s23] =	ssyncadd.s32 $0xFFFFFC00  }
0x5e: {  	[bflag:$0x0] =	sbarrier.arrive $0xFFFF  }
0x5f: {  	[tilespmem:s24], [sflag:$0x7] =	stream.linear.gather [hbm4b:s12+s4], $0x400, $0x38;
	[tilespmem:$0x1D000] =	vst v63  }
0x60: {  	_ = 	snop  }
0x61: {  	[tilespmem:s25], [sflag:$0x8] =	stream.linear.gather [hbm4b:s11+s4], $0x400, $0x38;
	[tilespmem:$0x1D000] =	vst v63  }
0x62: {  	_ = 	snop  }
0x63: {  	[tilespmem:s20], [sflag:$0x1] =	stream.indirect.gather [hbm4b:s5+s26], $0x80, s18, s26, $0xb8;
	[tilespmem:$0x1D000] =	vst v63  }
0x64: {  	s14 =	rddreg [dreg:$0x5]  }
0x65: {  	[tilespmem:s28], [sflag:$0x2] =	stream.indirect.gather [hbm4b:s5+s26], $0x80, s14, s26, $0xb8;
	[tilespmem:$0x1D000] =	vst v63  }
0x66: {  	_ =	swait.ge [sflag:s29], $0x4000  }
0x67: {  	[sflag:s29] =	ssyncset.done $0x0  }
0x68: {  	[sflag:s29] =	ssyncadd.s32 $0xFFFFC000  }
0x69: {  	[spmem:s3] =	stream.indirect.scatter.add.f32 [tilespmem:s20], [sflag:$0x3], $0x80, s19, s26, $0xb8;
	[tilespmem:$0x1D000] =	vst v63  }
0x6a: {  	_ =	swait.ge [sflag:s30], $0x4000  }
0x6b: {  	[sflag:s30] =	ssyncset.done $0x0  }
0x6c: {  	s16 =	rddreg [dreg:$0x6];
	[sflag:s30] =	ssyncadd.s32 $0xFFFFC000  }
0x6d: {  	[tilespmem:s20], [sflag:$0x1] =	stream.indirect.gather [hbm4b:s5+s26], $0x80, s16, s26, $0xb8;
	[tilespmem:$0x1D000] =	vst v63  }
0x6e: {  	_ =	swait.ge [sflag:s31], $0x4000  }
0x6f: {  	[sflag:s31] =	ssyncset.done $0x0  }
0x70: {  	s17 =	rddreg [dreg:$0x7];
	[sflag:s31] =	ssyncadd.s32 $0xFFFFC000  }
0x71: {  	[spmem:s3] =	stream.indirect.scatter.add.f32 [tilespmem:s28], [sflag:$0x4], $0x80, s17, s26, $0xb8;
	[tilespmem:$0x1D000] =	vst v63  }
0x72: {  	_ =	swait.ge [sflag:s2], $0x4000  }
0x73: {  	[sflag:s2] =	ssyncset.done $0x0  }
0x74: {  	s13 =	rddreg [dreg:$0x8];
	[sflag:s2] =	ssyncadd.s32 $0xFFFFC000  }
0x75: {  	[tilespmem:s28], [sflag:$0x2] =	stream.indirect.gather [hbm4b:s5+s26], $0x80, s13, s26, $0xb8;
	[tilespmem:$0x1D000] =	vst v63  }
0x76: {  	_ =	swait.ge [sflag:s29], $0x4000  }
0x77: {  	[sflag:s29] =	ssyncset.done $0x0  }
0x78: {  	s14 =	rddreg [dreg:$0x9];
	[sflag:s29] =	ssyncadd.s32 $0xFFFFC000  }
0x79: {  	[spmem:s3] =	stream.indirect.scatter.add.f32 [tilespmem:s20], [sflag:$0x3], $0x80, s14, s26, $0xb8;
	[tilespmem:$0x1D000] =	vst v63  }
0x7a: {  	_ =	swait.ge [sflag:s30], $0x4000  }
0x7b: {  	[sflag:s30] =	ssyncset.done $0x0  }
0x7c: {  	s16 =	rddreg [dreg:$0xa];
	[sflag:s30] =	ssyncadd.s32 $0xFFFFC000  }
0x7d: {  	[tilespmem:s20], [sflag:$0x1] =	stream.indirect.gather [hbm4b:s5+s26], $0x80, s16, s26, $0xb8;
	[tilespmem:$0x1D000] =	vst v63  }
0x7e: {  	_ =	swait.ge [sflag:s31], $0x4000  }
0x7f: {  	[sflag:s31] =	ssyncset.done $0x0  }
0x80: {  	s17 =	rddreg [dreg:$0xb];
	[sflag:s31] =	ssyncadd.s32 $0xFFFFC000  }
0x81: {  	[spmem:s3] =	stream.indirect.scatter.add.f32 [tilespmem:s28], [sflag:$0x4], $0x80, s17, s26, $0xb8;
	[tilespmem:$0x1D000] =	vst v63  }
0x82: {  	_ =	swait.ge [sflag:s2], $0x4000  }
0x83: {  	[sflag:s2] =	ssyncset.done $0x0  }
0x84: {  	s13 =	rddreg [dreg:$0xc];
	[sflag:s2] =	ssyncadd.s32 $0xFFFFC000  }
0x85: {  	[tilespmem:s28], [sflag:$0x2] =	stream.indirect.gather [hbm4b:s5+s26], $0x80, s13, s26, $0xb8;
	[tilespmem:$0x1D000] =	vst v63  }
0x86: {  	_ =	swait.ge [sflag:s29], $0x4000  }
0x87: {  	[sflag:s29] =	ssyncset.done $0x0  }
0x88: {  	s14 =	rddreg [dreg:$0xd];
	[sflag:s29] =	ssyncadd.s32 $0xFFFFC000  }
0x89: {  	[spmem:s3] =	stream.indirect.scatter.add.f32 [tilespmem:s20], [sflag:$0x3], $0x80, s14, s26, $0xb8;
	[tilespmem:$0x1D000] =	vst v63  }
0x8a: {  	_ =	swait.ge [sflag:s30], $0x4000  }
0x8b: {  	[sflag:s30] =	ssyncset.done $0x0  }
0x8c: {  	s16 =	rddreg [dreg:$0xe];
	[sflag:s30] =	ssyncadd.s32 $0xFFFFC000  }
0x8d: {  	[tilespmem:s20], [sflag:$0x1] =	stream.indirect.gather [hbm4b:s5+s26], $0x80, s16, s26, $0xb8;
	[tilespmem:$0x1D000] =	vst v63  }
0x8e: {  	_ =	swait.ge [sflag:s31], $0x4000  }
0x8f: {  	[sflag:s31] =	ssyncset.done $0x0  }
0x90: {  	s17 =	rddreg [dreg:$0xf];
	[sflag:s31] =	ssyncadd.s32 $0xFFFFC000  }
0x91: {  	[spmem:s3] =	stream.indirect.scatter.add.f32 [tilespmem:s28], [sflag:$0x4], $0x80, s17, s26, $0xb8;
	[tilespmem:$0x1D000] =	vst v63  }
0x92: {  	_ =	swait.ge [sflag:s2], $0x4000  }
0x93: {  	[sflag:s2] =	ssyncset.done $0x0  }
0x94: {  	s13 =	rddreg [dreg:$0x10];
	[sflag:s2] =	ssyncadd.s32 $0xFFFFC000  }
0x95: {  	[tilespmem:s28], [sflag:$0x2] =	stream.indirect.gather [hbm4b:s5+s26], $0x80, s13, s26, $0xb8;
	[tilespmem:$0x1D000] =	vst v63  }
0x96: {  	_ =	swait.ge [sflag:s29], $0x4000  }
0x97: {  	[sflag:s29] =	ssyncset.done $0x0  }
0x98: {  	s14 =	rddreg [dreg:$0x11];
	[sflag:s29] =	ssyncadd.s32 $0xFFFFC000  }
0x99: {  	[spmem:s3] =	stream.indirect.scatter.add.f32 [tilespmem:s20], [sflag:$0x3], $0x80, s14, s26, $0xb8;
	[tilespmem:$0x1D000] =	vst v63  }
0x9a: {  	_ =	swait.ge [sflag:s31], $0x4000  }
0x9b: {  	[sflag:s31] =	ssyncset.done $0x0  }
0x9c: {  	s16 =	rddreg [dreg:$0x12];
	[sflag:s31] =	ssyncadd.s32 $0xFFFFC000  }
0x9d: {  	[spmem:s3] =	stream.indirect.scatter.add.f32 [tilespmem:s28], [sflag:$0x4], $0x80, s16, s26, $0xb8;
	[tilespmem:$0x1D000] =	vst v63  }
0x9e: {  	_ =	swait.ge [sflag:s30], $0x4000  }
0x9f: {  	[sflag:s30] =	ssyncset.done $0x0  }
0xa0: {  	[sflag:s30] =	ssyncadd.s32 $0xFFFFC000  }
0xa1: {  	_ =	swait.ge [sflag:s2], $0x4000  }
0xa2: {  	[sflag:s2] =	ssyncset.done $0x0  }
0xa3: {  	[sflag:s2] =	ssyncadd.s32 $0xFFFFC000  }
0xa4: {  	_ =	swait.ge [sflag:s0], $0x400  }
0xa5: {  	[sflag:s0] =	ssyncset.done $0x0  }
0xa6: {  	s17 =	simm.s32 $0x0;
	[sflag:s0] =	ssyncadd.s32 $0xFFFFFC00  }
0xa7: {  	s10 =	smin.u32 s17, $0x38;
	_ =	swait.ge [sflag:s7], $0x400  }
0xa8: {  	s10 =	sshll.u32 s10, $0x7;
	s13 =	rddreg [dreg:$0x4]  }
0xa9: {  	s10 =	sadd.s32 s10, s13  }
0xaa: {  	[sflag:s7] =	ssyncset.done $0x0;
	s10 =	sshrl.u32 s10, $0x3  }
0xab: {  	[sflag:s7] =	ssyncadd.s32 $0xFFFFFC00;
	s14 =	sadd.s32 s6, s10  }
0xac: {  	[tilespmem:s18], [sflag:$0x5] =	stream.linear.gather [hbm4b:s14+s4], $0x400, $0x38;
	[tilespmem:$0x1D000] =	vst v63  }
0xad: {  	s10 =	sadd.s32 s1, s10  }
0xae: {  	[tilespmem:s19], [sflag:$0x6] =	stream.linear.gather [hbm4b:s10+s4], $0x400, $0x38;
	[tilespmem:$0x1D000] =	vst v63  }
0xaf: {  	_ = 	snop  }
0xb0: {  	[tilespmem:s20], [sflag:$0x1] =	stream.indirect.gather [hbm4b:s5+s26], $0x80, s24, s26, $0xb8;
	[tilespmem:$0x1D000] =	vst v63  }
0xb1: {  	s16 =	rddreg [dreg:$0x13]  }
0xb2: {  	[tilespmem:s28], [sflag:$0x2] =	stream.indirect.gather [hbm4b:s5+s26], $0x80, s16, s26, $0xb8;
	[tilespmem:$0x1D000] =	vst v63  }
0xb3: {  	_ =	swait.ge [sflag:s29], $0x4000  }
0xb4: {  	[sflag:s29] =	ssyncset.done $0x0  }
0xb5: {  	[sflag:s29] =	ssyncadd.s32 $0xFFFFC000  }
0xb6: {  	[spmem:s3] =	stream.indirect.scatter.add.f32 [tilespmem:s20], [sflag:$0x3], $0x80, s25, s26, $0xb8;
	[tilespmem:$0x1D000] =	vst v63  }
0xb7: {  	_ =	swait.ge [sflag:s30], $0x4000  }
0xb8: {  	[sflag:s30] =	ssyncset.done $0x0  }
0xb9: {  	s17 =	rddreg [dreg:$0x14];
	[sflag:s30] =	ssyncadd.s32 $0xFFFFC000  }
0xba: {  	[tilespmem:s20], [sflag:$0x1] =	stream.indirect.gather [hbm4b:s5+s26], $0x80, s17, s26, $0xb8;
	[tilespmem:$0x1D000] =	vst v63  }
0xbb: {  	_ =	swait.ge [sflag:s31], $0x4000  }
0xbc: {  	[sflag:s31] =	ssyncset.done $0x0  }
0xbd: {  	s13 =	rddreg [dreg:$0x15];
	[sflag:s31] =	ssyncadd.s32 $0xFFFFC000  }
0xbe: {  	[spmem:s3] =	stream.indirect.scatter.add.f32 [tilespmem:s28], [sflag:$0x4], $0x80, s13, s26, $0xb8;
	[tilespmem:$0x1D000] =	vst v63  }
0xbf: {  	_ =	swait.ge [sflag:s2], $0x4000  }
0xc0: {  	[sflag:s2] =	ssyncset.done $0x0  }
0xc1: {  	s14 =	rddreg [dreg:$0x16];
	[sflag:s2] =	ssyncadd.s32 $0xFFFFC000  }
0xc2: {  	[tilespmem:s28], [sflag:$0x2] =	stream.indirect.gather [hbm4b:s5+s26], $0x80, s14, s26, $0xb8;
	[tilespmem:$0x1D000] =	vst v63  }
0xc3: {  	_ =	swait.ge [sflag:s29], $0x4000  }
0xc4: {  	[sflag:s29] =	ssyncset.done $0x0  }
0xc5: {  	s16 =	rddreg [dreg:$0x17];
	[sflag:s29] =	ssyncadd.s32 $0xFFFFC000  }
0xc6: {  	[spmem:s3] =	stream.indirect.scatter.add.f32 [tilespmem:s20], [sflag:$0x3], $0x80, s16, s26, $0xb8;
	[tilespmem:$0x1D000] =	vst v63  }
0xc7: {  	_ =	swait.ge [sflag:s30], $0x4000  }
0xc8: {  	[sflag:s30] =	ssyncset.done $0x0  }
0xc9: {  	s17 =	rddreg [dreg:$0x18];
	[sflag:s30] =	ssyncadd.s32 $0xFFFFC000  }
0xca: {  	[tilespmem:s20], [sflag:$0x1] =	stream.indirect.gather [hbm4b:s5+s26], $0x80, s17, s26, $0xb8;
	[tilespmem:$0x1D000] =	vst v63  }
0xcb: {  	_ =	swait.ge [sflag:s31], $0x4000  }
0xcc: {  	[sflag:s31] =	ssyncset.done $0x0  }
0xcd: {  	s13 =	rddreg [dreg:$0x19];
	[sflag:s31] =	ssyncadd.s32 $0xFFFFC000  }
0xce: {  	[spmem:s3] =	stream.indirect.scatter.add.f32 [tilespmem:s28], [sflag:$0x4], $0x80, s13, s26, $0xb8;
	[tilespmem:$0x1D000] =	vst v63  }
0xcf: {  	_ =	swait.ge [sflag:s2], $0x4000  }
0xd0: {  	[sflag:s2] =	ssyncset.done $0x0  }
0xd1: {  	s14 =	rddreg [dreg:$0x1a];
	[sflag:s2] =	ssyncadd.s32 $0xFFFFC000  }
0xd2: {  	[tilespmem:s28], [sflag:$0x2] =	stream.indirect.gather [hbm4b:s5+s26], $0x80, s14, s26, $0xb8;
	[tilespmem:$0x1D000] =	vst v63  }
0xd3: {  	_ =	swait.ge [sflag:s29], $0x4000  }
0xd4: {  	[sflag:s29] =	ssyncset.done $0x0  }
0xd5: {  	s16 =	rddreg [dreg:$0x1b];
	[sflag:s29] =	ssyncadd.s32 $0xFFFFC000  }
0xd6: {  	[spmem:s3] =	stream.indirect.scatter.add.f32 [tilespmem:s20], [sflag:$0x3], $0x80, s16, s26, $0xb8;
	[tilespmem:$0x1D000] =	vst v63  }
0xd7: {  	_ =	swait.ge [sflag:s30], $0x4000  }
0xd8: {  	[sflag:s30] =	ssyncset.done $0x0  }
0xd9: {  	s17 =	rddreg [dreg:$0x1c];
	[sflag:s30] =	ssyncadd.s32 $0xFFFFC000  }
0xda: {  	[tilespmem:s20], [sflag:$0x1] =	stream.indirect.gather [hbm4b:s5+s26], $0x80, s17, s26, $0xb8;
	[tilespmem:$0x1D000] =	vst v63  }
0xdb: {  	_ =	swait.ge [sflag:s31], $0x4000  }
0xdc: {  	[sflag:s31] =	ssyncset.done $0x0  }
0xdd: {  	s13 =	rddreg [dreg:$0x1d];
	[sflag:s31] =	ssyncadd.s32 $0xFFFFC000  }
0xde: {  	[spmem:s3] =	stream.indirect.scatter.add.f32 [tilespmem:s28], [sflag:$0x4], $0x80, s13, s26, $0xb8;
	[tilespmem:$0x1D000] =	vst v63  }
0xdf: {  	_ =	swait.ge [sflag:s2], $0x4000  }
0xe0: {  	[sflag:s2] =	ssyncset.done $0x0  }
0xe1: {  	s14 =	rddreg [dreg:$0x1e];
	[sflag:s2] =	ssyncadd.s32 $0xFFFFC000  }
0xe2: {  	[tilespmem:s28], [sflag:$0x2] =	stream.indirect.gather [hbm4b:s5+s26], $0x80, s14, s26, $0xb8;
	[tilespmem:$0x1D000] =	vst v63  }
0xe3: {  	_ =	swait.ge [sflag:s29], $0x4000  }
0xe4: {  	[sflag:s29] =	ssyncset.done $0x0  }
0xe5: {  	s16 =	rddreg [dreg:$0x1f];
	[sflag:s29] =	ssyncadd.s32 $0xFFFFC000  }
0xe6: {  	[spmem:s3] =	stream.indirect.scatter.add.f32 [tilespmem:s20], [sflag:$0x3], $0x80, s16, s26, $0xb8;
	[tilespmem:$0x1D000] =	vst v63  }
0xe7: {  	_ =	swait.ge [sflag:s31], $0x4000  }
0xe8: {  	s17 =	sld [smem:$0x7FD]  }
0xe9: {  	[sflag:s31] =	ssyncset.done $0x0  }
0xea: {  	[sflag:s31] =	ssyncadd.s32 $0xFFFFC000  }
0xeb: {  	[spmem:s3] =	stream.indirect.scatter.add.f32 [tilespmem:s28], [sflag:$0x4], $0x80, s17, s26, $0xb8;
	[tilespmem:$0x1D000] =	vst v63  }
0xec: {  	_ =	swait.ge [sflag:s30], $0x4000  }
0xed: {  	[sflag:s30] =	ssyncset.done $0x0  }
0xee: {  	[sflag:s30] =	ssyncadd.s32 $0xFFFFC000  }
0xef: {  	_ =	swait.ge [sflag:s2], $0x4000  }
0xf0: {  	[sflag:s2] =	ssyncset.done $0x0  }
0xf1: {  	[sflag:s2] =	ssyncadd.s32 $0xFFFFC000  }
0xf2: {  	_ =	swait.ge [sflag:s22], $0x400  }
0xf3: {  	[sflag:s22] =	ssyncset.done $0x0  }
0xf4: {  	[sflag:s22] =	ssyncadd.s32 $0xFFFFFC00  }
0xf5: {  	s10 =	simm.s32 $0x10;
	_ =	swait.ge [sflag:s23], $0x400  }
0xf6: {  	s16 =	smov.u32 s11;
	s17 =	smov.u32 s12;
	[sflag:s23] =	ssyncset.done $0x0  }
.LBB2_4:
0xf7: {  	[sflag:s23] =	ssyncadd.s32 $0xFFFFFC00;
	s17 =	sadd.s32 $0x100, s17  }
0xf8: {  	[tilespmem:s24], [sflag:$0x7] =	stream.linear.gather [hbm4b:s17+s4], $0x400, $0x38;
	[tilespmem:$0x1D000] =	vst v63  }
0xf9: {  	s16 =	sadd.s32 $0x100, s16  }
0xfa: {  	[tilespmem:s25], [sflag:$0x8] =	stream.linear.gather [hbm4b:s16+s4], $0x400, $0x38;
	[tilespmem:$0x1D000] =	vst v63  }
0xfb: {  	_ = 	snop  }
0xfc: {  	[tilespmem:s20], [sflag:$0x1] =	stream.indirect.gather [hbm4b:s5+s26], $0x80, s18, s26, $0xb8;
	[tilespmem:$0x1D000] =	vst v63  }
0xfd: {  	s14 =	rddreg [dreg:$0x5]  }
0xfe: {  	[tilespmem:s28], [sflag:$0x2] =	stream.indirect.gather [hbm4b:s5+s26], $0x80, s14, s26, $0xb8;
	[tilespmem:$0x1D000] =	vst v63  }
0xff: {  	_ =	swait.ge [sflag:s29], $0x4000  }
0x100: {  	[sflag:s29] =	ssyncset.done $0x0  }
0x101: {  	[sflag:s29] =	ssyncadd.s32 $0xFFFFC000  }
0x102: {  	[spmem:s3] =	stream.indirect.scatter.add.f32 [tilespmem:s20], [sflag:$0x3], $0x80, s19, s26, $0xb8;
	[tilespmem:$0x1D000] =	vst v63  }
0x103: {  	_ =	swait.ge [sflag:s30], $0x4000  }
0x104: {  	[sflag:s30] =	ssyncset.done $0x0  }
0x105: {  	s14 =	rddreg [dreg:$0x6];
	[sflag:s30] =	ssyncadd.s32 $0xFFFFC000  }
0x106: {  	[tilespmem:s20], [sflag:$0x1] =	stream.indirect.gather [hbm4b:s5+s26], $0x80, s14, s26, $0xb8;
	[tilespmem:$0x1D000] =	vst v63  }
0x107: {  	_ =	swait.ge [sflag:s31], $0x4000  }
0x108: {  	[sflag:s31] =	ssyncset.done $0x0  }
0x109: {  	s14 =	rddreg [dreg:$0x7];
	[sflag:s31] =	ssyncadd.s32 $0xFFFFC000  }
0x10a: {  	[spmem:s3] =	stream.indirect.scatter.add.f32 [tilespmem:s28], [sflag:$0x4], $0x80, s14, s26, $0xb8;
	[tilespmem:$0x1D000] =	vst v63  }
0x10b: {  	_ =	swait.ge [sflag:s2], $0x4000  }
0x10c: {  	[sflag:s2] =	ssyncset.done $0x0  }
0x10d: {  	s14 =	rddreg [dreg:$0x8];
	[sflag:s2] =	ssyncadd.s32 $0xFFFFC000  }
0x10e: {  	[tilespmem:s28], [sflag:$0x2] =	stream.indirect.gather [hbm4b:s5+s26], $0x80, s14, s26, $0xb8;
	[tilespmem:$0x1D000] =	vst v63  }
0x10f: {  	_ =	swait.ge [sflag:s29], $0x4000  }
0x110: {  	[sflag:s29] =	ssyncset.done $0x0  }
0x111: {  	s14 =	rddreg [dreg:$0x9];
	[sflag:s29] =	ssyncadd.s32 $0xFFFFC000  }
0x112: {  	[spmem:s3] =	stream.indirect.scatter.add.f32 [tilespmem:s20], [sflag:$0x3], $0x80, s14, s26, $0xb8;
	[tilespmem:$0x1D000] =	vst v63  }
0x113: {  	_ =	swait.ge [sflag:s30], $0x4000  }
0x114: {  	[sflag:s30] =	ssyncset.done $0x0  }
0x115: {  	s14 =	rddreg [dreg:$0xa];
	[sflag:s30] =	ssyncadd.s32 $0xFFFFC000  }
0x116: {  	[tilespmem:s20], [sflag:$0x1] =	stream.indirect.gather [hbm4b:s5+s26], $0x80, s14, s26, $0xb8;
	[tilespmem:$0x1D000] =	vst v63  }
0x117: {  	_ =	swait.ge [sflag:s31], $0x4000  }
0x118: {  	[sflag:s31] =	ssyncset.done $0x0  }
0x119: {  	s14 =	rddreg [dreg:$0xb];
	[sflag:s31] =	ssyncadd.s32 $0xFFFFC000  }
0x11a: {  	[spmem:s3] =	stream.indirect.scatter.add.f32 [tilespmem:s28], [sflag:$0x4], $0x80, s14, s26, $0xb8;
	[tilespmem:$0x1D000] =	vst v63  }
0x11b: {  	_ =	swait.ge [sflag:s2], $0x4000  }
0x11c: {  	[sflag:s2] =	ssyncset.done $0x0  }
0x11d: {  	s14 =	rddreg [dreg:$0xc];
	[sflag:s2] =	ssyncadd.s32 $0xFFFFC000  }
0x11e: {  	[tilespmem:s28], [sflag:$0x2] =	stream.indirect.gather [hbm4b:s5+s26], $0x80, s14, s26, $0xb8;
	[tilespmem:$0x1D000] =	vst v63  }
0x11f: {  	_ =	swait.ge [sflag:s29], $0x4000  }
0x120: {  	[sflag:s29] =	ssyncset.done $0x0  }
0x121: {  	s14 =	rddreg [dreg:$0xd];
	[sflag:s29] =	ssyncadd.s32 $0xFFFFC000  }
0x122: {  	[spmem:s3] =	stream.indirect.scatter.add.f32 [tilespmem:s20], [sflag:$0x3], $0x80, s14, s26, $0xb8;
	[tilespmem:$0x1D000] =	vst v63  }
0x123: {  	_ =	swait.ge [sflag:s30], $0x4000  }
0x124: {  	[sflag:s30] =	ssyncset.done $0x0  }
0x125: {  	s14 =	rddreg [dreg:$0xe];
	[sflag:s30] =	ssyncadd.s32 $0xFFFFC000  }
0x126: {  	[tilespmem:s20], [sflag:$0x1] =	stream.indirect.gather [hbm4b:s5+s26], $0x80, s14, s26, $0xb8;
	[tilespmem:$0x1D000] =	vst v63  }
0x127: {  	_ =	swait.ge [sflag:s31], $0x4000  }
0x128: {  	[sflag:s31] =	ssyncset.done $0x0  }
0x129: {  	s14 =	rddreg [dreg:$0xf];
	[sflag:s31] =	ssyncadd.s32 $0xFFFFC000  }
0x12a: {  	[spmem:s3] =	stream.indirect.scatter.add.f32 [tilespmem:s28], [sflag:$0x4], $0x80, s14, s26, $0xb8;
	[tilespmem:$0x1D000] =	vst v63  }
0x12b: {  	_ =	swait.ge [sflag:s2], $0x4000  }
0x12c: {  	[sflag:s2] =	ssyncset.done $0x0  }
0x12d: {  	s14 =	rddreg [dreg:$0x10];
	[sflag:s2] =	ssyncadd.s32 $0xFFFFC000  }
0x12e: {  	[tilespmem:s28], [sflag:$0x2] =	stream.indirect.gather [hbm4b:s5+s26], $0x80, s14, s26, $0xb8;
	[tilespmem:$0x1D000] =	vst v63  }
0x12f: {  	_ =	swait.ge [sflag:s29], $0x4000  }
0x130: {  	[sflag:s29] =	ssyncset.done $0x0  }
0x131: {  	s14 =	rddreg [dreg:$0x11];
	[sflag:s29] =	ssyncadd.s32 $0xFFFFC000  }
0x132: {  	[spmem:s3] =	stream.indirect.scatter.add.f32 [tilespmem:s20], [sflag:$0x3], $0x80, s14, s26, $0xb8;
	[tilespmem:$0x1D000] =	vst v63  }
0x133: {  	_ =	swait.ge [sflag:s31], $0x4000  }
0x134: {  	[sflag:s31] =	ssyncset.done $0x0  }
0x135: {  	s14 =	rddreg [dreg:$0x12];
	[sflag:s31] =	ssyncadd.s32 $0xFFFFC000  }
0x136: {  	[spmem:s3] =	stream.indirect.scatter.add.f32 [tilespmem:s28], [sflag:$0x4], $0x80, s14, s26, $0xb8;
	[tilespmem:$0x1D000] =	vst v63  }
0x137: {  	_ =	swait.ge [sflag:s30], $0x4000  }
0x138: {  	[sflag:s30] =	ssyncset.done $0x0  }
0x139: {  	[sflag:s30] =	ssyncadd.s32 $0xFFFFC000  }
0x13a: {  	_ =	swait.ge [sflag:s2], $0x4000  }
0x13b: {  	[sflag:s2] =	ssyncset.done $0x0  }
0x13c: {  	[sflag:s2] =	ssyncadd.s32 $0xFFFFC000  }
0x13d: {  	_ =	swait.ge [sflag:s0], $0x400  }
0x13e: {  	[sflag:s0] =	ssyncset.done $0x0  }
0x13f: {  	s13 =	smov.u32 s10;
	[sflag:s0] =	ssyncadd.s32 $0xFFFFFC00  }
0x140: {  	s13 =	smin.u32 s13, $0x38;
	_ =	swait.ge [sflag:s7], $0x400  }
0x141: {  	s13 =	sshll.u32 s13, $0x7;
	s14 =	rddreg [dreg:$0x4]  }
0x142: {  	s13 =	sadd.s32 s13, s14  }
0x143: {  	[sflag:s7] =	ssyncset.done $0x0;
	s13 =	sshrl.u32 s13, $0x3  }
0x144: {  	[sflag:s7] =	ssyncadd.s32 $0xFFFFFC00;
	s14 =	sadd.s32 s6, s13  }
0x145: {  	[tilespmem:s18], [sflag:$0x5] =	stream.linear.gather [hbm4b:s14+s4], $0x400, $0x38;
	[tilespmem:$0x1D000] =	vst v63  }
0x146: {  	s13 =	sadd.s32 s1, s13  }
0x147: {  	[tilespmem:s19], [sflag:$0x6] =	stream.linear.gather [hbm4b:s13+s4], $0x400, $0x38;
	[tilespmem:$0x1D000] =	vst v63  }
0x148: {  	_ = 	snop  }
0x149: {  	[tilespmem:s20], [sflag:$0x1] =	stream.indirect.gather [hbm4b:s5+s26], $0x80, s24, s26, $0xb8;
	[tilespmem:$0x1D000] =	vst v63  }
0x14a: {  	s14 =	rddreg [dreg:$0x13]  }
0x14b: {  	[tilespmem:s28], [sflag:$0x2] =	stream.indirect.gather [hbm4b:s5+s26], $0x80, s14, s26, $0xb8;
	[tilespmem:$0x1D000] =	vst v63  }
0x14c: {  	_ =	swait.ge [sflag:s29], $0x4000  }
0x14d: {  	[sflag:s29] =	ssyncset.done $0x0  }
0x14e: {  	[sflag:s29] =	ssyncadd.s32 $0xFFFFC000  }
0x14f: {  	[spmem:s3] =	stream.indirect.scatter.add.f32 [tilespmem:s20], [sflag:$0x3], $0x80, s25, s26, $0xb8;
	[tilespmem:$0x1D000] =	vst v63  }
0x150: {  	_ =	swait.ge [sflag:s30], $0x4000  }
0x151: {  	[sflag:s30] =	ssyncset.done $0x0  }
0x152: {  	s14 =	rddreg [dreg:$0x14];
	[sflag:s30] =	ssyncadd.s32 $0xFFFFC000  }
0x153: {  	[tilespmem:s20], [sflag:$0x1] =	stream.indirect.gather [hbm4b:s5+s26], $0x80, s14, s26, $0xb8;
	[tilespmem:$0x1D000] =	vst v63  }
0x154: {  	_ =	swait.ge [sflag:s31], $0x4000  }
0x155: {  	[sflag:s31] =	ssyncset.done $0x0  }
0x156: {  	s14 =	rddreg [dreg:$0x15];
	[sflag:s31] =	ssyncadd.s32 $0xFFFFC000  }
0x157: {  	[spmem:s3] =	stream.indirect.scatter.add.f32 [tilespmem:s28], [sflag:$0x4], $0x80, s14, s26, $0xb8;
	[tilespmem:$0x1D000] =	vst v63  }
0x158: {  	_ =	swait.ge [sflag:s2], $0x4000  }
0x159: {  	[sflag:s2] =	ssyncset.done $0x0  }
0x15a: {  	s14 =	rddreg [dreg:$0x16];
	[sflag:s2] =	ssyncadd.s32 $0xFFFFC000  }
0x15b: {  	[tilespmem:s28], [sflag:$0x2] =	stream.indirect.gather [hbm4b:s5+s26], $0x80, s14, s26, $0xb8;
	[tilespmem:$0x1D000] =	vst v63  }
0x15c: {  	_ =	swait.ge [sflag:s29], $0x4000  }
0x15d: {  	[sflag:s29] =	ssyncset.done $0x0  }
0x15e: {  	s14 =	rddreg [dreg:$0x17];
	[sflag:s29] =	ssyncadd.s32 $0xFFFFC000  }
0x15f: {  	[spmem:s3] =	stream.indirect.scatter.add.f32 [tilespmem:s20], [sflag:$0x3], $0x80, s14, s26, $0xb8;
	[tilespmem:$0x1D000] =	vst v63  }
0x160: {  	_ =	swait.ge [sflag:s30], $0x4000  }
0x161: {  	[sflag:s30] =	ssyncset.done $0x0  }
0x162: {  	s14 =	rddreg [dreg:$0x18];
	[sflag:s30] =	ssyncadd.s32 $0xFFFFC000  }
0x163: {  	[tilespmem:s20], [sflag:$0x1] =	stream.indirect.gather [hbm4b:s5+s26], $0x80, s14, s26, $0xb8;
	[tilespmem:$0x1D000] =	vst v63  }
0x164: {  	_ =	swait.ge [sflag:s31], $0x4000  }
0x165: {  	[sflag:s31] =	ssyncset.done $0x0  }
0x166: {  	s14 =	rddreg [dreg:$0x19];
	[sflag:s31] =	ssyncadd.s32 $0xFFFFC000  }
0x167: {  	[spmem:s3] =	stream.indirect.scatter.add.f32 [tilespmem:s28], [sflag:$0x4], $0x80, s14, s26, $0xb8;
	[tilespmem:$0x1D000] =	vst v63  }
0x168: {  	_ =	swait.ge [sflag:s2], $0x4000  }
0x169: {  	[sflag:s2] =	ssyncset.done $0x0  }
0x16a: {  	s14 =	rddreg [dreg:$0x1a];
	[sflag:s2] =	ssyncadd.s32 $0xFFFFC000  }
0x16b: {  	[tilespmem:s28], [sflag:$0x2] =	stream.indirect.gather [hbm4b:s5+s26], $0x80, s14, s26, $0xb8;
	[tilespmem:$0x1D000] =	vst v63  }
0x16c: {  	_ =	swait.ge [sflag:s29], $0x4000  }
0x16d: {  	[sflag:s29] =	ssyncset.done $0x0  }
0x16e: {  	s14 =	rddreg [dreg:$0x1b];
	[sflag:s29] =	ssyncadd.s32 $0xFFFFC000  }
0x16f: {  	[spmem:s3] =	stream.indirect.scatter.add.f32 [tilespmem:s20], [sflag:$0x3], $0x80, s14, s26, $0xb8;
	[tilespmem:$0x1D000] =	vst v63  }
0x170: {  	_ =	swait.ge [sflag:s30], $0x4000  }
0x171: {  	[sflag:s30] =	ssyncset.done $0x0  }
0x172: {  	s14 =	rddreg [dreg:$0x1c];
	[sflag:s30] =	ssyncadd.s32 $0xFFFFC000  }
0x173: {  	[tilespmem:s20], [sflag:$0x1] =	stream.indirect.gather [hbm4b:s5+s26], $0x80, s14, s26, $0xb8;
	[tilespmem:$0x1D000] =	vst v63  }
0x174: {  	_ =	swait.ge [sflag:s31], $0x4000  }
0x175: {  	[sflag:s31] =	ssyncset.done $0x0  }
0x176: {  	s14 =	rddreg [dreg:$0x1d];
	[sflag:s31] =	ssyncadd.s32 $0xFFFFC000  }
0x177: {  	[spmem:s3] =	stream.indirect.scatter.add.f32 [tilespmem:s28], [sflag:$0x4], $0x80, s14, s26, $0xb8;
	[tilespmem:$0x1D000] =	vst v63  }
0x178: {  	_ =	swait.ge [sflag:s2], $0x4000  }
0x179: {  	[sflag:s2] =	ssyncset.done $0x0  }
0x17a: {  	s14 =	rddreg [dreg:$0x1e];
	[sflag:s2] =	ssyncadd.s32 $0xFFFFC000  }
0x17b: {  	[tilespmem:s28], [sflag:$0x2] =	stream.indirect.gather [hbm4b:s5+s26], $0x80, s14, s26, $0xb8;
	[tilespmem:$0x1D000] =	vst v63  }
0x17c: {  	_ =	swait.ge [sflag:s29], $0x4000  }
0x17d: {  	[sflag:s29] =	ssyncset.done $0x0  }
0x17e: {  	s14 =	rddreg [dreg:$0x1f];
	[sflag:s29] =	ssyncadd.s32 $0xFFFFC000  }
0x17f: {  	[spmem:s3] =	stream.indirect.scatter.add.f32 [tilespmem:s20], [sflag:$0x3], $0x80, s14, s26, $0xb8;
	[tilespmem:$0x1D000] =	vst v63  }
0x180: {  	_ =	swait.ge [sflag:s31], $0x4000  }
0x181: {  	s14 =	sld [smem:$0x7FD]  }
0x182: {  	[sflag:s31] =	ssyncset.done $0x0  }
0x183: {  	[sflag:s31] =	ssyncadd.s32 $0xFFFFC000  }
0x184: {  	[spmem:s3] =	stream.indirect.scatter.add.f32 [tilespmem:s28], [sflag:$0x4], $0x80, s14, s26, $0xb8;
	[tilespmem:$0x1D000] =	vst v63  }
0x185: {  	_ =	swait.ge [sflag:s30], $0x4000  }
0x186: {  	[sflag:s30] =	ssyncset.done $0x0  }
0x187: {  	[sflag:s30] =	ssyncadd.s32 $0xFFFFC000  }
0x188: {  	_ =	swait.ge [sflag:s2], $0x4000  }
0x189: {  	[sflag:s2] =	ssyncset.done $0x0  }
0x18a: {  	p0 =	sne.s32 s10, $0x40;
	[sflag:s2] =	ssyncadd.s32 $0xFFFFC000  }
.Ltmp1:
0x18b: {  	_ =	swait.ge [sflag:s22], $0x400;
	(pc) =	sbr.rel @p0 .LBB2_4-.Ltmp1, $4  }
0x18c: {  	[sflag:s22] =	ssyncset.done $0x0  }
0x18d: {  	[sflag:s22] =	ssyncadd.s32 $0xFFFFFC00  }
0x18e: {  	_ =	swait.ge [sflag:s23], $0x400  }
0x18f: {  	s10 =	sadd.s32 $0x10, s10;
	[sflag:s23] =	ssyncset.done $0x0  }
0x190: {  	[sflag:s23] =	ssyncadd.s32 $0xFFFFFC00  }
0x191: {  	[bflag:$0x0] =	sbarrier.arrive $0xFFFF  }
0x192: {  	s10 =	stileid.u32;
	s8 =	sadd.s32 $0x1, s8;
	s14 =	sld [smem:$0x7FC]  }
0x193: {  	s10 =	sshll.u32 s10, $0x6;
	p0 =	sne.s32 s8, s15  }
.Ltmp2:
0x194: {  	s13 =	sshrl.u32 s9, $0x3;
	s10 =	sor.u32 $0x1C09, s10;
	(pc) =	sbr.rel @p0 .LBB2_1-.Ltmp2, $4  }
0x195: {  	[hbm:s14], [sflag:s10] =	dma.local [spmem:s13], $0x2800  }
0x196: {  	_ =	swait.ge [sflag:s21], $0x2800  }
0x197: {  	[sflag:s21] =	ssyncset.done $0x0  }
0x198: {  	[sflag:s21] =	ssyncadd.s32 $0xFFFFD800  }
0x199: {  	_ =	sfence.sel $0x180000  }
0x19a: {  	[bflag:$0x0] =	sbarrier.arrive $0xFFFF  }
0x19b: {  	_ =	strace $0x9000004D  }
0x19c: {  	s0 =	stileid.u32;
	[bflag:$0x2] =	sbarrier.arrive $0xFFFF  }
0x19d: {  	p0 =	sne.s32 s0, $0x0;
	s0 =	rddreg [dreg:$0x3]  }
0x19e: {  	s0 =	sadd.s32 @!p0 $0x100000, s0  }
0x19f: {  	[sflag:s0] =	ssyncadd.tile.s32 @!p0 $0x1;
	_ =	shalt  }
.Lfunc_end2:
_tile_overlayer_lowered:
.L_overlay_start_2:
0x1a0: {  	(tag) =	ssettag $0x2  }
0x1a1: {  	s0 =	rddreg [dreg:$0x0];
	s2 =	stileid.u32  }
0x1a2: {  	s1 =	rddreg [dreg:$0x1];
	p0 =	sne.s32 s2, $0x0  }
0x1a3: {  	s3 =	rddreg [dreg:$0x2];
	[bflag:$0x3] =	sbarrier.arrive $0xFFFF;
	s2 =	simm.s32 @!p0 $0x1C09  }
0x1a4: {  	[timem:s3], [sflag:s2] =	dma.local @!p0 [hbm:s0], s1  }
0x1a5: {  	s0 =	simm.s32 @!p0 $0x9  }
0x1a6: {  	_ =	swait.ge @!p0 [sflag:s0], s1  }
0x1a7: {  	s1 =	ssub.s32 @!p0 $0x0, s1;
	[sflag:s0] =	ssyncset.done @!p0 $0x0  }
0x1a8: {  	[sflag:s0] =	ssyncadd.s32 @!p0 s1  }
0x1a9: {  	[bflag:$0x3] =	sbarrier.arrive $0xFFFF  }
0x1aa: {  	_ =	shalt  }

// kernel: kernel.9.cloned.1.call-start
scs
__scs_entry_jumppad:
0x0: {  	(pc) =	sbr.rel $0x88, $3  }
0x1: {  	(tag) =	ssettag $0x0;
	lr =	simm.s32 $0x1  }
0x2: {  	[smem:$0x3F99] =	sst lr;
	_ =	strace $0xD0000000  }
0x3: {  	_ = 	snop  }
0x4: {  	_ = 	snop  }
0x5: {  	_ = 	snop  }
0x6: {  	_ = 	snop  }
0x7: {  	_ = 	snop  }
__scs_overlays_trampoline_lowered:
0x8: {  	[smem:$0x3FA8] =	sst s0  }
0x9: {  	[smem:$0x3FA9] =	sst s1  }
0xa: {  	[smem:$0x3FAA] =	sst s2  }
0xb: {  	[smem:$0x3FAB] =	sst s3  }
0xc: {  	[smem:$0x3FAC] =	sst s4  }
0xd: {  	[smem:$0x3FAD] =	sst s5  }
0xe: {  	[smem:$0x3FAE] =	sst s6  }
0xf: {  	[smem:$0x3FAF] =	sst s7  }
0x10: {  	[smem:$0x3FB0] =	sst s8  }
0x11: {  	[smem:$0x3FB1] =	sst s9;
	s0 =	simm.s32 @!p0 $0x0  }
0x12: {  	s1 =	sld [smem:$0x3F97];
	s0 =	simm.s32 @p0 $0x1  }
0x13: {  	[smem:$0x3FB2] =	sst s0;
	s0 =	simm.s32 @!p1 $0x0  }
0x14: {  	s2 =	sld [smem:$0x3F96];
	s0 =	simm.s32 @p1 $0x1  }
0x15: {  	[smem:$0x3FB3] =	sst s0;
	s0 =	simm.s32 @!p2 $0x0  }
0x16: {  	s3 =	sld [smem:$0x3FDB];
	s0 =	simm.s32 @p2 $0x1  }
0x17: {  	s4 =	simm.s32 $0x1BF5;
	[smem:$0x3FB5] =	sst s0  }
0x18: {  	s0 =	sld [smem:$0x3F98];
	_ =	swait.ge [sflag:s4], $0x0  }
0x19: {  	s7 =	sld [smem:$0x3F99]  }
0x1a: {  	s8 =	sadd.s32 $0xFFFFE003, lr  }
0x1b: {  	s9 =	sadd.s32 $0xFFFFFEF7, lr;
	s5 =	simm.s32 $0xFFFFFFFF;
	p2 =	slt.u32 s8, $0xFFFFF086  }
0x1c: {  	p1 =	slt.u32 s9, $0xF7A;
	s5 =	simm.s32 @!p2 $0x0  }
0x1d: {  	s5 =	simm.s32 @p1 $0x1;
	p0 =	seq.s32 s7, s2  }
0x1e: {  	s7 =	smul.u32 @!p0 $0xF7A, s2;
	p2 =	seq.s32 @!p0 s5, $0x0  }
0x1f: {  	s9 =	smul.u32 $0xF7A, s1;
	s8 =	simm.s32 @!p0 $0x1BF5;
	p2 =	por !p2, p0  }
0x20: {  	[sflag:s8] =	ssyncset.s32 @!p0 $0xFFFFF086;
	s6 =	sadd.s32 @!p0 s3, s7;
	s7 =	simm.s32 @!p0 $0x108  }
0x21: {  	s3 =	sadd.s32 s3, s9;
	s6 =	sadd.s32 @!p0 $0x88, s6;
	s7 =	simm.s32 @p2 $0x1082  }
0x22: {  	[simem:s7], [sflag:s8] =	dma.local @!p0 [hbm:s6], $0xF7A  }
0x23: {  	s9 =	sor.u32 $0xD0000000, s2;
	s6 =	simm.s32 $0x108;
	_ =	swait.ge @!p0 [sflag:s8], $0x0  }
0x24: {  	s3 =	sadd.s32 $0x88, s3;
	s6 =	simm.s32 @!p1 $0x1082;
	[sflag:s4] =	ssyncset.s32 $0xFFFFF086  }
0x25: {  	[simem:s6], [sflag:s4] =	dma.local [hbm:s3], $0xF7A  }
0x26: {  	[smem:$0x3F99] =	sst s1;
	(tag) =	ssettag s2;
	_ =	strace s9  }
0x27: {  	s1 =	sld [smem:$0x3FA9]  }
0x28: {  	s2 =	sld [smem:$0x3FAA]  }
0x29: {  	s4 =	sld [smem:$0x3FAC]  }
0x2a: {  	p0 =	seq.s32 s5, $0x0;
	s5 =	sld [smem:$0x3FAD]  }
0x2b: {  	s6 =	sld [smem:$0x3FAE]  }
0x2c: {  	s7 =	sld [smem:$0x3FAF]  }
0x2d: {  	s3 =	simm.s32 $0x108;
	s8 =	sld [smem:$0x3FB0]  }
0x2e: {  	s3 =	simm.s32 @!p0 $0x1082;
	s9 =	sld [smem:$0x3FB1]  }
0x2f: {  	lr =	sadd.s32 s0, s3;
	s0 =	sld [smem:$0x3FA8]  }
0x30: {  	s3 =	sld [smem:$0x3FAB]  }
0x31: {  	[smem:$0x3FB4] =	sst s10  }
0x32: {  	s10 =	sld [smem:$0x3FB2];
	_ =	sdelay $0x3  }
0x33: {  	p0 =	seq.s32 s10, $0x1;
	s10 =	sld [smem:$0x3FB4];
	_ =	sdelay $0x3  }
0x34: {  	[smem:$0x3FB4] =	sst s10  }
0x35: {  	s10 =	sld [smem:$0x3FB3];
	_ =	sdelay $0x3  }
0x36: {  	p1 =	seq.s32 s10, $0x1;
	s10 =	sld [smem:$0x3FB4];
	_ =	sdelay $0x3  }
0x37: {  	[smem:$0x3FB4] =	sst s10  }
0x38: {  	s10 =	sld [smem:$0x3FB5]  }
0x39: {  	_ = 	snop;
	(pc) =	sbr.ind lr, $3  }
0x3a: {  	_ = 	snop  }
0x3b: {  	_ = 	snop  }
0x3c: {  	p2 =	seq.s32 s10, $0x1;
	s10 =	sld [smem:$0x3FB4]  }
0x3d: {  	_ =	shalt  }
0x3e: {  	_ =	shalt  }
0x3f: {  	_ =	shalt  }
0x40: {  	_ =	shalt  }
0x41: {  	_ =	shalt  }
0x42: {  	_ =	shalt  }
0x43: {  	_ =	shalt  }
0x44: {  	_ =	shalt  }
0x45: {  	_ =	shalt  }
0x46: {  	_ =	shalt  }
0x47: {  	_ =	shalt  }
0x48: {  	_ =	shalt  }
0x49: {  	_ =	shalt  }
0x4a: {  	_ =	shalt  }
0x4b: {  	_ =	shalt  }
0x4c: {  	_ =	shalt  }
0x4d: {  	_ =	shalt  }
0x4e: {  	_ =	shalt  }
0x4f: {  	_ =	shalt  }
0x50: {  	_ =	shalt  }
0x51: {  	_ =	shalt  }
0x52: {  	_ =	shalt  }
0x53: {  	_ =	shalt  }
0x54: {  	_ =	shalt  }
0x55: {  	_ =	shalt  }
0x56: {  	_ =	shalt  }
0x57: {  	_ =	shalt  }
0x58: {  	_ =	shalt  }
0x59: {  	_ =	shalt  }
0x5a: {  	_ =	shalt  }
0x5b: {  	_ =	shalt  }
0x5c: {  	_ =	shalt  }
0x5d: {  	_ =	shalt  }
0x5e: {  	_ =	shalt  }
0x5f: {  	_ =	shalt  }
0x60: {  	_ =	shalt  }
0x61: {  	_ =	shalt  }
0x62: {  	_ =	shalt  }
0x63: {  	_ =	shalt  }
0x64: {  	_ =	shalt  }
0x65: {  	_ =	shalt  }
0x66: {  	_ =	shalt  }
0x67: {  	_ =	shalt  }
0x68: {  	_ =	shalt  }
0x69: {  	_ =	shalt  }
0x6a: {  	_ =	shalt  }
0x6b: {  	_ =	shalt  }
0x6c: {  	_ =	shalt  }
0x6d: {  	_ =	shalt  }
0x6e: {  	_ =	shalt  }
0x6f: {  	_ =	shalt  }
0x70: {  	_ =	shalt  }
0x71: {  	_ =	shalt  }
0x72: {  	_ =	shalt  }
0x73: {  	_ =	shalt  }
0x74: {  	_ =	shalt  }
0x75: {  	_ =	shalt  }
0x76: {  	_ =	shalt  }
0x77: {  	_ =	shalt  }
0x78: {  	_ =	shalt  }
0x79: {  	_ =	shalt  }
0x7a: {  	_ =	shalt  }
0x7b: {  	_ =	shalt  }
0x7c: {  	_ =	shalt  }
0x7d: {  	_ =	shalt  }
0x7e: {  	_ =	shalt  }
0x7f: {  	_ =	shalt  }
0x80: {  	_ =	shalt  }
0x81: {  	_ =	shalt  }
0x82: {  	_ =	shalt  }
0x83: {  	_ =	shalt  }
0x84: {  	_ =	shalt  }
0x85: {  	_ =	shalt  }
0x86: {  	_ =	shalt  }
0x87: {  	_ =	shalt  }
.Lfunc_end0:
.L_simem_size_0:
called_computation_lowered:
.L_overlay_start_0:
0x88: {  	s2 =	sld [smem:$0x3FD9]  }
0x89: {  	s3 =	sld [smem:$0x3FFE];
	_ =	sdelay $0x1  }
0x8a: {  	s1 =	srdreg.scid  }
0x8b: {  	s0 =	sand.u32 $0x1, s1  }
0x8c: {  	s17 =	sshll.u32 s0, $0xA;
	s2 =	sadd.s32 s3, s2  }
0x8d: {  	s2 =	sadd.s32 s2, s17  }
0x8e: {  	[smem:$0x3FC0] =	sst s2  }
0x8f: {  	_ = 	snop  }
0x90: {  	s2 =	sld [smem:$0x3FD0];
	(tm) =	ssettm $0x1  }
0x91: {  	s18 =	sld [smem:$0x3FFB];
	_ =	sdelay $0x3  }
0x92: {  	_ =	strace s18  }
0x93: {  	s3 =	sld [smem:$0x3FFC];
	_ =	sdelay $0x3  }
0x94: {  	_ =	strace s3  }
0x95: {  	s3 =	sld [smem:$0x3FFD];
	_ =	sdelay $0x3  }
0x96: {  	_ =	strace s3  }
0x97: {  	_ =	strace $0x8FFFFFFF  }
0x98: {  	s19 =	sld [smem:$0x3FDB];
	_ =	sdelay $0x1  }
0x99: {  	s4 =	simm.s32 $_scs_section_size  }
0x9a: {  	s5 =	simm.s32 $_size__tile_overlayer_lowered;
	s6 =	simm.s32 $_tile_overlayer_lowered  }
0x9b: {  	s22 =	simm.s32 $0x1BFF;
	s21 =	sshll.u32 s6, $0x1;
	s3 =	sadd.s32 s4, s19  }
0x9c: {  	s7 =	simm.s32 $0x0;
	s20 =	sshll.u32 s5, $0x1;
	s5 =	sadd.s32 s21, s3  }
0x9d: {  	[timem:s7], [sflag:s22] =	dma.local [hbm:s5], s20  }
0x9e: {  	_ =	swait.ge [sflag:s22], s20  }
0x9f: {  	s4 =	ssub.s32 $0x0, s20;
	[sflag:s22] =	ssyncset.done $0x0  }
0xa0: {  	[sflag:s22] =	ssyncadd.s32 s4;
	_ =	sdelay $0x1  }
0xa1: {  	s23 =	simm.s32 $0x1B8B  }
0xa2: {  	_ =	swait.ge [sflag:s23], $0x1  }
0xa3: {  	[sflag:s23] =	ssyncset.done $0x0  }
0xa4: {  	s25 =	simm.s32 $0x1B8E;
	s24 =	sld [smem:$0x3FFE];
	[sflag:s23] =	ssyncadd.s32 $0xFFFFFFFF  }
0xa5: {  	s26 =	simm.s32 $execute0_lowered;
	[smem:$0x3FD2] =	sst s25  }
0xa6: {  	s5 =	sshll.u32 s26, $0x1;
	_ =	strace $0x80000046;
	[dreg:$0x1] =	wrdreg $0xFFFFFFFF  }
0xa7: {  	s28 =	simm.s32 $_size_execute0_lowered;
	s3 =	sadd.s32 s3, s5;
	[dreg:$0x0] =	wrdreg $0x0  }
0xa8: {  	s5 =	sshll.u32 s28, $0x1;
	[dreg:$0x2] =	wrdreg s3  }
0xa9: {  	[dreg:$0x3] =	wrdreg s5  }
0xaa: {  	[dreg:$0x4] =	wrdreg $0xC0  }
0xab: {  	_ =	task [dreg:s7], $0x5FFFF  }
0xac: {  	[dreg:$0x1] =	wrdreg $0xFFFFFFFF  }
0xad: {  	[dreg:$0x0] =	wrdreg $0x60  }
0xae: {  	[dreg:$0x2] =	wrdreg s2  }
0xaf: {  	[dreg:$0x3] =	wrdreg s24  }
0xb0: {  	[dreg:$0x4] =	wrdreg $0x0  }
0xb1: {  	[dreg:$0x5] =	wrdreg $0x9  }
0xb2: {  	_ =	task.clear_ibuf [dreg:s7], $0x6FFFF;
	_ =	strace $0x90000046  }
0xb3: {  	s29 =	simm.s32 $0x9;
	_ =	strace $0x80000048  }
0xb4: {  	_ =	swait.ge [sflag:s29], $0x1  }
0xb5: {  	[sflag:s29] =	ssyncadd.s32 $0xFFFFFFFF  }
0xb6: {  	_ =	strace $0x90000048  }
0xb7: {  	_ =	sfence  }
0xb8: {  	s30 =	sld [smem:$0x0];
	_ =	sdelay $0x2  }
0xb9: {  	s31 =	sshll.u32 s1, $0xD;
	s1 =	sshrl.u32 s1, $0x2  }
0xba: {  	s3 =	sand.u32 $0x4000, s31;
	s1 =	sadd.s32 s1, s30  }
0xbb: {  	s0 =	sor.u32 s3, s0;
	s1 =	sshll.u32 s1, $0x11  }
0xbc: {  	s0 =	sor.u32 s1, s0  }
0xbd: {  	s0 =	sadd.s32 $0x8F2B, s0  }
0xbe: {  	[sflag:s0] =	ssyncadd.remote.s32 $0x1  }
0xbf: {  	_ =	sfence.sel $0xFFFF  }
0xc0: {  	[dreg:$0x0] =	wrdreg $0xFFFFFFFF;
	(pc) =	sbr.abs _section_cstart, $3  }
0xc1: {  	[dreg:$0x1] =	wrdreg $0xFFFFFFFF  }
0xc2: {  	_ =	task.clear_ibuf [dreg:s7], $0x2FFFF;
	_ =	strace $0x9FFFFFFF  }
0xc3: {  	(tm) =	ssettm $0x7FFFFFFF  }
tec
execute0_lowered:
.L_overlay_start_1:
0x0: {  	(tag) =	ssettag $0x1  }
0x1: {  	s5 =	rddreg [dreg:$0x0]  }
0x2: {  	s4 =	rddreg [dreg:$0x1];
	s0 =	srdreg.scid  }
0x3: {  	s2 =	rddreg [dreg:$0x2];
	s1 =	stileid.u32  }
0x4: {  	s3 =	simm.s32 $0x0;
	s12 =	simm.s32 $0x280;
	s13 =	simm.s32 $0x2B00  }
0x5: {  	s14 =	simm.s32 $0x6;
	s15 =	simm.s32 $0x5;
	s16 =	simm.s32 $0x80  }
0x6: {  	s17 =	simm.s32 $0x2A80;
	s18 =	simm.s32 $0x1;
	s19 =	simm.s32 $0x2  }
0x7: {  	s20 =	simm.s32 $0x3;
	s21 =	simm.s32 $0x4;
	s22 =	simm.s32 $0x2B80  }
0x8: {  	s23 =	simm.s32 $0x2E00;
	s24 =	simm.s32 $0x0;
	s8 =	smul.u32 $0x14000, s1  }
0x9: {  	s6 =	sand.u32 $0x1, s0;
	s0 =	rddreg [dreg:$0x3];
	s9 =	smul.u32 $0xA00, s1  }
0xa: {  	[smem:$0x7FF] =	sst s3;
	s7 =	smul.u32 $0x140000, s6;
	s30 =	sshll.u32 s6, $0x4  }
0xb: {  	_ =	strace $0x80000047;
	s6 =	ssub.s32 $0x2, s6;
	s9 =	sshrl.u32 s9, $0x2  }
0xc: {  	s31 =	sshrl.u32 s6, $0x1;
	s7 =	sadd.s32 s8, s7;
	s8 =	sor.u32 s1, s30  }
0xd: {  	s11 =	ssub.s32 s6, s31;
	s7 =	sshrl.u32 s7, $0x3;
	s8 =	smul.u32 $0x500, s8  }
0xe: {  	s11 =	smax.u32 s11, $0x1;
	s10 =	sadd.s32 s7, s4;
	s4 =	sadd.s32 s9, s2  }
0xf: {  	s5 =	sadd.s32 s5, s8;
	s6 =	sadd.s32 $0x80, s4;
	s7 =	sadd.s32 $0x100, s4  }
0x10: {  	v0 =	vimm.f32 $0.0e+00;
	v1 =	vimm.f32 $1.000000000e+00;
	s8 =	sadd.s32 $0x180, s4;
	s9 =	sadd.s32 $0x200, s4;
	s10 =	sadd.s32 $0x2400, s10  }
.LBB2_1:
0x11: {  	[tilespmem:s12], [sflag:$0x5] =	stream.linear.gather [hbm4b:s5+s3], $0x2800, $0x38;
	[tilespmem:$0x16E00] =	vst v63  }
0x12: {  	[tilespmem:$0x2B00] =	vst v0  }
0x13: {  	[tilespmem:$0x2A80] =	vst v1  }
0x14: {  	[tilespmem:$0x2B10] =	vst v0  }
0x15: {  	[tilespmem:$0x2A90] =	vst v1  }
0x16: {  	[tilespmem:$0x2B20] =	vst v0  }
0x17: {  	[tilespmem:$0x2AA0] =	vst v1  }
0x18: {  	[tilespmem:$0x2B30] =	vst v0  }
0x19: {  	[tilespmem:$0x2AB0] =	vst v1  }
0x1a: {  	[tilespmem:$0x2B40] =	vst v0  }
0x1b: {  	[tilespmem:$0x2AC0] =	vst v1  }
0x1c: {  	[tilespmem:$0x2B50] =	vst v0  }
0x1d: {  	[tilespmem:$0x2AD0] =	vst v1  }
0x1e: {  	[tilespmem:$0x2B60] =	vst v0  }
0x1f: {  	[tilespmem:$0x2AE0] =	vst v1  }
0x20: {  	[tilespmem:$0x2B70] =	vst v0  }
0x21: {  	[tilespmem:$0x2AF0] =	vst v1  }
0x22: {  	[spmem:s4] =	stream.linear.scatter [tilespmem:s13], [sflag:$0x6], $0x80, $0x38;
	[tilespmem:$0x16E00] =	vst v63  }
0x23: {  	_ =	swait.ge [sflag:s14], $0x80  }
0x24: {  	[sflag:s14] =	ssyncset.done $0x0  }
0x25: {  	[sflag:s14] =	ssyncadd.s32 $0xFFFFFF80  }
0x26: {  	[spmem:s6] =	stream.linear.scatter [tilespmem:s13], [sflag:$0x6], $0x80, $0x38;
	[tilespmem:$0x16E00] =	vst v63  }
0x27: {  	_ =	swait.ge [sflag:s14], $0x80  }
0x28: {  	[sflag:s14] =	ssyncset.done $0x0  }
0x29: {  	[sflag:s14] =	ssyncadd.s32 $0xFFFFFF80  }
0x2a: {  	[spmem:s7] =	stream.linear.scatter [tilespmem:s13], [sflag:$0x6], $0x80, $0x38;
	[tilespmem:$0x16E00] =	vst v63  }
0x2b: {  	_ =	swait.ge [sflag:s14], $0x80  }
0x2c: {  	[sflag:s14] =	ssyncset.done $0x0  }
0x2d: {  	[sflag:s14] =	ssyncadd.s32 $0xFFFFFF80  }
0x2e: {  	[spmem:s8] =	stream.linear.scatter [tilespmem:s13], [sflag:$0x6], $0x80, $0x38;
	[tilespmem:$0x16E00] =	vst v63  }
0x2f: {  	_ =	swait.ge [sflag:s14], $0x80  }
0x30: {  	[sflag:s14] =	ssyncset.done $0x0  }
0x31: {  	[sflag:s14] =	ssyncadd.s32 $0xFFFFFF80  }
0x32: {  	[spmem:s9] =	stream.linear.scatter [tilespmem:s13], [sflag:$0x6], $0x80, $0x38;
	[tilespmem:$0x16E00] =	vst v63  }
0x33: {  	_ =	swait.ge [sflag:s14], $0x80  }
0x34: {  	[sflag:s14] =	ssyncset.done $0x0  }
0x35: {  	[sflag:s14] =	ssyncadd.s32 $0xFFFFFF80  }
0x36: {  	_ =	swait.ge [sflag:s15], $0x2800  }
0x37: {  	[sflag:s15] =	ssyncset.done $0x0  }
0x38: {  	[sflag:s15] =	ssyncadd.s32 $0xFFFFD800  }
0x39: {  	s25 =	simm.s32 $0x280;
	[bflag:$0x0] =	sbarrier.arrive $0xFFFF  }
0x3a: {  	[spmem:s2] =	stream.indirect.scatter.add.f32 [tilespmem:s17], [sflag:$0x1], $0x1, s25, s16, $0xb8;
	[tilespmem:$0x16E00] =	vst v63  }
0x3b: {  	s29 =	simm.s32 $0x300  }
0x3c: {  	[spmem:s2] =	stream.indirect.scatter.add.f32 [tilespmem:s17], [sflag:$0x2], $0x1, s29, s16, $0xb8;
	[tilespmem:$0x16E00] =	vst v63  }
0x3d: {  	s30 =	simm.s32 $0x380  }
0x3e: {  	[spmem:s2] =	stream.indirect.scatter.add.f32 [tilespmem:s17], [sflag:$0x3], $0x1, s30, s16, $0xb8;
	[tilespmem:$0x16E00] =	vst v63  }
0x3f: {  	s31 =	simm.s32 $0x400  }
0x40: {  	[spmem:s2] =	stream.indirect.scatter.add.f32 [tilespmem:s17], [sflag:$0x4], $0x1, s31, s16, $0xb8;
	[tilespmem:$0x16E00] =	vst v63  }
0x41: {  	_ =	swait.ge [sflag:s18], $0x80  }
0x42: {  	[sflag:s18] =	ssyncset.done $0x0  }
0x43: {  	[sflag:s18] =	ssyncadd.s32 $0xFFFFFF80  }
0x44: {  	_ =	swait.ge [sflag:s19], $0x80  }
0x45: {  	[sflag:s19] =	ssyncset.done $0x0  }
0x46: {  	[sflag:s19] =	ssyncadd.s32 $0xFFFFFF80  }
0x47: {  	_ =	swait.ge [sflag:s20], $0x80  }
0x48: {  	[sflag:s20] =	ssyncset.done $0x0  }
0x49: {  	[sflag:s20] =	ssyncadd.s32 $0xFFFFFF80  }
0x4a: {  	_ =	swait.ge [sflag:s21], $0x80  }
0x4b: {  	s26 =	simm.s32 $0x1000;
	s25 =	simm.s32 $0x200;
	[sflag:s21] =	ssyncset.done $0x0  }
.LBB2_2:
0x4c: {  	s28 =	sadd.s32 $0x280, s25  }
0x4d: {  	[sflag:s21] =	ssyncadd.s32 $0xFFFFFF80;
	s29 =	smov.u32 s26;
	s30 =	sadd.s32 $0x800, s26  }
0x4e: {  	[spmem:s2] =	stream.indirect.scatter.add.f32 [tilespmem:s17], [sflag:$0x1], $0x1, s28, s16, $0xb8;
	[tilespmem:$0x16E00] =	vst v63  }
0x4f: {  	p0 =	sne.s32 s26, $0x9800;
	s26 =	sadd.s32 $0x300, s25  }
0x50: {  	[spmem:s2] =	stream.indirect.scatter.add.f32 [tilespmem:s17], [sflag:$0x2], $0x1, s26, s16, $0xb8;
	[tilespmem:$0x16E00] =	vst v63  }
0x51: {  	s26 =	sadd.s32 $0x380, s25  }
0x52: {  	[spmem:s2] =	stream.indirect.scatter.add.f32 [tilespmem:s17], [sflag:$0x3], $0x1, s26, s16, $0xb8;
	[tilespmem:$0x16E00] =	vst v63  }
0x53: {  	s25 =	sadd.s32 $0x400, s25  }
0x54: {  	[spmem:s2] =	stream.indirect.scatter.add.f32 [tilespmem:s17], [sflag:$0x4], $0x1, s25, s16, $0xb8;
	[tilespmem:$0x16E00] =	vst v63  }
0x55: {  	_ =	swait.ge [sflag:s18], $0x80  }
0x56: {  	[sflag:s18] =	ssyncset.done $0x0  }
0x57: {  	[sflag:s18] =	ssyncadd.s32 $0xFFFFFF80  }
0x58: {  	_ =	swait.ge [sflag:s19], $0x80  }
0x59: {  	[sflag:s19] =	ssyncset.done $0x0  }
0x5a: {  	[sflag:s19] =	ssyncadd.s32 $0xFFFFFF80  }
.Ltmp0:
0x5b: {  	_ =	swait.ge [sflag:s20], $0x80;
	(pc) =	sbr.rel @p0 .LBB2_2-.Ltmp0, $4  }
0x5c: {  	[sflag:s20] =	ssyncset.done $0x0  }
0x5d: {  	[sflag:s20] =	ssyncadd.s32 $0xFFFFFF80  }
0x5e: {  	_ =	swait.ge [sflag:s21], $0x80  }
0x5f: {  	s26 =	smov.u32 s30;
	s25 =	sshra.s32 s29, $0x2;
	[sflag:s21] =	ssyncset.done $0x0  }
0x60: {  	s26 =	sadd.s32 $0x280, s25;
	[sflag:s21] =	ssyncadd.s32 $0xFFFFFF80  }
0x61: {  	[spmem:s2] =	stream.indirect.scatter.add.f32 [tilespmem:s17], [sflag:$0x1], $0x1, s26, s16, $0xb8;
	[tilespmem:$0x16E00] =	vst v63  }
0x62: {  	s31 =	sadd.s32 $0x300, s25  }
0x63: {  	[spmem:s2] =	stream.indirect.scatter.add.f32 [tilespmem:s17], [sflag:$0x2], $0x1, s31, s16, $0xb8;
	[tilespmem:$0x16E00] =	vst v63  }
0x64: {  	s29 =	sadd.s32 $0x380, s25  }
0x65: {  	[spmem:s2] =	stream.indirect.scatter.add.f32 [tilespmem:s17], [sflag:$0x3], $0x1, s29, s16, $0xb8;
	[tilespmem:$0x16E00] =	vst v63  }
0x66: {  	s30 =	sadd.s32 $0x400, s25  }
0x67: {  	[spmem:s2] =	stream.indirect.scatter.add.f32 [tilespmem:s17], [sflag:$0x4], $0x1, s30, s16, $0xb8;
	[tilespmem:$0x16E00] =	vst v63  }
0x68: {  	_ =	swait.ge [sflag:s18], $0x80  }
0x69: {  	[sflag:s18] =	ssyncset.done $0x0  }
0x6a: {  	[sflag:s18] =	ssyncadd.s32 $0xFFFFFF80  }
0x6b: {  	_ =	swait.ge [sflag:s19], $0x80  }
0x6c: {  	[sflag:s19] =	ssyncset.done $0x0  }
0x6d: {  	[sflag:s19] =	ssyncadd.s32 $0xFFFFFF80  }
0x6e: {  	_ =	swait.ge [sflag:s20], $0x80  }
0x6f: {  	[sflag:s20] =	ssyncset.done $0x0  }
0x70: {  	[sflag:s20] =	ssyncadd.s32 $0xFFFFFF80  }
0x71: {  	_ =	swait.ge [sflag:s21], $0x80  }
0x72: {  	[sflag:s21] =	ssyncset.done $0x0  }
0x73: {  	[sflag:s21] =	ssyncadd.s32 $0xFFFFFF80  }
0x74: {  	[bflag:$0x0] =	sbarrier.arrive $0xFFFF  }
0x75: {  	[tilespmem:s22], [sflag:$0x6] =	stream.linear.gather [spmem:s4], $0x280, $0x38;
	[tilespmem:$0x16E00] =	vst v63  }
0x76: {  	_ =	swait.ge [sflag:s14], $0x280  }
0x77: {  	[sflag:s14] =	ssyncset.done $0x0  }
0x78: {  	s31 =	simm.s32 $0x0;
	[sflag:s14] =	ssyncadd.s32 $0xFFFFFD80  }
0x79: {  	v2 =	vld [tilespmem:s31+$0x2B80];
	_ =	sdelay $0x4  }
0x7a: {  	v2 =	vadd.f32 $0.0e+00, v2;
	_ =	sdelay $0x1  }
0x7b: {  	v3 =	vbroadcast v2, $0x0  }
0x7c: {  	s25 =	simm.s32 $0x3200  }
0x7d: {  	[tilespmem:s25+$0xFFFFFC00] =	vst v3  }
0x7e: {  	[tilespmem:s25+$0xFFFFFC10] =	vst v3  }
0x7f: {  	[tilespmem:s25+$0xFFFFFC20] =	vst v3  }
0x80: {  	[tilespmem:s25+$0xFFFFFC30] =	vst v3  }
0x81: {  	[tilespmem:s25+$0xFFFFFC40] =	vst v3  }
0x82: {  	[tilespmem:s25+$0xFFFFFC50] =	vst v3  }
0x83: {  	v4 =	vbroadcast v2, $0x1;
	[tilespmem:s25+$0xFFFFFC60] =	vst v3  }
0x84: {  	[tilespmem:s25+$0xFFFFFC70] =	vst v3  }
0x85: {  	[tilespmem:s25+$0xFFFFFC80] =	vst v4  }
0x86: {  	[tilespmem:s25+$0xFFFFFC90] =	vst v4  }
0x87: {  	[tilespmem:s25+$0xFFFFFCA0] =	vst v4  }
0x88: {  	[tilespmem:s25+$0xFFFFFCB0] =	vst v4  }
0x89: {  	[tilespmem:s25+$0xFFFFFCC0] =	vst v4  }
0x8a: {  	[tilespmem:s25+$0xFFFFFCD0] =	vst v4  }
0x8b: {  	v58 =	vbroadcast v2, $0x3;
	[tilespmem:s25+$0xFFFFFCE0] =	vst v4  }
0x8c: {  	[tilespmem:s25+$0xFFFFFCF0] =	vst v4  }
0x8d: {  	[tilespmem:s25+$0xFFFFFD80] =	vst v58  }
0x8e: {  	[tilespmem:s25+$0xFFFFFD90] =	vst v58  }
0x8f: {  	[tilespmem:s25+$0xFFFFFDA0] =	vst v58  }
0x90: {  	[tilespmem:s25+$0xFFFFFDB0] =	vst v58  }
0x91: {  	[tilespmem:s25+$0xFFFFFDC0] =	vst v58  }
0x92: {  	[tilespmem:s25+$0xFFFFFDD0] =	vst v58  }
0x93: {  	v59 =	vbroadcast v2, $0x5;
	[tilespmem:s25+$0xFFFFFDE0] =	vst v58  }
0x94: {  	[tilespmem:s25+$0xFFFFFDF0] =	vst v58  }
0x95: {  	[tilespmem:s25+$0xFFFFFE80] =	vst v59  }
0x96: {  	[tilespmem:s25+$0xFFFFFE90] =	vst v59  }
0x97: {  	[tilespmem:s25+$0xFFFFFEA0] =	vst v59  }
0x98: {  	[tilespmem:s25+$0xFFFFFEB0] =	vst v59  }
0x99: {  	[tilespmem:s25+$0xFFFFFEC0] =	vst v59  }
0x9a: {  	[tilespmem:s25+$0xFFFFFED0] =	vst v59  }
0x9b: {  	v60 =	vbroadcast v2, $0x7;
	[tilespmem:s25+$0xFFFFFEE0] =	vst v59  }
0x9c: {  	[tilespmem:s25+$0xFFFFFEF0] =	vst v59  }
0x9d: {  	[tilespmem:s25+$0xFFFFFF80] =	vst v60  }
0x9e: {  	[tilespmem:s25+$0xFFFFFF90] =	vst v60  }
0x9f: {  	[tilespmem:s25+$0xFFFFFFA0] =	vst v60  }
0xa0: {  	[tilespmem:s25+$0xFFFFFFB0] =	vst v60  }
0xa1: {  	[tilespmem:s25+$0xFFFFFFC0] =	vst v60  }
0xa2: {  	[tilespmem:s25+$0xFFFFFFD0] =	vst v60  }
0xa3: {  	v61 =	vbroadcast v2, $0x9;
	[tilespmem:s25+$0xFFFFFFE0] =	vst v60  }
0xa4: {  	[tilespmem:s25+$0xFFFFFFF0] =	vst v60  }
0xa5: {  	[tilespmem:s25+$0x80] =	vst v61  }
0xa6: {  	[tilespmem:s25+$0x90] =	vst v61  }
0xa7: {  	[tilespmem:s25+$0xA0] =	vst v61  }
0xa8: {  	[tilespmem:s25+$0xB0] =	vst v61  }
0xa9: {  	[tilespmem:s25+$0xC0] =	vst v61  }
0xaa: {  	[tilespmem:s25+$0xD0] =	vst v61  }
0xab: {  	v62 =	vbroadcast v2, $0xB;
	[tilespmem:s25+$0xE0] =	vst v61  }
0xac: {  	[tilespmem:s25+$0xF0] =	vst v61  }
0xad: {  	[tilespmem:s25+$0x180] =	vst v62  }
0xae: {  	[tilespmem:s25+$0x190] =	vst v62  }
0xaf: {  	[tilespmem:s25+$0x1A0] =	vst v62  }
0xb0: {  	[tilespmem:s25+$0x1B0] =	vst v62  }
0xb1: {  	[tilespmem:s25+$0x1C0] =	vst v62  }
0xb2: {  	[tilespmem:s25+$0x1D0] =	vst v62  }
0xb3: {  	v63 =	vbroadcast v2, $0xD;
	[tilespmem:s25+$0x1E0] =	vst v62  }
0xb4: {  	[tilespmem:s25+$0x1F0] =	vst v62  }
0xb5: {  	v3 =	vbroadcast v2, $0x2;
	[tilespmem:s25+$0x280] =	vst v63  }
0xb6: {  	[tilespmem:s25+$0x290] =	vst v63  }
0xb7: {  	[tilespmem:s25+$0xFFFFFD00] =	vst v3  }
0xb8: {  	[tilespmem:s25+$0xFFFFFD10] =	vst v3  }
0xb9: {  	[tilespmem:s25+$0xFFFFFD20] =	vst v3  }
0xba: {  	[tilespmem:s25+$0xFFFFFD30] =	vst v3  }
0xbb: {  	[tilespmem:s25+$0xFFFFFD40] =	vst v3  }
0xbc: {  	[tilespmem:s25+$0xFFFFFD50] =	vst v3  }
0xbd: {  	[tilespmem:s25+$0xFFFFFD60] =	vst v3  }
0xbe: {  	[tilespmem:s25+$0xFFFFFD70] =	vst v3;
	v3 =	vbroadcast v2, $0x4  }
0xbf: {  	[tilespmem:s25+$0x2A0] =	vst v63  }
0xc0: {  	[tilespmem:s25+$0xFFFFFE00] =	vst v3  }
0xc1: {  	[tilespmem:s25+$0xFFFFFE10] =	vst v3  }
0xc2: {  	[tilespmem:s25+$0xFFFFFE20] =	vst v3  }
0xc3: {  	[tilespmem:s25+$0xFFFFFE30] =	vst v3  }
0xc4: {  	[tilespmem:s25+$0xFFFFFE40] =	vst v3  }
0xc5: {  	[tilespmem:s25+$0xFFFFFE50] =	vst v3  }
0xc6: {  	[tilespmem:s25+$0xFFFFFE60] =	vst v3  }
0xc7: {  	[tilespmem:s25+$0xFFFFFE70] =	vst v3;
	v3 =	vbroadcast v2, $0x6  }
0xc8: {  	[tilespmem:s25+$0x2B0] =	vst v63  }
0xc9: {  	[tilespmem:s25+$0xFFFFFF00] =	vst v3  }
0xca: {  	[tilespmem:s25+$0xFFFFFF10] =	vst v3  }
0xcb: {  	[tilespmem:s25+$0xFFFFFF20] =	vst v3  }
0xcc: {  	[tilespmem:s25+$0xFFFFFF30] =	vst v3  }
0xcd: {  	[tilespmem:s25+$0xFFFFFF40] =	vst v3  }
0xce: {  	[tilespmem:s25+$0xFFFFFF50] =	vst v3  }
0xcf: {  	[tilespmem:s25+$0xFFFFFF60] =	vst v3  }
0xd0: {  	[tilespmem:s25+$0xFFFFFF70] =	vst v3;
	v3 =	vbroadcast v2, $0x8  }
0xd1: {  	[tilespmem:s25+$0x2C0] =	vst v63  }
0xd2: {  	[tilespmem:s25+$0x0] =	vst v3  }
0xd3: {  	[tilespmem:s25+$0x10] =	vst v3  }
0xd4: {  	[tilespmem:s25+$0x20] =	vst v3  }
0xd5: {  	[tilespmem:s25+$0x30] =	vst v3  }
0xd6: {  	[tilespmem:s25+$0x40] =	vst v3  }
0xd7: {  	[tilespmem:s25+$0x50] =	vst v3  }
0xd8: {  	[tilespmem:s25+$0x60] =	vst v3  }
0xd9: {  	[tilespmem:s25+$0x70] =	vst v3;
	v3 =	vbroadcast v2, $0xA  }
0xda: {  	[tilespmem:s25+$0x2D0] =	vst v63  }
0xdb: {  	[tilespmem:s25+$0x100] =	vst v3  }
0xdc: {  	[tilespmem:s25+$0x110] =	vst v3  }
0xdd: {  	[tilespmem:s25+$0x120] =	vst v3  }
0xde: {  	[tilespmem:s25+$0x130] =	vst v3  }
0xdf: {  	[tilespmem:s25+$0x140] =	vst v3  }
0xe0: {  	[tilespmem:s25+$0x150] =	vst v3  }
0xe1: {  	[tilespmem:s25+$0x160] =	vst v3  }
0xe2: {  	[tilespmem:s25+$0x170] =	vst v3;
	v3 =	vbroadcast v2, $0xC  }
0xe3: {  	[tilespmem:s25+$0x2E0] =	vst v63  }
0xe4: {  	[tilespmem:s25+$0x200] =	vst v3  }
0xe5: {  	[tilespmem:s25+$0x210] =	vst v3  }
0xe6: {  	[tilespmem:s25+$0x220] =	vst v3  }
0xe7: {  	[tilespmem:s25+$0x230] =	vst v3  }
0xe8: {  	[tilespmem:s25+$0x240] =	vst v3  }
0xe9: {  	[tilespmem:s25+$0x250] =	vst v3  }
0xea: {  	[tilespmem:s25+$0x260] =	vst v3  }
0xeb: {  	[tilespmem:s25+$0x270] =	vst v3;
	v3 =	vbroadcast v2, $0xE  }
0xec: {  	[tilespmem:s25+$0x2F0] =	vst v63  }
0xed: {  	[tilespmem:s25+$0x300] =	vst v3  }
0xee: {  	[tilespmem:s25+$0x310] =	vst v3  }
0xef: {  	[tilespmem:s25+$0x320] =	vst v3  }
0xf0: {  	[tilespmem:s25+$0x330] =	vst v3  }
0xf1: {  	[tilespmem:s25+$0x340] =	vst v3  }
0xf2: {  	[tilespmem:s25+$0x350] =	vst v3  }
0xf3: {  	v2 =	vbroadcast v2, $0xF;
	[tilespmem:s25+$0x360] =	vst v3  }
0xf4: {  	[tilespmem:s25+$0x370] =	vst v3  }
0xf5: {  	[tilespmem:s25+$0x380] =	vst v2  }
0xf6: {  	[tilespmem:s25+$0x390] =	vst v2  }
0xf7: {  	[tilespmem:s25+$0x3A0] =	vst v2  }
0xf8: {  	[tilespmem:s25+$0x3B0] =	vst v2  }
0xf9: {  	[tilespmem:s25+$0x3C0] =	vst v2  }
0xfa: {  	[tilespmem:s25+$0x3D0] =	vst v2  }
0xfb: {  	[tilespmem:s25+$0x3E0] =	vst v2  }
0xfc: {  	s28 =	simm.s32 $0x10;
	s26 =	simm.s32 $0x80;
	[tilespmem:s25+$0x3F0] =	vst v2  }
.LBB2_4:
0xfd: {  	p0 =	sne.s32 s26, $0x9C0;
	v2 =	vld [tilespmem:s28+$0x2B80];
	_ =	sdelay $0x4  }
0xfe: {  	v2 =	vadd.f32 $0.0e+00, v2;
	_ =	sdelay $0x1  }
0xff: {  	v11 =	vbroadcast v2, $0x0;
	v12 =	vbroadcast v2, $0x1  }
0x100: {  	s25 =	sadd.s32 $0x800, s25;
	v13 =	vbroadcast v2, $0x2;
	v14 =	vbroadcast v2, $0x3  }
0x101: {  	v15 =	vbroadcast v2, $0x4;
	v16 =	vbroadcast v2, $0x5;
	[tilespmem:s25+$0xFFFFFC00] =	vst v11  }
0x102: {  	v17 =	vbroadcast v2, $0x6;
	v10 =	vbroadcast v2, $0x7;
	[tilespmem:s25+$0xFFFFFC10] =	vst v11  }
0x103: {  	v9 =	vbroadcast v2, $0x8;
	v8 =	vbroadcast v2, $0x9;
	[tilespmem:s25+$0xFFFFFC20] =	vst v11  }
0x104: {  	v7 =	vbroadcast v2, $0xA;
	v6 =	vbroadcast v2, $0xB;
	[tilespmem:s25+$0xFFFFFC30] =	vst v11  }
0x105: {  	v5 =	vbroadcast v2, $0xC;
	v4 =	vbroadcast v2, $0xD;
	[tilespmem:s25+$0xFFFFFC40] =	vst v11  }
0x106: {  	v3 =	vbroadcast v2, $0xE;
	v2 =	vbroadcast v2, $0xF;
	[tilespmem:s25+$0xFFFFFC50] =	vst v11  }
0x107: {  	[tilespmem:s25+$0xFFFFFC60] =	vst v11  }
0x108: {  	[tilespmem:s25+$0xFFFFFC70] =	vst v11  }
0x109: {  	[tilespmem:s25+$0xFFFFFC80] =	vst v12  }
0x10a: {  	[tilespmem:s25+$0xFFFFFC90] =	vst v12  }
0x10b: {  	[tilespmem:s25+$0xFFFFFCA0] =	vst v12  }
0x10c: {  	[tilespmem:s25+$0xFFFFFCB0] =	vst v12  }
0x10d: {  	[tilespmem:s25+$0xFFFFFCC0] =	vst v12  }
0x10e: {  	[tilespmem:s25+$0xFFFFFCD0] =	vst v12  }
0x10f: {  	[tilespmem:s25+$0xFFFFFCE0] =	vst v12  }
0x110: {  	[tilespmem:s25+$0xFFFFFCF0] =	vst v12  }
0x111: {  	[tilespmem:s25+$0xFFFFFD00] =	vst v13  }
0x112: {  	[tilespmem:s25+$0xFFFFFD10] =	vst v13  }
0x113: {  	[tilespmem:s25+$0xFFFFFD20] =	vst v13  }
0x114: {  	[tilespmem:s25+$0xFFFFFD30] =	vst v13  }
0x115: {  	[tilespmem:s25+$0xFFFFFD40] =	vst v13  }
0x116: {  	[tilespmem:s25+$0xFFFFFD50] =	vst v13  }
0x117: {  	[tilespmem:s25+$0xFFFFFD60] =	vst v13  }
0x118: {  	[tilespmem:s25+$0xFFFFFD70] =	vst v13  }
0x119: {  	[tilespmem:s25+$0xFFFFFD80] =	vst v14  }
0x11a: {  	[tilespmem:s25+$0xFFFFFD90] =	vst v14  }
0x11b: {  	[tilespmem:s25+$0xFFFFFDA0] =	vst v14  }
0x11c: {  	[tilespmem:s25+$0xFFFFFDB0] =	vst v14  }
0x11d: {  	[tilespmem:s25+$0xFFFFFDC0] =	vst v14  }
0x11e: {  	[tilespmem:s25+$0xFFFFFDD0] =	vst v14  }
0x11f: {  	[tilespmem:s25+$0xFFFFFDE0] =	vst v14  }
0x120: {  	[tilespmem:s25+$0xFFFFFDF0] =	vst v14  }
0x121: {  	[tilespmem:s25+$0xFFFFFE00] =	vst v15  }
0x122: {  	[tilespmem:s25+$0xFFFFFE10] =	vst v15  }
0x123: {  	[tilespmem:s25+$0xFFFFFE20] =	vst v15  }
0x124: {  	[tilespmem:s25+$0xFFFFFE30] =	vst v15  }
0x125: {  	[tilespmem:s25+$0xFFFFFE40] =	vst v15  }
0x126: {  	[tilespmem:s25+$0xFFFFFE50] =	vst v15  }
0x127: {  	[tilespmem:s25+$0xFFFFFE60] =	vst v15  }
0x128: {  	[tilespmem:s25+$0xFFFFFE70] =	vst v15  }
0x129: {  	[tilespmem:s25+$0xFFFFFE80] =	vst v16  }
0x12a: {  	[tilespmem:s25+$0xFFFFFE90] =	vst v16  }
0x12b: {  	[tilespmem:s25+$0xFFFFFEA0] =	vst v16  }
0x12c: {  	[tilespmem:s25+$0xFFFFFEB0] =	vst v16  }
0x12d: {  	[tilespmem:s25+$0xFFFFFEC0] =	vst v16  }
0x12e: {  	[tilespmem:s25+$0xFFFFFED0] =	vst v16  }
0x12f: {  	[tilespmem:s25+$0xFFFFFEE0] =	vst v16  }
0x130: {  	[tilespmem:s25+$0xFFFFFEF0] =	vst v16  }
0x131: {  	[tilespmem:s25+$0xFFFFFF00] =	vst v17  }
0x132: {  	[tilespmem:s25+$0xFFFFFF10] =	vst v17  }
0x133: {  	[tilespmem:s25+$0xFFFFFF20] =	vst v17  }
0x134: {  	[tilespmem:s25+$0xFFFFFF30] =	vst v17  }
0x135: {  	[tilespmem:s25+$0xFFFFFF40] =	vst v17  }
0x136: {  	[tilespmem:s25+$0xFFFFFF50] =	vst v17  }
0x137: {  	[tilespmem:s25+$0xFFFFFF60] =	vst v17  }
0x138: {  	[tilespmem:s25+$0xFFFFFF70] =	vst v17  }
0x139: {  	[tilespmem:s25+$0xFFFFFF80] =	vst v10  }
0x13a: {  	[tilespmem:s25+$0xFFFFFF90] =	vst v10  }
0x13b: {  	[tilespmem:s25+$0xFFFFFFA0] =	vst v10  }
0x13c: {  	[tilespmem:s25+$0xFFFFFFB0] =	vst v10  }
0x13d: {  	[tilespmem:s25+$0xFFFFFFC0] =	vst v10  }
0x13e: {  	[tilespmem:s25+$0xFFFFFFD0] =	vst v10  }
0x13f: {  	[tilespmem:s25+$0xFFFFFFE0] =	vst v10  }
0x140: {  	[tilespmem:s25+$0xFFFFFFF0] =	vst v10  }
0x141: {  	[tilespmem:s25+$0x0] =	vst v9  }
0x142: {  	[tilespmem:s25+$0x10] =	vst v9  }
0x143: {  	[tilespmem:s25+$0x20] =	vst v9  }
0x144: {  	[tilespmem:s25+$0x30] =	vst v9  }
0x145: {  	[tilespmem:s25+$0x40] =	vst v9  }
0x146: {  	[tilespmem:s25+$0x50] =	vst v9  }
0x147: {  	[tilespmem:s25+$0x60] =	vst v9  }
0x148: {  	[tilespmem:s25+$0x70] =	vst v9  }
0x149: {  	[tilespmem:s25+$0x80] =	vst v8  }
0x14a: {  	[tilespmem:s25+$0x90] =	vst v8  }
0x14b: {  	[tilespmem:s25+$0xA0] =	vst v8  }
0x14c: {  	[tilespmem:s25+$0xB0] =	vst v8  }
0x14d: {  	[tilespmem:s25+$0xC0] =	vst v8  }
0x14e: {  	[tilespmem:s25+$0xD0] =	vst v8  }
0x14f: {  	[tilespmem:s25+$0xE0] =	vst v8  }
0x150: {  	[tilespmem:s25+$0xF0] =	vst v8  }
0x151: {  	[tilespmem:s25+$0x100] =	vst v7  }
0x152: {  	[tilespmem:s25+$0x110] =	vst v7  }
0x153: {  	[tilespmem:s25+$0x120] =	vst v7  }
0x154: {  	[tilespmem:s25+$0x130] =	vst v7  }
0x155: {  	[tilespmem:s25+$0x140] =	vst v7  }
0x156: {  	[tilespmem:s25+$0x150] =	vst v7  }
0x157: {  	[tilespmem:s25+$0x160] =	vst v7  }
0x158: {  	[tilespmem:s25+$0x170] =	vst v7  }
0x159: {  	[tilespmem:s25+$0x180] =	vst v6  }
0x15a: {  	[tilespmem:s25+$0x190] =	vst v6  }
0x15b: {  	[tilespmem:s25+$0x1A0] =	vst v6  }
0x15c: {  	[tilespmem:s25+$0x1B0] =	vst v6  }
0x15d: {  	[tilespmem:s25+$0x1C0] =	vst v6  }
0x15e: {  	[tilespmem:s25+$0x1D0] =	vst v6  }
0x15f: {  	[tilespmem:s25+$0x1E0] =	vst v6  }
0x160: {  	[tilespmem:s25+$0x1F0] =	vst v6  }
0x161: {  	[tilespmem:s25+$0x200] =	vst v5  }
0x162: {  	[tilespmem:s25+$0x210] =	vst v5  }
0x163: {  	[tilespmem:s25+$0x220] =	vst v5  }
0x164: {  	[tilespmem:s25+$0x230] =	vst v5  }
0x165: {  	[tilespmem:s25+$0x240] =	vst v5  }
0x166: {  	[tilespmem:s25+$0x250] =	vst v5  }
0x167: {  	[tilespmem:s25+$0x260] =	vst v5  }
0x168: {  	[tilespmem:s25+$0x270] =	vst v5  }
0x169: {  	[tilespmem:s25+$0x280] =	vst v4  }
0x16a: {  	[tilespmem:s25+$0x290] =	vst v4  }
0x16b: {  	[tilespmem:s25+$0x2A0] =	vst v4  }
0x16c: {  	[tilespmem:s25+$0x2B0] =	vst v4  }
0x16d: {  	[tilespmem:s25+$0x2C0] =	vst v4  }
0x16e: {  	[tilespmem:s25+$0x2D0] =	vst v4  }
0x16f: {  	[tilespmem:s25+$0x2E0] =	vst v4  }
0x170: {  	[tilespmem:s25+$0x2F0] =	vst v4  }
0x171: {  	[tilespmem:s25+$0x300] =	vst v3  }
0x172: {  	[tilespmem:s25+$0x310] =	vst v3  }
0x173: {  	[tilespmem:s25+$0x320] =	vst v3  }
0x174: {  	[tilespmem:s25+$0x330] =	vst v3  }
0x175: {  	[tilespmem:s25+$0x340] =	vst v3  }
0x176: {  	[tilespmem:s25+$0x350] =	vst v3  }
0x177: {  	[tilespmem:s25+$0x360] =	vst v3  }
0x178: {  	[tilespmem:s25+$0x370] =	vst v3  }
0x179: {  	[tilespmem:s25+$0x380] =	vst v2  }
0x17a: {  	[tilespmem:s25+$0x390] =	vst v2  }
0x17b: {  	[tilespmem:s25+$0x3A0] =	vst v2  }
.Ltmp1:
0x17c: {  	[tilespmem:s25+$0x3B0] =	vst v2;
	(pc) =	sbr.rel @p0 .LBB2_4-.Ltmp1, $4  }
0x17d: {  	[tilespmem:s25+$0x3C0] =	vst v2  }
0x17e: {  	[tilespmem:s25+$0x3D0] =	vst v2  }
0x17f: {  	[tilespmem:s25+$0x3E0] =	vst v2  }
0x180: {  	s28 =	sshra.s32 s26, $0x2;
	s26 =	sadd.s32 $0x40, s26;
	[tilespmem:s25+$0x3F0] =	vst v2  }
0x181: {  	v2 =	vld [tilespmem:s28+$0x2B80];
	_ =	sdelay $0x4  }
0x182: {  	v2 =	vadd.f32 $0.0e+00, v2;
	_ =	sdelay $0x1  }
0x183: {  	v3 =	vbroadcast v2, $0x0  }
0x184: {  	s25 =	sadd.s32 $0x800, s25  }
0x185: {  	[tilespmem:s25+$0xFFFFFC00] =	vst v3  }
0x186: {  	[tilespmem:s25+$0xFFFFFC10] =	vst v3  }
0x187: {  	[tilespmem:s25+$0xFFFFFC20] =	vst v3  }
0x188: {  	[tilespmem:s25+$0xFFFFFC30] =	vst v3  }
0x189: {  	[tilespmem:s25+$0xFFFFFC40] =	vst v3  }
0x18a: {  	[tilespmem:s25+$0xFFFFFC50] =	vst v3  }
0x18b: {  	v4 =	vbroadcast v2, $0x1;
	[tilespmem:s25+$0xFFFFFC60] =	vst v3  }
0x18c: {  	[tilespmem:s25+$0xFFFFFC70] =	vst v3  }
0x18d: {  	[tilespmem:s25+$0xFFFFFC80] =	vst v4  }
0x18e: {  	[tilespmem:s25+$0xFFFFFC90] =	vst v4  }
0x18f: {  	[tilespmem:s25+$0xFFFFFCA0] =	vst v4  }
0x190: {  	[tilespmem:s25+$0xFFFFFCB0] =	vst v4  }
0x191: {  	[tilespmem:s25+$0xFFFFFCC0] =	vst v4  }
0x192: {  	[tilespmem:s25+$0xFFFFFCD0] =	vst v4  }
0x193: {  	v58 =	vbroadcast v2, $0x3;
	[tilespmem:s25+$0xFFFFFCE0] =	vst v4  }
0x194: {  	[tilespmem:s25+$0xFFFFFCF0] =	vst v4  }
0x195: {  	[tilespmem:s25+$0xFFFFFD80] =	vst v58  }
0x196: {  	[tilespmem:s25+$0xFFFFFD90] =	vst v58  }
0x197: {  	[tilespmem:s25+$0xFFFFFDA0] =	vst v58  }
0x198: {  	[tilespmem:s25+$0xFFFFFDB0] =	vst v58  }
0x199: {  	[tilespmem:s25+$0xFFFFFDC0] =	vst v58  }
0x19a: {  	[tilespmem:s25+$0xFFFFFDD0] =	vst v58  }
0x19b: {  	v59 =	vbroadcast v2, $0x5;
	[tilespmem:s25+$0xFFFFFDE0] =	vst v58  }
0x19c: {  	[tilespmem:s25+$0xFFFFFDF0] =	vst v58  }
0x19d: {  	[tilespmem:s25+$0xFFFFFE80] =	vst v59  }
0x19e: {  	[tilespmem:s25+$0xFFFFFE90] =	vst v59  }
0x19f: {  	[tilespmem:s25+$0xFFFFFEA0] =	vst v59  }
0x1a0: {  	[tilespmem:s25+$0xFFFFFEB0] =	vst v59  }
0x1a1: {  	[tilespmem:s25+$0xFFFFFEC0] =	vst v59  }
0x1a2: {  	[tilespmem:s25+$0xFFFFFED0] =	vst v59  }
0x1a3: {  	v60 =	vbroadcast v2, $0x7;
	[tilespmem:s25+$0xFFFFFEE0] =	vst v59  }
0x1a4: {  	[tilespmem:s25+$0xFFFFFEF0] =	vst v59  }
0x1a5: {  	[tilespmem:s25+$0xFFFFFF80] =	vst v60  }
0x1a6: {  	[tilespmem:s25+$0xFFFFFF90] =	vst v60  }
0x1a7: {  	[tilespmem:s25+$0xFFFFFFA0] =	vst v60  }
0x1a8: {  	[tilespmem:s25+$0xFFFFFFB0] =	vst v60  }
0x1a9: {  	[tilespmem:s25+$0xFFFFFFC0] =	vst v60  }
0x1aa: {  	[tilespmem:s25+$0xFFFFFFD0] =	vst v60  }
0x1ab: {  	v61 =	vbroadcast v2, $0x9;
	[tilespmem:s25+$0xFFFFFFE0] =	vst v60  }
0x1ac: {  	[tilespmem:s25+$0xFFFFFFF0] =	vst v60  }
0x1ad: {  	[tilespmem:s25+$0x80] =	vst v61  }
0x1ae: {  	[tilespmem:s25+$0x90] =	vst v61  }
0x1af: {  	[tilespmem:s25+$0xA0] =	vst v61  }
0x1b0: {  	[tilespmem:s25+$0xB0] =	vst v61  }
0x1b1: {  	[tilespmem:s25+$0xC0] =	vst v61  }
0x1b2: {  	[tilespmem:s25+$0xD0] =	vst v61  }
0x1b3: {  	v62 =	vbroadcast v2, $0xB;
	[tilespmem:s25+$0xE0] =	vst v61  }
0x1b4: {  	[tilespmem:s25+$0xF0] =	vst v61  }
0x1b5: {  	[tilespmem:s25+$0x180] =	vst v62  }
0x1b6: {  	[tilespmem:s25+$0x190] =	vst v62  }
0x1b7: {  	[tilespmem:s25+$0x1A0] =	vst v62  }
0x1b8: {  	[tilespmem:s25+$0x1B0] =	vst v62  }
0x1b9: {  	[tilespmem:s25+$0x1C0] =	vst v62  }
0x1ba: {  	[tilespmem:s25+$0x1D0] =	vst v62  }
0x1bb: {  	v63 =	vbroadcast v2, $0xD;
	[tilespmem:s25+$0x1E0] =	vst v62  }
0x1bc: {  	[tilespmem:s25+$0x1F0] =	vst v62  }
0x1bd: {  	v3 =	vbroadcast v2, $0x2;
	[tilespmem:s25+$0x280] =	vst v63  }
0x1be: {  	[tilespmem:s25+$0x290] =	vst v63  }
0x1bf: {  	[tilespmem:s25+$0xFFFFFD00] =	vst v3  }
0x1c0: {  	[tilespmem:s25+$0xFFFFFD10] =	vst v3  }
0x1c1: {  	[tilespmem:s25+$0xFFFFFD20] =	vst v3  }
0x1c2: {  	[tilespmem:s25+$0xFFFFFD30] =	vst v3  }
0x1c3: {  	[tilespmem:s25+$0xFFFFFD40] =	vst v3  }
0x1c4: {  	[tilespmem:s25+$0xFFFFFD50] =	vst v3  }
0x1c5: {  	[tilespmem:s25+$0xFFFFFD60] =	vst v3  }
0x1c6: {  	[tilespmem:s25+$0xFFFFFD70] =	vst v3;
	v3 =	vbroadcast v2, $0x4  }
0x1c7: {  	[tilespmem:s25+$0x2A0] =	vst v63  }
0x1c8: {  	[tilespmem:s25+$0xFFFFFE00] =	vst v3  }
0x1c9: {  	[tilespmem:s25+$0xFFFFFE10] =	vst v3  }
0x1ca: {  	[tilespmem:s25+$0xFFFFFE20] =	vst v3  }
0x1cb: {  	[tilespmem:s25+$0xFFFFFE30] =	vst v3  }
0x1cc: {  	[tilespmem:s25+$0xFFFFFE40] =	vst v3  }
0x1cd: {  	[tilespmem:s25+$0xFFFFFE50] =	vst v3  }
0x1ce: {  	[tilespmem:s25+$0xFFFFFE60] =	vst v3  }
0x1cf: {  	[tilespmem:s25+$0xFFFFFE70] =	vst v3;
	v3 =	vbroadcast v2, $0x6  }
0x1d0: {  	[tilespmem:s25+$0x2B0] =	vst v63  }
0x1d1: {  	[tilespmem:s25+$0xFFFFFF00] =	vst v3  }
0x1d2: {  	[tilespmem:s25+$0xFFFFFF10] =	vst v3  }
0x1d3: {  	[tilespmem:s25+$0xFFFFFF20] =	vst v3  }
0x1d4: {  	[tilespmem:s25+$0xFFFFFF30] =	vst v3  }
0x1d5: {  	[tilespmem:s25+$0xFFFFFF40] =	vst v3  }
0x1d6: {  	[tilespmem:s25+$0xFFFFFF50] =	vst v3  }
0x1d7: {  	[tilespmem:s25+$0xFFFFFF60] =	vst v3  }
0x1d8: {  	[tilespmem:s25+$0xFFFFFF70] =	vst v3;
	v3 =	vbroadcast v2, $0x8  }
0x1d9: {  	[tilespmem:s25+$0x2C0] =	vst v63  }
0x1da: {  	[tilespmem:s25+$0x0] =	vst v3  }
0x1db: {  	[tilespmem:s25+$0x10] =	vst v3  }
0x1dc: {  	[tilespmem:s25+$0x20] =	vst v3  }
0x1dd: {  	[tilespmem:s25+$0x30] =	vst v3  }
0x1de: {  	[tilespmem:s25+$0x40] =	vst v3  }
0x1df: {  	[tilespmem:s25+$0x50] =	vst v3  }
0x1e0: {  	[tilespmem:s25+$0x60] =	vst v3  }
0x1e1: {  	[tilespmem:s25+$0x70] =	vst v3;
	v3 =	vbroadcast v2, $0xA  }
0x1e2: {  	[tilespmem:s25+$0x2D0] =	vst v63  }
0x1e3: {  	[tilespmem:s25+$0x100] =	vst v3  }
0x1e4: {  	[tilespmem:s25+$0x110] =	vst v3  }
0x1e5: {  	[tilespmem:s25+$0x120] =	vst v3  }
0x1e6: {  	[tilespmem:s25+$0x130] =	vst v3  }
0x1e7: {  	[tilespmem:s25+$0x140] =	vst v3  }
0x1e8: {  	[tilespmem:s25+$0x150] =	vst v3  }
0x1e9: {  	[tilespmem:s25+$0x160] =	vst v3  }
0x1ea: {  	[tilespmem:s25+$0x170] =	vst v3;
	v3 =	vbroadcast v2, $0xC  }
0x1eb: {  	[tilespmem:s25+$0x2E0] =	vst v63  }
0x1ec: {  	[tilespmem:s25+$0x200] =	vst v3  }
0x1ed: {  	[tilespmem:s25+$0x210] =	vst v3  }
0x1ee: {  	[tilespmem:s25+$0x220] =	vst v3  }
0x1ef: {  	[tilespmem:s25+$0x230] =	vst v3  }
0x1f0: {  	[tilespmem:s25+$0x240] =	vst v3  }
0x1f1: {  	[tilespmem:s25+$0x250] =	vst v3  }
0x1f2: {  	[tilespmem:s25+$0x260] =	vst v3  }
0x1f3: {  	[tilespmem:s25+$0x270] =	vst v3;
	v3 =	vbroadcast v2, $0xE  }
0x1f4: {  	[tilespmem:s25+$0x2F0] =	vst v63  }
0x1f5: {  	[tilespmem:s25+$0x300] =	vst v3  }
0x1f6: {  	[tilespmem:s25+$0x310] =	vst v3  }
0x1f7: {  	[tilespmem:s25+$0x320] =	vst v3  }
0x1f8: {  	[tilespmem:s25+$0x330] =	vst v3  }
0x1f9: {  	[tilespmem:s25+$0x340] =	vst v3  }
0x1fa: {  	[tilespmem:s25+$0x350] =	vst v3  }
0x1fb: {  	v2 =	vbroadcast v2, $0xF;
	[tilespmem:s25+$0x360] =	vst v3  }
0x1fc: {  	[tilespmem:s25+$0x370] =	vst v3  }
0x1fd: {  	[tilespmem:s25+$0x380] =	vst v2  }
0x1fe: {  	[tilespmem:s25+$0x390] =	vst v2  }
0x1ff: {  	[tilespmem:s25+$0x3A0] =	vst v2  }
0x200: {  	[tilespmem:s25+$0x3B0] =	vst v2  }
0x201: {  	[tilespmem:s25+$0x3C0] =	vst v2  }
0x202: {  	s24 =	sadd.s32 $0x1, s24;
	[tilespmem:s25+$0x3D0] =	vst v2  }
0x203: {  	p0 =	sne.s32 s24, s11;
	[tilespmem:s25+$0x3E0] =	vst v2  }
.Ltmp2:
0x204: {  	[tilespmem:s25+$0x3F0] =	vst v2;
	(pc) =	sbr.rel @p0 .LBB2_1-.Ltmp2, $4  }
0x205: {  	[hbm4b:s10+s3] =	stream.linear.scatter [tilespmem:s23], [sflag:$0x6], $0x14000, $0x38;
	[tilespmem:$0x16E00] =	vst v63  }
0x206: {  	_ =	swait.ge [sflag:s14], $0x14000  }
0x207: {  	[sflag:s14] =	ssyncset.done $0x0  }
0x208: {  	[sflag:s14] =	ssyncadd.s32 $0xFFFEC000  }
0x209: {  	_ =	sfence.sel $0x180000  }
0x20a: {  	[bflag:$0x0] =	sbarrier.arrive $0xFFFF  }
0x20b: {  	p0 =	sne.s32 s1, $0x0;
	_ =	strace $0x90000047  }
0x20c: {  	s0 =	sadd.s32 @!p0 $0x100000, s0;
	[bflag:$0x2] =	sbarrier.arrive $0xFFFF  }
0x20d: {  	[sflag:s0] =	ssyncadd.tile.s32 @!p0 $0x1;
	_ =	shalt  }
.Lfunc_end2:
_tile_overlayer_lowered:
.L_overlay_start_2:
0x20e: {  	(tag) =	ssettag $0x2  }
0x20f: {  	s0 =	rddreg [dreg:$0x0];
	s2 =	stileid.u32  }
0x210: {  	s1 =	rddreg [dreg:$0x1];
	p0 =	sne.s32 s2, $0x0  }
0x211: {  	s3 =	rddreg [dreg:$0x2];
	[bflag:$0x3] =	sbarrier.arrive $0xFFFF;
	s2 =	simm.s32 @!p0 $0x1C06  }
0x212: {  	[timem:s3], [sflag:s2] =	dma.local @!p0 [hbm:s0], s1  }
0x213: {  	s0 =	simm.s32 @!p0 $0x6  }
0x214: {  	_ =	swait.ge @!p0 [sflag:s0], s1  }
0x215: {  	s1 =	ssub.s32 @!p0 $0x0, s1;
	[sflag:s0] =	ssyncset.done @!p0 $0x0  }
0x216: {  	[sflag:s0] =	ssyncadd.s32 @!p0 s1  }
0x217: {  	[bflag:$0x3] =	sbarrier.arrive $0xFFFF  }
0x218: {  	_ =	shalt  }

</sc_bundles>
